<compile_context>
chip_gen: v7x
topology: tpu7x:2x2x1
jax: 0.10.2.dev20260603
libtpu: 0.0.44.dev20260713+nightly
codegen_flags: <defaults>
</compile_context>

<pallas_src>
import functools

import jax
import jax.numpy as jnp
from jax import lax
from jax.experimental import pallas as pl
from jax.experimental.pallas import tpu as pltpu
from jax.experimental.pallas import tpu_sc as plsc

_NC = 2
_NS = 16
_C = 80


def _leaky(v):
    return jnp.maximum(v, 0.2 * v)


@functools.lru_cache(maxsize=None)
def _edge_pass(N, E, F, n_heads):
    per_core = E // _NC
    per_tile = per_core // _NS
    _C = 40 if F >= 128 else 80
    n_chunks = per_tile // _C
    assert per_tile % _C == 0 and per_core % _NS == 0 and E % _NC == 0
    nrow = -(-N // _NS)
    nrow += (-nrow) % 8
    assert N % 8 == 0 and N >= nrow
    ch = F // n_heads
    n_groups = F // 16

    mesh = plsc.VectorSubcoreMesh(core_axis_name="c", subcore_axis_name="s")

    NB = 3
    assert n_chunks >= NB

    @functools.partial(
        pl.kernel,
        out_type=[
            jax.ShapeDtypeStruct((_NC, N, 16), jnp.float32),
            jax.ShapeDtypeStruct((_NC, N, F), jnp.float32),
        ],
        mesh=mesh,
        compiler_params=pltpu.CompilerParams(
            needs_layout_passes=False, use_tc_tiling_on_sc=False),
        scratch_types=(
            [pltpu.VMEM((_C,), jnp.int32) for _ in range(2 * NB)]
            + [pltpu.VMEM((_C, 16), jnp.float32) for _ in range(3 * NB)]
            + [pltpu.VMEM((_C, F), jnp.float32) for _ in range(NB)]
            + [pltpu.SemaphoreType.DMA for _ in range(2 * NB)]
            + [
                pltpu.VMEM((16,), jnp.float32),
                pltpu.VMEM_SHARED((N, 16), jnp.float32),
                pltpu.VMEM_SHARED((N, F), jnp.float32),
            ]
        ),
    )
    def body(src_h, dst_h, asrc_h, adst_h, feat_h, bbuf_h, zf_h, z16_h,
             den_out, msg_out, *scr):
        srcv = scr[0:NB]
        dstv = scr[NB:2 * NB]
        asv = scr[2 * NB:3 * NB]
        adv = scr[3 * NB:4 * NB]
        exv = scr[4 * NB:5 * NB]
        rows = scr[5 * NB:6 * NB]
        gsem = scr[6 * NB:7 * NB]
        ssem = scr[7 * NB:8 * NB]
        bvec, den_acc, msg_acc = scr[8 * NB:]

        c = lax.axis_index("c")
        s = lax.axis_index("s")
        r0 = pl.multiple_of(jnp.minimum(s * nrow, N - nrow), 8)
        pltpu.sync_copy(zf_h.at[pl.ds(r0, nrow)], msg_acc.at[pl.ds(r0, nrow)])
        pltpu.sync_copy(z16_h.at[pl.ds(r0, nrow)], den_acc.at[pl.ds(r0, nrow)])
        pltpu.sync_copy(bbuf_h.at[0], bvec)
        plsc.subcore_barrier()

        base0 = c * per_core + s * per_tile
        bv = bvec[...]
        iota = lax.iota(jnp.int32, 16)

        def idx_load(j, b):
            base = pl.multiple_of(base0 + j * _C, 8)
            pltpu.sync_copy(src_h.at[pl.ds(base, _C)], srcv[b])
            pltpu.sync_copy(dst_h.at[pl.ds(base, _C)], dstv[b])

        def gathers_start(b):
            pltpu.async_copy(asrc_h.at[srcv[b]], asv[b], gsem[b])
            pltpu.async_copy(adst_h.at[dstv[b]], adv[b], gsem[b])
            pltpu.async_copy(feat_h.at[srcv[b]], rows[b], gsem[b])

        def gathers_wait(b):
            pltpu.make_async_copy(asrc_h.at[srcv[b]], asv[b], gsem[b]).wait()
            pltpu.make_async_copy(adst_h.at[dstv[b]], adv[b], gsem[b]).wait()
            pltpu.make_async_copy(feat_h.at[srcv[b]], rows[b], gsem[b]).wait()

        def scat_wait(b):
            pltpu.make_async_copy(exv[b], den_acc.at[dstv[b]], ssem[b]).wait()
            pltpu.make_async_copy(rows[b], msg_acc.at[dstv[b]], ssem[b]).wait()

        def compute(b):
            def ex_body(e, carry):
                fe = jnp.full((16,), e, jnp.int32)
                a = plsc.load_gather(asv[b], [fe, iota])
                d = plsc.load_gather(adv[b], [fe, iota])
                al = a + d
                al = jnp.maximum(al, 0.2 * al)
                ex = jnp.exp(al - bv)
                plsc.store_scatter(exv[b], [fe, iota], ex)
                return carry

            lax.fori_loop(0, _C, ex_body, 0)
            pltpu.async_copy(exv[b], den_acc.at[dstv[b]], ssem[b], add=True)

            def mul_body(e, carry):
                fe = jnp.full((16,), e, jnp.int32)
                coefs = [
                    plsc.load_gather(exv[b], [fe, jnp.full((16,), h, jnp.int32)])
                    for h in range(n_heads)
                ]
                for g in range(n_groups):
                    ci = iota + g * 16
                    v = plsc.load_gather(rows[b], [fe, ci])
                    v = v * coefs[(g * 16) // ch]
                    plsc.store_scatter(rows[b], [fe, ci], v)
                return carry

            lax.fori_loop(0, _C, mul_body, 0)
            pltpu.async_copy(rows[b], msg_acc.at[dstv[b]], ssem[b], add=True)

        idx_load(0, 0)
        gathers_start(0)

        def loop_body(p, carry):
            for k in range(NB):
                j = NB * p + k
                nxt = (k + 1) % NB

                @pl.when(j + 1 >= NB)
                def _():
                    scat_wait(nxt)

                idx_load(j + 1, nxt)
                gathers_start(nxt)
                gathers_wait(k)
                compute(k)
            return carry

        n_full = (n_chunks - 1) // NB
        lax.fori_loop(0, n_full, loop_body, 0)
        for j in range(NB * n_full, n_chunks):
            k = j % NB
            nxt = (k + 1) % NB
            if j + 1 < n_chunks:
                if j + 1 >= NB:
                    scat_wait(nxt)
                idx_load(j + 1, nxt)
                gathers_start(nxt)
            gathers_wait(k)
            compute(k)
        for b in range(min(NB, n_chunks)):
            scat_wait(b)

        plsc.subcore_barrier()
        pltpu.sync_copy(den_acc.at[pl.ds(r0, nrow)], den_out.at[c, pl.ds(r0, nrow)])
        pltpu.sync_copy(msg_acc.at[pl.ds(r0, nrow)], msg_out.at[c, pl.ds(r0, nrow)])

    return body


def _dense1(x, W1, A1s, A1d):
    N, IN_C = x.shape
    F1 = W1.shape[1]
    BN = 2000 if N % 2000 == 0 else N
    nblk = N // BN

    def body(x_r, w_r, as_r, ad_r, h_r, asrc_r, adst_r, b_r, ms_r, md_r):
        i = pl.program_id(0)
        h = jnp.dot(x_r[...], w_r[...], preferred_element_type=jnp.float32,
                    precision=lax.Precision.HIGHEST)
        h_r[...] = h
        a_s = jnp.dot(h, as_r[...], preferred_element_type=jnp.float32,
                      precision=lax.Precision.HIGHEST)
        a_d = jnp.dot(h, ad_r[...], preferred_element_type=jnp.float32,
                      precision=lax.Precision.HIGHEST)
        asrc_r[...] = a_s
        adst_r[...] = a_d
        bs = jnp.full((8, 128), jnp.max(a_s), jnp.float32)
        bd = jnp.full((8, 128), jnp.max(a_d), jnp.float32)
        prev_s = jnp.where(i == 0, jnp.full((8, 128), -jnp.inf, jnp.float32), ms_r[...])
        prev_d = jnp.where(i == 0, jnp.full((8, 128), -jnp.inf, jnp.float32), md_r[...])
        ms_r[...] = jnp.maximum(prev_s, bs)
        md_r[...] = jnp.maximum(prev_d, bd)

        @pl.when(i == nblk - 1)
        def _():
            b_r[...] = jnp.full((16, 16), jnp.max(ms_r[...]) + jnp.max(md_r[...]),
                                jnp.float32)

    return pl.pallas_call(
        body,
        grid=(nblk,),
        in_specs=[
            pl.BlockSpec((BN, IN_C), lambda i: (i, 0)),
            pl.BlockSpec((IN_C, F1), lambda i: (0, 0)),
            pl.BlockSpec((F1, 16), lambda i: (0, 0)),
            pl.BlockSpec((F1, 16), lambda i: (0, 0)),
        ],
        out_specs=[
            pl.BlockSpec((BN, F1), lambda i: (i, 0)),
            pl.BlockSpec((BN, 16), lambda i: (i, 0)),
            pl.BlockSpec((BN, 16), lambda i: (i, 0)),
            pl.BlockSpec((16, 16), lambda i: (0, 0)),
        ],
        out_shape=[
            jax.ShapeDtypeStruct((N, F1), jnp.float32),
            jax.ShapeDtypeStruct((N, 16), jnp.float32),
            jax.ShapeDtypeStruct((N, 16), jnp.float32),
            jax.ShapeDtypeStruct((16, 16), jnp.float32),
        ],
        scratch_shapes=[
            pltpu.VMEM((8, 128), jnp.float32),
            pltpu.VMEM((8, 128), jnp.float32),
        ],
    )(x, W1, A1s, A1d)


def _dense2(outA, outB, denA, denB, E16, b1r, W2, A2s, A2d):
    N, F1 = outA.shape
    OUT_C = W2.shape[1]
    BN = 2000 if N % 2000 == 0 else N
    nblk = N // BN

    def body(oa_r, ob_r, da_r, db_r, e_r, b1_r, w_r, as_r, ad_r,
             h2_r, asrc_r, adst_r, b_r, ms_r, md_r):
        i = pl.program_id(0)
        den = da_r[...] + db_r[...]
        dinv = 1.0 / (den + 1e-16)
        dx = jnp.dot(dinv, e_r[...], preferred_element_type=jnp.float32,
                     precision=lax.Precision.HIGHEST)
        u = (oa_r[...] + ob_r[...]) * dx + b1_r[...]
        u = _leaky(u)
        h2 = jnp.dot(u, w_r[...], preferred_element_type=jnp.float32,
                     precision=lax.Precision.HIGHEST)
        h2_r[...] = h2
        a_s = jnp.dot(h2, as_r[...], preferred_element_type=jnp.float32,
                      precision=lax.Precision.HIGHEST)
        a_d = jnp.dot(h2, ad_r[...], preferred_element_type=jnp.float32,
                      precision=lax.Precision.HIGHEST)
        asrc_r[...] = a_s
        adst_r[...] = a_d
        bs = jnp.full((8, 128), jnp.max(a_s), jnp.float32)
        bd = jnp.full((8, 128), jnp.max(a_d), jnp.float32)
        prev_s = jnp.where(i == 0, jnp.full((8, 128), -jnp.inf, jnp.float32), ms_r[...])
        prev_d = jnp.where(i == 0, jnp.full((8, 128), -jnp.inf, jnp.float32), md_r[...])
        ms_r[...] = jnp.maximum(prev_s, bs)
        md_r[...] = jnp.maximum(prev_d, bd)

        @pl.when(i == nblk - 1)
        def _():
            b_r[...] = jnp.full((16, 16), jnp.max(ms_r[...]) + jnp.max(md_r[...]),
                                jnp.float32)

    return pl.pallas_call(
        body,
        grid=(nblk,),
        in_specs=[
            pl.BlockSpec((BN, F1), lambda i: (i, 0)),
            pl.BlockSpec((BN, F1), lambda i: (i, 0)),
            pl.BlockSpec((BN, 16), lambda i: (i, 0)),
            pl.BlockSpec((BN, 16), lambda i: (i, 0)),
            pl.BlockSpec((16, F1), lambda i: (0, 0)),
            pl.BlockSpec((1, F1), lambda i: (0, 0)),
            pl.BlockSpec((F1, OUT_C), lambda i: (0, 0)),
            pl.BlockSpec((OUT_C, 16), lambda i: (0, 0)),
            pl.BlockSpec((OUT_C, 16), lambda i: (0, 0)),
        ],
        out_specs=[
            pl.BlockSpec((BN, OUT_C), lambda i: (i, 0)),
            pl.BlockSpec((BN, 16), lambda i: (i, 0)),
            pl.BlockSpec((BN, 16), lambda i: (i, 0)),
            pl.BlockSpec((16, 16), lambda i: (0, 0)),
        ],
        out_shape=[
            jax.ShapeDtypeStruct((N, OUT_C), jnp.float32),
            jax.ShapeDtypeStruct((N, 16), jnp.float32),
            jax.ShapeDtypeStruct((N, 16), jnp.float32),
            jax.ShapeDtypeStruct((16, 16), jnp.float32),
        ],
        scratch_shapes=[
            pltpu.VMEM((8, 128), jnp.float32),
            pltpu.VMEM((8, 128), jnp.float32),
        ],
    )(outA, outB, denA, denB, E16, b1r, W2, A2s, A2d)


def _final(o2A, o2B, d2A, d2B, E2x, b2r):
    N, OUT_C = o2A.shape
    BN = 2000 if N % 2000 == 0 else N
    nblk = N // BN

    def body(oa_r, ob_r, da_r, db_r, e_r, b2_r, out_r):
        den = da_r[...] + db_r[...]
        dinv = 1.0 / (den + 1e-16)
        dx = jnp.dot(dinv, e_r[...], preferred_element_type=jnp.float32,
                     precision=lax.Precision.HIGHEST)
        out_r[...] = (oa_r[...] + ob_r[...]) * dx + b2_r[...]

    return pl.pallas_call(
        body,
        grid=(nblk,),
        in_specs=[
            pl.BlockSpec((BN, OUT_C), lambda i: (i, 0)),
            pl.BlockSpec((BN, OUT_C), lambda i: (i, 0)),
            pl.BlockSpec((BN, 16), lambda i: (i, 0)),
            pl.BlockSpec((BN, 16), lambda i: (i, 0)),
            pl.BlockSpec((16, OUT_C), lambda i: (0, 0)),
            pl.BlockSpec((1, OUT_C), lambda i: (0, 0)),
        ],
        out_specs=pl.BlockSpec((BN, OUT_C), lambda i: (i, 0)),
        out_shape=jax.ShapeDtypeStruct((N, OUT_C), jnp.float32),
    )(o2A, o2B, d2A, d2B, E2x, b2r)


def kernel(x, edge_index, W1, att_src1, att_dst1, b1, W2, att_src2, att_dst2, b2):
    N, IN_C = x.shape
    E = edge_index.shape[1]
    HEADS = att_src1.shape[1]
    HID = att_src1.shape[2]
    F1 = HEADS * HID
    OUT_C = W2.shape[1]

    src = edge_index[0]
    dst = edge_index[1]

    rows1 = jnp.arange(F1)
    cols16 = jnp.arange(16)
    A1s = jnp.where((rows1[:, None] // HID) == cols16[None, :],
                    att_src1.reshape(F1)[:, None], 0.0).astype(jnp.float32)
    A1d = jnp.where((rows1[:, None] // HID) == cols16[None, :],
                    att_dst1.reshape(F1)[:, None], 0.0).astype(jnp.float32)
    A2s = jnp.where(cols16[None, :] == 0,
                    att_src2.reshape(OUT_C)[:, None], 0.0).astype(jnp.float32)
    A2d = jnp.where(cols16[None, :] == 0,
                    att_dst2.reshape(OUT_C)[:, None], 0.0).astype(jnp.float32)
    E16 = (cols16[:, None] == (rows1[None, :] // HID)).astype(jnp.float32)
    E2x = (cols16[:, None] == jnp.zeros((OUT_C,), jnp.int32)[None, :]).astype(jnp.float32)

    z16 = jnp.zeros((N, 16), jnp.float32)
    zF1 = jnp.zeros((N, F1), jnp.float32)
    zF2 = jnp.zeros((N, OUT_C), jnp.float32)

    h1, asrc1, adst1, B1 = _dense1(x, W1, A1s, A1d)
    den1, msg1 = _edge_pass(N, E, F1, HEADS)(
        src, dst, asrc1, adst1, h1, B1, zF1, z16)
    h2, asrc2, adst2, B2 = _dense2(
        msg1[0], msg1[1], den1[0], den1[1], E16, b1.reshape(1, F1), W2, A2s, A2d)
    den2, msg2 = _edge_pass(N, E, OUT_C, 1)(
        src, dst, asrc2, adst2, h2, B2, zF2, z16)
    out = _final(msg2[0], msg2[1], den2[0], den2[1], E2x, b2.reshape(1, OUT_C))
    return out

# --- scband reference (transcript-rebuilt; emitter-appended) ---
"""Pipeline reference for scband-gat-68556267979246 (READ-ONLY COPY).

The authoritative reference and input builder live on the scoring server;
editing this copy changes nothing except your own understanding.
"""

import jax, jax.numpy as jnp
import numpy as np

N = 10000
E = 320000
IN_C = 128
HID = 32
HEADS = 4
OUT_C = 64


def setup_inputs(seed: int = 0) -> dict:
    key = jax.random.key(seed)
    ks = jax.random.split(key, 12)
    x = jax.random.normal(ks[0], (N, IN_C), dtype=jnp.float32)
    edge_index = jax.random.randint(ks[1], (2, E), 0, N, dtype=jnp.int32)
    # layer 1: GATConv(IN_C -> HID, heads=HEADS, concat=True)
    W1 = jax.random.normal(ks[2], (IN_C, HEADS * HID), dtype=jnp.float32) * (1.0 / np.sqrt(IN_C))
    att_src1 = jax.random.normal(ks[3], (1, HEADS, HID), dtype=jnp.float32) * (1.0 / np.sqrt(HID))
    att_dst1 = jax.random.normal(ks[4], (1, HEADS, HID), dtype=jnp.float32) * (1.0 / np.sqrt(HID))
    b1 = jnp.zeros((HEADS * HID,), dtype=jnp.float32)
    # out layer: GATConv(HEADS*HID -> OUT_C, heads=1, concat=False)
    W2 = jax.random.normal(ks[5], (HEADS * HID, OUT_C), dtype=jnp.float32) * (1.0 / np.sqrt(HEADS * HID))
    att_src2 = jax.random.normal(ks[6], (1, 1, OUT_C), dtype=jnp.float32) * (1.0 / np.sqrt(OUT_C))
    att_dst2 = jax.random.normal(ks[7], (1, 1, OUT_C), dtype=jnp.float32) * (1.0 / np.sqrt(OUT_C))
    b2 = jnp.zeros((OUT_C,), dtype=jnp.float32)
    return {"x": x, "edge_index": edge_index, "W1": W1, "att_src1": att_src1,
            "att_dst1": att_dst1, "b1": b1, "W2": W2, "att_src2": att_src2,
            "att_dst2": att_dst2, "b2": b2}


def _gat_conv(x, W, a_src, a_dst, b, src, dst, heads, ch, concat):
    h = (x @ W).reshape(-1, heads, ch)                      # [N, H, C]
    alpha_src = jnp.sum(h * a_src, axis=-1)                 # [N, H]
    alpha_dst = jnp.sum(h * a_dst, axis=-1)                 # [N, H]
    alpha = alpha_src[src] + alpha_dst[dst]                 # [E, H] (gather)
    alpha = jax.nn.leaky_relu(alpha, negative_slope=0.2)
    # softmax over incoming edges of each dst node
    m = jax.ops.segment_max(alpha, dst, num_segments=N)
    m = jnp.where(jnp.isfinite(m), m, 0.0)
    ex = jnp.exp(alpha - m[dst])
    denom = jax.ops.segment_sum(ex, dst, num_segments=N)
    coef = ex / (denom[dst] + 1e-16)                        # [E, H]
    msg = h[src] * coef[:, :, None]                         # [E, H, C] (gather)
    out = jax.ops.segment_sum(msg, dst, num_segments=N)     # [N, H, C] (scatter-add)
    if concat:
        out = out.reshape(-1, heads * ch)
    else:
        out = out.mean(axis=1)
    return out + b


def reference(x, edge_index, W1, att_src1, att_dst1, b1, W2, att_src2, att_dst2, b2):
    src = edge_index[0]
    dst = edge_index[1]
    # conv layer 1 (num_layers=2 -> single conv in self.convs)
    h = _gat_conv(x, W1, att_src1, att_dst1, b1, src, dst, HEADS, HID, True)
    h = jax.nn.leaky_relu(h, negative_slope=0.2)
    # dropout p=0.6 is identity in eval mode
    out = _gat_conv(h, W2, att_src2, att_dst2, b2, src, dst, 1, OUT_C, False)
    return out

if __name__ == "__main__":
    import jax
    _d = setup_inputs()
    print(jax.jit(kernel)(*tuple(_d.values())))

</pallas_src>

<mosaic_0001>
#map = affine_map<(d0, d1) -> (0)>
#map1 = affine_map<(d0, d1) -> (0, 0)>
#map2 = affine_map<(d0, d1) -> (0, 0, 0)>
module attributes {stable_mosaic.version = 14 : i64} {
  func.func @body(%arg0: i32, %arg1: i32, %arg2: memref<320000xi32, #tpu.memory_space<hbm>>, %arg3: memref<320000xi32, #tpu.memory_space<hbm>>, %arg4: memref<10000x16xf32, #tpu.memory_space<hbm>>, %arg5: memref<10000x16xf32, #tpu.memory_space<hbm>>, %arg6: memref<10000x64xf32, #tpu.memory_space<hbm>>, %arg7: memref<16x16xf32, #tpu.memory_space<hbm>>, %arg8: memref<10000x64xf32, #tpu.memory_space<hbm>>, %arg9: memref<10000x16xf32, #tpu.memory_space<hbm>>, %arg10: memref<2x10000x16xf32, #tpu.memory_space<hbm>>, %arg11: memref<2x10000x64xf32, #tpu.memory_space<hbm>>, %arg12: memref<80xi32, #tpu.memory_space<vmem>>, %arg13: memref<80xi32, #tpu.memory_space<vmem>>, %arg14: memref<80xi32, #tpu.memory_space<vmem>>, %arg15: memref<80xi32, #tpu.memory_space<vmem>>, %arg16: memref<80xi32, #tpu.memory_space<vmem>>, %arg17: memref<80xi32, #tpu.memory_space<vmem>>, %arg18: memref<80x16xf32, #tpu.memory_space<vmem>>, %arg19: memref<80x16xf32, #tpu.memory_space<vmem>>, %arg20: memref<80x16xf32, #tpu.memory_space<vmem>>, %arg21: memref<80x16xf32, #tpu.memory_space<vmem>>, %arg22: memref<80x16xf32, #tpu.memory_space<vmem>>, %arg23: memref<80x16xf32, #tpu.memory_space<vmem>>, %arg24: memref<80x16xf32, #tpu.memory_space<vmem>>, %arg25: memref<80x16xf32, #tpu.memory_space<vmem>>, %arg26: memref<80x16xf32, #tpu.memory_space<vmem>>, %arg27: memref<80x64xf32, #tpu.memory_space<vmem>>, %arg28: memref<80x64xf32, #tpu.memory_space<vmem>>, %arg29: memref<80x64xf32, #tpu.memory_space<vmem>>, %arg30: memref<!tpu.dma_semaphore, #tpu.memory_space<semaphore_mem>>, %arg31: memref<!tpu.dma_semaphore, #tpu.memory_space<semaphore_mem>>, %arg32: memref<!tpu.dma_semaphore, #tpu.memory_space<semaphore_mem>>, %arg33: memref<!tpu.dma_semaphore, #tpu.memory_space<semaphore_mem>>, %arg34: memref<!tpu.dma_semaphore, #tpu.memory_space<semaphore_mem>>, %arg35: memref<!tpu.dma_semaphore, #tpu.memory_space<semaphore_mem>>, %arg36: memref<16xf32, #tpu.memory_space<vmem>>, %arg37: memref<10000x16xf32, #tpu.memory_space<vmem_shared>>, %arg38: memref<10000x64xf32, #tpu.memory_space<vmem_shared>>) attributes {dimension_semantics = [#tpu.dimension_semantics<core_parallel>, #tpu.dimension_semantics<subcore_parallel>], iteration_bounds = array<i64: 2, 16>, scalar_prefetch = 0 : i64, scratch_operands = 27 : i64, tpu.core_type = #tpu.core_type<sc_vector_subcore>, window_params = [{transform_indices = #map}, {transform_indices = #map}, {transform_indices = #map1}, {transform_indices = #map1}, {transform_indices = #map1}, {transform_indices = #map1}, {transform_indices = #map1}, {transform_indices = #map1}, {transform_indices = #map2}, {transform_indices = #map2}]} {
    %mul3A = arith.constant 632 : i32
    %mul3A_0 = arith.muli %arg1, %mul3A : i32
    %min3A = arith.constant 9368 : i32
    %min3A_1 = arith.minsi %mul3A_0, %min3A : i32
    %multiple_of3A = tpu.assume_multiple %min3A_1, 8 : i32
    "tpu.region"() ({
      %run_scoped3A_113 = tpu.sem_alloc : memref<!tpu.dma_semaphore, #tpu.memory_space<semaphore_mem>>
      %dma_start3A_114 = arith.constant 0 : i32
      %dma_start3A_115 = tpu.memref_slice %arg38[%multiple_of3A, %dma_start3A_114] : memref<10000x64xf32, #tpu.memory_space<vmem_shared>> -> memref<632x64xf32, #tpu.memory_space<vmem_shared>>
      %dma_start3A_116 = arith.constant 0 : i32
      %dma_start3A_117 = tpu.memref_slice %arg8[%multiple_of3A, %dma_start3A_116] : memref<10000x64xf32, #tpu.memory_space<hbm>> -> memref<632x64xf32, #tpu.memory_space<hbm>>
      tpu.enqueue_dma source(%dma_start3A_117 : memref<632x64xf32, #tpu.memory_space<hbm>>) target(%dma_start3A_115 : memref<632x64xf32, #tpu.memory_space<vmem_shared>>) target_semaphore(%run_scoped3A_113 : memref<!tpu.dma_semaphore, #tpu.memory_space<semaphore_mem>>)
      %dma_wait3A_118 = arith.constant 0 : i32
      %dma_wait3A_119 = tpu.memref_slice %arg38[%multiple_of3A, %dma_wait3A_118] : memref<10000x64xf32, #tpu.memory_space<vmem_shared>> -> memref<632x64xf32, #tpu.memory_space<vmem_shared>>
      %dma_wait3A_120 = arith.constant 0 : i32
      %dma_wait3A_121 = tpu.memref_slice %arg8[%multiple_of3A, %dma_wait3A_120] : memref<10000x64xf32, #tpu.memory_space<hbm>> -> memref<632x64xf32, #tpu.memory_space<hbm>>
      tpu.wait_dma2 semaphore(%run_scoped3A_113 : memref<!tpu.dma_semaphore, #tpu.memory_space<semaphore_mem>>) src(%dma_wait3A_121 : memref<632x64xf32, #tpu.memory_space<hbm>>) dst(%dma_wait3A_119 : memref<632x64xf32, #tpu.memory_space<vmem_shared>>)
      tpu.yield
    }) : () -> ()
    "tpu.region"() ({
      %run_scoped3A_113 = tpu.sem_alloc : memref<!tpu.dma_semaphore, #tpu.memory_space<semaphore_mem>>
      %dma_start3A_114 = arith.constant 0 : i32
      %dma_start3A_115 = tpu.memref_slice %arg37[%multiple_of3A, %dma_start3A_114] : memref<10000x16xf32, #tpu.memory_space<vmem_shared>> -> memref<632x16xf32, #tpu.memory_space<vmem_shared>>
      %dma_start3A_116 = arith.constant 0 : i32
      %dma_start3A_117 = tpu.memref_slice %arg9[%multiple_of3A, %dma_start3A_116] : memref<10000x16xf32, #tpu.memory_space<hbm>> -> memref<632x16xf32, #tpu.memory_space<hbm>>
      tpu.enqueue_dma source(%dma_start3A_117 : memref<632x16xf32, #tpu.memory_space<hbm>>) target(%dma_start3A_115 : memref<632x16xf32, #tpu.memory_space<vmem_shared>>) target_semaphore(%run_scoped3A_113 : memref<!tpu.dma_semaphore, #tpu.memory_space<semaphore_mem>>)
      %dma_wait3A_118 = arith.constant 0 : i32
      %dma_wait3A_119 = tpu.memref_slice %arg37[%multiple_of3A, %dma_wait3A_118] : memref<10000x16xf32, #tpu.memory_space<vmem_shared>> -> memref<632x16xf32, #tpu.memory_space<vmem_shared>>
      %dma_wait3A_120 = arith.constant 0 : i32
      %dma_wait3A_121 = tpu.memref_slice %arg9[%multiple_of3A, %dma_wait3A_120] : memref<10000x16xf32, #tpu.memory_space<hbm>> -> memref<632x16xf32, #tpu.memory_space<hbm>>
      tpu.wait_dma2 semaphore(%run_scoped3A_113 : memref<!tpu.dma_semaphore, #tpu.memory_space<semaphore_mem>>) src(%dma_wait3A_121 : memref<632x16xf32, #tpu.memory_space<hbm>>) dst(%dma_wait3A_119 : memref<632x16xf32, #tpu.memory_space<vmem_shared>>)
      tpu.yield
    }) : () -> ()
    %run_scoped3A = arith.constant 0 : i32
    "tpu.region"() ({
      %run_scoped3A_113 = tpu.sem_alloc : memref<!tpu.dma_semaphore, #tpu.memory_space<semaphore_mem>>
      %dma_start3A_114 = arith.constant 0 : i32
      %dma_start3A_115 = tpu.memref_slice %arg7[%run_scoped3A, %dma_start3A_114] : memref<16x16xf32, #tpu.memory_space<hbm>> -> memref<1x16xf32, #tpu.memory_space<hbm>>
      %dma_start3A_116 = tpu.memref_squeeze %dma_start3A_115 : memref<1x16xf32, #tpu.memory_space<hbm>> -> memref<16xf32, #tpu.memory_space<hbm>>
      %dma_start3A_117 = arith.constant 0 : i32
      %dma_start3A_118 = tpu.memref_slice %arg7[%run_scoped3A, %dma_start3A_117] : memref<16x16xf32, #tpu.memory_space<hbm>> -> memref<1x16xf32, #tpu.memory_space<hbm>>
      %dma_start3A_119 = tpu.memref_squeeze %dma_start3A_118 : memref<1x16xf32, #tpu.memory_space<hbm>> -> memref<16xf32, #tpu.memory_space<hbm>>
      tpu.enqueue_dma source(%dma_start3A_119 : memref<16xf32, #tpu.memory_space<hbm>>) target(%arg36 : memref<16xf32, #tpu.memory_space<vmem>>) target_semaphore(%run_scoped3A_113 : memref<!tpu.dma_semaphore, #tpu.memory_space<semaphore_mem>>)
      %dma_wait3A_120 = arith.constant 0 : i32
      %dma_wait3A_121 = tpu.memref_slice %arg7[%run_scoped3A, %dma_wait3A_120] : memref<16x16xf32, #tpu.memory_space<hbm>> -> memref<1x16xf32, #tpu.memory_space<hbm>>
      %dma_wait3A_122 = tpu.memref_squeeze %dma_wait3A_121 : memref<1x16xf32, #tpu.memory_space<hbm>> -> memref<16xf32, #tpu.memory_space<hbm>>
      %dma_wait3A_123 = arith.constant 0 : i32
      %dma_wait3A_124 = tpu.memref_slice %arg7[%run_scoped3A, %dma_wait3A_123] : memref<16x16xf32, #tpu.memory_space<hbm>> -> memref<1x16xf32, #tpu.memory_space<hbm>>
      %dma_wait3A_125 = tpu.memref_squeeze %dma_wait3A_124 : memref<1x16xf32, #tpu.memory_space<hbm>> -> memref<16xf32, #tpu.memory_space<hbm>>
      tpu.wait_dma2 semaphore(%run_scoped3A_113 : memref<!tpu.dma_semaphore, #tpu.memory_space<semaphore_mem>>) src(%dma_wait3A_125 : memref<16xf32, #tpu.memory_space<hbm>>) dst(%arg36 : memref<16xf32, #tpu.memory_space<vmem>>)
      tpu.yield
    }) : () -> ()
    %barrier3A = arith.constant 0 : index
    tpu.barrier barrier_id(%barrier3A)
    %mul3A_2 = arith.constant 160000 : i32
    %mul3A_3 = arith.muli %arg0, %mul3A_2 : i32
    %mul3A_4 = arith.constant 10000 : i32
    %mul3A_5 = arith.muli %arg1, %mul3A_4 : i32
    %add3A = arith.addi %mul3A_3, %mul3A_5 : i32
    %get3A = arith.constant 0 : index
    %get3A_6 = tpu.vector_load %arg36[%get3A] {strides = array<i32>} : memref<16xf32, #tpu.memory_space<vmem>>, vector<16xf32>,
    %iota3A = tpu.iota {dimensions = array<i32: 0>} : vector<16xi32>
    %add3A_7 = arith.constant 0 : i32
    %add3A_8 = arith.addi %add3A, %add3A_7 : i32
    %multiple_of3A_9 = tpu.assume_multiple %add3A_8, 8 : i32
    "tpu.region"() ({
      %run_scoped3A_113 = tpu.sem_alloc : memref<!tpu.dma_semaphore, #tpu.memory_space<semaphore_mem>>
      %dma_start3A_114 = tpu.memref_slice %arg2[%multiple_of3A_9] : memref<320000xi32, #tpu.memory_space<hbm>> -> memref<80xi32, #tpu.memory_space<hbm>>
      %dma_start3A_115 = tpu.memref_slice %arg2[%multiple_of3A_9] : memref<320000xi32, #tpu.memory_space<hbm>> -> memref<80xi32, #tpu.memory_space<hbm>>
      tpu.enqueue_dma source(%dma_start3A_115 : memref<80xi32, #tpu.memory_space<hbm>>) target(%arg12 : memref<80xi32, #tpu.memory_space<vmem>>) target_semaphore(%run_scoped3A_113 : memref<!tpu.dma_semaphore, #tpu.memory_space<semaphore_mem>>)
      %dma_wait3A_116 = tpu.memref_slice %arg2[%multiple_of3A_9] : memref<320000xi32, #tpu.memory_space<hbm>> -> memref<80xi32, #tpu.memory_space<hbm>>
      %dma_wait3A_117 = tpu.memref_slice %arg2[%multiple_of3A_9] : memref<320000xi32, #tpu.memory_space<hbm>> -> memref<80xi32, #tpu.memory_space<hbm>>
      tpu.wait_dma2 semaphore(%run_scoped3A_113 : memref<!tpu.dma_semaphore, #tpu.memory_space<semaphore_mem>>) src(%dma_wait3A_117 : memref<80xi32, #tpu.memory_space<hbm>>) dst(%arg12 : memref<80xi32, #tpu.memory_space<vmem>>)
      tpu.yield
    }) : () -> ()
    "tpu.region"() ({
      %run_scoped3A_113 = tpu.sem_alloc : memref<!tpu.dma_semaphore, #tpu.memory_space<semaphore_mem>>
      %dma_start3A_114 = tpu.memref_slice %arg3[%multiple_of3A_9] : memref<320000xi32, #tpu.memory_space<hbm>> -> memref<80xi32, #tpu.memory_space<hbm>>
      %dma_start3A_115 = tpu.memref_slice %arg3[%multiple_of3A_9] : memref<320000xi32, #tpu.memory_space<hbm>> -> memref<80xi32, #tpu.memory_space<hbm>>
      tpu.enqueue_dma source(%dma_start3A_115 : memref<80xi32, #tpu.memory_space<hbm>>) target(%arg15 : memref<80xi32, #tpu.memory_space<vmem>>) target_semaphore(%run_scoped3A_113 : memref<!tpu.dma_semaphore, #tpu.memory_space<semaphore_mem>>)
      %dma_wait3A_116 = tpu.memref_slice %arg3[%multiple_of3A_9] : memref<320000xi32, #tpu.memory_space<hbm>> -> memref<80xi32, #tpu.memory_space<hbm>>
      %dma_wait3A_117 = tpu.memref_slice %arg3[%multiple_of3A_9] : memref<320000xi32, #tpu.memory_space<hbm>> -> memref<80xi32, #tpu.memory_space<hbm>>
      tpu.wait_dma2 semaphore(%run_scoped3A_113 : memref<!tpu.dma_semaphore, #tpu.memory_space<semaphore_mem>>) src(%dma_wait3A_117 : memref<80xi32, #tpu.memory_space<hbm>>) dst(%arg15 : memref<80xi32, #tpu.memory_space<vmem>>)
      tpu.yield
    }) : () -> ()
    %dma_start3A = arith.constant 0 : i32
    %dma_start3A_10 = arith.constant 0 : i32
    %dma_start3A_11 = tpu.memref_slice %arg4[%dma_start3A, %dma_start3A_10] : memref<10000x16xf32, #tpu.memory_space<hbm>> -> memref<10000x16xf32, #tpu.memory_space<hbm>>
    tpu.enqueue_indirect_dma source(%dma_start3A_11 : memref<10000x16xf32, #tpu.memory_space<hbm>>) target(%arg18 : memref<80x16xf32, #tpu.memory_space<vmem>>) offsets(%arg12 : memref<80xi32, #tpu.memory_space<vmem>>) semaphore(%arg30 : memref<!tpu.dma_semaphore, #tpu.memory_space<semaphore_mem>>)
    %dma_start3A_12 = arith.constant 0 : i32
    %dma_start3A_13 = arith.constant 0 : i32
    %dma_start3A_14 = tpu.memref_slice %arg5[%dma_start3A_12, %dma_start3A_13] : memref<10000x16xf32, #tpu.memory_space<hbm>> -> memref<10000x16xf32, #tpu.memory_space<hbm>>
    tpu.enqueue_indirect_dma source(%dma_start3A_14 : memref<10000x16xf32, #tpu.memory_space<hbm>>) target(%arg21 : memref<80x16xf32, #tpu.memory_space<vmem>>) offsets(%arg15 : memref<80xi32, #tpu.memory_space<vmem>>) semaphore(%arg30 : memref<!tpu.dma_semaphore, #tpu.memory_space<semaphore_mem>>)
    %dma_start3A_15 = arith.constant 0 : i32
    %dma_start3A_16 = arith.constant 0 : i32
    %dma_start3A_17 = tpu.memref_slice %arg6[%dma_start3A_15, %dma_start3A_16] : memref<10000x64xf32, #tpu.memory_space<hbm>> -> memref<10000x64xf32, #tpu.memory_space<hbm>>
    tpu.enqueue_indirect_dma source(%dma_start3A_17 : memref<10000x64xf32, #tpu.memory_space<hbm>>) target(%arg27 : memref<80x64xf32, #tpu.memory_space<vmem>>) offsets(%arg12 : memref<80xi32, #tpu.memory_space<vmem>>) semaphore(%arg30 : memref<!tpu.dma_semaphore, #tpu.memory_space<semaphore_mem>>)
    %scan3A = arith.constant 0 : i32
    %scan3A_18 = arith.constant 0 : i32
    %scan3A_19 = arith.constant 41 : i32
    %scan3A_20 = arith.addi %scan3A_18, %scan3A_19 : i32
    %scan3A_21 = arith.constant 1 : i32
    scf.for %scan3A_113 = %scan3A_18 to %scan3A_20 step %scan3A_21  : i32 {
      %mul3A_114 = arith.constant 3 : i32
      %mul3A_115 = arith.muli %mul3A_114, %scan3A_113 : i32
      %add3A_116 = arith.constant 0 : i32
      %add3A_117 = arith.addi %mul3A_115, %add3A_116 : i32
      %add3A_118 = arith.constant 1 : i32
      %add3A_119 = arith.addi %add3A_117, %add3A_118 : i32
      %ge3A = arith.constant 3 : i32
      %ge3A_120 = arith.cmpi sge, %add3A_119, %ge3A : i32
      %convert_element_type3A = arith.extui %ge3A_120 : i1 to i32
      %cond3A = arith.constant 0 : i32
      %cond3A_121 = arith.cmpi ne, %convert_element_type3A, %cond3A : i32
      scf.if %cond3A_121 {
        %dma_wait3A_270 = arith.constant 0 : i32
        %dma_wait3A_271 = arith.constant 0 : i32
        %dma_wait3A_272 = tpu.memref_slice %arg37[%dma_wait3A_270, %dma_wait3A_271] : memref<10000x16xf32, #tpu.memory_space<vmem_shared>> -> memref<10000x16xf32, #tpu.memory_space<vmem_shared>>
        tpu.wait_indirect_dma semaphore(%arg34 : memref<!tpu.dma_semaphore, #tpu.memory_space<semaphore_mem>>) src(%arg25 : memref<80x16xf32, #tpu.memory_space<vmem>>) dst(%dma_wait3A_272 : memref<10000x16xf32, #tpu.memory_space<vmem_shared>>)
        %dma_wait3A_273 = arith.constant 0 : i32
        %dma_wait3A_274 = arith.constant 0 : i32
        %dma_wait3A_275 = tpu.memref_slice %arg38[%dma_wait3A_273, %dma_wait3A_274] : memref<10000x64xf32, #tpu.memory_space<vmem_shared>> -> memref<10000x64xf32, #tpu.memory_space<vmem_shared>>
        tpu.wait_indirect_dma semaphore(%arg34 : memref<!tpu.dma_semaphore, #tpu.memory_space<semaphore_mem>>) src(%arg28 : memref<80x64xf32, #tpu.memory_space<vmem>>) dst(%dma_wait3A_275 : memref<10000x64xf32, #tpu.memory_space<vmem_shared>>)
      } else {
      }
      %add3A_122 = arith.constant 1 : i32
      %add3A_123 = arith.addi %add3A_117, %add3A_122 : i32
      %mul3A_124 = arith.constant 80 : i32
      %mul3A_125 = arith.muli %add3A_123, %mul3A_124 : i32
      %add3A_126 = arith.addi %add3A, %mul3A_125 : i32
      %multiple_of3A_127 = tpu.assume_multiple %add3A_126, 8 : i32
      "tpu.region"() ({
        %run_scoped3A_270 = tpu.sem_alloc : memref<!tpu.dma_semaphore, #tpu.memory_space<semaphore_mem>>
        %dma_start3A_271 = tpu.memref_slice %arg2[%multiple_of3A_127] : memref<320000xi32, #tpu.memory_space<hbm>> -> memref<80xi32, #tpu.memory_space<hbm>>
        %dma_start3A_272 = tpu.memref_slice %arg2[%multiple_of3A_127] : memref<320000xi32, #tpu.memory_space<hbm>> -> memref<80xi32, #tpu.memory_space<hbm>>
        tpu.enqueue_dma source(%dma_start3A_272 : memref<80xi32, #tpu.memory_space<hbm>>) target(%arg13 : memref<80xi32, #tpu.memory_space<vmem>>) target_semaphore(%run_scoped3A_270 : memref<!tpu.dma_semaphore, #tpu.memory_space<semaphore_mem>>)
        %dma_wait3A_273 = tpu.memref_slice %arg2[%multiple_of3A_127] : memref<320000xi32, #tpu.memory_space<hbm>> -> memref<80xi32, #tpu.memory_space<hbm>>
        %dma_wait3A_274 = tpu.memref_slice %arg2[%multiple_of3A_127] : memref<320000xi32, #tpu.memory_space<hbm>> -> memref<80xi32, #tpu.memory_space<hbm>>
        tpu.wait_dma2 semaphore(%run_scoped3A_270 : memref<!tpu.dma_semaphore, #tpu.memory_space<semaphore_mem>>) src(%dma_wait3A_274 : memref<80xi32, #tpu.memory_space<hbm>>) dst(%arg13 : memref<80xi32, #tpu.memory_space<vmem>>)
        tpu.yield
      }) : () -> ()
      "tpu.region"() ({
        %run_scoped3A_270 = tpu.sem_alloc : memref<!tpu.dma_semaphore, #tpu.memory_space<semaphore_mem>>
        %dma_start3A_271 = tpu.memref_slice %arg3[%multiple_of3A_127] : memref<320000xi32, #tpu.memory_space<hbm>> -> memref<80xi32, #tpu.memory_space<hbm>>
        %dma_start3A_272 = tpu.memref_slice %arg3[%multiple_of3A_127] : memref<320000xi32, #tpu.memory_space<hbm>> -> memref<80xi32, #tpu.memory_space<hbm>>
        tpu.enqueue_dma source(%dma_start3A_272 : memref<80xi32, #tpu.memory_space<hbm>>) target(%arg16 : memref<80xi32, #tpu.memory_space<vmem>>) target_semaphore(%run_scoped3A_270 : memref<!tpu.dma_semaphore, #tpu.memory_space<semaphore_mem>>)
        %dma_wait3A_273 = tpu.memref_slice %arg3[%multiple_of3A_127] : memref<320000xi32, #tpu.memory_space<hbm>> -> memref<80xi32, #tpu.memory_space<hbm>>
        %dma_wait3A_274 = tpu.memref_slice %arg3[%multiple_of3A_127] : memref<320000xi32, #tpu.memory_space<hbm>> -> memref<80xi32, #tpu.memory_space<hbm>>
        tpu.wait_dma2 semaphore(%run_scoped3A_270 : memref<!tpu.dma_semaphore, #tpu.memory_space<semaphore_mem>>) src(%dma_wait3A_274 : memref<80xi32, #tpu.memory_space<hbm>>) dst(%arg16 : memref<80xi32, #tpu.memory_space<vmem>>)
        tpu.yield
      }) : () -> ()
      %dma_start3A_128 = arith.constant 0 : i32
      %dma_start3A_129 = arith.constant 0 : i32
      %dma_start3A_130 = tpu.memref_slice %arg4[%dma_start3A_128, %dma_start3A_129] : memref<10000x16xf32, #tpu.memory_space<hbm>> -> memref<10000x16xf32, #tpu.memory_space<hbm>>
      tpu.enqueue_indirect_dma source(%dma_start3A_130 : memref<10000x16xf32, #tpu.memory_space<hbm>>) target(%arg19 : memref<80x16xf32, #tpu.memory_space<vmem>>) offsets(%arg13 : memref<80xi32, #tpu.memory_space<vmem>>) semaphore(%arg31 : memref<!tpu.dma_semaphore, #tpu.memory_space<semaphore_mem>>)
      %dma_start3A_131 = arith.constant 0 : i32
      %dma_start3A_132 = arith.constant 0 : i32
      %dma_start3A_133 = tpu.memref_slice %arg5[%dma_start3A_131, %dma_start3A_132] : memref<10000x16xf32, #tpu.memory_space<hbm>> -> memref<10000x16xf32, #tpu.memory_space<hbm>>
      tpu.enqueue_indirect_dma source(%dma_start3A_133 : memref<10000x16xf32, #tpu.memory_space<hbm>>) target(%arg22 : memref<80x16xf32, #tpu.memory_space<vmem>>) offsets(%arg16 : memref<80xi32, #tpu.memory_space<vmem>>) semaphore(%arg31 : memref<!tpu.dma_semaphore, #tpu.memory_space<semaphore_mem>>)
      %dma_start3A_134 = arith.constant 0 : i32
      %dma_start3A_135 = arith.constant 0 : i32
      %dma_start3A_136 = tpu.memref_slice %arg6[%dma_start3A_134, %dma_start3A_135] : memref<10000x64xf32, #tpu.memory_space<hbm>> -> memref<10000x64xf32, #tpu.memory_space<hbm>>
      tpu.enqueue_indirect_dma source(%dma_start3A_136 : memref<10000x64xf32, #tpu.memory_space<hbm>>) target(%arg28 : memref<80x64xf32, #tpu.memory_space<vmem>>) offsets(%arg13 : memref<80xi32, #tpu.memory_space<vmem>>) semaphore(%arg31 : memref<!tpu.dma_semaphore, #tpu.memory_space<semaphore_mem>>)
      %dma_wait3A_137 = arith.constant 0 : i32
      %dma_wait3A_138 = arith.constant 0 : i32
      %dma_wait3A_139 = tpu.memref_slice %arg4[%dma_wait3A_137, %dma_wait3A_138] : memref<10000x16xf32, #tpu.memory_space<hbm>> -> memref<10000x16xf32, #tpu.memory_space<hbm>>
      tpu.wait_indirect_dma semaphore(%arg30 : memref<!tpu.dma_semaphore, #tpu.memory_space<semaphore_mem>>) src(%dma_wait3A_139 : memref<10000x16xf32, #tpu.memory_space<hbm>>) dst(%arg18 : memref<80x16xf32, #tpu.memory_space<vmem>>)
      %dma_wait3A_140 = arith.constant 0 : i32
      %dma_wait3A_141 = arith.constant 0 : i32
      %dma_wait3A_142 = tpu.memref_slice %arg5[%dma_wait3A_140, %dma_wait3A_141] : memref<10000x16xf32, #tpu.memory_space<hbm>> -> memref<10000x16xf32, #tpu.memory_space<hbm>>
      tpu.wait_indirect_dma semaphore(%arg30 : memref<!tpu.dma_semaphore, #tpu.memory_space<semaphore_mem>>) src(%dma_wait3A_142 : memref<10000x16xf32, #tpu.memory_space<hbm>>) dst(%arg21 : memref<80x16xf32, #tpu.memory_space<vmem>>)
      %dma_wait3A_143 = arith.constant 0 : i32
      %dma_wait3A_144 = arith.constant 0 : i32
      %dma_wait3A_145 = tpu.memref_slice %arg6[%dma_wait3A_143, %dma_wait3A_144] : memref<10000x64xf32, #tpu.memory_space<hbm>> -> memref<10000x64xf32, #tpu.memory_space<hbm>>
      tpu.wait_indirect_dma semaphore(%arg30 : memref<!tpu.dma_semaphore, #tpu.memory_space<semaphore_mem>>) src(%dma_wait3A_145 : memref<10000x64xf32, #tpu.memory_space<hbm>>) dst(%arg27 : memref<80x64xf32, #tpu.memory_space<vmem>>)
      %scan3A_146 = arith.constant 0 : i32
      %scan3A_147 = arith.constant 0 : i32
      %scan3A_148 = arith.constant 80 : i32
      %scan3A_149 = arith.addi %scan3A_147, %scan3A_148 : i32
      %scan3A_150 = arith.constant 1 : i32
      scf.for %scan3A_270 = %scan3A_147 to %scan3A_149 step %scan3A_150  : i32 {
        %broadcast_in_dim3A = vector.broadcast %scan3A_270 : i32 to vector<16xi32>
        %gather3A = tpu.vector_load_idx %arg18[%broadcast_in_dim3A, %iota3A] : memref<80x16xf32, #tpu.memory_space<vmem>>[vector<16xi32>, vector<16xi32>], vector<16xf32>,
        %gather3A_271 = tpu.vector_load_idx %arg21[%broadcast_in_dim3A, %iota3A] : memref<80x16xf32, #tpu.memory_space<vmem>>[vector<16xi32>, vector<16xi32>], vector<16xf32>,
        %add3A_272 = arith.addf %gather3A, %gather3A_271 : vector<16xf32>
        %mul3A_273 = arith.constant 2.000000e-01 : f32
        %mul3A_274 = vector.broadcast %mul3A_273 : f32 to vector<16xf32>
        %mul3A_275 = arith.mulf %mul3A_274, %add3A_272 : vector<16xf32>
        %max3A = arith.maximumf %add3A_272, %mul3A_275 : vector<16xf32>
        %sub3A = arith.subf %max3A, %get3A_6 : vector<16xf32>
        %exp3A = math.exp %sub3A : vector<16xf32>
        tpu.vector_store_idx %arg24[%broadcast_in_dim3A, %iota3A], %exp3A : memref<80x16xf32, #tpu.memory_space<vmem>>[vector<16xi32>, vector<16xi32>], vector<16xf32>,
      }
      %scan3A_151 = arith.constant 80 : i32
      %dma_start3A_152 = arith.constant 0 : i32
      %dma_start3A_153 = arith.constant 0 : i32
      %dma_start3A_154 = tpu.memref_slice %arg37[%dma_start3A_152, %dma_start3A_153] : memref<10000x16xf32, #tpu.memory_space<vmem_shared>> -> memref<10000x16xf32, #tpu.memory_space<vmem_shared>>
      tpu.enqueue_indirect_dma source(%arg24 : memref<80x16xf32, #tpu.memory_space<vmem>>) target(%dma_start3A_154 : memref<10000x16xf32, #tpu.memory_space<vmem_shared>>) offsets(%arg15 : memref<80xi32, #tpu.memory_space<vmem>>) semaphore(%arg33 : memref<!tpu.dma_semaphore, #tpu.memory_space<semaphore_mem>>) {add = true}
      %scan3A_155 = arith.constant 0 : i32
      %scan3A_156 = arith.constant 0 : i32
      %scan3A_157 = arith.constant 80 : i32
      %scan3A_158 = arith.addi %scan3A_156, %scan3A_157 : i32
      %scan3A_159 = arith.constant 1 : i32
      scf.for %scan3A_270 = %scan3A_156 to %scan3A_158 step %scan3A_159  : i32 {
        %broadcast_in_dim3A = vector.broadcast %scan3A_270 : i32 to vector<16xi32>
        %broadcast_in_dim3A_271 = arith.constant 0 : i32
        %broadcast_in_dim3A_272 = vector.broadcast %broadcast_in_dim3A_271 : i32 to vector<16xi32>
        %gather3A = tpu.vector_load_idx %arg24[%broadcast_in_dim3A, %broadcast_in_dim3A_272] : memref<80x16xf32, #tpu.memory_space<vmem>>[vector<16xi32>, vector<16xi32>], vector<16xf32>,
        %add3A_273 = arith.constant 0 : i32
        %add3A_274 = vector.broadcast %add3A_273 : i32 to vector<16xi32>
        %add3A_275 = arith.addi %iota3A, %add3A_274 : vector<16xi32>
        %gather3A_276 = tpu.vector_load_idx %arg27[%broadcast_in_dim3A, %add3A_275] : memref<80x64xf32, #tpu.memory_space<vmem>>[vector<16xi32>, vector<16xi32>], vector<16xf32>,
        %mul3A_277 = arith.mulf %gather3A_276, %gather3A : vector<16xf32>
        tpu.vector_store_idx %arg27[%broadcast_in_dim3A, %add3A_275], %mul3A_277 : memref<80x64xf32, #tpu.memory_space<vmem>>[vector<16xi32>, vector<16xi32>], vector<16xf32>,
        %add3A_278 = arith.constant 16 : i32
        %add3A_279 = vector.broadcast %add3A_278 : i32 to vector<16xi32>
        %add3A_280 = arith.addi %iota3A, %add3A_279 : vector<16xi32>
        %gather3A_281 = tpu.vector_load_idx %arg27[%broadcast_in_dim3A, %add3A_280] : memref<80x64xf32, #tpu.memory_space<vmem>>[vector<16xi32>, vector<16xi32>], vector<16xf32>,
        %mul3A_282 = arith.mulf %gather3A_281, %gather3A : vector<16xf32>
        tpu.vector_store_idx %arg27[%broadcast_in_dim3A, %add3A_280], %mul3A_282 : memref<80x64xf32, #tpu.memory_space<vmem>>[vector<16xi32>, vector<16xi32>], vector<16xf32>,
        %add3A_283 = arith.constant 32 : i32
        %add3A_284 = vector.broadcast %add3A_283 : i32 to vector<16xi32>
        %add3A_285 = arith.addi %iota3A, %add3A_284 : vector<16xi32>
        %gather3A_286 = tpu.vector_load_idx %arg27[%broadcast_in_dim3A, %add3A_285] : memref<80x64xf32, #tpu.memory_space<vmem>>[vector<16xi32>, vector<16xi32>], vector<16xf32>,
        %mul3A_287 = arith.mulf %gather3A_286, %gather3A : vector<16xf32>
        tpu.vector_store_idx %arg27[%broadcast_in_dim3A, %add3A_285], %mul3A_287 : memref<80x64xf32, #tpu.memory_space<vmem>>[vector<16xi32>, vector<16xi32>], vector<16xf32>,
        %add3A_288 = arith.constant 48 : i32
        %add3A_289 = vector.broadcast %add3A_288 : i32 to vector<16xi32>
        %add3A_290 = arith.addi %iota3A, %add3A_289 : vector<16xi32>
        %gather3A_291 = tpu.vector_load_idx %arg27[%broadcast_in_dim3A, %add3A_290] : memref<80x64xf32, #tpu.memory_space<vmem>>[vector<16xi32>, vector<16xi32>], vector<16xf32>,
        %mul3A_292 = arith.mulf %gather3A_291, %gather3A : vector<16xf32>
        tpu.vector_store_idx %arg27[%broadcast_in_dim3A, %add3A_290], %mul3A_292 : memref<80x64xf32, #tpu.memory_space<vmem>>[vector<16xi32>, vector<16xi32>], vector<16xf32>,
      }
      %scan3A_160 = arith.constant 80 : i32
      %dma_start3A_161 = arith.constant 0 : i32
      %dma_start3A_162 = arith.constant 0 : i32
      %dma_start3A_163 = tpu.memref_slice %arg38[%dma_start3A_161, %dma_start3A_162] : memref<10000x64xf32, #tpu.memory_space<vmem_shared>> -> memref<10000x64xf32, #tpu.memory_space<vmem_shared>>
      tpu.enqueue_indirect_dma source(%arg27 : memref<80x64xf32, #tpu.memory_space<vmem>>) target(%dma_start3A_163 : memref<10000x64xf32, #tpu.memory_space<vmem_shared>>) offsets(%arg15 : memref<80xi32, #tpu.memory_space<vmem>>) semaphore(%arg33 : memref<!tpu.dma_semaphore, #tpu.memory_space<semaphore_mem>>) {add = true}
      %mul3A_164 = arith.constant 3 : i32
      %mul3A_165 = arith.muli %mul3A_164, %scan3A_113 : i32
      %add3A_166 = arith.constant 1 : i32
      %add3A_167 = arith.addi %mul3A_165, %add3A_166 : i32
      %add3A_168 = arith.constant 1 : i32
      %add3A_169 = arith.addi %add3A_167, %add3A_168 : i32
      %ge3A_170 = arith.constant 3 : i32
      %ge3A_171 = arith.cmpi sge, %add3A_169, %ge3A_170 : i32
      %convert_element_type3A_172 = arith.extui %ge3A_171 : i1 to i32
      %cond3A_173 = arith.constant 0 : i32
      %cond3A_174 = arith.cmpi ne, %convert_element_type3A_172, %cond3A_173 : i32
      scf.if %cond3A_174 {
        %dma_wait3A_270 = arith.constant 0 : i32
        %dma_wait3A_271 = arith.constant 0 : i32
        %dma_wait3A_272 = tpu.memref_slice %arg37[%dma_wait3A_270, %dma_wait3A_271] : memref<10000x16xf32, #tpu.memory_space<vmem_shared>> -> memref<10000x16xf32, #tpu.memory_space<vmem_shared>>
        tpu.wait_indirect_dma semaphore(%arg35 : memref<!tpu.dma_semaphore, #tpu.memory_space<semaphore_mem>>) src(%arg26 : memref<80x16xf32, #tpu.memory_space<vmem>>) dst(%dma_wait3A_272 : memref<10000x16xf32, #tpu.memory_space<vmem_shared>>)
        %dma_wait3A_273 = arith.constant 0 : i32
        %dma_wait3A_274 = arith.constant 0 : i32
        %dma_wait3A_275 = tpu.memref_slice %arg38[%dma_wait3A_273, %dma_wait3A_274] : memref<10000x64xf32, #tpu.memory_space<vmem_shared>> -> memref<10000x64xf32, #tpu.memory_space<vmem_shared>>
        tpu.wait_indirect_dma semaphore(%arg35 : memref<!tpu.dma_semaphore, #tpu.memory_space<semaphore_mem>>) src(%arg29 : memref<80x64xf32, #tpu.memory_space<vmem>>) dst(%dma_wait3A_275 : memref<10000x64xf32, #tpu.memory_space<vmem_shared>>)
      } else {
      }
      %add3A_175 = arith.constant 1 : i32
      %add3A_176 = arith.addi %add3A_167, %add3A_175 : i32
      %mul3A_177 = arith.constant 80 : i32
      %mul3A_178 = arith.muli %add3A_176, %mul3A_177 : i32
      %add3A_179 = arith.addi %add3A, %mul3A_178 : i32
      %multiple_of3A_180 = tpu.assume_multiple %add3A_179, 8 : i32
      "tpu.region"() ({
        %run_scoped3A_270 = tpu.sem_alloc : memref<!tpu.dma_semaphore, #tpu.memory_space<semaphore_mem>>
        %dma_start3A_271 = tpu.memref_slice %arg2[%multiple_of3A_180] : memref<320000xi32, #tpu.memory_space<hbm>> -> memref<80xi32, #tpu.memory_space<hbm>>
        %dma_start3A_272 = tpu.memref_slice %arg2[%multiple_of3A_180] : memref<320000xi32, #tpu.memory_space<hbm>> -> memref<80xi32, #tpu.memory_space<hbm>>
        tpu.enqueue_dma source(%dma_start3A_272 : memref<80xi32, #tpu.memory_space<hbm>>) target(%arg14 : memref<80xi32, #tpu.memory_space<vmem>>) target_semaphore(%run_scoped3A_270 : memref<!tpu.dma_semaphore, #tpu.memory_space<semaphore_mem>>)
        %dma_wait3A_273 = tpu.memref_slice %arg2[%multiple_of3A_180] : memref<320000xi32, #tpu.memory_space<hbm>> -> memref<80xi32, #tpu.memory_space<hbm>>
        %dma_wait3A_274 = tpu.memref_slice %arg2[%multiple_of3A_180] : memref<320000xi32, #tpu.memory_space<hbm>> -> memref<80xi32, #tpu.memory_space<hbm>>
        tpu.wait_dma2 semaphore(%run_scoped3A_270 : memref<!tpu.dma_semaphore, #tpu.memory_space<semaphore_mem>>) src(%dma_wait3A_274 : memref<80xi32, #tpu.memory_space<hbm>>) dst(%arg14 : memref<80xi32, #tpu.memory_space<vmem>>)
        tpu.yield
      }) : () -> ()
      "tpu.region"() ({
        %run_scoped3A_270 = tpu.sem_alloc : memref<!tpu.dma_semaphore, #tpu.memory_space<semaphore_mem>>
        %dma_start3A_271 = tpu.memref_slice %arg3[%multiple_of3A_180] : memref<320000xi32, #tpu.memory_space<hbm>> -> memref<80xi32, #tpu.memory_space<hbm>>
        %dma_start3A_272 = tpu.memref_slice %arg3[%multiple_of3A_180] : memref<320000xi32, #tpu.memory_space<hbm>> -> memref<80xi32, #tpu.memory_space<hbm>>
        tpu.enqueue_dma source(%dma_start3A_272 : memref<80xi32, #tpu.memory_space<hbm>>) target(%arg17 : memref<80xi32, #tpu.memory_space<vmem>>) target_semaphore(%run_scoped3A_270 : memref<!tpu.dma_semaphore, #tpu.memory_space<semaphore_mem>>)
        %dma_wait3A_273 = tpu.memref_slice %arg3[%multiple_of3A_180] : memref<320000xi32, #tpu.memory_space<hbm>> -> memref<80xi32, #tpu.memory_space<hbm>>
        %dma_wait3A_274 = tpu.memref_slice %arg3[%multiple_of3A_180] : memref<320000xi32, #tpu.memory_space<hbm>> -> memref<80xi32, #tpu.memory_space<hbm>>
        tpu.wait_dma2 semaphore(%run_scoped3A_270 : memref<!tpu.dma_semaphore, #tpu.memory_space<semaphore_mem>>) src(%dma_wait3A_274 : memref<80xi32, #tpu.memory_space<hbm>>) dst(%arg17 : memref<80xi32, #tpu.memory_space<vmem>>)
        tpu.yield
      }) : () -> ()
      %dma_start3A_181 = arith.constant 0 : i32
      %dma_start3A_182 = arith.constant 0 : i32
      %dma_start3A_183 = tpu.memref_slice %arg4[%dma_start3A_181, %dma_start3A_182] : memref<10000x16xf32, #tpu.memory_space<hbm>> -> memref<10000x16xf32, #tpu.memory_space<hbm>>
      tpu.enqueue_indirect_dma source(%dma_start3A_183 : memref<10000x16xf32, #tpu.memory_space<hbm>>) target(%arg20 : memref<80x16xf32, #tpu.memory_space<vmem>>) offsets(%arg14 : memref<80xi32, #tpu.memory_space<vmem>>) semaphore(%arg32 : memref<!tpu.dma_semaphore, #tpu.memory_space<semaphore_mem>>)
      %dma_start3A_184 = arith.constant 0 : i32
      %dma_start3A_185 = arith.constant 0 : i32
      %dma_start3A_186 = tpu.memref_slice %arg5[%dma_start3A_184, %dma_start3A_185] : memref<10000x16xf32, #tpu.memory_space<hbm>> -> memref<10000x16xf32, #tpu.memory_space<hbm>>
      tpu.enqueue_indirect_dma source(%dma_start3A_186 : memref<10000x16xf32, #tpu.memory_space<hbm>>) target(%arg23 : memref<80x16xf32, #tpu.memory_space<vmem>>) offsets(%arg17 : memref<80xi32, #tpu.memory_space<vmem>>) semaphore(%arg32 : memref<!tpu.dma_semaphore, #tpu.memory_space<semaphore_mem>>)
      %dma_start3A_187 = arith.constant 0 : i32
      %dma_start3A_188 = arith.constant 0 : i32
      %dma_start3A_189 = tpu.memref_slice %arg6[%dma_start3A_187, %dma_start3A_188] : memref<10000x64xf32, #tpu.memory_space<hbm>> -> memref<10000x64xf32, #tpu.memory_space<hbm>>
      tpu.enqueue_indirect_dma source(%dma_start3A_189 : memref<10000x64xf32, #tpu.memory_space<hbm>>) target(%arg29 : memref<80x64xf32, #tpu.memory_space<vmem>>) offsets(%arg14 : memref<80xi32, #tpu.memory_space<vmem>>) semaphore(%arg32 : memref<!tpu.dma_semaphore, #tpu.memory_space<semaphore_mem>>)
      %dma_wait3A_190 = arith.constant 0 : i32
      %dma_wait3A_191 = arith.constant 0 : i32
      %dma_wait3A_192 = tpu.memref_slice %arg4[%dma_wait3A_190, %dma_wait3A_191] : memref<10000x16xf32, #tpu.memory_space<hbm>> -> memref<10000x16xf32, #tpu.memory_space<hbm>>
      tpu.wait_indirect_dma semaphore(%arg31 : memref<!tpu.dma_semaphore, #tpu.memory_space<semaphore_mem>>) src(%dma_wait3A_192 : memref<10000x16xf32, #tpu.memory_space<hbm>>) dst(%arg19 : memref<80x16xf32, #tpu.memory_space<vmem>>)
      %dma_wait3A_193 = arith.constant 0 : i32
      %dma_wait3A_194 = arith.constant 0 : i32
      %dma_wait3A_195 = tpu.memref_slice %arg5[%dma_wait3A_193, %dma_wait3A_194] : memref<10000x16xf32, #tpu.memory_space<hbm>> -> memref<10000x16xf32, #tpu.memory_space<hbm>>
      tpu.wait_indirect_dma semaphore(%arg31 : memref<!tpu.dma_semaphore, #tpu.memory_space<semaphore_mem>>) src(%dma_wait3A_195 : memref<10000x16xf32, #tpu.memory_space<hbm>>) dst(%arg22 : memref<80x16xf32, #tpu.memory_space<vmem>>)
      %dma_wait3A_196 = arith.constant 0 : i32
      %dma_wait3A_197 = arith.constant 0 : i32
      %dma_wait3A_198 = tpu.memref_slice %arg6[%dma_wait3A_196, %dma_wait3A_197] : memref<10000x64xf32, #tpu.memory_space<hbm>> -> memref<10000x64xf32, #tpu.memory_space<hbm>>
      tpu.wait_indirect_dma semaphore(%arg31 : memref<!tpu.dma_semaphore, #tpu.memory_space<semaphore_mem>>) src(%dma_wait3A_198 : memref<10000x64xf32, #tpu.memory_space<hbm>>) dst(%arg28 : memref<80x64xf32, #tpu.memory_space<vmem>>)
      %scan3A_199 = arith.constant 0 : i32
      %scan3A_200 = arith.constant 0 : i32
      %scan3A_201 = arith.constant 80 : i32
      %scan3A_202 = arith.addi %scan3A_200, %scan3A_201 : i32
      %scan3A_203 = arith.constant 1 : i32
      scf.for %scan3A_270 = %scan3A_200 to %scan3A_202 step %scan3A_203  : i32 {
        %broadcast_in_dim3A = vector.broadcast %scan3A_270 : i32 to vector<16xi32>
        %gather3A = tpu.vector_load_idx %arg19[%broadcast_in_dim3A, %iota3A] : memref<80x16xf32, #tpu.memory_space<vmem>>[vector<16xi32>, vector<16xi32>], vector<16xf32>,
        %gather3A_271 = tpu.vector_load_idx %arg22[%broadcast_in_dim3A, %iota3A] : memref<80x16xf32, #tpu.memory_space<vmem>>[vector<16xi32>, vector<16xi32>], vector<16xf32>,
        %add3A_272 = arith.addf %gather3A, %gather3A_271 : vector<16xf32>
        %mul3A_273 = arith.constant 2.000000e-01 : f32
        %mul3A_274 = vector.broadcast %mul3A_273 : f32 to vector<16xf32>
        %mul3A_275 = arith.mulf %mul3A_274, %add3A_272 : vector<16xf32>
        %max3A = arith.maximumf %add3A_272, %mul3A_275 : vector<16xf32>
        %sub3A = arith.subf %max3A, %get3A_6 : vector<16xf32>
        %exp3A = math.exp %sub3A : vector<16xf32>
        tpu.vector_store_idx %arg25[%broadcast_in_dim3A, %iota3A], %exp3A : memref<80x16xf32, #tpu.memory_space<vmem>>[vector<16xi32>, vector<16xi32>], vector<16xf32>,
      }
      %scan3A_204 = arith.constant 80 : i32
      %dma_start3A_205 = arith.constant 0 : i32
      %dma_start3A_206 = arith.constant 0 : i32
      %dma_start3A_207 = tpu.memref_slice %arg37[%dma_start3A_205, %dma_start3A_206] : memref<10000x16xf32, #tpu.memory_space<vmem_shared>> -> memref<10000x16xf32, #tpu.memory_space<vmem_shared>>
      tpu.enqueue_indirect_dma source(%arg25 : memref<80x16xf32, #tpu.memory_space<vmem>>) target(%dma_start3A_207 : memref<10000x16xf32, #tpu.memory_space<vmem_shared>>) offsets(%arg16 : memref<80xi32, #tpu.memory_space<vmem>>) semaphore(%arg34 : memref<!tpu.dma_semaphore, #tpu.memory_space<semaphore_mem>>) {add = true}
      %scan3A_208 = arith.constant 0 : i32
      %scan3A_209 = arith.constant 0 : i32
      %scan3A_210 = arith.constant 80 : i32
      %scan3A_211 = arith.addi %scan3A_209, %scan3A_210 : i32
      %scan3A_212 = arith.constant 1 : i32
      scf.for %scan3A_270 = %scan3A_209 to %scan3A_211 step %scan3A_212  : i32 {
        %broadcast_in_dim3A = vector.broadcast %scan3A_270 : i32 to vector<16xi32>
        %broadcast_in_dim3A_271 = arith.constant 0 : i32
        %broadcast_in_dim3A_272 = vector.broadcast %broadcast_in_dim3A_271 : i32 to vector<16xi32>
        %gather3A = tpu.vector_load_idx %arg25[%broadcast_in_dim3A, %broadcast_in_dim3A_272] : memref<80x16xf32, #tpu.memory_space<vmem>>[vector<16xi32>, vector<16xi32>], vector<16xf32>,
        %add3A_273 = arith.constant 0 : i32
        %add3A_274 = vector.broadcast %add3A_273 : i32 to vector<16xi32>
        %add3A_275 = arith.addi %iota3A, %add3A_274 : vector<16xi32>
        %gather3A_276 = tpu.vector_load_idx %arg28[%broadcast_in_dim3A, %add3A_275] : memref<80x64xf32, #tpu.memory_space<vmem>>[vector<16xi32>, vector<16xi32>], vector<16xf32>,
        %mul3A_277 = arith.mulf %gather3A_276, %gather3A : vector<16xf32>
        tpu.vector_store_idx %arg28[%broadcast_in_dim3A, %add3A_275], %mul3A_277 : memref<80x64xf32, #tpu.memory_space<vmem>>[vector<16xi32>, vector<16xi32>], vector<16xf32>,
        %add3A_278 = arith.constant 16 : i32
        %add3A_279 = vector.broadcast %add3A_278 : i32 to vector<16xi32>
        %add3A_280 = arith.addi %iota3A, %add3A_279 : vector<16xi32>
        %gather3A_281 = tpu.vector_load_idx %arg28[%broadcast_in_dim3A, %add3A_280] : memref<80x64xf32, #tpu.memory_space<vmem>>[vector<16xi32>, vector<16xi32>], vector<16xf32>,
        %mul3A_282 = arith.mulf %gather3A_281, %gather3A : vector<16xf32>
        tpu.vector_store_idx %arg28[%broadcast_in_dim3A, %add3A_280], %mul3A_282 : memref<80x64xf32, #tpu.memory_space<vmem>>[vector<16xi32>, vector<16xi32>], vector<16xf32>,
        %add3A_283 = arith.constant 32 : i32
        %add3A_284 = vector.broadcast %add3A_283 : i32 to vector<16xi32>
        %add3A_285 = arith.addi %iota3A, %add3A_284 : vector<16xi32>
        %gather3A_286 = tpu.vector_load_idx %arg28[%broadcast_in_dim3A, %add3A_285] : memref<80x64xf32, #tpu.memory_space<vmem>>[vector<16xi32>, vector<16xi32>], vector<16xf32>,
        %mul3A_287 = arith.mulf %gather3A_286, %gather3A : vector<16xf32>
        tpu.vector_store_idx %arg28[%broadcast_in_dim3A, %add3A_285], %mul3A_287 : memref<80x64xf32, #tpu.memory_space<vmem>>[vector<16xi32>, vector<16xi32>], vector<16xf32>,
        %add3A_288 = arith.constant 48 : i32
        %add3A_289 = vector.broadcast %add3A_288 : i32 to vector<16xi32>
        %add3A_290 = arith.addi %iota3A, %add3A_289 : vector<16xi32>
        %gather3A_291 = tpu.vector_load_idx %arg28[%broadcast_in_dim3A, %add3A_290] : memref<80x64xf32, #tpu.memory_space<vmem>>[vector<16xi32>, vector<16xi32>], vector<16xf32>,
        %mul3A_292 = arith.mulf %gather3A_291, %gather3A : vector<16xf32>
        tpu.vector_store_idx %arg28[%broadcast_in_dim3A, %add3A_290], %mul3A_292 : memref<80x64xf32, #tpu.memory_space<vmem>>[vector<16xi32>, vector<16xi32>], vector<16xf32>,
      }
      %scan3A_213 = arith.constant 80 : i32
      %dma_start3A_214 = arith.constant 0 : i32
      %dma_start3A_215 = arith.constant 0 : i32
      %dma_start3A_216 = tpu.memref_slice %arg38[%dma_start3A_214, %dma_start3A_215] : memref<10000x64xf32, #tpu.memory_space<vmem_shared>> -> memref<10000x64xf32, #tpu.memory_space<vmem_shared>>
      tpu.enqueue_indirect_dma source(%arg28 : memref<80x64xf32, #tpu.memory_space<vmem>>) target(%dma_start3A_216 : memref<10000x64xf32, #tpu.memory_space<vmem_shared>>) offsets(%arg16 : memref<80xi32, #tpu.memory_space<vmem>>) semaphore(%arg34 : memref<!tpu.dma_semaphore, #tpu.memory_space<semaphore_mem>>) {add = true}
      %mul3A_217 = arith.constant 3 : i32
      %mul3A_218 = arith.muli %mul3A_217, %scan3A_113 : i32
      %add3A_219 = arith.constant 2 : i32
      %add3A_220 = arith.addi %mul3A_218, %add3A_219 : i32
      %add3A_221 = arith.constant 1 : i32
      %add3A_222 = arith.addi %add3A_220, %add3A_221 : i32
      %ge3A_223 = arith.constant 3 : i32
      %ge3A_224 = arith.cmpi sge, %add3A_222, %ge3A_223 : i32
      %convert_element_type3A_225 = arith.extui %ge3A_224 : i1 to i32
      %cond3A_226 = arith.constant 0 : i32
      %cond3A_227 = arith.cmpi ne, %convert_element_type3A_225, %cond3A_226 : i32
      scf.if %cond3A_227 {
        %dma_wait3A_270 = arith.constant 0 : i32
        %dma_wait3A_271 = arith.constant 0 : i32
        %dma_wait3A_272 = tpu.memref_slice %arg37[%dma_wait3A_270, %dma_wait3A_271] : memref<10000x16xf32, #tpu.memory_space<vmem_shared>> -> memref<10000x16xf32, #tpu.memory_space<vmem_shared>>
        tpu.wait_indirect_dma semaphore(%arg33 : memref<!tpu.dma_semaphore, #tpu.memory_space<semaphore_mem>>) src(%arg24 : memref<80x16xf32, #tpu.memory_space<vmem>>) dst(%dma_wait3A_272 : memref<10000x16xf32, #tpu.memory_space<vmem_shared>>)
        %dma_wait3A_273 = arith.constant 0 : i32
        %dma_wait3A_274 = arith.constant 0 : i32
        %dma_wait3A_275 = tpu.memref_slice %arg38[%dma_wait3A_273, %dma_wait3A_274] : memref<10000x64xf32, #tpu.memory_space<vmem_shared>> -> memref<10000x64xf32, #tpu.memory_space<vmem_shared>>
        tpu.wait_indirect_dma semaphore(%arg33 : memref<!tpu.dma_semaphore, #tpu.memory_space<semaphore_mem>>) src(%arg27 : memref<80x64xf32, #tpu.memory_space<vmem>>) dst(%dma_wait3A_275 : memref<10000x64xf32, #tpu.memory_space<vmem_shared>>)
      } else {
      }
      %add3A_228 = arith.constant 1 : i32
      %add3A_229 = arith.addi %add3A_220, %add3A_228 : i32
      %mul3A_230 = arith.constant 80 : i32
      %mul3A_231 = arith.muli %add3A_229, %mul3A_230 : i32
      %add3A_232 = arith.addi %add3A, %mul3A_231 : i32
      %multiple_of3A_233 = tpu.assume_multiple %add3A_232, 8 : i32
      "tpu.region"() ({
        %run_scoped3A_270 = tpu.sem_alloc : memref<!tpu.dma_semaphore, #tpu.memory_space<semaphore_mem>>
        %dma_start3A_271 = tpu.memref_slice %arg2[%multiple_of3A_233] : memref<320000xi32, #tpu.memory_space<hbm>> -> memref<80xi32, #tpu.memory_space<hbm>>
        %dma_start3A_272 = tpu.memref_slice %arg2[%multiple_of3A_233] : memref<320000xi32, #tpu.memory_space<hbm>> -> memref<80xi32, #tpu.memory_space<hbm>>
        tpu.enqueue_dma source(%dma_start3A_272 : memref<80xi32, #tpu.memory_space<hbm>>) target(%arg12 : memref<80xi32, #tpu.memory_space<vmem>>) target_semaphore(%run_scoped3A_270 : memref<!tpu.dma_semaphore, #tpu.memory_space<semaphore_mem>>)
        %dma_wait3A_273 = tpu.memref_slice %arg2[%multiple_of3A_233] : memref<320000xi32, #tpu.memory_space<hbm>> -> memref<80xi32, #tpu.memory_space<hbm>>
        %dma_wait3A_274 = tpu.memref_slice %arg2[%multiple_of3A_233] : memref<320000xi32, #tpu.memory_space<hbm>> -> memref<80xi32, #tpu.memory_space<hbm>>
        tpu.wait_dma2 semaphore(%run_scoped3A_270 : memref<!tpu.dma_semaphore, #tpu.memory_space<semaphore_mem>>) src(%dma_wait3A_274 : memref<80xi32, #tpu.memory_space<hbm>>) dst(%arg12 : memref<80xi32, #tpu.memory_space<vmem>>)
        tpu.yield
      }) : () -> ()
      "tpu.region"() ({
        %run_scoped3A_270 = tpu.sem_alloc : memref<!tpu.dma_semaphore, #tpu.memory_space<semaphore_mem>>
        %dma_start3A_271 = tpu.memref_slice %arg3[%multiple_of3A_233] : memref<320000xi32, #tpu.memory_space<hbm>> -> memref<80xi32, #tpu.memory_space<hbm>>
        %dma_start3A_272 = tpu.memref_slice %arg3[%multiple_of3A_233] : memref<320000xi32, #tpu.memory_space<hbm>> -> memref<80xi32, #tpu.memory_space<hbm>>
        tpu.enqueue_dma source(%dma_start3A_272 : memref<80xi32, #tpu.memory_space<hbm>>) target(%arg15 : memref<80xi32, #tpu.memory_space<vmem>>) target_semaphore(%run_scoped3A_270 : memref<!tpu.dma_semaphore, #tpu.memory_space<semaphore_mem>>)
        %dma_wait3A_273 = tpu.memref_slice %arg3[%multiple_of3A_233] : memref<320000xi32, #tpu.memory_space<hbm>> -> memref<80xi32, #tpu.memory_space<hbm>>
        %dma_wait3A_274 = tpu.memref_slice %arg3[%multiple_of3A_233] : memref<320000xi32, #tpu.memory_space<hbm>> -> memref<80xi32, #tpu.memory_space<hbm>>
        tpu.wait_dma2 semaphore(%run_scoped3A_270 : memref<!tpu.dma_semaphore, #tpu.memory_space<semaphore_mem>>) src(%dma_wait3A_274 : memref<80xi32, #tpu.memory_space<hbm>>) dst(%arg15 : memref<80xi32, #tpu.memory_space<vmem>>)
        tpu.yield
      }) : () -> ()
      %dma_start3A_234 = arith.constant 0 : i32
      %dma_start3A_235 = arith.constant 0 : i32
      %dma_start3A_236 = tpu.memref_slice %arg4[%dma_start3A_234, %dma_start3A_235] : memref<10000x16xf32, #tpu.memory_space<hbm>> -> memref<10000x16xf32, #tpu.memory_space<hbm>>
      tpu.enqueue_indirect_dma source(%dma_start3A_236 : memref<10000x16xf32, #tpu.memory_space<hbm>>) target(%arg18 : memref<80x16xf32, #tpu.memory_space<vmem>>) offsets(%arg12 : memref<80xi32, #tpu.memory_space<vmem>>) semaphore(%arg30 : memref<!tpu.dma_semaphore, #tpu.memory_space<semaphore_mem>>)
      %dma_start3A_237 = arith.constant 0 : i32
      %dma_start3A_238 = arith.constant 0 : i32
      %dma_start3A_239 = tpu.memref_slice %arg5[%dma_start3A_237, %dma_start3A_238] : memref<10000x16xf32, #tpu.memory_space<hbm>> -> memref<10000x16xf32, #tpu.memory_space<hbm>>
      tpu.enqueue_indirect_dma source(%dma_start3A_239 : memref<10000x16xf32, #tpu.memory_space<hbm>>) target(%arg21 : memref<80x16xf32, #tpu.memory_space<vmem>>) offsets(%arg15 : memref<80xi32, #tpu.memory_space<vmem>>) semaphore(%arg30 : memref<!tpu.dma_semaphore, #tpu.memory_space<semaphore_mem>>)
      %dma_start3A_240 = arith.constant 0 : i32
      %dma_start3A_241 = arith.constant 0 : i32
      %dma_start3A_242 = tpu.memref_slice %arg6[%dma_start3A_240, %dma_start3A_241] : memref<10000x64xf32, #tpu.memory_space<hbm>> -> memref<10000x64xf32, #tpu.memory_space<hbm>>
      tpu.enqueue_indirect_dma source(%dma_start3A_242 : memref<10000x64xf32, #tpu.memory_space<hbm>>) target(%arg27 : memref<80x64xf32, #tpu.memory_space<vmem>>) offsets(%arg12 : memref<80xi32, #tpu.memory_space<vmem>>) semaphore(%arg30 : memref<!tpu.dma_semaphore, #tpu.memory_space<semaphore_mem>>)
      %dma_wait3A_243 = arith.constant 0 : i32
      %dma_wait3A_244 = arith.constant 0 : i32
      %dma_wait3A_245 = tpu.memref_slice %arg4[%dma_wait3A_243, %dma_wait3A_244] : memref<10000x16xf32, #tpu.memory_space<hbm>> -> memref<10000x16xf32, #tpu.memory_space<hbm>>
      tpu.wait_indirect_dma semaphore(%arg32 : memref<!tpu.dma_semaphore, #tpu.memory_space<semaphore_mem>>) src(%dma_wait3A_245 : memref<10000x16xf32, #tpu.memory_space<hbm>>) dst(%arg20 : memref<80x16xf32, #tpu.memory_space<vmem>>)
      %dma_wait3A_246 = arith.constant 0 : i32
      %dma_wait3A_247 = arith.constant 0 : i32
      %dma_wait3A_248 = tpu.memref_slice %arg5[%dma_wait3A_246, %dma_wait3A_247] : memref<10000x16xf32, #tpu.memory_space<hbm>> -> memref<10000x16xf32, #tpu.memory_space<hbm>>
      tpu.wait_indirect_dma semaphore(%arg32 : memref<!tpu.dma_semaphore, #tpu.memory_space<semaphore_mem>>) src(%dma_wait3A_248 : memref<10000x16xf32, #tpu.memory_space<hbm>>) dst(%arg23 : memref<80x16xf32, #tpu.memory_space<vmem>>)
      %dma_wait3A_249 = arith.constant 0 : i32
      %dma_wait3A_250 = arith.constant 0 : i32
      %dma_wait3A_251 = tpu.memref_slice %arg6[%dma_wait3A_249, %dma_wait3A_250] : memref<10000x64xf32, #tpu.memory_space<hbm>> -> memref<10000x64xf32, #tpu.memory_space<hbm>>
      tpu.wait_indirect_dma semaphore(%arg32 : memref<!tpu.dma_semaphore, #tpu.memory_space<semaphore_mem>>) src(%dma_wait3A_251 : memref<10000x64xf32, #tpu.memory_space<hbm>>) dst(%arg29 : memref<80x64xf32, #tpu.memory_space<vmem>>)
      %scan3A_252 = arith.constant 0 : i32
      %scan3A_253 = arith.constant 0 : i32
      %scan3A_254 = arith.constant 80 : i32
      %scan3A_255 = arith.addi %scan3A_253, %scan3A_254 : i32
      %scan3A_256 = arith.constant 1 : i32
      scf.for %scan3A_270 = %scan3A_253 to %scan3A_255 step %scan3A_256  : i32 {
        %broadcast_in_dim3A = vector.broadcast %scan3A_270 : i32 to vector<16xi32>
        %gather3A = tpu.vector_load_idx %arg20[%broadcast_in_dim3A, %iota3A] : memref<80x16xf32, #tpu.memory_space<vmem>>[vector<16xi32>, vector<16xi32>], vector<16xf32>,
        %gather3A_271 = tpu.vector_load_idx %arg23[%broadcast_in_dim3A, %iota3A] : memref<80x16xf32, #tpu.memory_space<vmem>>[vector<16xi32>, vector<16xi32>], vector<16xf32>,
        %add3A_272 = arith.addf %gather3A, %gather3A_271 : vector<16xf32>
        %mul3A_273 = arith.constant 2.000000e-01 : f32
        %mul3A_274 = vector.broadcast %mul3A_273 : f32 to vector<16xf32>
        %mul3A_275 = arith.mulf %mul3A_274, %add3A_272 : vector<16xf32>
        %max3A = arith.maximumf %add3A_272, %mul3A_275 : vector<16xf32>
        %sub3A = arith.subf %max3A, %get3A_6 : vector<16xf32>
        %exp3A = math.exp %sub3A : vector<16xf32>
        tpu.vector_store_idx %arg26[%broadcast_in_dim3A, %iota3A], %exp3A : memref<80x16xf32, #tpu.memory_space<vmem>>[vector<16xi32>, vector<16xi32>], vector<16xf32>,
      }
      %scan3A_257 = arith.constant 80 : i32
      %dma_start3A_258 = arith.constant 0 : i32
      %dma_start3A_259 = arith.constant 0 : i32
      %dma_start3A_260 = tpu.memref_slice %arg37[%dma_start3A_258, %dma_start3A_259] : memref<10000x16xf32, #tpu.memory_space<vmem_shared>> -> memref<10000x16xf32, #tpu.memory_space<vmem_shared>>
      tpu.enqueue_indirect_dma source(%arg26 : memref<80x16xf32, #tpu.memory_space<vmem>>) target(%dma_start3A_260 : memref<10000x16xf32, #tpu.memory_space<vmem_shared>>) offsets(%arg17 : memref<80xi32, #tpu.memory_space<vmem>>) semaphore(%arg35 : memref<!tpu.dma_semaphore, #tpu.memory_space<semaphore_mem>>) {add = true}
      %scan3A_261 = arith.constant 0 : i32
      %scan3A_262 = arith.constant 0 : i32
      %scan3A_263 = arith.constant 80 : i32
      %scan3A_264 = arith.addi %scan3A_262, %scan3A_263 : i32
      %scan3A_265 = arith.constant 1 : i32
      scf.for %scan3A_270 = %scan3A_262 to %scan3A_264 step %scan3A_265  : i32 {
        %broadcast_in_dim3A = vector.broadcast %scan3A_270 : i32 to vector<16xi32>
        %broadcast_in_dim3A_271 = arith.constant 0 : i32
        %broadcast_in_dim3A_272 = vector.broadcast %broadcast_in_dim3A_271 : i32 to vector<16xi32>
        %gather3A = tpu.vector_load_idx %arg26[%broadcast_in_dim3A, %broadcast_in_dim3A_272] : memref<80x16xf32, #tpu.memory_space<vmem>>[vector<16xi32>, vector<16xi32>], vector<16xf32>,
        %add3A_273 = arith.constant 0 : i32
        %add3A_274 = vector.broadcast %add3A_273 : i32 to vector<16xi32>
        %add3A_275 = arith.addi %iota3A, %add3A_274 : vector<16xi32>
        %gather3A_276 = tpu.vector_load_idx %arg29[%broadcast_in_dim3A, %add3A_275] : memref<80x64xf32, #tpu.memory_space<vmem>>[vector<16xi32>, vector<16xi32>], vector<16xf32>,
        %mul3A_277 = arith.mulf %gather3A_276, %gather3A : vector<16xf32>
        tpu.vector_store_idx %arg29[%broadcast_in_dim3A, %add3A_275], %mul3A_277 : memref<80x64xf32, #tpu.memory_space<vmem>>[vector<16xi32>, vector<16xi32>], vector<16xf32>,
        %add3A_278 = arith.constant 16 : i32
        %add3A_279 = vector.broadcast %add3A_278 : i32 to vector<16xi32>
        %add3A_280 = arith.addi %iota3A, %add3A_279 : vector<16xi32>
        %gather3A_281 = tpu.vector_load_idx %arg29[%broadcast_in_dim3A, %add3A_280] : memref<80x64xf32, #tpu.memory_space<vmem>>[vector<16xi32>, vector<16xi32>], vector<16xf32>,
        %mul3A_282 = arith.mulf %gather3A_281, %gather3A : vector<16xf32>
        tpu.vector_store_idx %arg29[%broadcast_in_dim3A, %add3A_280], %mul3A_282 : memref<80x64xf32, #tpu.memory_space<vmem>>[vector<16xi32>, vector<16xi32>], vector<16xf32>,
        %add3A_283 = arith.constant 32 : i32
        %add3A_284 = vector.broadcast %add3A_283 : i32 to vector<16xi32>
        %add3A_285 = arith.addi %iota3A, %add3A_284 : vector<16xi32>
        %gather3A_286 = tpu.vector_load_idx %arg29[%broadcast_in_dim3A, %add3A_285] : memref<80x64xf32, #tpu.memory_space<vmem>>[vector<16xi32>, vector<16xi32>], vector<16xf32>,
        %mul3A_287 = arith.mulf %gather3A_286, %gather3A : vector<16xf32>
        tpu.vector_store_idx %arg29[%broadcast_in_dim3A, %add3A_285], %mul3A_287 : memref<80x64xf32, #tpu.memory_space<vmem>>[vector<16xi32>, vector<16xi32>], vector<16xf32>,
        %add3A_288 = arith.constant 48 : i32
        %add3A_289 = vector.broadcast %add3A_288 : i32 to vector<16xi32>
        %add3A_290 = arith.addi %iota3A, %add3A_289 : vector<16xi32>
        %gather3A_291 = tpu.vector_load_idx %arg29[%broadcast_in_dim3A, %add3A_290] : memref<80x64xf32, #tpu.memory_space<vmem>>[vector<16xi32>, vector<16xi32>], vector<16xf32>,
        %mul3A_292 = arith.mulf %gather3A_291, %gather3A : vector<16xf32>
        tpu.vector_store_idx %arg29[%broadcast_in_dim3A, %add3A_290], %mul3A_292 : memref<80x64xf32, #tpu.memory_space<vmem>>[vector<16xi32>, vector<16xi32>], vector<16xf32>,
      }
      %scan3A_266 = arith.constant 80 : i32
      %dma_start3A_267 = arith.constant 0 : i32
      %dma_start3A_268 = arith.constant 0 : i32
      %dma_start3A_269 = tpu.memref_slice %arg38[%dma_start3A_267, %dma_start3A_268] : memref<10000x64xf32, #tpu.memory_space<vmem_shared>> -> memref<10000x64xf32, #tpu.memory_space<vmem_shared>>
      tpu.enqueue_indirect_dma source(%arg29 : memref<80x64xf32, #tpu.memory_space<vmem>>) target(%dma_start3A_269 : memref<10000x64xf32, #tpu.memory_space<vmem_shared>>) offsets(%arg17 : memref<80xi32, #tpu.memory_space<vmem>>) semaphore(%arg35 : memref<!tpu.dma_semaphore, #tpu.memory_space<semaphore_mem>>) {add = true}
    }
    %scan3A_22 = arith.constant 41 : i32
    %dma_wait3A = arith.constant 0 : i32
    %dma_wait3A_23 = arith.constant 0 : i32
    %dma_wait3A_24 = tpu.memref_slice %arg37[%dma_wait3A, %dma_wait3A_23] : memref<10000x16xf32, #tpu.memory_space<vmem_shared>> -> memref<10000x16xf32, #tpu.memory_space<vmem_shared>>
    tpu.wait_indirect_dma semaphore(%arg34 : memref<!tpu.dma_semaphore, #tpu.memory_space<semaphore_mem>>) src(%arg25 : memref<80x16xf32, #tpu.memory_space<vmem>>) dst(%dma_wait3A_24 : memref<10000x16xf32, #tpu.memory_space<vmem_shared>>)
    %dma_wait3A_25 = arith.constant 0 : i32
    %dma_wait3A_26 = arith.constant 0 : i32
    %dma_wait3A_27 = tpu.memref_slice %arg38[%dma_wait3A_25, %dma_wait3A_26] : memref<10000x64xf32, #tpu.memory_space<vmem_shared>> -> memref<10000x64xf32, #tpu.memory_space<vmem_shared>>
    tpu.wait_indirect_dma semaphore(%arg34 : memref<!tpu.dma_semaphore, #tpu.memory_space<semaphore_mem>>) src(%arg28 : memref<80x64xf32, #tpu.memory_space<vmem>>) dst(%dma_wait3A_27 : memref<10000x64xf32, #tpu.memory_space<vmem_shared>>)
    %add3A_28 = arith.constant 9920 : i32
    %add3A_29 = arith.addi %add3A, %add3A_28 : i32
    %multiple_of3A_30 = tpu.assume_multiple %add3A_29, 8 : i32
    "tpu.region"() ({
      %run_scoped3A_113 = tpu.sem_alloc : memref<!tpu.dma_semaphore, #tpu.memory_space<semaphore_mem>>
      %dma_start3A_114 = tpu.memref_slice %arg2[%multiple_of3A_30] : memref<320000xi32, #tpu.memory_space<hbm>> -> memref<80xi32, #tpu.memory_space<hbm>>
      %dma_start3A_115 = tpu.memref_slice %arg2[%multiple_of3A_30] : memref<320000xi32, #tpu.memory_space<hbm>> -> memref<80xi32, #tpu.memory_space<hbm>>
      tpu.enqueue_dma source(%dma_start3A_115 : memref<80xi32, #tpu.memory_space<hbm>>) target(%arg13 : memref<80xi32, #tpu.memory_space<vmem>>) target_semaphore(%run_scoped3A_113 : memref<!tpu.dma_semaphore, #tpu.memory_space<semaphore_mem>>)
      %dma_wait3A_116 = tpu.memref_slice %arg2[%multiple_of3A_30] : memref<320000xi32, #tpu.memory_space<hbm>> -> memref<80xi32, #tpu.memory_space<hbm>>
      %dma_wait3A_117 = tpu.memref_slice %arg2[%multiple_of3A_30] : memref<320000xi32, #tpu.memory_space<hbm>> -> memref<80xi32, #tpu.memory_space<hbm>>
      tpu.wait_dma2 semaphore(%run_scoped3A_113 : memref<!tpu.dma_semaphore, #tpu.memory_space<semaphore_mem>>) src(%dma_wait3A_117 : memref<80xi32, #tpu.memory_space<hbm>>) dst(%arg13 : memref<80xi32, #tpu.memory_space<vmem>>)
      tpu.yield
    }) : () -> ()
    "tpu.region"() ({
      %run_scoped3A_113 = tpu.sem_alloc : memref<!tpu.dma_semaphore, #tpu.memory_space<semaphore_mem>>
      %dma_start3A_114 = tpu.memref_slice %arg3[%multiple_of3A_30] : memref<320000xi32, #tpu.memory_space<hbm>> -> memref<80xi32, #tpu.memory_space<hbm>>
      %dma_start3A_115 = tpu.memref_slice %arg3[%multiple_of3A_30] : memref<320000xi32, #tpu.memory_space<hbm>> -> memref<80xi32, #tpu.memory_space<hbm>>
      tpu.enqueue_dma source(%dma_start3A_115 : memref<80xi32, #tpu.memory_space<hbm>>) target(%arg16 : memref<80xi32, #tpu.memory_space<vmem>>) target_semaphore(%run_scoped3A_113 : memref<!tpu.dma_semaphore, #tpu.memory_space<semaphore_mem>>)
      %dma_wait3A_116 = tpu.memref_slice %arg3[%multiple_of3A_30] : memref<320000xi32, #tpu.memory_space<hbm>> -> memref<80xi32, #tpu.memory_space<hbm>>
      %dma_wait3A_117 = tpu.memref_slice %arg3[%multiple_of3A_30] : memref<320000xi32, #tpu.memory_space<hbm>> -> memref<80xi32, #tpu.memory_space<hbm>>
      tpu.wait_dma2 semaphore(%run_scoped3A_113 : memref<!tpu.dma_semaphore, #tpu.memory_space<semaphore_mem>>) src(%dma_wait3A_117 : memref<80xi32, #tpu.memory_space<hbm>>) dst(%arg16 : memref<80xi32, #tpu.memory_space<vmem>>)
      tpu.yield
    }) : () -> ()
    %dma_start3A_31 = arith.constant 0 : i32
    %dma_start3A_32 = arith.constant 0 : i32
    %dma_start3A_33 = tpu.memref_slice %arg4[%dma_start3A_31, %dma_start3A_32] : memref<10000x16xf32, #tpu.memory_space<hbm>> -> memref<10000x16xf32, #tpu.memory_space<hbm>>
    tpu.enqueue_indirect_dma source(%dma_start3A_33 : memref<10000x16xf32, #tpu.memory_space<hbm>>) target(%arg19 : memref<80x16xf32, #tpu.memory_space<vmem>>) offsets(%arg13 : memref<80xi32, #tpu.memory_space<vmem>>) semaphore(%arg31 : memref<!tpu.dma_semaphore, #tpu.memory_space<semaphore_mem>>)
    %dma_start3A_34 = arith.constant 0 : i32
    %dma_start3A_35 = arith.constant 0 : i32
    %dma_start3A_36 = tpu.memref_slice %arg5[%dma_start3A_34, %dma_start3A_35] : memref<10000x16xf32, #tpu.memory_space<hbm>> -> memref<10000x16xf32, #tpu.memory_space<hbm>>
    tpu.enqueue_indirect_dma source(%dma_start3A_36 : memref<10000x16xf32, #tpu.memory_space<hbm>>) target(%arg22 : memref<80x16xf32, #tpu.memory_space<vmem>>) offsets(%arg16 : memref<80xi32, #tpu.memory_space<vmem>>) semaphore(%arg31 : memref<!tpu.dma_semaphore, #tpu.memory_space<semaphore_mem>>)
    %dma_start3A_37 = arith.constant 0 : i32
    %dma_start3A_38 = arith.constant 0 : i32
    %dma_start3A_39 = tpu.memref_slice %arg6[%dma_start3A_37, %dma_start3A_38] : memref<10000x64xf32, #tpu.memory_space<hbm>> -> memref<10000x64xf32, #tpu.memory_space<hbm>>
    tpu.enqueue_indirect_dma source(%dma_start3A_39 : memref<10000x64xf32, #tpu.memory_space<hbm>>) target(%arg28 : memref<80x64xf32, #tpu.memory_space<vmem>>) offsets(%arg13 : memref<80xi32, #tpu.memory_space<vmem>>) semaphore(%arg31 : memref<!tpu.dma_semaphore, #tpu.memory_space<semaphore_mem>>)
    %dma_wait3A_40 = arith.constant 0 : i32
    %dma_wait3A_41 = arith.constant 0 : i32
    %dma_wait3A_42 = tpu.memref_slice %arg4[%dma_wait3A_40, %dma_wait3A_41] : memref<10000x16xf32, #tpu.memory_space<hbm>> -> memref<10000x16xf32, #tpu.memory_space<hbm>>
    tpu.wait_indirect_dma semaphore(%arg30 : memref<!tpu.dma_semaphore, #tpu.memory_space<semaphore_mem>>) src(%dma_wait3A_42 : memref<10000x16xf32, #tpu.memory_space<hbm>>) dst(%arg18 : memref<80x16xf32, #tpu.memory_space<vmem>>)
    %dma_wait3A_43 = arith.constant 0 : i32
    %dma_wait3A_44 = arith.constant 0 : i32
    %dma_wait3A_45 = tpu.memref_slice %arg5[%dma_wait3A_43, %dma_wait3A_44] : memref<10000x16xf32, #tpu.memory_space<hbm>> -> memref<10000x16xf32, #tpu.memory_space<hbm>>
    tpu.wait_indirect_dma semaphore(%arg30 : memref<!tpu.dma_semaphore, #tpu.memory_space<semaphore_mem>>) src(%dma_wait3A_45 : memref<10000x16xf32, #tpu.memory_space<hbm>>) dst(%arg21 : memref<80x16xf32, #tpu.memory_space<vmem>>)
    %dma_wait3A_46 = arith.constant 0 : i32
    %dma_wait3A_47 = arith.constant 0 : i32
    %dma_wait3A_48 = tpu.memref_slice %arg6[%dma_wait3A_46, %dma_wait3A_47] : memref<10000x64xf32, #tpu.memory_space<hbm>> -> memref<10000x64xf32, #tpu.memory_space<hbm>>
    tpu.wait_indirect_dma semaphore(%arg30 : memref<!tpu.dma_semaphore, #tpu.memory_space<semaphore_mem>>) src(%dma_wait3A_48 : memref<10000x64xf32, #tpu.memory_space<hbm>>) dst(%arg27 : memref<80x64xf32, #tpu.memory_space<vmem>>)
    %scan3A_49 = arith.constant 0 : i32
    %scan3A_50 = arith.constant 0 : i32
    %scan3A_51 = arith.constant 80 : i32
    %scan3A_52 = arith.addi %scan3A_50, %scan3A_51 : i32
    %scan3A_53 = arith.constant 1 : i32
    scf.for %scan3A_113 = %scan3A_50 to %scan3A_52 step %scan3A_53  : i32 {
      %broadcast_in_dim3A = vector.broadcast %scan3A_113 : i32 to vector<16xi32>
      %gather3A = tpu.vector_load_idx %arg18[%broadcast_in_dim3A, %iota3A] : memref<80x16xf32, #tpu.memory_space<vmem>>[vector<16xi32>, vector<16xi32>], vector<16xf32>,
      %gather3A_114 = tpu.vector_load_idx %arg21[%broadcast_in_dim3A, %iota3A] : memref<80x16xf32, #tpu.memory_space<vmem>>[vector<16xi32>, vector<16xi32>], vector<16xf32>,
      %add3A_115 = arith.addf %gather3A, %gather3A_114 : vector<16xf32>
      %mul3A_116 = arith.constant 2.000000e-01 : f32
      %mul3A_117 = vector.broadcast %mul3A_116 : f32 to vector<16xf32>
      %mul3A_118 = arith.mulf %mul3A_117, %add3A_115 : vector<16xf32>
      %max3A = arith.maximumf %add3A_115, %mul3A_118 : vector<16xf32>
      %sub3A = arith.subf %max3A, %get3A_6 : vector<16xf32>
      %exp3A = math.exp %sub3A : vector<16xf32>
      tpu.vector_store_idx %arg24[%broadcast_in_dim3A, %iota3A], %exp3A : memref<80x16xf32, #tpu.memory_space<vmem>>[vector<16xi32>, vector<16xi32>], vector<16xf32>,
    }
    %scan3A_54 = arith.constant 80 : i32
    %dma_start3A_55 = arith.constant 0 : i32
    %dma_start3A_56 = arith.constant 0 : i32
    %dma_start3A_57 = tpu.memref_slice %arg37[%dma_start3A_55, %dma_start3A_56] : memref<10000x16xf32, #tpu.memory_space<vmem_shared>> -> memref<10000x16xf32, #tpu.memory_space<vmem_shared>>
    tpu.enqueue_indirect_dma source(%arg24 : memref<80x16xf32, #tpu.memory_space<vmem>>) target(%dma_start3A_57 : memref<10000x16xf32, #tpu.memory_space<vmem_shared>>) offsets(%arg15 : memref<80xi32, #tpu.memory_space<vmem>>) semaphore(%arg33 : memref<!tpu.dma_semaphore, #tpu.memory_space<semaphore_mem>>) {add = true}
    %scan3A_58 = arith.constant 0 : i32
    %scan3A_59 = arith.constant 0 : i32
    %scan3A_60 = arith.constant 80 : i32
    %scan3A_61 = arith.addi %scan3A_59, %scan3A_60 : i32
    %scan3A_62 = arith.constant 1 : i32
    scf.for %scan3A_113 = %scan3A_59 to %scan3A_61 step %scan3A_62  : i32 {
      %broadcast_in_dim3A = vector.broadcast %scan3A_113 : i32 to vector<16xi32>
      %broadcast_in_dim3A_114 = arith.constant 0 : i32
      %broadcast_in_dim3A_115 = vector.broadcast %broadcast_in_dim3A_114 : i32 to vector<16xi32>
      %gather3A = tpu.vector_load_idx %arg24[%broadcast_in_dim3A, %broadcast_in_dim3A_115] : memref<80x16xf32, #tpu.memory_space<vmem>>[vector<16xi32>, vector<16xi32>], vector<16xf32>,
      %add3A_116 = arith.constant 0 : i32
      %add3A_117 = vector.broadcast %add3A_116 : i32 to vector<16xi32>
      %add3A_118 = arith.addi %iota3A, %add3A_117 : vector<16xi32>
      %gather3A_119 = tpu.vector_load_idx %arg27[%broadcast_in_dim3A, %add3A_118] : memref<80x64xf32, #tpu.memory_space<vmem>>[vector<16xi32>, vector<16xi32>], vector<16xf32>,
      %mul3A_120 = arith.mulf %gather3A_119, %gather3A : vector<16xf32>
      tpu.vector_store_idx %arg27[%broadcast_in_dim3A, %add3A_118], %mul3A_120 : memref<80x64xf32, #tpu.memory_space<vmem>>[vector<16xi32>, vector<16xi32>], vector<16xf32>,
      %add3A_121 = arith.constant 16 : i32
      %add3A_122 = vector.broadcast %add3A_121 : i32 to vector<16xi32>
      %add3A_123 = arith.addi %iota3A, %add3A_122 : vector<16xi32>
      %gather3A_124 = tpu.vector_load_idx %arg27[%broadcast_in_dim3A, %add3A_123] : memref<80x64xf32, #tpu.memory_space<vmem>>[vector<16xi32>, vector<16xi32>], vector<16xf32>,
      %mul3A_125 = arith.mulf %gather3A_124, %gather3A : vector<16xf32>
      tpu.vector_store_idx %arg27[%broadcast_in_dim3A, %add3A_123], %mul3A_125 : memref<80x64xf32, #tpu.memory_space<vmem>>[vector<16xi32>, vector<16xi32>], vector<16xf32>,
      %add3A_126 = arith.constant 32 : i32
      %add3A_127 = vector.broadcast %add3A_126 : i32 to vector<16xi32>
      %add3A_128 = arith.addi %iota3A, %add3A_127 : vector<16xi32>
      %gather3A_129 = tpu.vector_load_idx %arg27[%broadcast_in_dim3A, %add3A_128] : memref<80x64xf32, #tpu.memory_space<vmem>>[vector<16xi32>, vector<16xi32>], vector<16xf32>,
      %mul3A_130 = arith.mulf %gather3A_129, %gather3A : vector<16xf32>
      tpu.vector_store_idx %arg27[%broadcast_in_dim3A, %add3A_128], %mul3A_130 : memref<80x64xf32, #tpu.memory_space<vmem>>[vector<16xi32>, vector<16xi32>], vector<16xf32>,
      %add3A_131 = arith.constant 48 : i32
      %add3A_132 = vector.broadcast %add3A_131 : i32 to vector<16xi32>
      %add3A_133 = arith.addi %iota3A, %add3A_132 : vector<16xi32>
      %gather3A_134 = tpu.vector_load_idx %arg27[%broadcast_in_dim3A, %add3A_133] : memref<80x64xf32, #tpu.memory_space<vmem>>[vector<16xi32>, vector<16xi32>], vector<16xf32>,
      %mul3A_135 = arith.mulf %gather3A_134, %gather3A : vector<16xf32>
      tpu.vector_store_idx %arg27[%broadcast_in_dim3A, %add3A_133], %mul3A_135 : memref<80x64xf32, #tpu.memory_space<vmem>>[vector<16xi32>, vector<16xi32>], vector<16xf32>,
    }
    %scan3A_63 = arith.constant 80 : i32
    %dma_start3A_64 = arith.constant 0 : i32
    %dma_start3A_65 = arith.constant 0 : i32
    %dma_start3A_66 = tpu.memref_slice %arg38[%dma_start3A_64, %dma_start3A_65] : memref<10000x64xf32, #tpu.memory_space<vmem_shared>> -> memref<10000x64xf32, #tpu.memory_space<vmem_shared>>
    tpu.enqueue_indirect_dma source(%arg27 : memref<80x64xf32, #tpu.memory_space<vmem>>) target(%dma_start3A_66 : memref<10000x64xf32, #tpu.memory_space<vmem_shared>>) offsets(%arg15 : memref<80xi32, #tpu.memory_space<vmem>>) semaphore(%arg33 : memref<!tpu.dma_semaphore, #tpu.memory_space<semaphore_mem>>) {add = true}
    %dma_wait3A_67 = arith.constant 0 : i32
    %dma_wait3A_68 = arith.constant 0 : i32
    %dma_wait3A_69 = tpu.memref_slice %arg4[%dma_wait3A_67, %dma_wait3A_68] : memref<10000x16xf32, #tpu.memory_space<hbm>> -> memref<10000x16xf32, #tpu.memory_space<hbm>>
    tpu.wait_indirect_dma semaphore(%arg31 : memref<!tpu.dma_semaphore, #tpu.memory_space<semaphore_mem>>) src(%dma_wait3A_69 : memref<10000x16xf32, #tpu.memory_space<hbm>>) dst(%arg19 : memref<80x16xf32, #tpu.memory_space<vmem>>)
    %dma_wait3A_70 = arith.constant 0 : i32
    %dma_wait3A_71 = arith.constant 0 : i32
    %dma_wait3A_72 = tpu.memref_slice %arg5[%dma_wait3A_70, %dma_wait3A_71] : memref<10000x16xf32, #tpu.memory_space<hbm>> -> memref<10000x16xf32, #tpu.memory_space<hbm>>
    tpu.wait_indirect_dma semaphore(%arg31 : memref<!tpu.dma_semaphore, #tpu.memory_space<semaphore_mem>>) src(%dma_wait3A_72 : memref<10000x16xf32, #tpu.memory_space<hbm>>) dst(%arg22 : memref<80x16xf32, #tpu.memory_space<vmem>>)
    %dma_wait3A_73 = arith.constant 0 : i32
    %dma_wait3A_74 = arith.constant 0 : i32
    %dma_wait3A_75 = tpu.memref_slice %arg6[%dma_wait3A_73, %dma_wait3A_74] : memref<10000x64xf32, #tpu.memory_space<hbm>> -> memref<10000x64xf32, #tpu.memory_space<hbm>>
    tpu.wait_indirect_dma semaphore(%arg31 : memref<!tpu.dma_semaphore, #tpu.memory_space<semaphore_mem>>) src(%dma_wait3A_75 : memref<10000x64xf32, #tpu.memory_space<hbm>>) dst(%arg28 : memref<80x64xf32, #tpu.memory_space<vmem>>)
    %scan3A_76 = arith.constant 0 : i32
    %scan3A_77 = arith.constant 0 : i32
    %scan3A_78 = arith.constant 80 : i32
    %scan3A_79 = arith.addi %scan3A_77, %scan3A_78 : i32
    %scan3A_80 = arith.constant 1 : i32
    scf.for %scan3A_113 = %scan3A_77 to %scan3A_79 step %scan3A_80  : i32 {
      %broadcast_in_dim3A = vector.broadcast %scan3A_113 : i32 to vector<16xi32>
      %gather3A = tpu.vector_load_idx %arg19[%broadcast_in_dim3A, %iota3A] : memref<80x16xf32, #tpu.memory_space<vmem>>[vector<16xi32>, vector<16xi32>], vector<16xf32>,
      %gather3A_114 = tpu.vector_load_idx %arg22[%broadcast_in_dim3A, %iota3A] : memref<80x16xf32, #tpu.memory_space<vmem>>[vector<16xi32>, vector<16xi32>], vector<16xf32>,
      %add3A_115 = arith.addf %gather3A, %gather3A_114 : vector<16xf32>
      %mul3A_116 = arith.constant 2.000000e-01 : f32
      %mul3A_117 = vector.broadcast %mul3A_116 : f32 to vector<16xf32>
      %mul3A_118 = arith.mulf %mul3A_117, %add3A_115 : vector<16xf32>
      %max3A = arith.maximumf %add3A_115, %mul3A_118 : vector<16xf32>
      %sub3A = arith.subf %max3A, %get3A_6 : vector<16xf32>
      %exp3A = math.exp %sub3A : vector<16xf32>
      tpu.vector_store_idx %arg25[%broadcast_in_dim3A, %iota3A], %exp3A : memref<80x16xf32, #tpu.memory_space<vmem>>[vector<16xi32>, vector<16xi32>], vector<16xf32>,
    }
    %scan3A_81 = arith.constant 80 : i32
    %dma_start3A_82 = arith.constant 0 : i32
    %dma_start3A_83 = arith.constant 0 : i32
    %dma_start3A_84 = tpu.memref_slice %arg37[%dma_start3A_82, %dma_start3A_83] : memref<10000x16xf32, #tpu.memory_space<vmem_shared>> -> memref<10000x16xf32, #tpu.memory_space<vmem_shared>>
    tpu.enqueue_indirect_dma source(%arg25 : memref<80x16xf32, #tpu.memory_space<vmem>>) target(%dma_start3A_84 : memref<10000x16xf32, #tpu.memory_space<vmem_shared>>) offsets(%arg16 : memref<80xi32, #tpu.memory_space<vmem>>) semaphore(%arg34 : memref<!tpu.dma_semaphore, #tpu.memory_space<semaphore_mem>>) {add = true}
    %scan3A_85 = arith.constant 0 : i32
    %scan3A_86 = arith.constant 0 : i32
    %scan3A_87 = arith.constant 80 : i32
    %scan3A_88 = arith.addi %scan3A_86, %scan3A_87 : i32
    %scan3A_89 = arith.constant 1 : i32
    scf.for %scan3A_113 = %scan3A_86 to %scan3A_88 step %scan3A_89  : i32 {
      %broadcast_in_dim3A = vector.broadcast %scan3A_113 : i32 to vector<16xi32>
      %broadcast_in_dim3A_114 = arith.constant 0 : i32
      %broadcast_in_dim3A_115 = vector.broadcast %broadcast_in_dim3A_114 : i32 to vector<16xi32>
      %gather3A = tpu.vector_load_idx %arg25[%broadcast_in_dim3A, %broadcast_in_dim3A_115] : memref<80x16xf32, #tpu.memory_space<vmem>>[vector<16xi32>, vector<16xi32>], vector<16xf32>,
      %add3A_116 = arith.constant 0 : i32
      %add3A_117 = vector.broadcast %add3A_116 : i32 to vector<16xi32>
      %add3A_118 = arith.addi %iota3A, %add3A_117 : vector<16xi32>
      %gather3A_119 = tpu.vector_load_idx %arg28[%broadcast_in_dim3A, %add3A_118] : memref<80x64xf32, #tpu.memory_space<vmem>>[vector<16xi32>, vector<16xi32>], vector<16xf32>,
      %mul3A_120 = arith.mulf %gather3A_119, %gather3A : vector<16xf32>
      tpu.vector_store_idx %arg28[%broadcast_in_dim3A, %add3A_118], %mul3A_120 : memref<80x64xf32, #tpu.memory_space<vmem>>[vector<16xi32>, vector<16xi32>], vector<16xf32>,
      %add3A_121 = arith.constant 16 : i32
      %add3A_122 = vector.broadcast %add3A_121 : i32 to vector<16xi32>
      %add3A_123 = arith.addi %iota3A, %add3A_122 : vector<16xi32>
      %gather3A_124 = tpu.vector_load_idx %arg28[%broadcast_in_dim3A, %add3A_123] : memref<80x64xf32, #tpu.memory_space<vmem>>[vector<16xi32>, vector<16xi32>], vector<16xf32>,
      %mul3A_125 = arith.mulf %gather3A_124, %gather3A : vector<16xf32>
      tpu.vector_store_idx %arg28[%broadcast_in_dim3A, %add3A_123], %mul3A_125 : memref<80x64xf32, #tpu.memory_space<vmem>>[vector<16xi32>, vector<16xi32>], vector<16xf32>,
      %add3A_126 = arith.constant 32 : i32
      %add3A_127 = vector.broadcast %add3A_126 : i32 to vector<16xi32>
      %add3A_128 = arith.addi %iota3A, %add3A_127 : vector<16xi32>
      %gather3A_129 = tpu.vector_load_idx %arg28[%broadcast_in_dim3A, %add3A_128] : memref<80x64xf32, #tpu.memory_space<vmem>>[vector<16xi32>, vector<16xi32>], vector<16xf32>,
      %mul3A_130 = arith.mulf %gather3A_129, %gather3A : vector<16xf32>
      tpu.vector_store_idx %arg28[%broadcast_in_dim3A, %add3A_128], %mul3A_130 : memref<80x64xf32, #tpu.memory_space<vmem>>[vector<16xi32>, vector<16xi32>], vector<16xf32>,
      %add3A_131 = arith.constant 48 : i32
      %add3A_132 = vector.broadcast %add3A_131 : i32 to vector<16xi32>
      %add3A_133 = arith.addi %iota3A, %add3A_132 : vector<16xi32>
      %gather3A_134 = tpu.vector_load_idx %arg28[%broadcast_in_dim3A, %add3A_133] : memref<80x64xf32, #tpu.memory_space<vmem>>[vector<16xi32>, vector<16xi32>], vector<16xf32>,
      %mul3A_135 = arith.mulf %gather3A_134, %gather3A : vector<16xf32>
      tpu.vector_store_idx %arg28[%broadcast_in_dim3A, %add3A_133], %mul3A_135 : memref<80x64xf32, #tpu.memory_space<vmem>>[vector<16xi32>, vector<16xi32>], vector<16xf32>,
    }
    %scan3A_90 = arith.constant 80 : i32
    %dma_start3A_91 = arith.constant 0 : i32
    %dma_start3A_92 = arith.constant 0 : i32
    %dma_start3A_93 = tpu.memref_slice %arg38[%dma_start3A_91, %dma_start3A_92] : memref<10000x64xf32, #tpu.memory_space<vmem_shared>> -> memref<10000x64xf32, #tpu.memory_space<vmem_shared>>
    tpu.enqueue_indirect_dma source(%arg28 : memref<80x64xf32, #tpu.memory_space<vmem>>) target(%dma_start3A_93 : memref<10000x64xf32, #tpu.memory_space<vmem_shared>>) offsets(%arg16 : memref<80xi32, #tpu.memory_space<vmem>>) semaphore(%arg34 : memref<!tpu.dma_semaphore, #tpu.memory_space<semaphore_mem>>) {add = true}
    %dma_wait3A_94 = arith.constant 0 : i32
    %dma_wait3A_95 = arith.constant 0 : i32
    %dma_wait3A_96 = tpu.memref_slice %arg37[%dma_wait3A_94, %dma_wait3A_95] : memref<10000x16xf32, #tpu.memory_space<vmem_shared>> -> memref<10000x16xf32, #tpu.memory_space<vmem_shared>>
    tpu.wait_indirect_dma semaphore(%arg33 : memref<!tpu.dma_semaphore, #tpu.memory_space<semaphore_mem>>) src(%arg24 : memref<80x16xf32, #tpu.memory_space<vmem>>) dst(%dma_wait3A_96 : memref<10000x16xf32, #tpu.memory_space<vmem_shared>>)
    %dma_wait3A_97 = arith.constant 0 : i32
    %dma_wait3A_98 = arith.constant 0 : i32
    %dma_wait3A_99 = tpu.memref_slice %arg38[%dma_wait3A_97, %dma_wait3A_98] : memref<10000x64xf32, #tpu.memory_space<vmem_shared>> -> memref<10000x64xf32, #tpu.memory_space<vmem_shared>>
    tpu.wait_indirect_dma semaphore(%arg33 : memref<!tpu.dma_semaphore, #tpu.memory_space<semaphore_mem>>) src(%arg27 : memref<80x64xf32, #tpu.memory_space<vmem>>) dst(%dma_wait3A_99 : memref<10000x64xf32, #tpu.memory_space<vmem_shared>>)
    %dma_wait3A_100 = arith.constant 0 : i32
    %dma_wait3A_101 = arith.constant 0 : i32
    %dma_wait3A_102 = tpu.memref_slice %arg37[%dma_wait3A_100, %dma_wait3A_101] : memref<10000x16xf32, #tpu.memory_space<vmem_shared>> -> memref<10000x16xf32, #tpu.memory_space<vmem_shared>>
    tpu.wait_indirect_dma semaphore(%arg34 : memref<!tpu.dma_semaphore, #tpu.memory_space<semaphore_mem>>) src(%arg25 : memref<80x16xf32, #tpu.memory_space<vmem>>) dst(%dma_wait3A_102 : memref<10000x16xf32, #tpu.memory_space<vmem_shared>>)
    %dma_wait3A_103 = arith.constant 0 : i32
    %dma_wait3A_104 = arith.constant 0 : i32
    %dma_wait3A_105 = tpu.memref_slice %arg38[%dma_wait3A_103, %dma_wait3A_104] : memref<10000x64xf32, #tpu.memory_space<vmem_shared>> -> memref<10000x64xf32, #tpu.memory_space<vmem_shared>>
    tpu.wait_indirect_dma semaphore(%arg34 : memref<!tpu.dma_semaphore, #tpu.memory_space<semaphore_mem>>) src(%arg28 : memref<80x64xf32, #tpu.memory_space<vmem>>) dst(%dma_wait3A_105 : memref<10000x64xf32, #tpu.memory_space<vmem_shared>>)
    %dma_wait3A_106 = arith.constant 0 : i32
    %dma_wait3A_107 = arith.constant 0 : i32
    %dma_wait3A_108 = tpu.memref_slice %arg37[%dma_wait3A_106, %dma_wait3A_107] : memref<10000x16xf32, #tpu.memory_space<vmem_shared>> -> memref<10000x16xf32, #tpu.memory_space<vmem_shared>>
    tpu.wait_indirect_dma semaphore(%arg35 : memref<!tpu.dma_semaphore, #tpu.memory_space<semaphore_mem>>) src(%arg26 : memref<80x16xf32, #tpu.memory_space<vmem>>) dst(%dma_wait3A_108 : memref<10000x16xf32, #tpu.memory_space<vmem_shared>>)
    %dma_wait3A_109 = arith.constant 0 : i32
    %dma_wait3A_110 = arith.constant 0 : i32
    %dma_wait3A_111 = tpu.memref_slice %arg38[%dma_wait3A_109, %dma_wait3A_110] : memref<10000x64xf32, #tpu.memory_space<vmem_shared>> -> memref<10000x64xf32, #tpu.memory_space<vmem_shared>>
    tpu.wait_indirect_dma semaphore(%arg35 : memref<!tpu.dma_semaphore, #tpu.memory_space<semaphore_mem>>) src(%arg29 : memref<80x64xf32, #tpu.memory_space<vmem>>) dst(%dma_wait3A_111 : memref<10000x64xf32, #tpu.memory_space<vmem_shared>>)
    %barrier3A_112 = arith.constant 0 : index
    tpu.barrier barrier_id(%barrier3A_112)
    "tpu.region"() ({
      %run_scoped3A_113 = tpu.sem_alloc : memref<!tpu.dma_semaphore, #tpu.memory_space<semaphore_mem>>
      %dma_start3A_114 = arith.constant 0 : i32
      %dma_start3A_115 = tpu.memref_slice %arg10[%arg0, %multiple_of3A, %dma_start3A_114] : memref<2x10000x16xf32, #tpu.memory_space<hbm>> -> memref<1x632x16xf32, #tpu.memory_space<hbm>>
      %dma_start3A_116 = tpu.memref_squeeze %dma_start3A_115 : memref<1x632x16xf32, #tpu.memory_space<hbm>> -> memref<632x16xf32, #tpu.memory_space<hbm>>
      %dma_start3A_117 = arith.constant 0 : i32
      %dma_start3A_118 = tpu.memref_slice %arg37[%multiple_of3A, %dma_start3A_117] : memref<10000x16xf32, #tpu.memory_space<vmem_shared>> -> memref<632x16xf32, #tpu.memory_space<vmem_shared>>
      tpu.enqueue_dma source(%dma_start3A_118 : memref<632x16xf32, #tpu.memory_space<vmem_shared>>) target(%dma_start3A_116 : memref<632x16xf32, #tpu.memory_space<hbm>>) target_semaphore(%run_scoped3A_113 : memref<!tpu.dma_semaphore, #tpu.memory_space<semaphore_mem>>)
      %dma_wait3A_119 = arith.constant 0 : i32
      %dma_wait3A_120 = tpu.memref_slice %arg10[%arg0, %multiple_of3A, %dma_wait3A_119] : memref<2x10000x16xf32, #tpu.memory_space<hbm>> -> memref<1x632x16xf32, #tpu.memory_space<hbm>>
      %dma_wait3A_121 = tpu.memref_squeeze %dma_wait3A_120 : memref<1x632x16xf32, #tpu.memory_space<hbm>> -> memref<632x16xf32, #tpu.memory_space<hbm>>
      %dma_wait3A_122 = arith.constant 0 : i32
      %dma_wait3A_123 = tpu.memref_slice %arg37[%multiple_of3A, %dma_wait3A_122] : memref<10000x16xf32, #tpu.memory_space<vmem_shared>> -> memref<632x16xf32, #tpu.memory_space<vmem_shared>>
      tpu.wait_dma2 semaphore(%run_scoped3A_113 : memref<!tpu.dma_semaphore, #tpu.memory_space<semaphore_mem>>) src(%dma_wait3A_123 : memref<632x16xf32, #tpu.memory_space<vmem_shared>>) dst(%dma_wait3A_121 : memref<632x16xf32, #tpu.memory_space<hbm>>)
      tpu.yield
    }) : () -> ()
    "tpu.region"() ({
      %run_scoped3A_113 = tpu.sem_alloc : memref<!tpu.dma_semaphore, #tpu.memory_space<semaphore_mem>>
      %dma_start3A_114 = arith.constant 0 : i32
      %dma_start3A_115 = tpu.memref_slice %arg11[%arg0, %multiple_of3A, %dma_start3A_114] : memref<2x10000x64xf32, #tpu.memory_space<hbm>> -> memref<1x632x64xf32, #tpu.memory_space<hbm>>
      %dma_start3A_116 = tpu.memref_squeeze %dma_start3A_115 : memref<1x632x64xf32, #tpu.memory_space<hbm>> -> memref<632x64xf32, #tpu.memory_space<hbm>>
      %dma_start3A_117 = arith.constant 0 : i32
      %dma_start3A_118 = tpu.memref_slice %arg38[%multiple_of3A, %dma_start3A_117] : memref<10000x64xf32, #tpu.memory_space<vmem_shared>> -> memref<632x64xf32, #tpu.memory_space<vmem_shared>>
      tpu.enqueue_dma source(%dma_start3A_118 : memref<632x64xf32, #tpu.memory_space<vmem_shared>>) target(%dma_start3A_116 : memref<632x64xf32, #tpu.memory_space<hbm>>) target_semaphore(%run_scoped3A_113 : memref<!tpu.dma_semaphore, #tpu.memory_space<semaphore_mem>>)
      %dma_wait3A_119 = arith.constant 0 : i32
      %dma_wait3A_120 = tpu.memref_slice %arg11[%arg0, %multiple_of3A, %dma_wait3A_119] : memref<2x10000x64xf32, #tpu.memory_space<hbm>> -> memref<1x632x64xf32, #tpu.memory_space<hbm>>
      %dma_wait3A_121 = tpu.memref_squeeze %dma_wait3A_120 : memref<1x632x64xf32, #tpu.memory_space<hbm>> -> memref<632x64xf32, #tpu.memory_space<hbm>>
      %dma_wait3A_122 = arith.constant 0 : i32
      %dma_wait3A_123 = tpu.memref_slice %arg38[%multiple_of3A, %dma_wait3A_122] : memref<10000x64xf32, #tpu.memory_space<vmem_shared>> -> memref<632x64xf32, #tpu.memory_space<vmem_shared>>
      tpu.wait_dma2 semaphore(%run_scoped3A_113 : memref<!tpu.dma_semaphore, #tpu.memory_space<semaphore_mem>>) src(%dma_wait3A_123 : memref<632x64xf32, #tpu.memory_space<vmem_shared>>) dst(%dma_wait3A_121 : memref<632x64xf32, #tpu.memory_space<hbm>>)
      tpu.yield
    }) : () -> ()
    return
  }
}

#map = affine_map<(d0, d1) -> (0)>
#map1 = affine_map<(d0, d1) -> (0, 0)>
#map2 = affine_map<(d0, d1) -> (0, 0, 0)>
module attributes {stable_mosaic.version = 14 : i64} {
  func.func @body(%arg0: i32, %arg1: i32, %arg2: memref<320000xi32, #tpu.memory_space<hbm>>, %arg3: memref<320000xi32, #tpu.memory_space<hbm>>, %arg4: memref<10000x16xf32, #tpu.memory_space<hbm>>, %arg5: memref<10000x16xf32, #tpu.memory_space<hbm>>, %arg6: memref<10000x128xf32, #tpu.memory_space<hbm>>, %arg7: memref<16x16xf32, #tpu.memory_space<hbm>>, %arg8: memref<10000x128xf32, #tpu.memory_space<hbm>>, %arg9: memref<10000x16xf32, #tpu.memory_space<hbm>>, %arg10: memref<2x10000x16xf32, #tpu.memory_space<hbm>>, %arg11: memref<2x10000x128xf32, #tpu.memory_space<hbm>>, %arg12: memref<40xi32, #tpu.memory_space<vmem>>, %arg13: memref<40xi32, #tpu.memory_space<vmem>>, %arg14: memref<40xi32, #tpu.memory_space<vmem>>, %arg15: memref<40xi32, #tpu.memory_space<vmem>>, %arg16: memref<40xi32, #tpu.memory_space<vmem>>, %arg17: memref<40xi32, #tpu.memory_space<vmem>>, %arg18: memref<40x16xf32, #tpu.memory_space<vmem>>, %arg19: memref<40x16xf32, #tpu.memory_space<vmem>>, %arg20: memref<40x16xf32, #tpu.memory_space<vmem>>, %arg21: memref<40x16xf32, #tpu.memory_space<vmem>>, %arg22: memref<40x16xf32, #tpu.memory_space<vmem>>, %arg23: memref<40x16xf32, #tpu.memory_space<vmem>>, %arg24: memref<40x16xf32, #tpu.memory_space<vmem>>, %arg25: memref<40x16xf32, #tpu.memory_space<vmem>>, %arg26: memref<40x16xf32, #tpu.memory_space<vmem>>, %arg27: memref<40x128xf32, #tpu.memory_space<vmem>>, %arg28: memref<40x128xf32, #tpu.memory_space<vmem>>, %arg29: memref<40x128xf32, #tpu.memory_space<vmem>>, %arg30: memref<!tpu.dma_semaphore, #tpu.memory_space<semaphore_mem>>, %arg31: memref<!tpu.dma_semaphore, #tpu.memory_space<semaphore_mem>>, %arg32: memref<!tpu.dma_semaphore, #tpu.memory_space<semaphore_mem>>, %arg33: memref<!tpu.dma_semaphore, #tpu.memory_space<semaphore_mem>>, %arg34: memref<!tpu.dma_semaphore, #tpu.memory_space<semaphore_mem>>, %arg35: memref<!tpu.dma_semaphore, #tpu.memory_space<semaphore_mem>>, %arg36: memref<16xf32, #tpu.memory_space<vmem>>, %arg37: memref<10000x16xf32, #tpu.memory_space<vmem_shared>>, %arg38: memref<10000x128xf32, #tpu.memory_space<vmem_shared>>) attributes {dimension_semantics = [#tpu.dimension_semantics<core_parallel>, #tpu.dimension_semantics<subcore_parallel>], iteration_bounds = array<i64: 2, 16>, scalar_prefetch = 0 : i64, scratch_operands = 27 : i64, tpu.core_type = #tpu.core_type<sc_vector_subcore>, window_params = [{transform_indices = #map}, {transform_indices = #map}, {transform_indices = #map1}, {transform_indices = #map1}, {transform_indices = #map1}, {transform_indices = #map1}, {transform_indices = #map1}, {transform_indices = #map1}, {transform_indices = #map2}, {transform_indices = #map2}]} {
    %mul3A = arith.constant 632 : i32
    %mul3A_0 = arith.muli %arg1, %mul3A : i32
    %min3A = arith.constant 9368 : i32
    %min3A_1 = arith.minsi %mul3A_0, %min3A : i32
    %multiple_of3A = tpu.assume_multiple %min3A_1, 8 : i32
    "tpu.region"() ({
      %run_scoped3A_68 = tpu.sem_alloc : memref<!tpu.dma_semaphore, #tpu.memory_space<semaphore_mem>>
      %dma_start3A_69 = arith.constant 0 : i32
      %dma_start3A_70 = tpu.memref_slice %arg38[%multiple_of3A, %dma_start3A_69] : memref<10000x128xf32, #tpu.memory_space<vmem_shared>> -> memref<632x128xf32, #tpu.memory_space<vmem_shared>>
      %dma_start3A_71 = arith.constant 0 : i32
      %dma_start3A_72 = tpu.memref_slice %arg8[%multiple_of3A, %dma_start3A_71] : memref<10000x128xf32, #tpu.memory_space<hbm>> -> memref<632x128xf32, #tpu.memory_space<hbm>>
      tpu.enqueue_dma source(%dma_start3A_72 : memref<632x128xf32, #tpu.memory_space<hbm>>) target(%dma_start3A_70 : memref<632x128xf32, #tpu.memory_space<vmem_shared>>) target_semaphore(%run_scoped3A_68 : memref<!tpu.dma_semaphore, #tpu.memory_space<semaphore_mem>>)
      %dma_wait3A_73 = arith.constant 0 : i32
      %dma_wait3A_74 = tpu.memref_slice %arg38[%multiple_of3A, %dma_wait3A_73] : memref<10000x128xf32, #tpu.memory_space<vmem_shared>> -> memref<632x128xf32, #tpu.memory_space<vmem_shared>>
      %dma_wait3A_75 = arith.constant 0 : i32
      %dma_wait3A_76 = tpu.memref_slice %arg8[%multiple_of3A, %dma_wait3A_75] : memref<10000x128xf32, #tpu.memory_space<hbm>> -> memref<632x128xf32, #tpu.memory_space<hbm>>
      tpu.wait_dma2 semaphore(%run_scoped3A_68 : memref<!tpu.dma_semaphore, #tpu.memory_space<semaphore_mem>>) src(%dma_wait3A_76 : memref<632x128xf32, #tpu.memory_space<hbm>>) dst(%dma_wait3A_74 : memref<632x128xf32, #tpu.memory_space<vmem_shared>>)
      tpu.yield
    }) : () -> ()
    "tpu.region"() ({
      %run_scoped3A_68 = tpu.sem_alloc : memref<!tpu.dma_semaphore, #tpu.memory_space<semaphore_mem>>
      %dma_start3A_69 = arith.constant 0 : i32
      %dma_start3A_70 = tpu.memref_slice %arg37[%multiple_of3A, %dma_start3A_69] : memref<10000x16xf32, #tpu.memory_space<vmem_shared>> -> memref<632x16xf32, #tpu.memory_space<vmem_shared>>
      %dma_start3A_71 = arith.constant 0 : i32
      %dma_start3A_72 = tpu.memref_slice %arg9[%multiple_of3A, %dma_start3A_71] : memref<10000x16xf32, #tpu.memory_space<hbm>> -> memref<632x16xf32, #tpu.memory_space<hbm>>
      tpu.enqueue_dma source(%dma_start3A_72 : memref<632x16xf32, #tpu.memory_space<hbm>>) target(%dma_start3A_70 : memref<632x16xf32, #tpu.memory_space<vmem_shared>>) target_semaphore(%run_scoped3A_68 : memref<!tpu.dma_semaphore, #tpu.memory_space<semaphore_mem>>)
      %dma_wait3A_73 = arith.constant 0 : i32
      %dma_wait3A_74 = tpu.memref_slice %arg37[%multiple_of3A, %dma_wait3A_73] : memref<10000x16xf32, #tpu.memory_space<vmem_shared>> -> memref<632x16xf32, #tpu.memory_space<vmem_shared>>
      %dma_wait3A_75 = arith.constant 0 : i32
      %dma_wait3A_76 = tpu.memref_slice %arg9[%multiple_of3A, %dma_wait3A_75] : memref<10000x16xf32, #tpu.memory_space<hbm>> -> memref<632x16xf32, #tpu.memory_space<hbm>>
      tpu.wait_dma2 semaphore(%run_scoped3A_68 : memref<!tpu.dma_semaphore, #tpu.memory_space<semaphore_mem>>) src(%dma_wait3A_76 : memref<632x16xf32, #tpu.memory_space<hbm>>) dst(%dma_wait3A_74 : memref<632x16xf32, #tpu.memory_space<vmem_shared>>)
      tpu.yield
    }) : () -> ()
    %run_scoped3A = arith.constant 0 : i32
    "tpu.region"() ({
      %run_scoped3A_68 = tpu.sem_alloc : memref<!tpu.dma_semaphore, #tpu.memory_space<semaphore_mem>>
      %dma_start3A_69 = arith.constant 0 : i32
      %dma_start3A_70 = tpu.memref_slice %arg7[%run_scoped3A, %dma_start3A_69] : memref<16x16xf32, #tpu.memory_space<hbm>> -> memref<1x16xf32, #tpu.memory_space<hbm>>
      %dma_start3A_71 = tpu.memref_squeeze %dma_start3A_70 : memref<1x16xf32, #tpu.memory_space<hbm>> -> memref<16xf32, #tpu.memory_space<hbm>>
      %dma_start3A_72 = arith.constant 0 : i32
      %dma_start3A_73 = tpu.memref_slice %arg7[%run_scoped3A, %dma_start3A_72] : memref<16x16xf32, #tpu.memory_space<hbm>> -> memref<1x16xf32, #tpu.memory_space<hbm>>
      %dma_start3A_74 = tpu.memref_squeeze %dma_start3A_73 : memref<1x16xf32, #tpu.memory_space<hbm>> -> memref<16xf32, #tpu.memory_space<hbm>>
      tpu.enqueue_dma source(%dma_start3A_74 : memref<16xf32, #tpu.memory_space<hbm>>) target(%arg36 : memref<16xf32, #tpu.memory_space<vmem>>) target_semaphore(%run_scoped3A_68 : memref<!tpu.dma_semaphore, #tpu.memory_space<semaphore_mem>>)
      %dma_wait3A_75 = arith.constant 0 : i32
      %dma_wait3A_76 = tpu.memref_slice %arg7[%run_scoped3A, %dma_wait3A_75] : memref<16x16xf32, #tpu.memory_space<hbm>> -> memref<1x16xf32, #tpu.memory_space<hbm>>
      %dma_wait3A_77 = tpu.memref_squeeze %dma_wait3A_76 : memref<1x16xf32, #tpu.memory_space<hbm>> -> memref<16xf32, #tpu.memory_space<hbm>>
      %dma_wait3A_78 = arith.constant 0 : i32
      %dma_wait3A_79 = tpu.memref_slice %arg7[%run_scoped3A, %dma_wait3A_78] : memref<16x16xf32, #tpu.memory_space<hbm>> -> memref<1x16xf32, #tpu.memory_space<hbm>>
      %dma_wait3A_80 = tpu.memref_squeeze %dma_wait3A_79 : memref<1x16xf32, #tpu.memory_space<hbm>> -> memref<16xf32, #tpu.memory_space<hbm>>
      tpu.wait_dma2 semaphore(%run_scoped3A_68 : memref<!tpu.dma_semaphore, #tpu.memory_space<semaphore_mem>>) src(%dma_wait3A_80 : memref<16xf32, #tpu.memory_space<hbm>>) dst(%arg36 : memref<16xf32, #tpu.memory_space<vmem>>)
      tpu.yield
    }) : () -> ()
    %barrier3A = arith.constant 0 : index
    tpu.barrier barrier_id(%barrier3A)
    %mul3A_2 = arith.constant 160000 : i32
    %mul3A_3 = arith.muli %arg0, %mul3A_2 : i32
    %mul3A_4 = arith.constant 10000 : i32
    %mul3A_5 = arith.muli %arg1, %mul3A_4 : i32
    %add3A = arith.addi %mul3A_3, %mul3A_5 : i32
    %get3A = arith.constant 0 : index
    %get3A_6 = tpu.vector_load %arg36[%get3A] {strides = array<i32>} : memref<16xf32, #tpu.memory_space<vmem>>, vector<16xf32>,
    %iota3A = tpu.iota {dimensions = array<i32: 0>} : vector<16xi32>
    %add3A_7 = arith.constant 0 : i32
    %add3A_8 = arith.addi %add3A, %add3A_7 : i32
    %multiple_of3A_9 = tpu.assume_multiple %add3A_8, 8 : i32
    "tpu.region"() ({
      %run_scoped3A_68 = tpu.sem_alloc : memref<!tpu.dma_semaphore, #tpu.memory_space<semaphore_mem>>
      %dma_start3A_69 = tpu.memref_slice %arg2[%multiple_of3A_9] : memref<320000xi32, #tpu.memory_space<hbm>> -> memref<40xi32, #tpu.memory_space<hbm>>
      %dma_start3A_70 = tpu.memref_slice %arg2[%multiple_of3A_9] : memref<320000xi32, #tpu.memory_space<hbm>> -> memref<40xi32, #tpu.memory_space<hbm>>
      tpu.enqueue_dma source(%dma_start3A_70 : memref<40xi32, #tpu.memory_space<hbm>>) target(%arg12 : memref<40xi32, #tpu.memory_space<vmem>>) target_semaphore(%run_scoped3A_68 : memref<!tpu.dma_semaphore, #tpu.memory_space<semaphore_mem>>)
      %dma_wait3A_71 = tpu.memref_slice %arg2[%multiple_of3A_9] : memref<320000xi32, #tpu.memory_space<hbm>> -> memref<40xi32, #tpu.memory_space<hbm>>
      %dma_wait3A_72 = tpu.memref_slice %arg2[%multiple_of3A_9] : memref<320000xi32, #tpu.memory_space<hbm>> -> memref<40xi32, #tpu.memory_space<hbm>>
      tpu.wait_dma2 semaphore(%run_scoped3A_68 : memref<!tpu.dma_semaphore, #tpu.memory_space<semaphore_mem>>) src(%dma_wait3A_72 : memref<40xi32, #tpu.memory_space<hbm>>) dst(%arg12 : memref<40xi32, #tpu.memory_space<vmem>>)
      tpu.yield
    }) : () -> ()
    "tpu.region"() ({
      %run_scoped3A_68 = tpu.sem_alloc : memref<!tpu.dma_semaphore, #tpu.memory_space<semaphore_mem>>
      %dma_start3A_69 = tpu.memref_slice %arg3[%multiple_of3A_9] : memref<320000xi32, #tpu.memory_space<hbm>> -> memref<40xi32, #tpu.memory_space<hbm>>
      %dma_start3A_70 = tpu.memref_slice %arg3[%multiple_of3A_9] : memref<320000xi32, #tpu.memory_space<hbm>> -> memref<40xi32, #tpu.memory_space<hbm>>
      tpu.enqueue_dma source(%dma_start3A_70 : memref<40xi32, #tpu.memory_space<hbm>>) target(%arg15 : memref<40xi32, #tpu.memory_space<vmem>>) target_semaphore(%run_scoped3A_68 : memref<!tpu.dma_semaphore, #tpu.memory_space<semaphore_mem>>)
      %dma_wait3A_71 = tpu.memref_slice %arg3[%multiple_of3A_9] : memref<320000xi32, #tpu.memory_space<hbm>> -> memref<40xi32, #tpu.memory_space<hbm>>
      %dma_wait3A_72 = tpu.memref_slice %arg3[%multiple_of3A_9] : memref<320000xi32, #tpu.memory_space<hbm>> -> memref<40xi32, #tpu.memory_space<hbm>>
      tpu.wait_dma2 semaphore(%run_scoped3A_68 : memref<!tpu.dma_semaphore, #tpu.memory_space<semaphore_mem>>) src(%dma_wait3A_72 : memref<40xi32, #tpu.memory_space<hbm>>) dst(%arg15 : memref<40xi32, #tpu.memory_space<vmem>>)
      tpu.yield
    }) : () -> ()
    %dma_start3A = arith.constant 0 : i32
    %dma_start3A_10 = arith.constant 0 : i32
    %dma_start3A_11 = tpu.memref_slice %arg4[%dma_start3A, %dma_start3A_10] : memref<10000x16xf32, #tpu.memory_space<hbm>> -> memref<10000x16xf32, #tpu.memory_space<hbm>>
    tpu.enqueue_indirect_dma source(%dma_start3A_11 : memref<10000x16xf32, #tpu.memory_space<hbm>>) target(%arg18 : memref<40x16xf32, #tpu.memory_space<vmem>>) offsets(%arg12 : memref<40xi32, #tpu.memory_space<vmem>>) semaphore(%arg30 : memref<!tpu.dma_semaphore, #tpu.memory_space<semaphore_mem>>)
    %dma_start3A_12 = arith.constant 0 : i32
    %dma_start3A_13 = arith.constant 0 : i32
    %dma_start3A_14 = tpu.memref_slice %arg5[%dma_start3A_12, %dma_start3A_13] : memref<10000x16xf32, #tpu.memory_space<hbm>> -> memref<10000x16xf32, #tpu.memory_space<hbm>>
    tpu.enqueue_indirect_dma source(%dma_start3A_14 : memref<10000x16xf32, #tpu.memory_space<hbm>>) target(%arg21 : memref<40x16xf32, #tpu.memory_space<vmem>>) offsets(%arg15 : memref<40xi32, #tpu.memory_space<vmem>>) semaphore(%arg30 : memref<!tpu.dma_semaphore, #tpu.memory_space<semaphore_mem>>)
    %dma_start3A_15 = arith.constant 0 : i32
    %dma_start3A_16 = arith.constant 0 : i32
    %dma_start3A_17 = tpu.memref_slice %arg6[%dma_start3A_15, %dma_start3A_16] : memref<10000x128xf32, #tpu.memory_space<hbm>> -> memref<10000x128xf32, #tpu.memory_space<hbm>>
    tpu.enqueue_indirect_dma source(%dma_start3A_17 : memref<10000x128xf32, #tpu.memory_space<hbm>>) target(%arg27 : memref<40x128xf32, #tpu.memory_space<vmem>>) offsets(%arg12 : memref<40xi32, #tpu.memory_space<vmem>>) semaphore(%arg30 : memref<!tpu.dma_semaphore, #tpu.memory_space<semaphore_mem>>)
    %scan3A = arith.constant 0 : i32
    %scan3A_18 = arith.constant 0 : i32
    %scan3A_19 = arith.constant 83 : i32
    %scan3A_20 = arith.addi %scan3A_18, %scan3A_19 : i32
    %scan3A_21 = arith.constant 1 : i32
    scf.for %scan3A_68 = %scan3A_18 to %scan3A_20 step %scan3A_21  : i32 {
      %mul3A_69 = arith.constant 3 : i32
      %mul3A_70 = arith.muli %mul3A_69, %scan3A_68 : i32
      %add3A_71 = arith.constant 0 : i32
      %add3A_72 = arith.addi %mul3A_70, %add3A_71 : i32
      %add3A_73 = arith.constant 1 : i32
      %add3A_74 = arith.addi %add3A_72, %add3A_73 : i32
      %ge3A = arith.constant 3 : i32
      %ge3A_75 = arith.cmpi sge, %add3A_74, %ge3A : i32
      %convert_element_type3A = arith.extui %ge3A_75 : i1 to i32
      %cond3A = arith.constant 0 : i32
      %cond3A_76 = arith.cmpi ne, %convert_element_type3A, %cond3A : i32
      scf.if %cond3A_76 {
        %dma_wait3A_225 = arith.constant 0 : i32
        %dma_wait3A_226 = arith.constant 0 : i32
        %dma_wait3A_227 = tpu.memref_slice %arg37[%dma_wait3A_225, %dma_wait3A_226] : memref<10000x16xf32, #tpu.memory_space<vmem_shared>> -> memref<10000x16xf32, #tpu.memory_space<vmem_shared>>
        tpu.wait_indirect_dma semaphore(%arg34 : memref<!tpu.dma_semaphore, #tpu.memory_space<semaphore_mem>>) src(%arg25 : memref<40x16xf32, #tpu.memory_space<vmem>>) dst(%dma_wait3A_227 : memref<10000x16xf32, #tpu.memory_space<vmem_shared>>)
        %dma_wait3A_228 = arith.constant 0 : i32
        %dma_wait3A_229 = arith.constant 0 : i32
        %dma_wait3A_230 = tpu.memref_slice %arg38[%dma_wait3A_228, %dma_wait3A_229] : memref<10000x128xf32, #tpu.memory_space<vmem_shared>> -> memref<10000x128xf32, #tpu.memory_space<vmem_shared>>
        tpu.wait_indirect_dma semaphore(%arg34 : memref<!tpu.dma_semaphore, #tpu.memory_space<semaphore_mem>>) src(%arg28 : memref<40x128xf32, #tpu.memory_space<vmem>>) dst(%dma_wait3A_230 : memref<10000x128xf32, #tpu.memory_space<vmem_shared>>)
      } else {
      }
      %add3A_77 = arith.constant 1 : i32
      %add3A_78 = arith.addi %add3A_72, %add3A_77 : i32
      %mul3A_79 = arith.constant 40 : i32
      %mul3A_80 = arith.muli %add3A_78, %mul3A_79 : i32
      %add3A_81 = arith.addi %add3A, %mul3A_80 : i32
      %multiple_of3A_82 = tpu.assume_multiple %add3A_81, 8 : i32
      "tpu.region"() ({
        %run_scoped3A_225 = tpu.sem_alloc : memref<!tpu.dma_semaphore, #tpu.memory_space<semaphore_mem>>
        %dma_start3A_226 = tpu.memref_slice %arg2[%multiple_of3A_82] : memref<320000xi32, #tpu.memory_space<hbm>> -> memref<40xi32, #tpu.memory_space<hbm>>
        %dma_start3A_227 = tpu.memref_slice %arg2[%multiple_of3A_82] : memref<320000xi32, #tpu.memory_space<hbm>> -> memref<40xi32, #tpu.memory_space<hbm>>
        tpu.enqueue_dma source(%dma_start3A_227 : memref<40xi32, #tpu.memory_space<hbm>>) target(%arg13 : memref<40xi32, #tpu.memory_space<vmem>>) target_semaphore(%run_scoped3A_225 : memref<!tpu.dma_semaphore, #tpu.memory_space<semaphore_mem>>)
        %dma_wait3A_228 = tpu.memref_slice %arg2[%multiple_of3A_82] : memref<320000xi32, #tpu.memory_space<hbm>> -> memref<40xi32, #tpu.memory_space<hbm>>
        %dma_wait3A_229 = tpu.memref_slice %arg2[%multiple_of3A_82] : memref<320000xi32, #tpu.memory_space<hbm>> -> memref<40xi32, #tpu.memory_space<hbm>>
        tpu.wait_dma2 semaphore(%run_scoped3A_225 : memref<!tpu.dma_semaphore, #tpu.memory_space<semaphore_mem>>) src(%dma_wait3A_229 : memref<40xi32, #tpu.memory_space<hbm>>) dst(%arg13 : memref<40xi32, #tpu.memory_space<vmem>>)
        tpu.yield
      }) : () -> ()
      "tpu.region"() ({
        %run_scoped3A_225 = tpu.sem_alloc : memref<!tpu.dma_semaphore, #tpu.memory_space<semaphore_mem>>
        %dma_start3A_226 = tpu.memref_slice %arg3[%multiple_of3A_82] : memref<320000xi32, #tpu.memory_space<hbm>> -> memref<40xi32, #tpu.memory_space<hbm>>
        %dma_start3A_227 = tpu.memref_slice %arg3[%multiple_of3A_82] : memref<320000xi32, #tpu.memory_space<hbm>> -> memref<40xi32, #tpu.memory_space<hbm>>
        tpu.enqueue_dma source(%dma_start3A_227 : memref<40xi32, #tpu.memory_space<hbm>>) target(%arg16 : memref<40xi32, #tpu.memory_space<vmem>>) target_semaphore(%run_scoped3A_225 : memref<!tpu.dma_semaphore, #tpu.memory_space<semaphore_mem>>)
        %dma_wait3A_228 = tpu.memref_slice %arg3[%multiple_of3A_82] : memref<320000xi32, #tpu.memory_space<hbm>> -> memref<40xi32, #tpu.memory_space<hbm>>
        %dma_wait3A_229 = tpu.memref_slice %arg3[%multiple_of3A_82] : memref<320000xi32, #tpu.memory_space<hbm>> -> memref<40xi32, #tpu.memory_space<hbm>>
        tpu.wait_dma2 semaphore(%run_scoped3A_225 : memref<!tpu.dma_semaphore, #tpu.memory_space<semaphore_mem>>) src(%dma_wait3A_229 : memref<40xi32, #tpu.memory_space<hbm>>) dst(%arg16 : memref<40xi32, #tpu.memory_space<vmem>>)
        tpu.yield
      }) : () -> ()
      %dma_start3A_83 = arith.constant 0 : i32
      %dma_start3A_84 = arith.constant 0 : i32
      %dma_start3A_85 = tpu.memref_slice %arg4[%dma_start3A_83, %dma_start3A_84] : memref<10000x16xf32, #tpu.memory_space<hbm>> -> memref<10000x16xf32, #tpu.memory_space<hbm>>
      tpu.enqueue_indirect_dma source(%dma_start3A_85 : memref<10000x16xf32, #tpu.memory_space<hbm>>) target(%arg19 : memref<40x16xf32, #tpu.memory_space<vmem>>) offsets(%arg13 : memref<40xi32, #tpu.memory_space<vmem>>) semaphore(%arg31 : memref<!tpu.dma_semaphore, #tpu.memory_space<semaphore_mem>>)
      %dma_start3A_86 = arith.constant 0 : i32
      %dma_start3A_87 = arith.constant 0 : i32
      %dma_start3A_88 = tpu.memref_slice %arg5[%dma_start3A_86, %dma_start3A_87] : memref<10000x16xf32, #tpu.memory_space<hbm>> -> memref<10000x16xf32, #tpu.memory_space<hbm>>
      tpu.enqueue_indirect_dma source(%dma_start3A_88 : memref<10000x16xf32, #tpu.memory_space<hbm>>) target(%arg22 : memref<40x16xf32, #tpu.memory_space<vmem>>) offsets(%arg16 : memref<40xi32, #tpu.memory_space<vmem>>) semaphore(%arg31 : memref<!tpu.dma_semaphore, #tpu.memory_space<semaphore_mem>>)
      %dma_start3A_89 = arith.constant 0 : i32
      %dma_start3A_90 = arith.constant 0 : i32
      %dma_start3A_91 = tpu.memref_slice %arg6[%dma_start3A_89, %dma_start3A_90] : memref<10000x128xf32, #tpu.memory_space<hbm>> -> memref<10000x128xf32, #tpu.memory_space<hbm>>
      tpu.enqueue_indirect_dma source(%dma_start3A_91 : memref<10000x128xf32, #tpu.memory_space<hbm>>) target(%arg28 : memref<40x128xf32, #tpu.memory_space<vmem>>) offsets(%arg13 : memref<40xi32, #tpu.memory_space<vmem>>) semaphore(%arg31 : memref<!tpu.dma_semaphore, #tpu.memory_space<semaphore_mem>>)
      %dma_wait3A_92 = arith.constant 0 : i32
      %dma_wait3A_93 = arith.constant 0 : i32
      %dma_wait3A_94 = tpu.memref_slice %arg4[%dma_wait3A_92, %dma_wait3A_93] : memref<10000x16xf32, #tpu.memory_space<hbm>> -> memref<10000x16xf32, #tpu.memory_space<hbm>>
      tpu.wait_indirect_dma semaphore(%arg30 : memref<!tpu.dma_semaphore, #tpu.memory_space<semaphore_mem>>) src(%dma_wait3A_94 : memref<10000x16xf32, #tpu.memory_space<hbm>>) dst(%arg18 : memref<40x16xf32, #tpu.memory_space<vmem>>)
      %dma_wait3A_95 = arith.constant 0 : i32
      %dma_wait3A_96 = arith.constant 0 : i32
      %dma_wait3A_97 = tpu.memref_slice %arg5[%dma_wait3A_95, %dma_wait3A_96] : memref<10000x16xf32, #tpu.memory_space<hbm>> -> memref<10000x16xf32, #tpu.memory_space<hbm>>
      tpu.wait_indirect_dma semaphore(%arg30 : memref<!tpu.dma_semaphore, #tpu.memory_space<semaphore_mem>>) src(%dma_wait3A_97 : memref<10000x16xf32, #tpu.memory_space<hbm>>) dst(%arg21 : memref<40x16xf32, #tpu.memory_space<vmem>>)
      %dma_wait3A_98 = arith.constant 0 : i32
      %dma_wait3A_99 = arith.constant 0 : i32
      %dma_wait3A_100 = tpu.memref_slice %arg6[%dma_wait3A_98, %dma_wait3A_99] : memref<10000x128xf32, #tpu.memory_space<hbm>> -> memref<10000x128xf32, #tpu.memory_space<hbm>>
      tpu.wait_indirect_dma semaphore(%arg30 : memref<!tpu.dma_semaphore, #tpu.memory_space<semaphore_mem>>) src(%dma_wait3A_100 : memref<10000x128xf32, #tpu.memory_space<hbm>>) dst(%arg27 : memref<40x128xf32, #tpu.memory_space<vmem>>)
      %scan3A_101 = arith.constant 0 : i32
      %scan3A_102 = arith.constant 0 : i32
      %scan3A_103 = arith.constant 40 : i32
      %scan3A_104 = arith.addi %scan3A_102, %scan3A_103 : i32
      %scan3A_105 = arith.constant 1 : i32
      scf.for %scan3A_225 = %scan3A_102 to %scan3A_104 step %scan3A_105  : i32 {
        %broadcast_in_dim3A = vector.broadcast %scan3A_225 : i32 to vector<16xi32>
        %gather3A = tpu.vector_load_idx %arg18[%broadcast_in_dim3A, %iota3A] : memref<40x16xf32, #tpu.memory_space<vmem>>[vector<16xi32>, vector<16xi32>], vector<16xf32>,
        %gather3A_226 = tpu.vector_load_idx %arg21[%broadcast_in_dim3A, %iota3A] : memref<40x16xf32, #tpu.memory_space<vmem>>[vector<16xi32>, vector<16xi32>], vector<16xf32>,
        %add3A_227 = arith.addf %gather3A, %gather3A_226 : vector<16xf32>
        %mul3A_228 = arith.constant 2.000000e-01 : f32
        %mul3A_229 = vector.broadcast %mul3A_228 : f32 to vector<16xf32>
        %mul3A_230 = arith.mulf %mul3A_229, %add3A_227 : vector<16xf32>
        %max3A = arith.maximumf %add3A_227, %mul3A_230 : vector<16xf32>
        %sub3A = arith.subf %max3A, %get3A_6 : vector<16xf32>
        %exp3A = math.exp %sub3A : vector<16xf32>
        tpu.vector_store_idx %arg24[%broadcast_in_dim3A, %iota3A], %exp3A : memref<40x16xf32, #tpu.memory_space<vmem>>[vector<16xi32>, vector<16xi32>], vector<16xf32>,
      }
      %scan3A_106 = arith.constant 40 : i32
      %dma_start3A_107 = arith.constant 0 : i32
      %dma_start3A_108 = arith.constant 0 : i32
      %dma_start3A_109 = tpu.memref_slice %arg37[%dma_start3A_107, %dma_start3A_108] : memref<10000x16xf32, #tpu.memory_space<vmem_shared>> -> memref<10000x16xf32, #tpu.memory_space<vmem_shared>>
      tpu.enqueue_indirect_dma source(%arg24 : memref<40x16xf32, #tpu.memory_space<vmem>>) target(%dma_start3A_109 : memref<10000x16xf32, #tpu.memory_space<vmem_shared>>) offsets(%arg15 : memref<40xi32, #tpu.memory_space<vmem>>) semaphore(%arg33 : memref<!tpu.dma_semaphore, #tpu.memory_space<semaphore_mem>>) {add = true}
      %scan3A_110 = arith.constant 0 : i32
      %scan3A_111 = arith.constant 0 : i32
      %scan3A_112 = arith.constant 40 : i32
      %scan3A_113 = arith.addi %scan3A_111, %scan3A_112 : i32
      %scan3A_114 = arith.constant 1 : i32
      scf.for %scan3A_225 = %scan3A_111 to %scan3A_113 step %scan3A_114  : i32 {
        %broadcast_in_dim3A = vector.broadcast %scan3A_225 : i32 to vector<16xi32>
        %broadcast_in_dim3A_226 = arith.constant 0 : i32
        %broadcast_in_dim3A_227 = vector.broadcast %broadcast_in_dim3A_226 : i32 to vector<16xi32>
        %gather3A = tpu.vector_load_idx %arg24[%broadcast_in_dim3A, %broadcast_in_dim3A_227] : memref<40x16xf32, #tpu.memory_space<vmem>>[vector<16xi32>, vector<16xi32>], vector<16xf32>,
        %broadcast_in_dim3A_228 = arith.constant 1 : i32
        %broadcast_in_dim3A_229 = vector.broadcast %broadcast_in_dim3A_228 : i32 to vector<16xi32>
        %gather3A_230 = tpu.vector_load_idx %arg24[%broadcast_in_dim3A, %broadcast_in_dim3A_229] : memref<40x16xf32, #tpu.memory_space<vmem>>[vector<16xi32>, vector<16xi32>], vector<16xf32>,
        %broadcast_in_dim3A_231 = arith.constant 2 : i32
        %broadcast_in_dim3A_232 = vector.broadcast %broadcast_in_dim3A_231 : i32 to vector<16xi32>
        %gather3A_233 = tpu.vector_load_idx %arg24[%broadcast_in_dim3A, %broadcast_in_dim3A_232] : memref<40x16xf32, #tpu.memory_space<vmem>>[vector<16xi32>, vector<16xi32>], vector<16xf32>,
        %broadcast_in_dim3A_234 = arith.constant 3 : i32
        %broadcast_in_dim3A_235 = vector.broadcast %broadcast_in_dim3A_234 : i32 to vector<16xi32>
        %gather3A_236 = tpu.vector_load_idx %arg24[%broadcast_in_dim3A, %broadcast_in_dim3A_235] : memref<40x16xf32, #tpu.memory_space<vmem>>[vector<16xi32>, vector<16xi32>], vector<16xf32>,
        %add3A_237 = arith.constant 0 : i32
        %add3A_238 = vector.broadcast %add3A_237 : i32 to vector<16xi32>
        %add3A_239 = arith.addi %iota3A, %add3A_238 : vector<16xi32>
        %gather3A_240 = tpu.vector_load_idx %arg27[%broadcast_in_dim3A, %add3A_239] : memref<40x128xf32, #tpu.memory_space<vmem>>[vector<16xi32>, vector<16xi32>], vector<16xf32>,
        %mul3A_241 = arith.mulf %gather3A_240, %gather3A : vector<16xf32>
        tpu.vector_store_idx %arg27[%broadcast_in_dim3A, %add3A_239], %mul3A_241 : memref<40x128xf32, #tpu.memory_space<vmem>>[vector<16xi32>, vector<16xi32>], vector<16xf32>,
        %add3A_242 = arith.constant 16 : i32
        %add3A_243 = vector.broadcast %add3A_242 : i32 to vector<16xi32>
        %add3A_244 = arith.addi %iota3A, %add3A_243 : vector<16xi32>
        %gather3A_245 = tpu.vector_load_idx %arg27[%broadcast_in_dim3A, %add3A_244] : memref<40x128xf32, #tpu.memory_space<vmem>>[vector<16xi32>, vector<16xi32>], vector<16xf32>,
        %mul3A_246 = arith.mulf %gather3A_245, %gather3A : vector<16xf32>
        tpu.vector_store_idx %arg27[%broadcast_in_dim3A, %add3A_244], %mul3A_246 : memref<40x128xf32, #tpu.memory_space<vmem>>[vector<16xi32>, vector<16xi32>], vector<16xf32>,
        %add3A_247 = arith.constant 32 : i32
        %add3A_248 = vector.broadcast %add3A_247 : i32 to vector<16xi32>
        %add3A_249 = arith.addi %iota3A, %add3A_248 : vector<16xi32>
        %gather3A_250 = tpu.vector_load_idx %arg27[%broadcast_in_dim3A, %add3A_249] : memref<40x128xf32, #tpu.memory_space<vmem>>[vector<16xi32>, vector<16xi32>], vector<16xf32>,
        %mul3A_251 = arith.mulf %gather3A_250, %gather3A_230 : vector<16xf32>
        tpu.vector_store_idx %arg27[%broadcast_in_dim3A, %add3A_249], %mul3A_251 : memref<40x128xf32, #tpu.memory_space<vmem>>[vector<16xi32>, vector<16xi32>], vector<16xf32>,
        %add3A_252 = arith.constant 48 : i32
        %add3A_253 = vector.broadcast %add3A_252 : i32 to vector<16xi32>
        %add3A_254 = arith.addi %iota3A, %add3A_253 : vector<16xi32>
        %gather3A_255 = tpu.vector_load_idx %arg27[%broadcast_in_dim3A, %add3A_254] : memref<40x128xf32, #tpu.memory_space<vmem>>[vector<16xi32>, vector<16xi32>], vector<16xf32>,
        %mul3A_256 = arith.mulf %gather3A_255, %gather3A_230 : vector<16xf32>
        tpu.vector_store_idx %arg27[%broadcast_in_dim3A, %add3A_254], %mul3A_256 : memref<40x128xf32, #tpu.memory_space<vmem>>[vector<16xi32>, vector<16xi32>], vector<16xf32>,
        %add3A_257 = arith.constant 64 : i32
        %add3A_258 = vector.broadcast %add3A_257 : i32 to vector<16xi32>
        %add3A_259 = arith.addi %iota3A, %add3A_258 : vector<16xi32>
        %gather3A_260 = tpu.vector_load_idx %arg27[%broadcast_in_dim3A, %add3A_259] : memref<40x128xf32, #tpu.memory_space<vmem>>[vector<16xi32>, vector<16xi32>], vector<16xf32>,
        %mul3A_261 = arith.mulf %gather3A_260, %gather3A_233 : vector<16xf32>
        tpu.vector_store_idx %arg27[%broadcast_in_dim3A, %add3A_259], %mul3A_261 : memref<40x128xf32, #tpu.memory_space<vmem>>[vector<16xi32>, vector<16xi32>], vector<16xf32>,
        %add3A_262 = arith.constant 80 : i32
        %add3A_263 = vector.broadcast %add3A_262 : i32 to vector<16xi32>
        %add3A_264 = arith.addi %iota3A, %add3A_263 : vector<16xi32>
        %gather3A_265 = tpu.vector_load_idx %arg27[%broadcast_in_dim3A, %add3A_264] : memref<40x128xf32, #tpu.memory_space<vmem>>[vector<16xi32>, vector<16xi32>], vector<16xf32>,
        %mul3A_266 = arith.mulf %gather3A_265, %gather3A_233 : vector<16xf32>
        tpu.vector_store_idx %arg27[%broadcast_in_dim3A, %add3A_264], %mul3A_266 : memref<40x128xf32, #tpu.memory_space<vmem>>[vector<16xi32>, vector<16xi32>], vector<16xf32>,
        %add3A_267 = arith.constant 96 : i32
        %add3A_268 = vector.broadcast %add3A_267 : i32 to vector<16xi32>
        %add3A_269 = arith.addi %iota3A, %add3A_268 : vector<16xi32>
        %gather3A_270 = tpu.vector_load_idx %arg27[%broadcast_in_dim3A, %add3A_269] : memref<40x128xf32, #tpu.memory_space<vmem>>[vector<16xi32>, vector<16xi32>], vector<16xf32>,
        %mul3A_271 = arith.mulf %gather3A_270, %gather3A_236 : vector<16xf32>
        tpu.vector_store_idx %arg27[%broadcast_in_dim3A, %add3A_269], %mul3A_271 : memref<40x128xf32, #tpu.memory_space<vmem>>[vector<16xi32>, vector<16xi32>], vector<16xf32>,
        %add3A_272 = arith.constant 112 : i32
        %add3A_273 = vector.broadcast %add3A_272 : i32 to vector<16xi32>
        %add3A_274 = arith.addi %iota3A, %add3A_273 : vector<16xi32>
        %gather3A_275 = tpu.vector_load_idx %arg27[%broadcast_in_dim3A, %add3A_274] : memref<40x128xf32, #tpu.memory_space<vmem>>[vector<16xi32>, vector<16xi32>], vector<16xf32>,
        %mul3A_276 = arith.mulf %gather3A_275, %gather3A_236 : vector<16xf32>
        tpu.vector_store_idx %arg27[%broadcast_in_dim3A, %add3A_274], %mul3A_276 : memref<40x128xf32, #tpu.memory_space<vmem>>[vector<16xi32>, vector<16xi32>], vector<16xf32>,
      }
      %scan3A_115 = arith.constant 40 : i32
      %dma_start3A_116 = arith.constant 0 : i32
      %dma_start3A_117 = arith.constant 0 : i32
      %dma_start3A_118 = tpu.memref_slice %arg38[%dma_start3A_116, %dma_start3A_117] : memref<10000x128xf32, #tpu.memory_space<vmem_shared>> -> memref<10000x128xf32, #tpu.memory_space<vmem_shared>>
      tpu.enqueue_indirect_dma source(%arg27 : memref<40x128xf32, #tpu.memory_space<vmem>>) target(%dma_start3A_118 : memref<10000x128xf32, #tpu.memory_space<vmem_shared>>) offsets(%arg15 : memref<40xi32, #tpu.memory_space<vmem>>) semaphore(%arg33 : memref<!tpu.dma_semaphore, #tpu.memory_space<semaphore_mem>>) {add = true}
      %mul3A_119 = arith.constant 3 : i32
      %mul3A_120 = arith.muli %mul3A_119, %scan3A_68 : i32
      %add3A_121 = arith.constant 1 : i32
      %add3A_122 = arith.addi %mul3A_120, %add3A_121 : i32
      %add3A_123 = arith.constant 1 : i32
      %add3A_124 = arith.addi %add3A_122, %add3A_123 : i32
      %ge3A_125 = arith.constant 3 : i32
      %ge3A_126 = arith.cmpi sge, %add3A_124, %ge3A_125 : i32
      %convert_element_type3A_127 = arith.extui %ge3A_126 : i1 to i32
      %cond3A_128 = arith.constant 0 : i32
      %cond3A_129 = arith.cmpi ne, %convert_element_type3A_127, %cond3A_128 : i32
      scf.if %cond3A_129 {
        %dma_wait3A_225 = arith.constant 0 : i32
        %dma_wait3A_226 = arith.constant 0 : i32
        %dma_wait3A_227 = tpu.memref_slice %arg37[%dma_wait3A_225, %dma_wait3A_226] : memref<10000x16xf32, #tpu.memory_space<vmem_shared>> -> memref<10000x16xf32, #tpu.memory_space<vmem_shared>>
        tpu.wait_indirect_dma semaphore(%arg35 : memref<!tpu.dma_semaphore, #tpu.memory_space<semaphore_mem>>) src(%arg26 : memref<40x16xf32, #tpu.memory_space<vmem>>) dst(%dma_wait3A_227 : memref<10000x16xf32, #tpu.memory_space<vmem_shared>>)
        %dma_wait3A_228 = arith.constant 0 : i32
        %dma_wait3A_229 = arith.constant 0 : i32
        %dma_wait3A_230 = tpu.memref_slice %arg38[%dma_wait3A_228, %dma_wait3A_229] : memref<10000x128xf32, #tpu.memory_space<vmem_shared>> -> memref<10000x128xf32, #tpu.memory_space<vmem_shared>>
        tpu.wait_indirect_dma semaphore(%arg35 : memref<!tpu.dma_semaphore, #tpu.memory_space<semaphore_mem>>) src(%arg29 : memref<40x128xf32, #tpu.memory_space<vmem>>) dst(%dma_wait3A_230 : memref<10000x128xf32, #tpu.memory_space<vmem_shared>>)
      } else {
      }
      %add3A_130 = arith.constant 1 : i32
      %add3A_131 = arith.addi %add3A_122, %add3A_130 : i32
      %mul3A_132 = arith.constant 40 : i32
      %mul3A_133 = arith.muli %add3A_131, %mul3A_132 : i32
      %add3A_134 = arith.addi %add3A, %mul3A_133 : i32
      %multiple_of3A_135 = tpu.assume_multiple %add3A_134, 8 : i32
      "tpu.region"() ({
        %run_scoped3A_225 = tpu.sem_alloc : memref<!tpu.dma_semaphore, #tpu.memory_space<semaphore_mem>>
        %dma_start3A_226 = tpu.memref_slice %arg2[%multiple_of3A_135] : memref<320000xi32, #tpu.memory_space<hbm>> -> memref<40xi32, #tpu.memory_space<hbm>>
        %dma_start3A_227 = tpu.memref_slice %arg2[%multiple_of3A_135] : memref<320000xi32, #tpu.memory_space<hbm>> -> memref<40xi32, #tpu.memory_space<hbm>>
        tpu.enqueue_dma source(%dma_start3A_227 : memref<40xi32, #tpu.memory_space<hbm>>) target(%arg14 : memref<40xi32, #tpu.memory_space<vmem>>) target_semaphore(%run_scoped3A_225 : memref<!tpu.dma_semaphore, #tpu.memory_space<semaphore_mem>>)
        %dma_wait3A_228 = tpu.memref_slice %arg2[%multiple_of3A_135] : memref<320000xi32, #tpu.memory_space<hbm>> -> memref<40xi32, #tpu.memory_space<hbm>>
        %dma_wait3A_229 = tpu.memref_slice %arg2[%multiple_of3A_135] : memref<320000xi32, #tpu.memory_space<hbm>> -> memref<40xi32, #tpu.memory_space<hbm>>
        tpu.wait_dma2 semaphore(%run_scoped3A_225 : memref<!tpu.dma_semaphore, #tpu.memory_space<semaphore_mem>>) src(%dma_wait3A_229 : memref<40xi32, #tpu.memory_space<hbm>>) dst(%arg14 : memref<40xi32, #tpu.memory_space<vmem>>)
        tpu.yield
      }) : () -> ()
      "tpu.region"() ({
        %run_scoped3A_225 = tpu.sem_alloc : memref<!tpu.dma_semaphore, #tpu.memory_space<semaphore_mem>>
        %dma_start3A_226 = tpu.memref_slice %arg3[%multiple_of3A_135] : memref<320000xi32, #tpu.memory_space<hbm>> -> memref<40xi32, #tpu.memory_space<hbm>>
        %dma_start3A_227 = tpu.memref_slice %arg3[%multiple_of3A_135] : memref<320000xi32, #tpu.memory_space<hbm>> -> memref<40xi32, #tpu.memory_space<hbm>>
        tpu.enqueue_dma source(%dma_start3A_227 : memref<40xi32, #tpu.memory_space<hbm>>) target(%arg17 : memref<40xi32, #tpu.memory_space<vmem>>) target_semaphore(%run_scoped3A_225 : memref<!tpu.dma_semaphore, #tpu.memory_space<semaphore_mem>>)
        %dma_wait3A_228 = tpu.memref_slice %arg3[%multiple_of3A_135] : memref<320000xi32, #tpu.memory_space<hbm>> -> memref<40xi32, #tpu.memory_space<hbm>>
        %dma_wait3A_229 = tpu.memref_slice %arg3[%multiple_of3A_135] : memref<320000xi32, #tpu.memory_space<hbm>> -> memref<40xi32, #tpu.memory_space<hbm>>
        tpu.wait_dma2 semaphore(%run_scoped3A_225 : memref<!tpu.dma_semaphore, #tpu.memory_space<semaphore_mem>>) src(%dma_wait3A_229 : memref<40xi32, #tpu.memory_space<hbm>>) dst(%arg17 : memref<40xi32, #tpu.memory_space<vmem>>)
        tpu.yield
      }) : () -> ()
      %dma_start3A_136 = arith.constant 0 : i32
      %dma_start3A_137 = arith.constant 0 : i32
      %dma_start3A_138 = tpu.memref_slice %arg4[%dma_start3A_136, %dma_start3A_137] : memref<10000x16xf32, #tpu.memory_space<hbm>> -> memref<10000x16xf32, #tpu.memory_space<hbm>>
      tpu.enqueue_indirect_dma source(%dma_start3A_138 : memref<10000x16xf32, #tpu.memory_space<hbm>>) target(%arg20 : memref<40x16xf32, #tpu.memory_space<vmem>>) offsets(%arg14 : memref<40xi32, #tpu.memory_space<vmem>>) semaphore(%arg32 : memref<!tpu.dma_semaphore, #tpu.memory_space<semaphore_mem>>)
      %dma_start3A_139 = arith.constant 0 : i32
      %dma_start3A_140 = arith.constant 0 : i32
      %dma_start3A_141 = tpu.memref_slice %arg5[%dma_start3A_139, %dma_start3A_140] : memref<10000x16xf32, #tpu.memory_space<hbm>> -> memref<10000x16xf32, #tpu.memory_space<hbm>>
      tpu.enqueue_indirect_dma source(%dma_start3A_141 : memref<10000x16xf32, #tpu.memory_space<hbm>>) target(%arg23 : memref<40x16xf32, #tpu.memory_space<vmem>>) offsets(%arg17 : memref<40xi32, #tpu.memory_space<vmem>>) semaphore(%arg32 : memref<!tpu.dma_semaphore, #tpu.memory_space<semaphore_mem>>)
      %dma_start3A_142 = arith.constant 0 : i32
      %dma_start3A_143 = arith.constant 0 : i32
      %dma_start3A_144 = tpu.memref_slice %arg6[%dma_start3A_142, %dma_start3A_143] : memref<10000x128xf32, #tpu.memory_space<hbm>> -> memref<10000x128xf32, #tpu.memory_space<hbm>>
      tpu.enqueue_indirect_dma source(%dma_start3A_144 : memref<10000x128xf32, #tpu.memory_space<hbm>>) target(%arg29 : memref<40x128xf32, #tpu.memory_space<vmem>>) offsets(%arg14 : memref<40xi32, #tpu.memory_space<vmem>>) semaphore(%arg32 : memref<!tpu.dma_semaphore, #tpu.memory_space<semaphore_mem>>)
      %dma_wait3A_145 = arith.constant 0 : i32
      %dma_wait3A_146 = arith.constant 0 : i32
      %dma_wait3A_147 = tpu.memref_slice %arg4[%dma_wait3A_145, %dma_wait3A_146] : memref<10000x16xf32, #tpu.memory_space<hbm>> -> memref<10000x16xf32, #tpu.memory_space<hbm>>
      tpu.wait_indirect_dma semaphore(%arg31 : memref<!tpu.dma_semaphore, #tpu.memory_space<semaphore_mem>>) src(%dma_wait3A_147 : memref<10000x16xf32, #tpu.memory_space<hbm>>) dst(%arg19 : memref<40x16xf32, #tpu.memory_space<vmem>>)
      %dma_wait3A_148 = arith.constant 0 : i32
      %dma_wait3A_149 = arith.constant 0 : i32
      %dma_wait3A_150 = tpu.memref_slice %arg5[%dma_wait3A_148, %dma_wait3A_149] : memref<10000x16xf32, #tpu.memory_space<hbm>> -> memref<10000x16xf32, #tpu.memory_space<hbm>>
      tpu.wait_indirect_dma semaphore(%arg31 : memref<!tpu.dma_semaphore, #tpu.memory_space<semaphore_mem>>) src(%dma_wait3A_150 : memref<10000x16xf32, #tpu.memory_space<hbm>>) dst(%arg22 : memref<40x16xf32, #tpu.memory_space<vmem>>)
      %dma_wait3A_151 = arith.constant 0 : i32
      %dma_wait3A_152 = arith.constant 0 : i32
      %dma_wait3A_153 = tpu.memref_slice %arg6[%dma_wait3A_151, %dma_wait3A_152] : memref<10000x128xf32, #tpu.memory_space<hbm>> -> memref<10000x128xf32, #tpu.memory_space<hbm>>
      tpu.wait_indirect_dma semaphore(%arg31 : memref<!tpu.dma_semaphore, #tpu.memory_space<semaphore_mem>>) src(%dma_wait3A_153 : memref<10000x128xf32, #tpu.memory_space<hbm>>) dst(%arg28 : memref<40x128xf32, #tpu.memory_space<vmem>>)
      %scan3A_154 = arith.constant 0 : i32
      %scan3A_155 = arith.constant 0 : i32
      %scan3A_156 = arith.constant 40 : i32
      %scan3A_157 = arith.addi %scan3A_155, %scan3A_156 : i32
      %scan3A_158 = arith.constant 1 : i32
      scf.for %scan3A_225 = %scan3A_155 to %scan3A_157 step %scan3A_158  : i32 {
        %broadcast_in_dim3A = vector.broadcast %scan3A_225 : i32 to vector<16xi32>
        %gather3A = tpu.vector_load_idx %arg19[%broadcast_in_dim3A, %iota3A] : memref<40x16xf32, #tpu.memory_space<vmem>>[vector<16xi32>, vector<16xi32>], vector<16xf32>,
        %gather3A_226 = tpu.vector_load_idx %arg22[%broadcast_in_dim3A, %iota3A] : memref<40x16xf32, #tpu.memory_space<vmem>>[vector<16xi32>, vector<16xi32>], vector<16xf32>,
        %add3A_227 = arith.addf %gather3A, %gather3A_226 : vector<16xf32>
        %mul3A_228 = arith.constant 2.000000e-01 : f32
        %mul3A_229 = vector.broadcast %mul3A_228 : f32 to vector<16xf32>
        %mul3A_230 = arith.mulf %mul3A_229, %add3A_227 : vector<16xf32>
        %max3A = arith.maximumf %add3A_227, %mul3A_230 : vector<16xf32>
        %sub3A = arith.subf %max3A, %get3A_6 : vector<16xf32>
        %exp3A = math.exp %sub3A : vector<16xf32>
        tpu.vector_store_idx %arg25[%broadcast_in_dim3A, %iota3A], %exp3A : memref<40x16xf32, #tpu.memory_space<vmem>>[vector<16xi32>, vector<16xi32>], vector<16xf32>,
      }
      %scan3A_159 = arith.constant 40 : i32
      %dma_start3A_160 = arith.constant 0 : i32
      %dma_start3A_161 = arith.constant 0 : i32
      %dma_start3A_162 = tpu.memref_slice %arg37[%dma_start3A_160, %dma_start3A_161] : memref<10000x16xf32, #tpu.memory_space<vmem_shared>> -> memref<10000x16xf32, #tpu.memory_space<vmem_shared>>
      tpu.enqueue_indirect_dma source(%arg25 : memref<40x16xf32, #tpu.memory_space<vmem>>) target(%dma_start3A_162 : memref<10000x16xf32, #tpu.memory_space<vmem_shared>>) offsets(%arg16 : memref<40xi32, #tpu.memory_space<vmem>>) semaphore(%arg34 : memref<!tpu.dma_semaphore, #tpu.memory_space<semaphore_mem>>) {add = true}
      %scan3A_163 = arith.constant 0 : i32
      %scan3A_164 = arith.constant 0 : i32
      %scan3A_165 = arith.constant 40 : i32
      %scan3A_166 = arith.addi %scan3A_164, %scan3A_165 : i32
      %scan3A_167 = arith.constant 1 : i32
      scf.for %scan3A_225 = %scan3A_164 to %scan3A_166 step %scan3A_167  : i32 {
        %broadcast_in_dim3A = vector.broadcast %scan3A_225 : i32 to vector<16xi32>
        %broadcast_in_dim3A_226 = arith.constant 0 : i32
        %broadcast_in_dim3A_227 = vector.broadcast %broadcast_in_dim3A_226 : i32 to vector<16xi32>
        %gather3A = tpu.vector_load_idx %arg25[%broadcast_in_dim3A, %broadcast_in_dim3A_227] : memref<40x16xf32, #tpu.memory_space<vmem>>[vector<16xi32>, vector<16xi32>], vector<16xf32>,
        %broadcast_in_dim3A_228 = arith.constant 1 : i32
        %broadcast_in_dim3A_229 = vector.broadcast %broadcast_in_dim3A_228 : i32 to vector<16xi32>
        %gather3A_230 = tpu.vector_load_idx %arg25[%broadcast_in_dim3A, %broadcast_in_dim3A_229] : memref<40x16xf32, #tpu.memory_space<vmem>>[vector<16xi32>, vector<16xi32>], vector<16xf32>,
        %broadcast_in_dim3A_231 = arith.constant 2 : i32
        %broadcast_in_dim3A_232 = vector.broadcast %broadcast_in_dim3A_231 : i32 to vector<16xi32>
        %gather3A_233 = tpu.vector_load_idx %arg25[%broadcast_in_dim3A, %broadcast_in_dim3A_232] : memref<40x16xf32, #tpu.memory_space<vmem>>[vector<16xi32>, vector<16xi32>], vector<16xf32>,
        %broadcast_in_dim3A_234 = arith.constant 3 : i32
        %broadcast_in_dim3A_235 = vector.broadcast %broadcast_in_dim3A_234 : i32 to vector<16xi32>
        %gather3A_236 = tpu.vector_load_idx %arg25[%broadcast_in_dim3A, %broadcast_in_dim3A_235] : memref<40x16xf32, #tpu.memory_space<vmem>>[vector<16xi32>, vector<16xi32>], vector<16xf32>,
        %add3A_237 = arith.constant 0 : i32
        %add3A_238 = vector.broadcast %add3A_237 : i32 to vector<16xi32>
        %add3A_239 = arith.addi %iota3A, %add3A_238 : vector<16xi32>
        %gather3A_240 = tpu.vector_load_idx %arg28[%broadcast_in_dim3A, %add3A_239] : memref<40x128xf32, #tpu.memory_space<vmem>>[vector<16xi32>, vector<16xi32>], vector<16xf32>,
        %mul3A_241 = arith.mulf %gather3A_240, %gather3A : vector<16xf32>
        tpu.vector_store_idx %arg28[%broadcast_in_dim3A, %add3A_239], %mul3A_241 : memref<40x128xf32, #tpu.memory_space<vmem>>[vector<16xi32>, vector<16xi32>], vector<16xf32>,
        %add3A_242 = arith.constant 16 : i32
        %add3A_243 = vector.broadcast %add3A_242 : i32 to vector<16xi32>
        %add3A_244 = arith.addi %iota3A, %add3A_243 : vector<16xi32>
        %gather3A_245 = tpu.vector_load_idx %arg28[%broadcast_in_dim3A, %add3A_244] : memref<40x128xf32, #tpu.memory_space<vmem>>[vector<16xi32>, vector<16xi32>], vector<16xf32>,
        %mul3A_246 = arith.mulf %gather3A_245, %gather3A : vector<16xf32>
        tpu.vector_store_idx %arg28[%broadcast_in_dim3A, %add3A_244], %mul3A_246 : memref<40x128xf32, #tpu.memory_space<vmem>>[vector<16xi32>, vector<16xi32>], vector<16xf32>,
        %add3A_247 = arith.constant 32 : i32
        %add3A_248 = vector.broadcast %add3A_247 : i32 to vector<16xi32>
        %add3A_249 = arith.addi %iota3A, %add3A_248 : vector<16xi32>
        %gather3A_250 = tpu.vector_load_idx %arg28[%broadcast_in_dim3A, %add3A_249] : memref<40x128xf32, #tpu.memory_space<vmem>>[vector<16xi32>, vector<16xi32>], vector<16xf32>,
        %mul3A_251 = arith.mulf %gather3A_250, %gather3A_230 : vector<16xf32>
        tpu.vector_store_idx %arg28[%broadcast_in_dim3A, %add3A_249], %mul3A_251 : memref<40x128xf32, #tpu.memory_space<vmem>>[vector<16xi32>, vector<16xi32>], vector<16xf32>,
        %add3A_252 = arith.constant 48 : i32
        %add3A_253 = vector.broadcast %add3A_252 : i32 to vector<16xi32>
        %add3A_254 = arith.addi %iota3A, %add3A_253 : vector<16xi32>
        %gather3A_255 = tpu.vector_load_idx %arg28[%broadcast_in_dim3A, %add3A_254] : memref<40x128xf32, #tpu.memory_space<vmem>>[vector<16xi32>, vector<16xi32>], vector<16xf32>,
        %mul3A_256 = arith.mulf %gather3A_255, %gather3A_230 : vector<16xf32>
        tpu.vector_store_idx %arg28[%broadcast_in_dim3A, %add3A_254], %mul3A_256 : memref<40x128xf32, #tpu.memory_space<vmem>>[vector<16xi32>, vector<16xi32>], vector<16xf32>,
        %add3A_257 = arith.constant 64 : i32
        %add3A_258 = vector.broadcast %add3A_257 : i32 to vector<16xi32>
        %add3A_259 = arith.addi %iota3A, %add3A_258 : vector<16xi32>
        %gather3A_260 = tpu.vector_load_idx %arg28[%broadcast_in_dim3A, %add3A_259] : memref<40x128xf32, #tpu.memory_space<vmem>>[vector<16xi32>, vector<16xi32>], vector<16xf32>,
        %mul3A_261 = arith.mulf %gather3A_260, %gather3A_233 : vector<16xf32>
        tpu.vector_store_idx %arg28[%broadcast_in_dim3A, %add3A_259], %mul3A_261 : memref<40x128xf32, #tpu.memory_space<vmem>>[vector<16xi32>, vector<16xi32>], vector<16xf32>,
        %add3A_262 = arith.constant 80 : i32
        %add3A_263 = vector.broadcast %add3A_262 : i32 to vector<16xi32>
        %add3A_264 = arith.addi %iota3A, %add3A_263 : vector<16xi32>
        %gather3A_265 = tpu.vector_load_idx %arg28[%broadcast_in_dim3A, %add3A_264] : memref<40x128xf32, #tpu.memory_space<vmem>>[vector<16xi32>, vector<16xi32>], vector<16xf32>,
        %mul3A_266 = arith.mulf %gather3A_265, %gather3A_233 : vector<16xf32>
        tpu.vector_store_idx %arg28[%broadcast_in_dim3A, %add3A_264], %mul3A_266 : memref<40x128xf32, #tpu.memory_space<vmem>>[vector<16xi32>, vector<16xi32>], vector<16xf32>,
        %add3A_267 = arith.constant 96 : i32
        %add3A_268 = vector.broadcast %add3A_267 : i32 to vector<16xi32>
        %add3A_269 = arith.addi %iota3A, %add3A_268 : vector<16xi32>
        %gather3A_270 = tpu.vector_load_idx %arg28[%broadcast_in_dim3A, %add3A_269] : memref<40x128xf32, #tpu.memory_space<vmem>>[vector<16xi32>, vector<16xi32>], vector<16xf32>,
        %mul3A_271 = arith.mulf %gather3A_270, %gather3A_236 : vector<16xf32>
        tpu.vector_store_idx %arg28[%broadcast_in_dim3A, %add3A_269], %mul3A_271 : memref<40x128xf32, #tpu.memory_space<vmem>>[vector<16xi32>, vector<16xi32>], vector<16xf32>,
        %add3A_272 = arith.constant 112 : i32
        %add3A_273 = vector.broadcast %add3A_272 : i32 to vector<16xi32>
        %add3A_274 = arith.addi %iota3A, %add3A_273 : vector<16xi32>
        %gather3A_275 = tpu.vector_load_idx %arg28[%broadcast_in_dim3A, %add3A_274] : memref<40x128xf32, #tpu.memory_space<vmem>>[vector<16xi32>, vector<16xi32>], vector<16xf32>,
        %mul3A_276 = arith.mulf %gather3A_275, %gather3A_236 : vector<16xf32>
        tpu.vector_store_idx %arg28[%broadcast_in_dim3A, %add3A_274], %mul3A_276 : memref<40x128xf32, #tpu.memory_space<vmem>>[vector<16xi32>, vector<16xi32>], vector<16xf32>,
      }
      %scan3A_168 = arith.constant 40 : i32
      %dma_start3A_169 = arith.constant 0 : i32
      %dma_start3A_170 = arith.constant 0 : i32
      %dma_start3A_171 = tpu.memref_slice %arg38[%dma_start3A_169, %dma_start3A_170] : memref<10000x128xf32, #tpu.memory_space<vmem_shared>> -> memref<10000x128xf32, #tpu.memory_space<vmem_shared>>
      tpu.enqueue_indirect_dma source(%arg28 : memref<40x128xf32, #tpu.memory_space<vmem>>) target(%dma_start3A_171 : memref<10000x128xf32, #tpu.memory_space<vmem_shared>>) offsets(%arg16 : memref<40xi32, #tpu.memory_space<vmem>>) semaphore(%arg34 : memref<!tpu.dma_semaphore, #tpu.memory_space<semaphore_mem>>) {add = true}
      %mul3A_172 = arith.constant 3 : i32
      %mul3A_173 = arith.muli %mul3A_172, %scan3A_68 : i32
      %add3A_174 = arith.constant 2 : i32
      %add3A_175 = arith.addi %mul3A_173, %add3A_174 : i32
      %add3A_176 = arith.constant 1 : i32
      %add3A_177 = arith.addi %add3A_175, %add3A_176 : i32
      %ge3A_178 = arith.constant 3 : i32
      %ge3A_179 = arith.cmpi sge, %add3A_177, %ge3A_178 : i32
      %convert_element_type3A_180 = arith.extui %ge3A_179 : i1 to i32
      %cond3A_181 = arith.constant 0 : i32
      %cond3A_182 = arith.cmpi ne, %convert_element_type3A_180, %cond3A_181 : i32
      scf.if %cond3A_182 {
        %dma_wait3A_225 = arith.constant 0 : i32
        %dma_wait3A_226 = arith.constant 0 : i32
        %dma_wait3A_227 = tpu.memref_slice %arg37[%dma_wait3A_225, %dma_wait3A_226] : memref<10000x16xf32, #tpu.memory_space<vmem_shared>> -> memref<10000x16xf32, #tpu.memory_space<vmem_shared>>
        tpu.wait_indirect_dma semaphore(%arg33 : memref<!tpu.dma_semaphore, #tpu.memory_space<semaphore_mem>>) src(%arg24 : memref<40x16xf32, #tpu.memory_space<vmem>>) dst(%dma_wait3A_227 : memref<10000x16xf32, #tpu.memory_space<vmem_shared>>)
        %dma_wait3A_228 = arith.constant 0 : i32
        %dma_wait3A_229 = arith.constant 0 : i32
        %dma_wait3A_230 = tpu.memref_slice %arg38[%dma_wait3A_228, %dma_wait3A_229] : memref<10000x128xf32, #tpu.memory_space<vmem_shared>> -> memref<10000x128xf32, #tpu.memory_space<vmem_shared>>
        tpu.wait_indirect_dma semaphore(%arg33 : memref<!tpu.dma_semaphore, #tpu.memory_space<semaphore_mem>>) src(%arg27 : memref<40x128xf32, #tpu.memory_space<vmem>>) dst(%dma_wait3A_230 : memref<10000x128xf32, #tpu.memory_space<vmem_shared>>)
      } else {
      }
      %add3A_183 = arith.constant 1 : i32
      %add3A_184 = arith.addi %add3A_175, %add3A_183 : i32
      %mul3A_185 = arith.constant 40 : i32
      %mul3A_186 = arith.muli %add3A_184, %mul3A_185 : i32
      %add3A_187 = arith.addi %add3A, %mul3A_186 : i32
      %multiple_of3A_188 = tpu.assume_multiple %add3A_187, 8 : i32
      "tpu.region"() ({
        %run_scoped3A_225 = tpu.sem_alloc : memref<!tpu.dma_semaphore, #tpu.memory_space<semaphore_mem>>
        %dma_start3A_226 = tpu.memref_slice %arg2[%multiple_of3A_188] : memref<320000xi32, #tpu.memory_space<hbm>> -> memref<40xi32, #tpu.memory_space<hbm>>
        %dma_start3A_227 = tpu.memref_slice %arg2[%multiple_of3A_188] : memref<320000xi32, #tpu.memory_space<hbm>> -> memref<40xi32, #tpu.memory_space<hbm>>
        tpu.enqueue_dma source(%dma_start3A_227 : memref<40xi32, #tpu.memory_space<hbm>>) target(%arg12 : memref<40xi32, #tpu.memory_space<vmem>>) target_semaphore(%run_scoped3A_225 : memref<!tpu.dma_semaphore, #tpu.memory_space<semaphore_mem>>)
        %dma_wait3A_228 = tpu.memref_slice %arg2[%multiple_of3A_188] : memref<320000xi32, #tpu.memory_space<hbm>> -> memref<40xi32, #tpu.memory_space<hbm>>
        %dma_wait3A_229 = tpu.memref_slice %arg2[%multiple_of3A_188] : memref<320000xi32, #tpu.memory_space<hbm>> -> memref<40xi32, #tpu.memory_space<hbm>>
        tpu.wait_dma2 semaphore(%run_scoped3A_225 : memref<!tpu.dma_semaphore, #tpu.memory_space<semaphore_mem>>) src(%dma_wait3A_229 : memref<40xi32, #tpu.memory_space<hbm>>) dst(%arg12 : memref<40xi32, #tpu.memory_space<vmem>>)
        tpu.yield
      }) : () -> ()
      "tpu.region"() ({
        %run_scoped3A_225 = tpu.sem_alloc : memref<!tpu.dma_semaphore, #tpu.memory_space<semaphore_mem>>
        %dma_start3A_226 = tpu.memref_slice %arg3[%multiple_of3A_188] : memref<320000xi32, #tpu.memory_space<hbm>> -> memref<40xi32, #tpu.memory_space<hbm>>
        %dma_start3A_227 = tpu.memref_slice %arg3[%multiple_of3A_188] : memref<320000xi32, #tpu.memory_space<hbm>> -> memref<40xi32, #tpu.memory_space<hbm>>
        tpu.enqueue_dma source(%dma_start3A_227 : memref<40xi32, #tpu.memory_space<hbm>>) target(%arg15 : memref<40xi32, #tpu.memory_space<vmem>>) target_semaphore(%run_scoped3A_225 : memref<!tpu.dma_semaphore, #tpu.memory_space<semaphore_mem>>)
        %dma_wait3A_228 = tpu.memref_slice %arg3[%multiple_of3A_188] : memref<320000xi32, #tpu.memory_space<hbm>> -> memref<40xi32, #tpu.memory_space<hbm>>
        %dma_wait3A_229 = tpu.memref_slice %arg3[%multiple_of3A_188] : memref<320000xi32, #tpu.memory_space<hbm>> -> memref<40xi32, #tpu.memory_space<hbm>>
        tpu.wait_dma2 semaphore(%run_scoped3A_225 : memref<!tpu.dma_semaphore, #tpu.memory_space<semaphore_mem>>) src(%dma_wait3A_229 : memref<40xi32, #tpu.memory_space<hbm>>) dst(%arg15 : memref<40xi32, #tpu.memory_space<vmem>>)
        tpu.yield
      }) : () -> ()
      %dma_start3A_189 = arith.constant 0 : i32
      %dma_start3A_190 = arith.constant 0 : i32
      %dma_start3A_191 = tpu.memref_slice %arg4[%dma_start3A_189, %dma_start3A_190] : memref<10000x16xf32, #tpu.memory_space<hbm>> -> memref<10000x16xf32, #tpu.memory_space<hbm>>
      tpu.enqueue_indirect_dma source(%dma_start3A_191 : memref<10000x16xf32, #tpu.memory_space<hbm>>) target(%arg18 : memref<40x16xf32, #tpu.memory_space<vmem>>) offsets(%arg12 : memref<40xi32, #tpu.memory_space<vmem>>) semaphore(%arg30 : memref<!tpu.dma_semaphore, #tpu.memory_space<semaphore_mem>>)
      %dma_start3A_192 = arith.constant 0 : i32
      %dma_start3A_193 = arith.constant 0 : i32
      %dma_start3A_194 = tpu.memref_slice %arg5[%dma_start3A_192, %dma_start3A_193] : memref<10000x16xf32, #tpu.memory_space<hbm>> -> memref<10000x16xf32, #tpu.memory_space<hbm>>
      tpu.enqueue_indirect_dma source(%dma_start3A_194 : memref<10000x16xf32, #tpu.memory_space<hbm>>) target(%arg21 : memref<40x16xf32, #tpu.memory_space<vmem>>) offsets(%arg15 : memref<40xi32, #tpu.memory_space<vmem>>) semaphore(%arg30 : memref<!tpu.dma_semaphore, #tpu.memory_space<semaphore_mem>>)
      %dma_start3A_195 = arith.constant 0 : i32
      %dma_start3A_196 = arith.constant 0 : i32
      %dma_start3A_197 = tpu.memref_slice %arg6[%dma_start3A_195, %dma_start3A_196] : memref<10000x128xf32, #tpu.memory_space<hbm>> -> memref<10000x128xf32, #tpu.memory_space<hbm>>
      tpu.enqueue_indirect_dma source(%dma_start3A_197 : memref<10000x128xf32, #tpu.memory_space<hbm>>) target(%arg27 : memref<40x128xf32, #tpu.memory_space<vmem>>) offsets(%arg12 : memref<40xi32, #tpu.memory_space<vmem>>) semaphore(%arg30 : memref<!tpu.dma_semaphore, #tpu.memory_space<semaphore_mem>>)
      %dma_wait3A_198 = arith.constant 0 : i32
      %dma_wait3A_199 = arith.constant 0 : i32
      %dma_wait3A_200 = tpu.memref_slice %arg4[%dma_wait3A_198, %dma_wait3A_199] : memref<10000x16xf32, #tpu.memory_space<hbm>> -> memref<10000x16xf32, #tpu.memory_space<hbm>>
      tpu.wait_indirect_dma semaphore(%arg32 : memref<!tpu.dma_semaphore, #tpu.memory_space<semaphore_mem>>) src(%dma_wait3A_200 : memref<10000x16xf32, #tpu.memory_space<hbm>>) dst(%arg20 : memref<40x16xf32, #tpu.memory_space<vmem>>)
      %dma_wait3A_201 = arith.constant 0 : i32
      %dma_wait3A_202 = arith.constant 0 : i32
      %dma_wait3A_203 = tpu.memref_slice %arg5[%dma_wait3A_201, %dma_wait3A_202] : memref<10000x16xf32, #tpu.memory_space<hbm>> -> memref<10000x16xf32, #tpu.memory_space<hbm>>
      tpu.wait_indirect_dma semaphore(%arg32 : memref<!tpu.dma_semaphore, #tpu.memory_space<semaphore_mem>>) src(%dma_wait3A_203 : memref<10000x16xf32, #tpu.memory_space<hbm>>) dst(%arg23 : memref<40x16xf32, #tpu.memory_space<vmem>>)
      %dma_wait3A_204 = arith.constant 0 : i32
      %dma_wait3A_205 = arith.constant 0 : i32
      %dma_wait3A_206 = tpu.memref_slice %arg6[%dma_wait3A_204, %dma_wait3A_205] : memref<10000x128xf32, #tpu.memory_space<hbm>> -> memref<10000x128xf32, #tpu.memory_space<hbm>>
      tpu.wait_indirect_dma semaphore(%arg32 : memref<!tpu.dma_semaphore, #tpu.memory_space<semaphore_mem>>) src(%dma_wait3A_206 : memref<10000x128xf32, #tpu.memory_space<hbm>>) dst(%arg29 : memref<40x128xf32, #tpu.memory_space<vmem>>)
      %scan3A_207 = arith.constant 0 : i32
      %scan3A_208 = arith.constant 0 : i32
      %scan3A_209 = arith.constant 40 : i32
      %scan3A_210 = arith.addi %scan3A_208, %scan3A_209 : i32
      %scan3A_211 = arith.constant 1 : i32
      scf.for %scan3A_225 = %scan3A_208 to %scan3A_210 step %scan3A_211  : i32 {
        %broadcast_in_dim3A = vector.broadcast %scan3A_225 : i32 to vector<16xi32>
        %gather3A = tpu.vector_load_idx %arg20[%broadcast_in_dim3A, %iota3A] : memref<40x16xf32, #tpu.memory_space<vmem>>[vector<16xi32>, vector<16xi32>], vector<16xf32>,
        %gather3A_226 = tpu.vector_load_idx %arg23[%broadcast_in_dim3A, %iota3A] : memref<40x16xf32, #tpu.memory_space<vmem>>[vector<16xi32>, vector<16xi32>], vector<16xf32>,
        %add3A_227 = arith.addf %gather3A, %gather3A_226 : vector<16xf32>
        %mul3A_228 = arith.constant 2.000000e-01 : f32
        %mul3A_229 = vector.broadcast %mul3A_228 : f32 to vector<16xf32>
        %mul3A_230 = arith.mulf %mul3A_229, %add3A_227 : vector<16xf32>
        %max3A = arith.maximumf %add3A_227, %mul3A_230 : vector<16xf32>
        %sub3A = arith.subf %max3A, %get3A_6 : vector<16xf32>
        %exp3A = math.exp %sub3A : vector<16xf32>
        tpu.vector_store_idx %arg26[%broadcast_in_dim3A, %iota3A], %exp3A : memref<40x16xf32, #tpu.memory_space<vmem>>[vector<16xi32>, vector<16xi32>], vector<16xf32>,
      }
      %scan3A_212 = arith.constant 40 : i32
      %dma_start3A_213 = arith.constant 0 : i32
      %dma_start3A_214 = arith.constant 0 : i32
      %dma_start3A_215 = tpu.memref_slice %arg37[%dma_start3A_213, %dma_start3A_214] : memref<10000x16xf32, #tpu.memory_space<vmem_shared>> -> memref<10000x16xf32, #tpu.memory_space<vmem_shared>>
      tpu.enqueue_indirect_dma source(%arg26 : memref<40x16xf32, #tpu.memory_space<vmem>>) target(%dma_start3A_215 : memref<10000x16xf32, #tpu.memory_space<vmem_shared>>) offsets(%arg17 : memref<40xi32, #tpu.memory_space<vmem>>) semaphore(%arg35 : memref<!tpu.dma_semaphore, #tpu.memory_space<semaphore_mem>>) {add = true}
      %scan3A_216 = arith.constant 0 : i32
      %scan3A_217 = arith.constant 0 : i32
      %scan3A_218 = arith.constant 40 : i32
      %scan3A_219 = arith.addi %scan3A_217, %scan3A_218 : i32
      %scan3A_220 = arith.constant 1 : i32
      scf.for %scan3A_225 = %scan3A_217 to %scan3A_219 step %scan3A_220  : i32 {
        %broadcast_in_dim3A = vector.broadcast %scan3A_225 : i32 to vector<16xi32>
        %broadcast_in_dim3A_226 = arith.constant 0 : i32
        %broadcast_in_dim3A_227 = vector.broadcast %broadcast_in_dim3A_226 : i32 to vector<16xi32>
        %gather3A = tpu.vector_load_idx %arg26[%broadcast_in_dim3A, %broadcast_in_dim3A_227] : memref<40x16xf32, #tpu.memory_space<vmem>>[vector<16xi32>, vector<16xi32>], vector<16xf32>,
        %broadcast_in_dim3A_228 = arith.constant 1 : i32
        %broadcast_in_dim3A_229 = vector.broadcast %broadcast_in_dim3A_228 : i32 to vector<16xi32>
        %gather3A_230 = tpu.vector_load_idx %arg26[%broadcast_in_dim3A, %broadcast_in_dim3A_229] : memref<40x16xf32, #tpu.memory_space<vmem>>[vector<16xi32>, vector<16xi32>], vector<16xf32>,
        %broadcast_in_dim3A_231 = arith.constant 2 : i32
        %broadcast_in_dim3A_232 = vector.broadcast %broadcast_in_dim3A_231 : i32 to vector<16xi32>
        %gather3A_233 = tpu.vector_load_idx %arg26[%broadcast_in_dim3A, %broadcast_in_dim3A_232] : memref<40x16xf32, #tpu.memory_space<vmem>>[vector<16xi32>, vector<16xi32>], vector<16xf32>,
        %broadcast_in_dim3A_234 = arith.constant 3 : i32
        %broadcast_in_dim3A_235 = vector.broadcast %broadcast_in_dim3A_234 : i32 to vector<16xi32>
        %gather3A_236 = tpu.vector_load_idx %arg26[%broadcast_in_dim3A, %broadcast_in_dim3A_235] : memref<40x16xf32, #tpu.memory_space<vmem>>[vector<16xi32>, vector<16xi32>], vector<16xf32>,
        %add3A_237 = arith.constant 0 : i32
        %add3A_238 = vector.broadcast %add3A_237 : i32 to vector<16xi32>
        %add3A_239 = arith.addi %iota3A, %add3A_238 : vector<16xi32>
        %gather3A_240 = tpu.vector_load_idx %arg29[%broadcast_in_dim3A, %add3A_239] : memref<40x128xf32, #tpu.memory_space<vmem>>[vector<16xi32>, vector<16xi32>], vector<16xf32>,
        %mul3A_241 = arith.mulf %gather3A_240, %gather3A : vector<16xf32>
        tpu.vector_store_idx %arg29[%broadcast_in_dim3A, %add3A_239], %mul3A_241 : memref<40x128xf32, #tpu.memory_space<vmem>>[vector<16xi32>, vector<16xi32>], vector<16xf32>,
        %add3A_242 = arith.constant 16 : i32
        %add3A_243 = vector.broadcast %add3A_242 : i32 to vector<16xi32>
        %add3A_244 = arith.addi %iota3A, %add3A_243 : vector<16xi32>
        %gather3A_245 = tpu.vector_load_idx %arg29[%broadcast_in_dim3A, %add3A_244] : memref<40x128xf32, #tpu.memory_space<vmem>>[vector<16xi32>, vector<16xi32>], vector<16xf32>,
        %mul3A_246 = arith.mulf %gather3A_245, %gather3A : vector<16xf32>
        tpu.vector_store_idx %arg29[%broadcast_in_dim3A, %add3A_244], %mul3A_246 : memref<40x128xf32, #tpu.memory_space<vmem>>[vector<16xi32>, vector<16xi32>], vector<16xf32>,
        %add3A_247 = arith.constant 32 : i32
        %add3A_248 = vector.broadcast %add3A_247 : i32 to vector<16xi32>
        %add3A_249 = arith.addi %iota3A, %add3A_248 : vector<16xi32>
        %gather3A_250 = tpu.vector_load_idx %arg29[%broadcast_in_dim3A, %add3A_249] : memref<40x128xf32, #tpu.memory_space<vmem>>[vector<16xi32>, vector<16xi32>], vector<16xf32>,
        %mul3A_251 = arith.mulf %gather3A_250, %gather3A_230 : vector<16xf32>
        tpu.vector_store_idx %arg29[%broadcast_in_dim3A, %add3A_249], %mul3A_251 : memref<40x128xf32, #tpu.memory_space<vmem>>[vector<16xi32>, vector<16xi32>], vector<16xf32>,
        %add3A_252 = arith.constant 48 : i32
        %add3A_253 = vector.broadcast %add3A_252 : i32 to vector<16xi32>
        %add3A_254 = arith.addi %iota3A, %add3A_253 : vector<16xi32>
        %gather3A_255 = tpu.vector_load_idx %arg29[%broadcast_in_dim3A, %add3A_254] : memref<40x128xf32, #tpu.memory_space<vmem>>[vector<16xi32>, vector<16xi32>], vector<16xf32>,
        %mul3A_256 = arith.mulf %gather3A_255, %gather3A_230 : vector<16xf32>
        tpu.vector_store_idx %arg29[%broadcast_in_dim3A, %add3A_254], %mul3A_256 : memref<40x128xf32, #tpu.memory_space<vmem>>[vector<16xi32>, vector<16xi32>], vector<16xf32>,
        %add3A_257 = arith.constant 64 : i32
        %add3A_258 = vector.broadcast %add3A_257 : i32 to vector<16xi32>
        %add3A_259 = arith.addi %iota3A, %add3A_258 : vector<16xi32>
        %gather3A_260 = tpu.vector_load_idx %arg29[%broadcast_in_dim3A, %add3A_259] : memref<40x128xf32, #tpu.memory_space<vmem>>[vector<16xi32>, vector<16xi32>], vector<16xf32>,
        %mul3A_261 = arith.mulf %gather3A_260, %gather3A_233 : vector<16xf32>
        tpu.vector_store_idx %arg29[%broadcast_in_dim3A, %add3A_259], %mul3A_261 : memref<40x128xf32, #tpu.memory_space<vmem>>[vector<16xi32>, vector<16xi32>], vector<16xf32>,
        %add3A_262 = arith.constant 80 : i32
        %add3A_263 = vector.broadcast %add3A_262 : i32 to vector<16xi32>
        %add3A_264 = arith.addi %iota3A, %add3A_263 : vector<16xi32>
        %gather3A_265 = tpu.vector_load_idx %arg29[%broadcast_in_dim3A, %add3A_264] : memref<40x128xf32, #tpu.memory_space<vmem>>[vector<16xi32>, vector<16xi32>], vector<16xf32>,
        %mul3A_266 = arith.mulf %gather3A_265, %gather3A_233 : vector<16xf32>
        tpu.vector_store_idx %arg29[%broadcast_in_dim3A, %add3A_264], %mul3A_266 : memref<40x128xf32, #tpu.memory_space<vmem>>[vector<16xi32>, vector<16xi32>], vector<16xf32>,
        %add3A_267 = arith.constant 96 : i32
        %add3A_268 = vector.broadcast %add3A_267 : i32 to vector<16xi32>
        %add3A_269 = arith.addi %iota3A, %add3A_268 : vector<16xi32>
        %gather3A_270 = tpu.vector_load_idx %arg29[%broadcast_in_dim3A, %add3A_269] : memref<40x128xf32, #tpu.memory_space<vmem>>[vector<16xi32>, vector<16xi32>], vector<16xf32>,
        %mul3A_271 = arith.mulf %gather3A_270, %gather3A_236 : vector<16xf32>
        tpu.vector_store_idx %arg29[%broadcast_in_dim3A, %add3A_269], %mul3A_271 : memref<40x128xf32, #tpu.memory_space<vmem>>[vector<16xi32>, vector<16xi32>], vector<16xf32>,
        %add3A_272 = arith.constant 112 : i32
        %add3A_273 = vector.broadcast %add3A_272 : i32 to vector<16xi32>
        %add3A_274 = arith.addi %iota3A, %add3A_273 : vector<16xi32>
        %gather3A_275 = tpu.vector_load_idx %arg29[%broadcast_in_dim3A, %add3A_274] : memref<40x128xf32, #tpu.memory_space<vmem>>[vector<16xi32>, vector<16xi32>], vector<16xf32>,
        %mul3A_276 = arith.mulf %gather3A_275, %gather3A_236 : vector<16xf32>
        tpu.vector_store_idx %arg29[%broadcast_in_dim3A, %add3A_274], %mul3A_276 : memref<40x128xf32, #tpu.memory_space<vmem>>[vector<16xi32>, vector<16xi32>], vector<16xf32>,
      }
      %scan3A_221 = arith.constant 40 : i32
      %dma_start3A_222 = arith.constant 0 : i32
      %dma_start3A_223 = arith.constant 0 : i32
      %dma_start3A_224 = tpu.memref_slice %arg38[%dma_start3A_222, %dma_start3A_223] : memref<10000x128xf32, #tpu.memory_space<vmem_shared>> -> memref<10000x128xf32, #tpu.memory_space<vmem_shared>>
      tpu.enqueue_indirect_dma source(%arg29 : memref<40x128xf32, #tpu.memory_space<vmem>>) target(%dma_start3A_224 : memref<10000x128xf32, #tpu.memory_space<vmem_shared>>) offsets(%arg17 : memref<40xi32, #tpu.memory_space<vmem>>) semaphore(%arg35 : memref<!tpu.dma_semaphore, #tpu.memory_space<semaphore_mem>>) {add = true}
    }
    %scan3A_22 = arith.constant 83 : i32
    %dma_wait3A = arith.constant 0 : i32
    %dma_wait3A_23 = arith.constant 0 : i32
    %dma_wait3A_24 = tpu.memref_slice %arg4[%dma_wait3A, %dma_wait3A_23] : memref<10000x16xf32, #tpu.memory_space<hbm>> -> memref<10000x16xf32, #tpu.memory_space<hbm>>
    tpu.wait_indirect_dma semaphore(%arg30 : memref<!tpu.dma_semaphore, #tpu.memory_space<semaphore_mem>>) src(%dma_wait3A_24 : memref<10000x16xf32, #tpu.memory_space<hbm>>) dst(%arg18 : memref<40x16xf32, #tpu.memory_space<vmem>>)
    %dma_wait3A_25 = arith.constant 0 : i32
    %dma_wait3A_26 = arith.constant 0 : i32
    %dma_wait3A_27 = tpu.memref_slice %arg5[%dma_wait3A_25, %dma_wait3A_26] : memref<10000x16xf32, #tpu.memory_space<hbm>> -> memref<10000x16xf32, #tpu.memory_space<hbm>>
    tpu.wait_indirect_dma semaphore(%arg30 : memref<!tpu.dma_semaphore, #tpu.memory_space<semaphore_mem>>) src(%dma_wait3A_27 : memref<10000x16xf32, #tpu.memory_space<hbm>>) dst(%arg21 : memref<40x16xf32, #tpu.memory_space<vmem>>)
    %dma_wait3A_28 = arith.constant 0 : i32
    %dma_wait3A_29 = arith.constant 0 : i32
    %dma_wait3A_30 = tpu.memref_slice %arg6[%dma_wait3A_28, %dma_wait3A_29] : memref<10000x128xf32, #tpu.memory_space<hbm>> -> memref<10000x128xf32, #tpu.memory_space<hbm>>
    tpu.wait_indirect_dma semaphore(%arg30 : memref<!tpu.dma_semaphore, #tpu.memory_space<semaphore_mem>>) src(%dma_wait3A_30 : memref<10000x128xf32, #tpu.memory_space<hbm>>) dst(%arg27 : memref<40x128xf32, #tpu.memory_space<vmem>>)
    %scan3A_31 = arith.constant 0 : i32
    %scan3A_32 = arith.constant 0 : i32
    %scan3A_33 = arith.constant 40 : i32
    %scan3A_34 = arith.addi %scan3A_32, %scan3A_33 : i32
    %scan3A_35 = arith.constant 1 : i32
    scf.for %scan3A_68 = %scan3A_32 to %scan3A_34 step %scan3A_35  : i32 {
      %broadcast_in_dim3A = vector.broadcast %scan3A_68 : i32 to vector<16xi32>
      %gather3A = tpu.vector_load_idx %arg18[%broadcast_in_dim3A, %iota3A] : memref<40x16xf32, #tpu.memory_space<vmem>>[vector<16xi32>, vector<16xi32>], vector<16xf32>,
      %gather3A_69 = tpu.vector_load_idx %arg21[%broadcast_in_dim3A, %iota3A] : memref<40x16xf32, #tpu.memory_space<vmem>>[vector<16xi32>, vector<16xi32>], vector<16xf32>,
      %add3A_70 = arith.addf %gather3A, %gather3A_69 : vector<16xf32>
      %mul3A_71 = arith.constant 2.000000e-01 : f32
      %mul3A_72 = vector.broadcast %mul3A_71 : f32 to vector<16xf32>
      %mul3A_73 = arith.mulf %mul3A_72, %add3A_70 : vector<16xf32>
      %max3A = arith.maximumf %add3A_70, %mul3A_73 : vector<16xf32>
      %sub3A = arith.subf %max3A, %get3A_6 : vector<16xf32>
      %exp3A = math.exp %sub3A : vector<16xf32>
      tpu.vector_store_idx %arg24[%broadcast_in_dim3A, %iota3A], %exp3A : memref<40x16xf32, #tpu.memory_space<vmem>>[vector<16xi32>, vector<16xi32>], vector<16xf32>,
    }
    %scan3A_36 = arith.constant 40 : i32
    %dma_start3A_37 = arith.constant 0 : i32
    %dma_start3A_38 = arith.constant 0 : i32
    %dma_start3A_39 = tpu.memref_slice %arg37[%dma_start3A_37, %dma_start3A_38] : memref<10000x16xf32, #tpu.memory_space<vmem_shared>> -> memref<10000x16xf32, #tpu.memory_space<vmem_shared>>
    tpu.enqueue_indirect_dma source(%arg24 : memref<40x16xf32, #tpu.memory_space<vmem>>) target(%dma_start3A_39 : memref<10000x16xf32, #tpu.memory_space<vmem_shared>>) offsets(%arg15 : memref<40xi32, #tpu.memory_space<vmem>>) semaphore(%arg33 : memref<!tpu.dma_semaphore, #tpu.memory_space<semaphore_mem>>) {add = true}
    %scan3A_40 = arith.constant 0 : i32
    %scan3A_41 = arith.constant 0 : i32
    %scan3A_42 = arith.constant 40 : i32
    %scan3A_43 = arith.addi %scan3A_41, %scan3A_42 : i32
    %scan3A_44 = arith.constant 1 : i32
    scf.for %scan3A_68 = %scan3A_41 to %scan3A_43 step %scan3A_44  : i32 {
      %broadcast_in_dim3A = vector.broadcast %scan3A_68 : i32 to vector<16xi32>
      %broadcast_in_dim3A_69 = arith.constant 0 : i32
      %broadcast_in_dim3A_70 = vector.broadcast %broadcast_in_dim3A_69 : i32 to vector<16xi32>
      %gather3A = tpu.vector_load_idx %arg24[%broadcast_in_dim3A, %broadcast_in_dim3A_70] : memref<40x16xf32, #tpu.memory_space<vmem>>[vector<16xi32>, vector<16xi32>], vector<16xf32>,
      %broadcast_in_dim3A_71 = arith.constant 1 : i32
      %broadcast_in_dim3A_72 = vector.broadcast %broadcast_in_dim3A_71 : i32 to vector<16xi32>
      %gather3A_73 = tpu.vector_load_idx %arg24[%broadcast_in_dim3A, %broadcast_in_dim3A_72] : memref<40x16xf32, #tpu.memory_space<vmem>>[vector<16xi32>, vector<16xi32>], vector<16xf32>,
      %broadcast_in_dim3A_74 = arith.constant 2 : i32
      %broadcast_in_dim3A_75 = vector.broadcast %broadcast_in_dim3A_74 : i32 to vector<16xi32>
      %gather3A_76 = tpu.vector_load_idx %arg24[%broadcast_in_dim3A, %broadcast_in_dim3A_75] : memref<40x16xf32, #tpu.memory_space<vmem>>[vector<16xi32>, vector<16xi32>], vector<16xf32>,
      %broadcast_in_dim3A_77 = arith.constant 3 : i32
      %broadcast_in_dim3A_78 = vector.broadcast %broadcast_in_dim3A_77 : i32 to vector<16xi32>
      %gather3A_79 = tpu.vector_load_idx %arg24[%broadcast_in_dim3A, %broadcast_in_dim3A_78] : memref<40x16xf32, #tpu.memory_space<vmem>>[vector<16xi32>, vector<16xi32>], vector<16xf32>,
      %add3A_80 = arith.constant 0 : i32
      %add3A_81 = vector.broadcast %add3A_80 : i32 to vector<16xi32>
      %add3A_82 = arith.addi %iota3A, %add3A_81 : vector<16xi32>
      %gather3A_83 = tpu.vector_load_idx %arg27[%broadcast_in_dim3A, %add3A_82] : memref<40x128xf32, #tpu.memory_space<vmem>>[vector<16xi32>, vector<16xi32>], vector<16xf32>,
      %mul3A_84 = arith.mulf %gather3A_83, %gather3A : vector<16xf32>
      tpu.vector_store_idx %arg27[%broadcast_in_dim3A, %add3A_82], %mul3A_84 : memref<40x128xf32, #tpu.memory_space<vmem>>[vector<16xi32>, vector<16xi32>], vector<16xf32>,
      %add3A_85 = arith.constant 16 : i32
      %add3A_86 = vector.broadcast %add3A_85 : i32 to vector<16xi32>
      %add3A_87 = arith.addi %iota3A, %add3A_86 : vector<16xi32>
      %gather3A_88 = tpu.vector_load_idx %arg27[%broadcast_in_dim3A, %add3A_87] : memref<40x128xf32, #tpu.memory_space<vmem>>[vector<16xi32>, vector<16xi32>], vector<16xf32>,
      %mul3A_89 = arith.mulf %gather3A_88, %gather3A : vector<16xf32>
      tpu.vector_store_idx %arg27[%broadcast_in_dim3A, %add3A_87], %mul3A_89 : memref<40x128xf32, #tpu.memory_space<vmem>>[vector<16xi32>, vector<16xi32>], vector<16xf32>,
      %add3A_90 = arith.constant 32 : i32
      %add3A_91 = vector.broadcast %add3A_90 : i32 to vector<16xi32>
      %add3A_92 = arith.addi %iota3A, %add3A_91 : vector<16xi32>
      %gather3A_93 = tpu.vector_load_idx %arg27[%broadcast_in_dim3A, %add3A_92] : memref<40x128xf32, #tpu.memory_space<vmem>>[vector<16xi32>, vector<16xi32>], vector<16xf32>,
      %mul3A_94 = arith.mulf %gather3A_93, %gather3A_73 : vector<16xf32>
      tpu.vector_store_idx %arg27[%broadcast_in_dim3A, %add3A_92], %mul3A_94 : memref<40x128xf32, #tpu.memory_space<vmem>>[vector<16xi32>, vector<16xi32>], vector<16xf32>,
      %add3A_95 = arith.constant 48 : i32
      %add3A_96 = vector.broadcast %add3A_95 : i32 to vector<16xi32>
      %add3A_97 = arith.addi %iota3A, %add3A_96 : vector<16xi32>
      %gather3A_98 = tpu.vector_load_idx %arg27[%broadcast_in_dim3A, %add3A_97] : memref<40x128xf32, #tpu.memory_space<vmem>>[vector<16xi32>, vector<16xi32>], vector<16xf32>,
      %mul3A_99 = arith.mulf %gather3A_98, %gather3A_73 : vector<16xf32>
      tpu.vector_store_idx %arg27[%broadcast_in_dim3A, %add3A_97], %mul3A_99 : memref<40x128xf32, #tpu.memory_space<vmem>>[vector<16xi32>, vector<16xi32>], vector<16xf32>,
      %add3A_100 = arith.constant 64 : i32
      %add3A_101 = vector.broadcast %add3A_100 : i32 to vector<16xi32>
      %add3A_102 = arith.addi %iota3A, %add3A_101 : vector<16xi32>
      %gather3A_103 = tpu.vector_load_idx %arg27[%broadcast_in_dim3A, %add3A_102] : memref<40x128xf32, #tpu.memory_space<vmem>>[vector<16xi32>, vector<16xi32>], vector<16xf32>,
      %mul3A_104 = arith.mulf %gather3A_103, %gather3A_76 : vector<16xf32>
      tpu.vector_store_idx %arg27[%broadcast_in_dim3A, %add3A_102], %mul3A_104 : memref<40x128xf32, #tpu.memory_space<vmem>>[vector<16xi32>, vector<16xi32>], vector<16xf32>,
      %add3A_105 = arith.constant 80 : i32
      %add3A_106 = vector.broadcast %add3A_105 : i32 to vector<16xi32>
      %add3A_107 = arith.addi %iota3A, %add3A_106 : vector<16xi32>
      %gather3A_108 = tpu.vector_load_idx %arg27[%broadcast_in_dim3A, %add3A_107] : memref<40x128xf32, #tpu.memory_space<vmem>>[vector<16xi32>, vector<16xi32>], vector<16xf32>,
      %mul3A_109 = arith.mulf %gather3A_108, %gather3A_76 : vector<16xf32>
      tpu.vector_store_idx %arg27[%broadcast_in_dim3A, %add3A_107], %mul3A_109 : memref<40x128xf32, #tpu.memory_space<vmem>>[vector<16xi32>, vector<16xi32>], vector<16xf32>,
      %add3A_110 = arith.constant 96 : i32
      %add3A_111 = vector.broadcast %add3A_110 : i32 to vector<16xi32>
      %add3A_112 = arith.addi %iota3A, %add3A_111 : vector<16xi32>
      %gather3A_113 = tpu.vector_load_idx %arg27[%broadcast_in_dim3A, %add3A_112] : memref<40x128xf32, #tpu.memory_space<vmem>>[vector<16xi32>, vector<16xi32>], vector<16xf32>,
      %mul3A_114 = arith.mulf %gather3A_113, %gather3A_79 : vector<16xf32>
      tpu.vector_store_idx %arg27[%broadcast_in_dim3A, %add3A_112], %mul3A_114 : memref<40x128xf32, #tpu.memory_space<vmem>>[vector<16xi32>, vector<16xi32>], vector<16xf32>,
      %add3A_115 = arith.constant 112 : i32
      %add3A_116 = vector.broadcast %add3A_115 : i32 to vector<16xi32>
      %add3A_117 = arith.addi %iota3A, %add3A_116 : vector<16xi32>
      %gather3A_118 = tpu.vector_load_idx %arg27[%broadcast_in_dim3A, %add3A_117] : memref<40x128xf32, #tpu.memory_space<vmem>>[vector<16xi32>, vector<16xi32>], vector<16xf32>,
      %mul3A_119 = arith.mulf %gather3A_118, %gather3A_79 : vector<16xf32>
      tpu.vector_store_idx %arg27[%broadcast_in_dim3A, %add3A_117], %mul3A_119 : memref<40x128xf32, #tpu.memory_space<vmem>>[vector<16xi32>, vector<16xi32>], vector<16xf32>,
    }
    %scan3A_45 = arith.constant 40 : i32
    %dma_start3A_46 = arith.constant 0 : i32
    %dma_start3A_47 = arith.constant 0 : i32
    %dma_start3A_48 = tpu.memref_slice %arg38[%dma_start3A_46, %dma_start3A_47] : memref<10000x128xf32, #tpu.memory_space<vmem_shared>> -> memref<10000x128xf32, #tpu.memory_space<vmem_shared>>
    tpu.enqueue_indirect_dma source(%arg27 : memref<40x128xf32, #tpu.memory_space<vmem>>) target(%dma_start3A_48 : memref<10000x128xf32, #tpu.memory_space<vmem_shared>>) offsets(%arg15 : memref<40xi32, #tpu.memory_space<vmem>>) semaphore(%arg33 : memref<!tpu.dma_semaphore, #tpu.memory_space<semaphore_mem>>) {add = true}
    %dma_wait3A_49 = arith.constant 0 : i32
    %dma_wait3A_50 = arith.constant 0 : i32
    %dma_wait3A_51 = tpu.memref_slice %arg37[%dma_wait3A_49, %dma_wait3A_50] : memref<10000x16xf32, #tpu.memory_space<vmem_shared>> -> memref<10000x16xf32, #tpu.memory_space<vmem_shared>>
    tpu.wait_indirect_dma semaphore(%arg33 : memref<!tpu.dma_semaphore, #tpu.memory_space<semaphore_mem>>) src(%arg24 : memref<40x16xf32, #tpu.memory_space<vmem>>) dst(%dma_wait3A_51 : memref<10000x16xf32, #tpu.memory_space<vmem_shared>>)
    %dma_wait3A_52 = arith.constant 0 : i32
    %dma_wait3A_53 = arith.constant 0 : i32
    %dma_wait3A_54 = tpu.memref_slice %arg38[%dma_wait3A_52, %dma_wait3A_53] : memref<10000x128xf32, #tpu.memory_space<vmem_shared>> -> memref<10000x128xf32, #tpu.memory_space<vmem_shared>>
    tpu.wait_indirect_dma semaphore(%arg33 : memref<!tpu.dma_semaphore, #tpu.memory_space<semaphore_mem>>) src(%arg27 : memref<40x128xf32, #tpu.memory_space<vmem>>) dst(%dma_wait3A_54 : memref<10000x128xf32, #tpu.memory_space<vmem_shared>>)
    %dma_wait3A_55 = arith.constant 0 : i32
    %dma_wait3A_56 = arith.constant 0 : i32
    %dma_wait3A_57 = tpu.memref_slice %arg37[%dma_wait3A_55, %dma_wait3A_56] : memref<10000x16xf32, #tpu.memory_space<vmem_shared>> -> memref<10000x16xf32, #tpu.memory_space<vmem_shared>>
    tpu.wait_indirect_dma semaphore(%arg34 : memref<!tpu.dma_semaphore, #tpu.memory_space<semaphore_mem>>) src(%arg25 : memref<40x16xf32, #tpu.memory_space<vmem>>) dst(%dma_wait3A_57 : memref<10000x16xf32, #tpu.memory_space<vmem_shared>>)
    %dma_wait3A_58 = arith.constant 0 : i32
    %dma_wait3A_59 = arith.constant 0 : i32
    %dma_wait3A_60 = tpu.memref_slice %arg38[%dma_wait3A_58, %dma_wait3A_59] : memref<10000x128xf32, #tpu.memory_space<vmem_shared>> -> memref<10000x128xf32, #tpu.memory_space<vmem_shared>>
    tpu.wait_indirect_dma semaphore(%arg34 : memref<!tpu.dma_semaphore, #tpu.memory_space<semaphore_mem>>) src(%arg28 : memref<40x128xf32, #tpu.memory_space<vmem>>) dst(%dma_wait3A_60 : memref<10000x128xf32, #tpu.memory_space<vmem_shared>>)
    %dma_wait3A_61 = arith.constant 0 : i32
    %dma_wait3A_62 = arith.constant 0 : i32
    %dma_wait3A_63 = tpu.memref_slice %arg37[%dma_wait3A_61, %dma_wait3A_62] : memref<10000x16xf32, #tpu.memory_space<vmem_shared>> -> memref<10000x16xf32, #tpu.memory_space<vmem_shared>>
    tpu.wait_indirect_dma semaphore(%arg35 : memref<!tpu.dma_semaphore, #tpu.memory_space<semaphore_mem>>) src(%arg26 : memref<40x16xf32, #tpu.memory_space<vmem>>) dst(%dma_wait3A_63 : memref<10000x16xf32, #tpu.memory_space<vmem_shared>>)
    %dma_wait3A_64 = arith.constant 0 : i32
    %dma_wait3A_65 = arith.constant 0 : i32
    %dma_wait3A_66 = tpu.memref_slice %arg38[%dma_wait3A_64, %dma_wait3A_65] : memref<10000x128xf32, #tpu.memory_space<vmem_shared>> -> memref<10000x128xf32, #tpu.memory_space<vmem_shared>>
    tpu.wait_indirect_dma semaphore(%arg35 : memref<!tpu.dma_semaphore, #tpu.memory_space<semaphore_mem>>) src(%arg29 : memref<40x128xf32, #tpu.memory_space<vmem>>) dst(%dma_wait3A_66 : memref<10000x128xf32, #tpu.memory_space<vmem_shared>>)
    %barrier3A_67 = arith.constant 0 : index
    tpu.barrier barrier_id(%barrier3A_67)
    "tpu.region"() ({
      %run_scoped3A_68 = tpu.sem_alloc : memref<!tpu.dma_semaphore, #tpu.memory_space<semaphore_mem>>
      %dma_start3A_69 = arith.constant 0 : i32
      %dma_start3A_70 = tpu.memref_slice %arg10[%arg0, %multiple_of3A, %dma_start3A_69] : memref<2x10000x16xf32, #tpu.memory_space<hbm>> -> memref<1x632x16xf32, #tpu.memory_space<hbm>>
      %dma_start3A_71 = tpu.memref_squeeze %dma_start3A_70 : memref<1x632x16xf32, #tpu.memory_space<hbm>> -> memref<632x16xf32, #tpu.memory_space<hbm>>
      %dma_start3A_72 = arith.constant 0 : i32
      %dma_start3A_73 = tpu.memref_slice %arg37[%multiple_of3A, %dma_start3A_72] : memref<10000x16xf32, #tpu.memory_space<vmem_shared>> -> memref<632x16xf32, #tpu.memory_space<vmem_shared>>
      tpu.enqueue_dma source(%dma_start3A_73 : memref<632x16xf32, #tpu.memory_space<vmem_shared>>) target(%dma_start3A_71 : memref<632x16xf32, #tpu.memory_space<hbm>>) target_semaphore(%run_scoped3A_68 : memref<!tpu.dma_semaphore, #tpu.memory_space<semaphore_mem>>)
      %dma_wait3A_74 = arith.constant 0 : i32
      %dma_wait3A_75 = tpu.memref_slice %arg10[%arg0, %multiple_of3A, %dma_wait3A_74] : memref<2x10000x16xf32, #tpu.memory_space<hbm>> -> memref<1x632x16xf32, #tpu.memory_space<hbm>>
      %dma_wait3A_76 = tpu.memref_squeeze %dma_wait3A_75 : memref<1x632x16xf32, #tpu.memory_space<hbm>> -> memref<632x16xf32, #tpu.memory_space<hbm>>
      %dma_wait3A_77 = arith.constant 0 : i32
      %dma_wait3A_78 = tpu.memref_slice %arg37[%multiple_of3A, %dma_wait3A_77] : memref<10000x16xf32, #tpu.memory_space<vmem_shared>> -> memref<632x16xf32, #tpu.memory_space<vmem_shared>>
      tpu.wait_dma2 semaphore(%run_scoped3A_68 : memref<!tpu.dma_semaphore, #tpu.memory_space<semaphore_mem>>) src(%dma_wait3A_78 : memref<632x16xf32, #tpu.memory_space<vmem_shared>>) dst(%dma_wait3A_76 : memref<632x16xf32, #tpu.memory_space<hbm>>)
      tpu.yield
    }) : () -> ()
    "tpu.region"() ({
      %run_scoped3A_68 = tpu.sem_alloc : memref<!tpu.dma_semaphore, #tpu.memory_space<semaphore_mem>>
      %dma_start3A_69 = arith.constant 0 : i32
      %dma_start3A_70 = tpu.memref_slice %arg11[%arg0, %multiple_of3A, %dma_start3A_69] : memref<2x10000x128xf32, #tpu.memory_space<hbm>> -> memref<1x632x128xf32, #tpu.memory_space<hbm>>
      %dma_start3A_71 = tpu.memref_squeeze %dma_start3A_70 : memref<1x632x128xf32, #tpu.memory_space<hbm>> -> memref<632x128xf32, #tpu.memory_space<hbm>>
      %dma_start3A_72 = arith.constant 0 : i32
      %dma_start3A_73 = tpu.memref_slice %arg38[%multiple_of3A, %dma_start3A_72] : memref<10000x128xf32, #tpu.memory_space<vmem_shared>> -> memref<632x128xf32, #tpu.memory_space<vmem_shared>>
      tpu.enqueue_dma source(%dma_start3A_73 : memref<632x128xf32, #tpu.memory_space<vmem_shared>>) target(%dma_start3A_71 : memref<632x128xf32, #tpu.memory_space<hbm>>) target_semaphore(%run_scoped3A_68 : memref<!tpu.dma_semaphore, #tpu.memory_space<semaphore_mem>>)
      %dma_wait3A_74 = arith.constant 0 : i32
      %dma_wait3A_75 = tpu.memref_slice %arg11[%arg0, %multiple_of3A, %dma_wait3A_74] : memref<2x10000x128xf32, #tpu.memory_space<hbm>> -> memref<1x632x128xf32, #tpu.memory_space<hbm>>
      %dma_wait3A_76 = tpu.memref_squeeze %dma_wait3A_75 : memref<1x632x128xf32, #tpu.memory_space<hbm>> -> memref<632x128xf32, #tpu.memory_space<hbm>>
      %dma_wait3A_77 = arith.constant 0 : i32
      %dma_wait3A_78 = tpu.memref_slice %arg38[%multiple_of3A, %dma_wait3A_77] : memref<10000x128xf32, #tpu.memory_space<vmem_shared>> -> memref<632x128xf32, #tpu.memory_space<vmem_shared>>
      tpu.wait_dma2 semaphore(%run_scoped3A_68 : memref<!tpu.dma_semaphore, #tpu.memory_space<semaphore_mem>>) src(%dma_wait3A_78 : memref<632x128xf32, #tpu.memory_space<vmem_shared>>) dst(%dma_wait3A_76 : memref<632x128xf32, #tpu.memory_space<hbm>>)
      tpu.yield
    }) : () -> ()
    return
  }
}

module attributes {stable_mosaic.version = 14 : i64} {
  func.func @body(%arg0: i32, %arg1: memref<2000x128xf32, #tpu.memory_space<vmem>>, %arg2: memref<128x128xf32, #tpu.memory_space<vmem>>, %arg3: memref<128x16xf32, #tpu.memory_space<vmem>>, %arg4: memref<128x16xf32, #tpu.memory_space<vmem>>, %arg5: memref<2000x128xf32, #tpu.memory_space<vmem>>, %arg6: memref<2000x16xf32, #tpu.memory_space<vmem>>, %arg7: memref<2000x16xf32, #tpu.memory_space<vmem>>, %arg8: memref<16x16xf32, #tpu.memory_space<vmem>>, %arg9: memref<8x128xf32, #tpu.memory_space<vmem>>, %arg10: memref<8x128xf32, #tpu.memory_space<vmem>>) attributes {dimension_semantics = [#tpu.dimension_semantics<arbitrary>], iteration_bounds = array<i64: 5>, scalar_prefetch = 0 : i64, scratch_operands = 2 : i64, tpu.core_type = #tpu.core_type<tc>, window_params = [{transform_indices = @transform_0, window_bounds = array<i64: 2000, 128>}, {pipeline_mode = #tpu.pipeline_mode<synchronous>, transform_indices = @transform_1, window_bounds = array<i64: 128, 128>}, {pipeline_mode = #tpu.pipeline_mode<synchronous>, transform_indices = @transform_2, window_bounds = array<i64: 128, 16>}, {pipeline_mode = #tpu.pipeline_mode<synchronous>, transform_indices = @transform_3, window_bounds = array<i64: 128, 16>}, {transform_indices = @transform_4, window_bounds = array<i64: 2000, 128>}, {transform_indices = @transform_5, window_bounds = array<i64: 2000, 16>}, {transform_indices = @transform_6, window_bounds = array<i64: 2000, 16>}, {pipeline_mode = #tpu.pipeline_mode<synchronous>, transform_indices = @transform_7, window_bounds = array<i64: 16, 16>}]} {
    %get3A = arith.constant 0 : index
    %get3A_0 = arith.constant 0 : index
    %get3A_1 = vector.load %arg1[%get3A, %get3A_0] : memref<2000x128xf32, #tpu.memory_space<vmem>>, vector<2000x128xf32>
    %get3A_2 = arith.constant 0 : index
    %get3A_3 = arith.constant 0 : index
    %get3A_4 = vector.load %arg2[%get3A_2, %get3A_3] : memref<128x128xf32, #tpu.memory_space<vmem>>, vector<128x128xf32>
    %dot_general3A = arith.constant dense<0.000000e+00> : vector<2000x128xf32>
    %dot_general3A_5 = tpu.matmul %get3A_1, %get3A_4, %dot_general3A {dimension_numbers = #tpu.dot_dimension_numbers<[1], [0], [0], [1], [0, 0, 1, 1], [], []>, precision = #tpu.contract_precision<fp32>, transpose_lhs_hint = false} : vector<2000x128xf32>, vector<128x128xf32>, vector<2000x128xf32> -> vector<2000x128xf32>
    %swap3A = arith.constant 0 : index
    %swap3A_6 = arith.constant 0 : index
    %swap3A_7 = vector.load %arg5[%swap3A, %swap3A_6] : memref<2000x128xf32, #tpu.memory_space<vmem>>, vector<2000x128xf32>
    tpu.vector_store %arg5[%swap3A, %swap3A_6], %dot_general3A_5 {strides = array<i32>} : memref<2000x128xf32, #tpu.memory_space<vmem>>, vector<2000x128xf32>,
    %get3A_8 = arith.constant 0 : index
    %get3A_9 = arith.constant 0 : index
    %get3A_10 = vector.load %arg3[%get3A_8, %get3A_9] : memref<128x16xf32, #tpu.memory_space<vmem>>, vector<128x16xf32>
    %dot_general3A_11 = arith.constant dense<0.000000e+00> : vector<2000x16xf32>
    %dot_general3A_12 = tpu.matmul %dot_general3A_5, %get3A_10, %dot_general3A_11 {dimension_numbers = #tpu.dot_dimension_numbers<[1], [0], [0], [1], [0, 0, 1, 1], [], []>, precision = #tpu.contract_precision<fp32>, transpose_lhs_hint = false} : vector<2000x128xf32>, vector<128x16xf32>, vector<2000x16xf32> -> vector<2000x16xf32>
    %get3A_13 = arith.constant 0 : index
    %get3A_14 = arith.constant 0 : index
    %get3A_15 = vector.load %arg4[%get3A_13, %get3A_14] : memref<128x16xf32, #tpu.memory_space<vmem>>, vector<128x16xf32>
    %dot_general3A_16 = arith.constant dense<0.000000e+00> : vector<2000x16xf32>
    %dot_general3A_17 = tpu.matmul %dot_general3A_5, %get3A_15, %dot_general3A_16 {dimension_numbers = #tpu.dot_dimension_numbers<[1], [0], [0], [1], [0, 0, 1, 1], [], []>, precision = #tpu.contract_precision<fp32>, transpose_lhs_hint = false} : vector<2000x128xf32>, vector<128x16xf32>, vector<2000x16xf32> -> vector<2000x16xf32>
    %swap3A_18 = arith.constant 0 : index
    %swap3A_19 = arith.constant 0 : index
    %swap3A_20 = vector.load %arg6[%swap3A_18, %swap3A_19] : memref<2000x16xf32, #tpu.memory_space<vmem>>, vector<2000x16xf32>
    tpu.vector_store %arg6[%swap3A_18, %swap3A_19], %dot_general3A_12 {strides = array<i32>} : memref<2000x16xf32, #tpu.memory_space<vmem>>, vector<2000x16xf32>,
    %swap3A_21 = arith.constant 0 : index
    %swap3A_22 = arith.constant 0 : index
    %swap3A_23 = vector.load %arg7[%swap3A_21, %swap3A_22] : memref<2000x16xf32, #tpu.memory_space<vmem>>, vector<2000x16xf32>
    tpu.vector_store %arg7[%swap3A_21, %swap3A_22], %dot_general3A_17 {strides = array<i32>} : memref<2000x16xf32, #tpu.memory_space<vmem>>, vector<2000x16xf32>,
    %reduce_max3A = vector.shape_cast %dot_general3A_12 : vector<2000x16xf32> to vector<1x2000x16xf32>
    %reduce_max3A_24 = arith.constant dense<0xFF800000> : vector<1xf32>
    %reduce_max3A_25 = vector.multi_reduction <maximumf>, %reduce_max3A, %reduce_max3A_24 [1, 2] : vector<1x2000x16xf32> to vector<1xf32>
    %reduce_max3A_26 = vector.shape_cast %reduce_max3A_25 : vector<1xf32> to vector<1x1x1xf32>
    %reduce_max3A_27 = vector.extract %reduce_max3A_26[0, 0, 0] : f32 from vector<1x1x1xf32>
    %broadcast_in_dim3A = vector.broadcast %reduce_max3A_27 : f32 to vector<8x128xf32>
    %reduce_max3A_28 = vector.shape_cast %dot_general3A_17 : vector<2000x16xf32> to vector<1x2000x16xf32>
    %reduce_max3A_29 = arith.constant dense<0xFF800000> : vector<1xf32>
    %reduce_max3A_30 = vector.multi_reduction <maximumf>, %reduce_max3A_28, %reduce_max3A_29 [1, 2] : vector<1x2000x16xf32> to vector<1xf32>
    %reduce_max3A_31 = vector.shape_cast %reduce_max3A_30 : vector<1xf32> to vector<1x1x1xf32>
    %reduce_max3A_32 = vector.extract %reduce_max3A_31[0, 0, 0] : f32 from vector<1x1x1xf32>
    %broadcast_in_dim3A_33 = vector.broadcast %reduce_max3A_32 : f32 to vector<8x128xf32>
    %eq3A = arith.constant 0 : i32
    %eq3A_34 = arith.cmpi eq, %arg0, %eq3A : i32
    %broadcast_in_dim3A_35 = arith.constant 0xFF800000 : f32
    %broadcast_in_dim3A_36 = vector.broadcast %broadcast_in_dim3A_35 : f32 to vector<8x128xf32>
    %get3A_37 = arith.constant 0 : index
    %get3A_38 = arith.constant 0 : index
    %get3A_39 = vector.load %arg9[%get3A_37, %get3A_38] : memref<8x128xf32, #tpu.memory_space<vmem>>, vector<8x128xf32>
    %select_n3A = arith.select %eq3A_34, %broadcast_in_dim3A_36, %get3A_39 : vector<8x128xf32>
    %eq3A_40 = arith.constant 0 : i32
    %eq3A_41 = arith.cmpi eq, %arg0, %eq3A_40 : i32
    %broadcast_in_dim3A_42 = arith.constant 0xFF800000 : f32
    %broadcast_in_dim3A_43 = vector.broadcast %broadcast_in_dim3A_42 : f32 to vector<8x128xf32>
    %get3A_44 = arith.constant 0 : index
    %get3A_45 = arith.constant 0 : index
    %get3A_46 = vector.load %arg10[%get3A_44, %get3A_45] : memref<8x128xf32, #tpu.memory_space<vmem>>, vector<8x128xf32>
    %select_n3A_47 = arith.select %eq3A_41, %broadcast_in_dim3A_43, %get3A_46 : vector<8x128xf32>
    %max3A = arith.maximumf %select_n3A, %broadcast_in_dim3A : vector<8x128xf32>
    %swap3A_48 = arith.constant 0 : index
    %swap3A_49 = arith.constant 0 : index
    %swap3A_50 = vector.load %arg9[%swap3A_48, %swap3A_49] : memref<8x128xf32, #tpu.memory_space<vmem>>, vector<8x128xf32>
    tpu.vector_store %arg9[%swap3A_48, %swap3A_49], %max3A {strides = array<i32>} : memref<8x128xf32, #tpu.memory_space<vmem>>, vector<8x128xf32>,
    %max3A_51 = arith.maximumf %select_n3A_47, %broadcast_in_dim3A_33 : vector<8x128xf32>
    %swap3A_52 = arith.constant 0 : index
    %swap3A_53 = arith.constant 0 : index
    %swap3A_54 = vector.load %arg10[%swap3A_52, %swap3A_53] : memref<8x128xf32, #tpu.memory_space<vmem>>, vector<8x128xf32>
    tpu.vector_store %arg10[%swap3A_52, %swap3A_53], %max3A_51 {strides = array<i32>} : memref<8x128xf32, #tpu.memory_space<vmem>>, vector<8x128xf32>,
    %eq3A_55 = arith.constant 4 : i32
    %eq3A_56 = arith.cmpi eq, %arg0, %eq3A_55 : i32
    %convert_element_type3A = arith.extui %eq3A_56 : i1 to i32
    %cond3A = arith.constant 0 : i32
    %cond3A_57 = arith.cmpi ne, %convert_element_type3A, %cond3A : i32
    scf.if %cond3A_57 {
      %get3A_58 = arith.constant 0 : index
      %get3A_59 = arith.constant 0 : index
      %get3A_60 = vector.load %arg9[%get3A_58, %get3A_59] : memref<8x128xf32, #tpu.memory_space<vmem>>, vector<8x128xf32>
      %reduce_max3A_61 = vector.shape_cast %get3A_60 : vector<8x128xf32> to vector<1x8x128xf32>
      %reduce_max3A_62 = arith.constant dense<0xFF800000> : vector<1xf32>
      %reduce_max3A_63 = vector.multi_reduction <maximumf>, %reduce_max3A_61, %reduce_max3A_62 [1, 2] : vector<1x8x128xf32> to vector<1xf32>
      %reduce_max3A_64 = vector.shape_cast %reduce_max3A_63 : vector<1xf32> to vector<1x1x1xf32>
      %reduce_max3A_65 = vector.extract %reduce_max3A_64[0, 0, 0] : f32 from vector<1x1x1xf32>
      %get3A_66 = arith.constant 0 : index
      %get3A_67 = arith.constant 0 : index
      %get3A_68 = vector.load %arg10[%get3A_66, %get3A_67] : memref<8x128xf32, #tpu.memory_space<vmem>>, vector<8x128xf32>
      %reduce_max3A_69 = vector.shape_cast %get3A_68 : vector<8x128xf32> to vector<1x8x128xf32>
      %reduce_max3A_70 = arith.constant dense<0xFF800000> : vector<1xf32>
      %reduce_max3A_71 = vector.multi_reduction <maximumf>, %reduce_max3A_69, %reduce_max3A_70 [1, 2] : vector<1x8x128xf32> to vector<1xf32>
      %reduce_max3A_72 = vector.shape_cast %reduce_max3A_71 : vector<1xf32> to vector<1x1x1xf32>
      %reduce_max3A_73 = vector.extract %reduce_max3A_72[0, 0, 0] : f32 from vector<1x1x1xf32>
      %add3A = arith.addf %reduce_max3A_65, %reduce_max3A_73 : f32
      %broadcast_in_dim3A_74 = vector.broadcast %add3A : f32 to vector<16x16xf32>
      %swap3A_75 = arith.constant 0 : index
      %swap3A_76 = arith.constant 0 : index
      %swap3A_77 = vector.load %arg8[%swap3A_75, %swap3A_76] : memref<16x16xf32, #tpu.memory_space<vmem>>, vector<16x16xf32>
      tpu.vector_store %arg8[%swap3A_75, %swap3A_76], %broadcast_in_dim3A_74 {strides = array<i32>} : memref<16x16xf32, #tpu.memory_space<vmem>>, vector<16x16xf32>,
    } else {
    }
    return
  }
  func.func @transform_0(%arg0: i32) -> (i32, i32) {
    %c0_i32 = arith.constant 0 : i32
    %c0_i32_0 = arith.constant 0 : i32
    return %arg0, %c0_i32 : i32, i32
  }
  func.func @transform_1(%arg0: i32) -> (i32, i32) {
    %c0_i32 = arith.constant 0 : i32
    %c0_i32_0 = arith.constant 0 : i32
    %c0_i32_1 = arith.constant 0 : i32
    return %c0_i32, %c0_i32_0 : i32, i32
  }
  func.func @transform_2(%arg0: i32) -> (i32, i32) {
    %c0_i32 = arith.constant 0 : i32
    %c0_i32_0 = arith.constant 0 : i32
    %c0_i32_1 = arith.constant 0 : i32
    return %c0_i32, %c0_i32_0 : i32, i32
  }
  func.func @transform_3(%arg0: i32) -> (i32, i32) {
    %c0_i32 = arith.constant 0 : i32
    %c0_i32_0 = arith.constant 0 : i32
    %c0_i32_1 = arith.constant 0 : i32
    return %c0_i32, %c0_i32_0 : i32, i32
  }
  func.func @transform_4(%arg0: i32) -> (i32, i32) {
    %c0_i32 = arith.constant 0 : i32
    %c0_i32_0 = arith.constant 0 : i32
    return %arg0, %c0_i32 : i32, i32
  }
  func.func @transform_5(%arg0: i32) -> (i32, i32) {
    %c0_i32 = arith.constant 0 : i32
    %c0_i32_0 = arith.constant 0 : i32
    return %arg0, %c0_i32 : i32, i32
  }
  func.func @transform_6(%arg0: i32) -> (i32, i32) {
    %c0_i32 = arith.constant 0 : i32
    %c0_i32_0 = arith.constant 0 : i32
    return %arg0, %c0_i32 : i32, i32
  }
  func.func @transform_7(%arg0: i32) -> (i32, i32) {
    %c0_i32 = arith.constant 0 : i32
    %c0_i32_0 = arith.constant 0 : i32
    %c0_i32_1 = arith.constant 0 : i32
    return %c0_i32, %c0_i32_0 : i32, i32
  }
}

module attributes {stable_mosaic.version = 14 : i64} {
  func.func @body(%arg0: i32, %arg1: memref<2000x128xf32, #tpu.memory_space<vmem>>, %arg2: memref<2000x128xf32, #tpu.memory_space<vmem>>, %arg3: memref<2000x16xf32, #tpu.memory_space<vmem>>, %arg4: memref<2000x16xf32, #tpu.memory_space<vmem>>, %arg5: memref<16x128xf32, #tpu.memory_space<vmem>>, %arg6: memref<1x128xf32, #tpu.memory_space<vmem>>, %arg7: memref<128x64xf32, #tpu.memory_space<vmem>>, %arg8: memref<64x16xf32, #tpu.memory_space<vmem>>, %arg9: memref<64x16xf32, #tpu.memory_space<vmem>>, %arg10: memref<2000x64xf32, #tpu.memory_space<vmem>>, %arg11: memref<2000x16xf32, #tpu.memory_space<vmem>>, %arg12: memref<2000x16xf32, #tpu.memory_space<vmem>>, %arg13: memref<16x16xf32, #tpu.memory_space<vmem>>, %arg14: memref<8x128xf32, #tpu.memory_space<vmem>>, %arg15: memref<8x128xf32, #tpu.memory_space<vmem>>) attributes {dimension_semantics = [#tpu.dimension_semantics<arbitrary>], iteration_bounds = array<i64: 5>, scalar_prefetch = 0 : i64, scratch_operands = 2 : i64, tpu.core_type = #tpu.core_type<tc>, window_params = [{transform_indices = @transform_0, window_bounds = array<i64: 2000, 128>}, {transform_indices = @transform_1, window_bounds = array<i64: 2000, 128>}, {transform_indices = @transform_2, window_bounds = array<i64: 2000, 16>}, {transform_indices = @transform_3, window_bounds = array<i64: 2000, 16>}, {pipeline_mode = #tpu.pipeline_mode<synchronous>, transform_indices = @transform_4, window_bounds = array<i64: 16, 128>}, {pipeline_mode = #tpu.pipeline_mode<synchronous>, transform_indices = @transform_5, window_bounds = array<i64: 1, 128>}, {pipeline_mode = #tpu.pipeline_mode<synchronous>, transform_indices = @transform_6, window_bounds = array<i64: 128, 64>}, {pipeline_mode = #tpu.pipeline_mode<synchronous>, transform_indices = @transform_7, window_bounds = array<i64: 64, 16>}, {pipeline_mode = #tpu.pipeline_mode<synchronous>, transform_indices = @transform_8, window_bounds = array<i64: 64, 16>}, {transform_indices = @transform_9, window_bounds = array<i64: 2000, 64>}, {transform_indices = @transform_10, window_bounds = array<i64: 2000, 16>}, {transform_indices = @transform_11, window_bounds = array<i64: 2000, 16>}, {pipeline_mode = #tpu.pipeline_mode<synchronous>, transform_indices = @transform_12, window_bounds = array<i64: 16, 16>}]} {
    %get3A = arith.constant 0 : index
    %get3A_0 = arith.constant 0 : index
    %get3A_1 = vector.load %arg3[%get3A, %get3A_0] : memref<2000x16xf32, #tpu.memory_space<vmem>>, vector<2000x16xf32>
    %get3A_2 = arith.constant 0 : index
    %get3A_3 = arith.constant 0 : index
    %get3A_4 = vector.load %arg4[%get3A_2, %get3A_3] : memref<2000x16xf32, #tpu.memory_space<vmem>>, vector<2000x16xf32>
    %add3A = arith.addf %get3A_1, %get3A_4 : vector<2000x16xf32>
    %add3A_5 = arith.constant 1.000000e-16 : f32
    %add3A_6 = vector.broadcast %add3A_5 : f32 to vector<2000x16xf32>
    %add3A_7 = arith.addf %add3A, %add3A_6 : vector<2000x16xf32>
    %div3A = arith.constant 1.000000e+00 : f32
    %div3A_8 = vector.broadcast %div3A : f32 to vector<2000x16xf32>
    %div3A_9 = arith.divf %div3A_8, %add3A_7 : vector<2000x16xf32>
    %get3A_10 = arith.constant 0 : index
    %get3A_11 = arith.constant 0 : index
    %get3A_12 = vector.load %arg5[%get3A_10, %get3A_11] : memref<16x128xf32, #tpu.memory_space<vmem>>, vector<16x128xf32>
    %dot_general3A = arith.constant dense<0.000000e+00> : vector<2000x128xf32>
    %dot_general3A_13 = tpu.matmul %div3A_9, %get3A_12, %dot_general3A {dimension_numbers = #tpu.dot_dimension_numbers<[1], [0], [0], [1], [0, 0, 1, 1], [], []>, precision = #tpu.contract_precision<fp32>, transpose_lhs_hint = false} : vector<2000x16xf32>, vector<16x128xf32>, vector<2000x128xf32> -> vector<2000x128xf32>
    %get3A_14 = arith.constant 0 : index
    %get3A_15 = arith.constant 0 : index
    %get3A_16 = vector.load %arg1[%get3A_14, %get3A_15] : memref<2000x128xf32, #tpu.memory_space<vmem>>, vector<2000x128xf32>
    %get3A_17 = arith.constant 0 : index
    %get3A_18 = arith.constant 0 : index
    %get3A_19 = vector.load %arg2[%get3A_17, %get3A_18] : memref<2000x128xf32, #tpu.memory_space<vmem>>, vector<2000x128xf32>
    %add3A_20 = arith.addf %get3A_16, %get3A_19 : vector<2000x128xf32>
    %mul3A = arith.mulf %add3A_20, %dot_general3A_13 : vector<2000x128xf32>
    %get3A_21 = arith.constant 0 : index
    %get3A_22 = arith.constant 0 : index
    %get3A_23 = vector.load %arg6[%get3A_21, %get3A_22] : memref<1x128xf32, #tpu.memory_space<vmem>>, vector<1x128xf32>
    %add3A_24 = vector.broadcast %get3A_23 : vector<1x128xf32> to vector<2000x128xf32>
    %add3A_25 = arith.addf %mul3A, %add3A_24 : vector<2000x128xf32>
    %mul3A_26 = arith.constant 2.000000e-01 : f32
    %mul3A_27 = vector.broadcast %mul3A_26 : f32 to vector<2000x128xf32>
    %mul3A_28 = arith.mulf %mul3A_27, %add3A_25 : vector<2000x128xf32>
    %max3A = arith.maximumf %add3A_25, %mul3A_28 : vector<2000x128xf32>
    %get3A_29 = arith.constant 0 : index
    %get3A_30 = arith.constant 0 : index
    %get3A_31 = vector.load %arg7[%get3A_29, %get3A_30] : memref<128x64xf32, #tpu.memory_space<vmem>>, vector<128x64xf32>
    %dot_general3A_32 = arith.constant dense<0.000000e+00> : vector<2000x64xf32>
    %dot_general3A_33 = tpu.matmul %max3A, %get3A_31, %dot_general3A_32 {dimension_numbers = #tpu.dot_dimension_numbers<[1], [0], [0], [1], [0, 0, 1, 1], [], []>, precision = #tpu.contract_precision<fp32>, transpose_lhs_hint = false} : vector<2000x128xf32>, vector<128x64xf32>, vector<2000x64xf32> -> vector<2000x64xf32>
    %swap3A = arith.constant 0 : index
    %swap3A_34 = arith.constant 0 : index
    %swap3A_35 = vector.load %arg10[%swap3A, %swap3A_34] : memref<2000x64xf32, #tpu.memory_space<vmem>>, vector<2000x64xf32>
    tpu.vector_store %arg10[%swap3A, %swap3A_34], %dot_general3A_33 {strides = array<i32>} : memref<2000x64xf32, #tpu.memory_space<vmem>>, vector<2000x64xf32>,
    %get3A_36 = arith.constant 0 : index
    %get3A_37 = arith.constant 0 : index
    %get3A_38 = vector.load %arg8[%get3A_36, %get3A_37] : memref<64x16xf32, #tpu.memory_space<vmem>>, vector<64x16xf32>
    %dot_general3A_39 = arith.constant dense<0.000000e+00> : vector<2000x16xf32>
    %dot_general3A_40 = tpu.matmul %dot_general3A_33, %get3A_38, %dot_general3A_39 {dimension_numbers = #tpu.dot_dimension_numbers<[1], [0], [0], [1], [0, 0, 1, 1], [], []>, precision = #tpu.contract_precision<fp32>, transpose_lhs_hint = false} : vector<2000x64xf32>, vector<64x16xf32>, vector<2000x16xf32> -> vector<2000x16xf32>
    %get3A_41 = arith.constant 0 : index
    %get3A_42 = arith.constant 0 : index
    %get3A_43 = vector.load %arg9[%get3A_41, %get3A_42] : memref<64x16xf32, #tpu.memory_space<vmem>>, vector<64x16xf32>
    %dot_general3A_44 = arith.constant dense<0.000000e+00> : vector<2000x16xf32>
    %dot_general3A_45 = tpu.matmul %dot_general3A_33, %get3A_43, %dot_general3A_44 {dimension_numbers = #tpu.dot_dimension_numbers<[1], [0], [0], [1], [0, 0, 1, 1], [], []>, precision = #tpu.contract_precision<fp32>, transpose_lhs_hint = false} : vector<2000x64xf32>, vector<64x16xf32>, vector<2000x16xf32> -> vector<2000x16xf32>
    %swap3A_46 = arith.constant 0 : index
    %swap3A_47 = arith.constant 0 : index
    %swap3A_48 = vector.load %arg11[%swap3A_46, %swap3A_47] : memref<2000x16xf32, #tpu.memory_space<vmem>>, vector<2000x16xf32>
    tpu.vector_store %arg11[%swap3A_46, %swap3A_47], %dot_general3A_40 {strides = array<i32>} : memref<2000x16xf32, #tpu.memory_space<vmem>>, vector<2000x16xf32>,
    %swap3A_49 = arith.constant 0 : index
    %swap3A_50 = arith.constant 0 : index
    %swap3A_51 = vector.load %arg12[%swap3A_49, %swap3A_50] : memref<2000x16xf32, #tpu.memory_space<vmem>>, vector<2000x16xf32>
    tpu.vector_store %arg12[%swap3A_49, %swap3A_50], %dot_general3A_45 {strides = array<i32>} : memref<2000x16xf32, #tpu.memory_space<vmem>>, vector<2000x16xf32>,
    %reduce_max3A = vector.shape_cast %dot_general3A_40 : vector<2000x16xf32> to vector<1x2000x16xf32>
    %reduce_max3A_52 = arith.constant dense<0xFF800000> : vector<1xf32>
    %reduce_max3A_53 = vector.multi_reduction <maximumf>, %reduce_max3A, %reduce_max3A_52 [1, 2] : vector<1x2000x16xf32> to vector<1xf32>
    %reduce_max3A_54 = vector.shape_cast %reduce_max3A_53 : vector<1xf32> to vector<1x1x1xf32>
    %reduce_max3A_55 = vector.extract %reduce_max3A_54[0, 0, 0] : f32 from vector<1x1x1xf32>
    %broadcast_in_dim3A = vector.broadcast %reduce_max3A_55 : f32 to vector<8x128xf32>
    %reduce_max3A_56 = vector.shape_cast %dot_general3A_45 : vector<2000x16xf32> to vector<1x2000x16xf32>
    %reduce_max3A_57 = arith.constant dense<0xFF800000> : vector<1xf32>
    %reduce_max3A_58 = vector.multi_reduction <maximumf>, %reduce_max3A_56, %reduce_max3A_57 [1, 2] : vector<1x2000x16xf32> to vector<1xf32>
    %reduce_max3A_59 = vector.shape_cast %reduce_max3A_58 : vector<1xf32> to vector<1x1x1xf32>
    %reduce_max3A_60 = vector.extract %reduce_max3A_59[0, 0, 0] : f32 from vector<1x1x1xf32>
    %broadcast_in_dim3A_61 = vector.broadcast %reduce_max3A_60 : f32 to vector<8x128xf32>
    %eq3A = arith.constant 0 : i32
    %eq3A_62 = arith.cmpi eq, %arg0, %eq3A : i32
    %broadcast_in_dim3A_63 = arith.constant 0xFF800000 : f32
    %broadcast_in_dim3A_64 = vector.broadcast %broadcast_in_dim3A_63 : f32 to vector<8x128xf32>
    %get3A_65 = arith.constant 0 : index
    %get3A_66 = arith.constant 0 : index
    %get3A_67 = vector.load %arg14[%get3A_65, %get3A_66] : memref<8x128xf32, #tpu.memory_space<vmem>>, vector<8x128xf32>
    %select_n3A = arith.select %eq3A_62, %broadcast_in_dim3A_64, %get3A_67 : vector<8x128xf32>
    %eq3A_68 = arith.constant 0 : i32
    %eq3A_69 = arith.cmpi eq, %arg0, %eq3A_68 : i32
    %broadcast_in_dim3A_70 = arith.constant 0xFF800000 : f32
    %broadcast_in_dim3A_71 = vector.broadcast %broadcast_in_dim3A_70 : f32 to vector<8x128xf32>
    %get3A_72 = arith.constant 0 : index
    %get3A_73 = arith.constant 0 : index
    %get3A_74 = vector.load %arg15[%get3A_72, %get3A_73] : memref<8x128xf32, #tpu.memory_space<vmem>>, vector<8x128xf32>
    %select_n3A_75 = arith.select %eq3A_69, %broadcast_in_dim3A_71, %get3A_74 : vector<8x128xf32>
    %max3A_76 = arith.maximumf %select_n3A, %broadcast_in_dim3A : vector<8x128xf32>
    %swap3A_77 = arith.constant 0 : index
    %swap3A_78 = arith.constant 0 : index
    %swap3A_79 = vector.load %arg14[%swap3A_77, %swap3A_78] : memref<8x128xf32, #tpu.memory_space<vmem>>, vector<8x128xf32>
    tpu.vector_store %arg14[%swap3A_77, %swap3A_78], %max3A_76 {strides = array<i32>} : memref<8x128xf32, #tpu.memory_space<vmem>>, vector<8x128xf32>,
    %max3A_80 = arith.maximumf %select_n3A_75, %broadcast_in_dim3A_61 : vector<8x128xf32>
    %swap3A_81 = arith.constant 0 : index
    %swap3A_82 = arith.constant 0 : index
    %swap3A_83 = vector.load %arg15[%swap3A_81, %swap3A_82] : memref<8x128xf32, #tpu.memory_space<vmem>>, vector<8x128xf32>
    tpu.vector_store %arg15[%swap3A_81, %swap3A_82], %max3A_80 {strides = array<i32>} : memref<8x128xf32, #tpu.memory_space<vmem>>, vector<8x128xf32>,
    %eq3A_84 = arith.constant 4 : i32
    %eq3A_85 = arith.cmpi eq, %arg0, %eq3A_84 : i32
    %convert_element_type3A = arith.extui %eq3A_85 : i1 to i32
    %cond3A = arith.constant 0 : i32
    %cond3A_86 = arith.cmpi ne, %convert_element_type3A, %cond3A : i32
    scf.if %cond3A_86 {
      %get3A_87 = arith.constant 0 : index
      %get3A_88 = arith.constant 0 : index
      %get3A_89 = vector.load %arg14[%get3A_87, %get3A_88] : memref<8x128xf32, #tpu.memory_space<vmem>>, vector<8x128xf32>
      %reduce_max3A_90 = vector.shape_cast %get3A_89 : vector<8x128xf32> to vector<1x8x128xf32>
      %reduce_max3A_91 = arith.constant dense<0xFF800000> : vector<1xf32>
      %reduce_max3A_92 = vector.multi_reduction <maximumf>, %reduce_max3A_90, %reduce_max3A_91 [1, 2] : vector<1x8x128xf32> to vector<1xf32>
      %reduce_max3A_93 = vector.shape_cast %reduce_max3A_92 : vector<1xf32> to vector<1x1x1xf32>
      %reduce_max3A_94 = vector.extract %reduce_max3A_93[0, 0, 0] : f32 from vector<1x1x1xf32>
      %get3A_95 = arith.constant 0 : index
      %get3A_96 = arith.constant 0 : index
      %get3A_97 = vector.load %arg15[%get3A_95, %get3A_96] : memref<8x128xf32, #tpu.memory_space<vmem>>, vector<8x128xf32>
      %reduce_max3A_98 = vector.shape_cast %get3A_97 : vector<8x128xf32> to vector<1x8x128xf32>
      %reduce_max3A_99 = arith.constant dense<0xFF800000> : vector<1xf32>
      %reduce_max3A_100 = vector.multi_reduction <maximumf>, %reduce_max3A_98, %reduce_max3A_99 [1, 2] : vector<1x8x128xf32> to vector<1xf32>
      %reduce_max3A_101 = vector.shape_cast %reduce_max3A_100 : vector<1xf32> to vector<1x1x1xf32>
      %reduce_max3A_102 = vector.extract %reduce_max3A_101[0, 0, 0] : f32 from vector<1x1x1xf32>
      %add3A_103 = arith.addf %reduce_max3A_94, %reduce_max3A_102 : f32
      %broadcast_in_dim3A_104 = vector.broadcast %add3A_103 : f32 to vector<16x16xf32>
      %swap3A_105 = arith.constant 0 : index
      %swap3A_106 = arith.constant 0 : index
      %swap3A_107 = vector.load %arg13[%swap3A_105, %swap3A_106] : memref<16x16xf32, #tpu.memory_space<vmem>>, vector<16x16xf32>
      tpu.vector_store %arg13[%swap3A_105, %swap3A_106], %broadcast_in_dim3A_104 {strides = array<i32>} : memref<16x16xf32, #tpu.memory_space<vmem>>, vector<16x16xf32>,
    } else {
    }
    return
  }
  func.func @transform_0(%arg0: i32) -> (i32, i32) {
    %c0_i32 = arith.constant 0 : i32
    %c0_i32_0 = arith.constant 0 : i32
    return %arg0, %c0_i32 : i32, i32
  }
  func.func @transform_1(%arg0: i32) -> (i32, i32) {
    %c0_i32 = arith.constant 0 : i32
    %c0_i32_0 = arith.constant 0 : i32
    return %arg0, %c0_i32 : i32, i32
  }
  func.func @transform_2(%arg0: i32) -> (i32, i32) {
    %c0_i32 = arith.constant 0 : i32
    %c0_i32_0 = arith.constant 0 : i32
    return %arg0, %c0_i32 : i32, i32
  }
  func.func @transform_3(%arg0: i32) -> (i32, i32) {
    %c0_i32 = arith.constant 0 : i32
    %c0_i32_0 = arith.constant 0 : i32
    return %arg0, %c0_i32 : i32, i32
  }
  func.func @transform_4(%arg0: i32) -> (i32, i32) {
    %c0_i32 = arith.constant 0 : i32
    %c0_i32_0 = arith.constant 0 : i32
    %c0_i32_1 = arith.constant 0 : i32
    return %c0_i32, %c0_i32_0 : i32, i32
  }
  func.func @transform_5(%arg0: i32) -> (i32, i32) {
    %c0_i32 = arith.constant 0 : i32
    %c0_i32_0 = arith.constant 0 : i32
    %c0_i32_1 = arith.constant 0 : i32
    return %c0_i32, %c0_i32_0 : i32, i32
  }
  func.func @transform_6(%arg0: i32) -> (i32, i32) {
    %c0_i32 = arith.constant 0 : i32
    %c0_i32_0 = arith.constant 0 : i32
    %c0_i32_1 = arith.constant 0 : i32
    return %c0_i32, %c0_i32_0 : i32, i32
  }
  func.func @transform_7(%arg0: i32) -> (i32, i32) {
    %c0_i32 = arith.constant 0 : i32
    %c0_i32_0 = arith.constant 0 : i32
    %c0_i32_1 = arith.constant 0 : i32
    return %c0_i32, %c0_i32_0 : i32, i32
  }
  func.func @transform_8(%arg0: i32) -> (i32, i32) {
    %c0_i32 = arith.constant 0 : i32
    %c0_i32_0 = arith.constant 0 : i32
    %c0_i32_1 = arith.constant 0 : i32
    return %c0_i32, %c0_i32_0 : i32, i32
  }
  func.func @transform_9(%arg0: i32) -> (i32, i32) {
    %c0_i32 = arith.constant 0 : i32
    %c0_i32_0 = arith.constant 0 : i32
    return %arg0, %c0_i32 : i32, i32
  }
  func.func @transform_10(%arg0: i32) -> (i32, i32) {
    %c0_i32 = arith.constant 0 : i32
    %c0_i32_0 = arith.constant 0 : i32
    return %arg0, %c0_i32 : i32, i32
  }
  func.func @transform_11(%arg0: i32) -> (i32, i32) {
    %c0_i32 = arith.constant 0 : i32
    %c0_i32_0 = arith.constant 0 : i32
    return %arg0, %c0_i32 : i32, i32
  }
  func.func @transform_12(%arg0: i32) -> (i32, i32) {
    %c0_i32 = arith.constant 0 : i32
    %c0_i32_0 = arith.constant 0 : i32
    %c0_i32_1 = arith.constant 0 : i32
    return %c0_i32, %c0_i32_0 : i32, i32
  }
}

module attributes {stable_mosaic.version = 14 : i64} {
  func.func @body(%arg0: i32, %arg1: memref<2000x64xf32, #tpu.memory_space<vmem>>, %arg2: memref<2000x64xf32, #tpu.memory_space<vmem>>, %arg3: memref<2000x16xf32, #tpu.memory_space<vmem>>, %arg4: memref<2000x16xf32, #tpu.memory_space<vmem>>, %arg5: memref<16x64xf32, #tpu.memory_space<vmem>>, %arg6: memref<1x64xf32, #tpu.memory_space<vmem>>, %arg7: memref<2000x64xf32, #tpu.memory_space<vmem>>) attributes {dimension_semantics = [#tpu.dimension_semantics<arbitrary>], iteration_bounds = array<i64: 5>, scalar_prefetch = 0 : i64, scratch_operands = 0 : i64, tpu.core_type = #tpu.core_type<tc>, window_params = [{transform_indices = @transform_0, window_bounds = array<i64: 2000, 64>}, {transform_indices = @transform_1, window_bounds = array<i64: 2000, 64>}, {transform_indices = @transform_2, window_bounds = array<i64: 2000, 16>}, {transform_indices = @transform_3, window_bounds = array<i64: 2000, 16>}, {pipeline_mode = #tpu.pipeline_mode<synchronous>, transform_indices = @transform_4, window_bounds = array<i64: 16, 64>}, {pipeline_mode = #tpu.pipeline_mode<synchronous>, transform_indices = @transform_5, window_bounds = array<i64: 1, 64>}, {transform_indices = @transform_6, window_bounds = array<i64: 2000, 64>}]} {
    %get3A = arith.constant 0 : index
    %get3A_0 = arith.constant 0 : index
    %get3A_1 = vector.load %arg3[%get3A, %get3A_0] : memref<2000x16xf32, #tpu.memory_space<vmem>>, vector<2000x16xf32>
    %get3A_2 = arith.constant 0 : index
    %get3A_3 = arith.constant 0 : index
    %get3A_4 = vector.load %arg4[%get3A_2, %get3A_3] : memref<2000x16xf32, #tpu.memory_space<vmem>>, vector<2000x16xf32>
    %add3A = arith.addf %get3A_1, %get3A_4 : vector<2000x16xf32>
    %add3A_5 = arith.constant 1.000000e-16 : f32
    %add3A_6 = vector.broadcast %add3A_5 : f32 to vector<2000x16xf32>
    %add3A_7 = arith.addf %add3A, %add3A_6 : vector<2000x16xf32>
    %div3A = arith.constant 1.000000e+00 : f32
    %div3A_8 = vector.broadcast %div3A : f32 to vector<2000x16xf32>
    %div3A_9 = arith.divf %div3A_8, %add3A_7 : vector<2000x16xf32>
    %get3A_10 = arith.constant 0 : index
    %get3A_11 = arith.constant 0 : index
    %get3A_12 = vector.load %arg5[%get3A_10, %get3A_11] : memref<16x64xf32, #tpu.memory_space<vmem>>, vector<16x64xf32>
    %dot_general3A = arith.constant dense<0.000000e+00> : vector<2000x64xf32>
    %dot_general3A_13 = tpu.matmul %div3A_9, %get3A_12, %dot_general3A {dimension_numbers = #tpu.dot_dimension_numbers<[1], [0], [0], [1], [0, 0, 1, 1], [], []>, precision = #tpu.contract_precision<fp32>, transpose_lhs_hint = false} : vector<2000x16xf32>, vector<16x64xf32>, vector<2000x64xf32> -> vector<2000x64xf32>
    %get3A_14 = arith.constant 0 : index
    %get3A_15 = arith.constant 0 : index
    %get3A_16 = vector.load %arg1[%get3A_14, %get3A_15] : memref<2000x64xf32, #tpu.memory_space<vmem>>, vector<2000x64xf32>
    %get3A_17 = arith.constant 0 : index
    %get3A_18 = arith.constant 0 : index
    %get3A_19 = vector.load %arg2[%get3A_17, %get3A_18] : memref<2000x64xf32, #tpu.memory_space<vmem>>, vector<2000x64xf32>
    %add3A_20 = arith.addf %get3A_16, %get3A_19 : vector<2000x64xf32>
    %mul3A = arith.mulf %add3A_20, %dot_general3A_13 : vector<2000x64xf32>
    %get3A_21 = arith.constant 0 : index
    %get3A_22 = arith.constant 0 : index
    %get3A_23 = vector.load %arg6[%get3A_21, %get3A_22] : memref<1x64xf32, #tpu.memory_space<vmem>>, vector<1x64xf32>
    %add3A_24 = vector.broadcast %get3A_23 : vector<1x64xf32> to vector<2000x64xf32>
    %add3A_25 = arith.addf %mul3A, %add3A_24 : vector<2000x64xf32>
    %swap3A = arith.constant 0 : index
    %swap3A_26 = arith.constant 0 : index
    %swap3A_27 = vector.load %arg7[%swap3A, %swap3A_26] : memref<2000x64xf32, #tpu.memory_space<vmem>>, vector<2000x64xf32>
    tpu.vector_store %arg7[%swap3A, %swap3A_26], %add3A_25 {strides = array<i32>} : memref<2000x64xf32, #tpu.memory_space<vmem>>, vector<2000x64xf32>,
    return
  }
  func.func @transform_0(%arg0: i32) -> (i32, i32) {
    %c0_i32 = arith.constant 0 : i32
    %c0_i32_0 = arith.constant 0 : i32
    return %arg0, %c0_i32 : i32, i32
  }
  func.func @transform_1(%arg0: i32) -> (i32, i32) {
    %c0_i32 = arith.constant 0 : i32
    %c0_i32_0 = arith.constant 0 : i32
    return %arg0, %c0_i32 : i32, i32
  }
  func.func @transform_2(%arg0: i32) -> (i32, i32) {
    %c0_i32 = arith.constant 0 : i32
    %c0_i32_0 = arith.constant 0 : i32
    return %arg0, %c0_i32 : i32, i32
  }
  func.func @transform_3(%arg0: i32) -> (i32, i32) {
    %c0_i32 = arith.constant 0 : i32
    %c0_i32_0 = arith.constant 0 : i32
    return %arg0, %c0_i32 : i32, i32
  }
  func.func @transform_4(%arg0: i32) -> (i32, i32) {
    %c0_i32 = arith.constant 0 : i32
    %c0_i32_0 = arith.constant 0 : i32
    %c0_i32_1 = arith.constant 0 : i32
    return %c0_i32, %c0_i32_0 : i32, i32
  }
  func.func @transform_5(%arg0: i32) -> (i32, i32) {
    %c0_i32 = arith.constant 0 : i32
    %c0_i32_0 = arith.constant 0 : i32
    %c0_i32_1 = arith.constant 0 : i32
    return %c0_i32, %c0_i32_0 : i32, i32
  }
  func.func @transform_6(%arg0: i32) -> (i32, i32) {
    %c0_i32 = arith.constant 0 : i32
    %c0_i32_0 = arith.constant 0 : i32
    return %arg0, %c0_i32 : i32, i32
  }
}

</mosaic_0001>

<sc_bundles>
// kernel: kernel.10.cloned.1.call-start
scs
__scs_entry_jumppad:
0x0: {  	(pc) =	sbr.rel $0x88, $3  }
0x1: {  	(tag) =	ssettag $0x0;
	lr =	simm.s32 $0x1  }
0x2: {  	[smem:$0x3F97] =	sst lr;
	_ =	strace $0xD0000000  }
0x3: {  	_ = 	snop  }
0x4: {  	_ = 	snop  }
0x5: {  	_ = 	snop  }
0x6: {  	_ = 	snop  }
0x7: {  	_ = 	snop  }
__scs_overlays_trampoline_lowered:
0x8: {  	[smem:$0x3FA6] =	sst s0  }
0x9: {  	[smem:$0x3FA7] =	sst s1  }
0xa: {  	[smem:$0x3FA8] =	sst s2  }
0xb: {  	[smem:$0x3FA9] =	sst s3  }
0xc: {  	[smem:$0x3FAA] =	sst s4  }
0xd: {  	[smem:$0x3FAB] =	sst s5  }
0xe: {  	[smem:$0x3FAC] =	sst s6  }
0xf: {  	[smem:$0x3FAD] =	sst s7  }
0x10: {  	[smem:$0x3FAE] =	sst s8  }
0x11: {  	[smem:$0x3FAF] =	sst s9;
	s0 =	simm.s32 @!p0 $0x0  }
0x12: {  	s1 =	sld [smem:$0x3F95];
	s0 =	simm.s32 @p0 $0x1  }
0x13: {  	[smem:$0x3FB0] =	sst s0;
	s0 =	simm.s32 @!p1 $0x0  }
0x14: {  	s2 =	sld [smem:$0x3F94];
	s0 =	simm.s32 @p1 $0x1  }
0x15: {  	[smem:$0x3FB1] =	sst s0;
	s0 =	simm.s32 @!p2 $0x0  }
0x16: {  	s3 =	sld [smem:$0x3FDB];
	s0 =	simm.s32 @p2 $0x1  }
0x17: {  	s4 =	simm.s32 $0x1BF5;
	[smem:$0x3FB3] =	sst s0  }
0x18: {  	s0 =	sld [smem:$0x3F96];
	_ =	swait.ge [sflag:s4], $0x0  }
0x19: {  	s7 =	sld [smem:$0x3F97]  }
0x1a: {  	s8 =	sadd.s32 $0xFFFFE003, lr  }
0x1b: {  	s9 =	sadd.s32 $0xFFFFFEF7, lr;
	s5 =	simm.s32 $0xFFFFFFFF;
	p2 =	slt.u32 s8, $0xFFFFF086  }
0x1c: {  	p1 =	slt.u32 s9, $0xF7A;
	s5 =	simm.s32 @!p2 $0x0  }
0x1d: {  	s5 =	simm.s32 @p1 $0x1;
	p0 =	seq.s32 s7, s2  }
0x1e: {  	s7 =	smul.u32 @!p0 $0xF7A, s2;
	p2 =	seq.s32 @!p0 s5, $0x0  }
0x1f: {  	s9 =	smul.u32 $0xF7A, s1;
	s8 =	simm.s32 @!p0 $0x1BF5;
	p2 =	por !p2, p0  }
0x20: {  	[sflag:s8] =	ssyncset.s32 @!p0 $0xFFFFF086;
	s6 =	sadd.s32 @!p0 s3, s7;
	s7 =	simm.s32 @!p0 $0x108  }
0x21: {  	s3 =	sadd.s32 s3, s9;
	s6 =	sadd.s32 @!p0 $0x88, s6;
	s7 =	simm.s32 @p2 $0x1082  }
0x22: {  	[simem:s7], [sflag:s8] =	dma.local @!p0 [hbm:s6], $0xF7A  }
0x23: {  	s9 =	sor.u32 $0xD0000000, s2;
	s6 =	simm.s32 $0x108;
	_ =	swait.ge @!p0 [sflag:s8], $0x0  }
0x24: {  	s3 =	sadd.s32 $0x88, s3;
	s6 =	simm.s32 @!p1 $0x1082;
	[sflag:s4] =	ssyncset.s32 $0xFFFFF086  }
0x25: {  	[simem:s6], [sflag:s4] =	dma.local [hbm:s3], $0xF7A  }
0x26: {  	[smem:$0x3F97] =	sst s1;
	(tag) =	ssettag s2;
	_ =	strace s9  }
0x27: {  	s1 =	sld [smem:$0x3FA7]  }
0x28: {  	s2 =	sld [smem:$0x3FA8]  }
0x29: {  	s4 =	sld [smem:$0x3FAA]  }
0x2a: {  	p0 =	seq.s32 s5, $0x0;
	s5 =	sld [smem:$0x3FAB]  }
0x2b: {  	s6 =	sld [smem:$0x3FAC]  }
0x2c: {  	s7 =	sld [smem:$0x3FAD]  }
0x2d: {  	s3 =	simm.s32 $0x108;
	s8 =	sld [smem:$0x3FAE]  }
0x2e: {  	s3 =	simm.s32 @!p0 $0x1082;
	s9 =	sld [smem:$0x3FAF]  }
0x2f: {  	lr =	sadd.s32 s0, s3;
	s0 =	sld [smem:$0x3FA6]  }
0x30: {  	s3 =	sld [smem:$0x3FA9]  }
0x31: {  	[smem:$0x3FB2] =	sst s10  }
0x32: {  	s10 =	sld [smem:$0x3FB0];
	_ =	sdelay $0x3  }
0x33: {  	p0 =	seq.s32 s10, $0x1;
	s10 =	sld [smem:$0x3FB2];
	_ =	sdelay $0x3  }
0x34: {  	[smem:$0x3FB2] =	sst s10  }
0x35: {  	s10 =	sld [smem:$0x3FB1];
	_ =	sdelay $0x3  }
0x36: {  	p1 =	seq.s32 s10, $0x1;
	s10 =	sld [smem:$0x3FB2];
	_ =	sdelay $0x3  }
0x37: {  	[smem:$0x3FB2] =	sst s10  }
0x38: {  	s10 =	sld [smem:$0x3FB3]  }
0x39: {  	_ = 	snop;
	(pc) =	sbr.ind lr, $3  }
0x3a: {  	_ = 	snop  }
0x3b: {  	_ = 	snop  }
0x3c: {  	p2 =	seq.s32 s10, $0x1;
	s10 =	sld [smem:$0x3FB2]  }
0x3d: {  	_ =	shalt  }
0x3e: {  	_ =	shalt  }
0x3f: {  	_ =	shalt  }
0x40: {  	_ =	shalt  }
0x41: {  	_ =	shalt  }
0x42: {  	_ =	shalt  }
0x43: {  	_ =	shalt  }
0x44: {  	_ =	shalt  }
0x45: {  	_ =	shalt  }
0x46: {  	_ =	shalt  }
0x47: {  	_ =	shalt  }
0x48: {  	_ =	shalt  }
0x49: {  	_ =	shalt  }
0x4a: {  	_ =	shalt  }
0x4b: {  	_ =	shalt  }
0x4c: {  	_ =	shalt  }
0x4d: {  	_ =	shalt  }
0x4e: {  	_ =	shalt  }
0x4f: {  	_ =	shalt  }
0x50: {  	_ =	shalt  }
0x51: {  	_ =	shalt  }
0x52: {  	_ =	shalt  }
0x53: {  	_ =	shalt  }
0x54: {  	_ =	shalt  }
0x55: {  	_ =	shalt  }
0x56: {  	_ =	shalt  }
0x57: {  	_ =	shalt  }
0x58: {  	_ =	shalt  }
0x59: {  	_ =	shalt  }
0x5a: {  	_ =	shalt  }
0x5b: {  	_ =	shalt  }
0x5c: {  	_ =	shalt  }
0x5d: {  	_ =	shalt  }
0x5e: {  	_ =	shalt  }
0x5f: {  	_ =	shalt  }
0x60: {  	_ =	shalt  }
0x61: {  	_ =	shalt  }
0x62: {  	_ =	shalt  }
0x63: {  	_ =	shalt  }
0x64: {  	_ =	shalt  }
0x65: {  	_ =	shalt  }
0x66: {  	_ =	shalt  }
0x67: {  	_ =	shalt  }
0x68: {  	_ =	shalt  }
0x69: {  	_ =	shalt  }
0x6a: {  	_ =	shalt  }
0x6b: {  	_ =	shalt  }
0x6c: {  	_ =	shalt  }
0x6d: {  	_ =	shalt  }
0x6e: {  	_ =	shalt  }
0x6f: {  	_ =	shalt  }
0x70: {  	_ =	shalt  }
0x71: {  	_ =	shalt  }
0x72: {  	_ =	shalt  }
0x73: {  	_ =	shalt  }
0x74: {  	_ =	shalt  }
0x75: {  	_ =	shalt  }
0x76: {  	_ =	shalt  }
0x77: {  	_ =	shalt  }
0x78: {  	_ =	shalt  }
0x79: {  	_ =	shalt  }
0x7a: {  	_ =	shalt  }
0x7b: {  	_ =	shalt  }
0x7c: {  	_ =	shalt  }
0x7d: {  	_ =	shalt  }
0x7e: {  	_ =	shalt  }
0x7f: {  	_ =	shalt  }
0x80: {  	_ =	shalt  }
0x81: {  	_ =	shalt  }
0x82: {  	_ =	shalt  }
0x83: {  	_ =	shalt  }
0x84: {  	_ =	shalt  }
0x85: {  	_ =	shalt  }
0x86: {  	_ =	shalt  }
0x87: {  	_ =	shalt  }
.Lfunc_end0:
.L_simem_size_0:
called_computation.1_lowered:
.L_overlay_start_0:
0x88: {  	s2 =	sld [smem:$0x3FD9]  }
0x89: {  	s3 =	sld [smem:$0x3FFE];
	_ =	sdelay $0x1  }
0x8a: {  	s1 =	srdreg.scid  }
0x8b: {  	s0 =	sand.u32 $0x1, s1  }
0x8c: {  	s17 =	sshll.u32 s0, $0xA;
	s2 =	sadd.s32 s3, s2  }
0x8d: {  	s2 =	sadd.s32 s2, s17  }
0x8e: {  	[smem:$0x3FBE] =	sst s2  }
0x8f: {  	_ = 	snop  }
0x90: {  	s2 =	sld [smem:$0x3FD0];
	(tm) =	ssettm $0x1  }
0x91: {  	s18 =	sld [smem:$0x3FFB];
	_ =	sdelay $0x3  }
0x92: {  	_ =	strace s18  }
0x93: {  	s3 =	sld [smem:$0x3FFC];
	_ =	sdelay $0x3  }
0x94: {  	_ =	strace s3  }
0x95: {  	s3 =	sld [smem:$0x3FFD];
	_ =	sdelay $0x3  }
0x96: {  	_ =	strace s3  }
0x97: {  	_ =	strace $0x8FFFFFFF  }
0x98: {  	s19 =	sld [smem:$0x3FDB];
	_ =	sdelay $0x1  }
0x99: {  	s4 =	simm.s32 $_scs_section_size  }
0x9a: {  	s5 =	simm.s32 $_size__tile_overlayer_lowered;
	s6 =	simm.s32 $_tile_overlayer_lowered  }
0x9b: {  	s22 =	simm.s32 $0x1BFF;
	s21 =	sshll.u32 s6, $0x1;
	s3 =	sadd.s32 s4, s19  }
0x9c: {  	s7 =	simm.s32 $0x0;
	s20 =	sshll.u32 s5, $0x1;
	s5 =	sadd.s32 s21, s3  }
0x9d: {  	[timem:s7], [sflag:s22] =	dma.local [hbm:s5], s20  }
0x9e: {  	_ =	swait.ge [sflag:s22], s20  }
0x9f: {  	s4 =	ssub.s32 $0x0, s20;
	[sflag:s22] =	ssyncset.done $0x0  }
0xa0: {  	[sflag:s22] =	ssyncadd.s32 s4;
	_ =	sdelay $0x1  }
0xa1: {  	s23 =	simm.s32 $0x1B8B  }
0xa2: {  	_ =	swait.ge [sflag:s23], $0x1  }
0xa3: {  	[sflag:s23] =	ssyncset.done $0x0  }
0xa4: {  	s25 =	simm.s32 $0x1B8E;
	s24 =	sld [smem:$0x3FFE];
	[sflag:s23] =	ssyncadd.s32 $0xFFFFFFFF  }
0xa5: {  	s26 =	simm.s32 $execute0_lowered;
	[smem:$0x3FD2] =	sst s25  }
0xa6: {  	s5 =	sshll.u32 s26, $0x1;
	_ =	strace $0x80000049;
	[dreg:$0x1] =	wrdreg $0xFFFFFFFF  }
0xa7: {  	s28 =	simm.s32 $_size_execute0_lowered;
	s3 =	sadd.s32 s3, s5;
	[dreg:$0x0] =	wrdreg $0x0  }
0xa8: {  	s5 =	sshll.u32 s28, $0x1;
	[dreg:$0x2] =	wrdreg s3  }
0xa9: {  	[dreg:$0x3] =	wrdreg s5  }
0xaa: {  	[dreg:$0x4] =	wrdreg $0xC0  }
0xab: {  	_ =	task [dreg:s7], $0x5FFFF  }
0xac: {  	[dreg:$0x1] =	wrdreg $0xFFFFFFFF  }
0xad: {  	[dreg:$0x0] =	wrdreg $0x60  }
0xae: {  	[dreg:$0x2] =	wrdreg s24  }
0xaf: {  	[dreg:$0x3] =	wrdreg s2  }
0xb0: {  	[dreg:$0x4] =	wrdreg $0x92000  }
0xb1: {  	[dreg:$0x5] =	wrdreg $0x6AF00  }
0xb2: {  	[dreg:$0x6] =	wrdreg $0x9  }
0xb3: {  	_ =	task.clear_ibuf [dreg:s7], $0x7FFFF;
	_ =	strace $0x90000049  }
0xb4: {  	s29 =	simm.s32 $0x9;
	_ =	strace $0x8000004B  }
0xb5: {  	_ =	swait.ge [sflag:s29], $0x1  }
0xb6: {  	[sflag:s29] =	ssyncadd.s32 $0xFFFFFFFF  }
0xb7: {  	_ =	strace $0x9000004B  }
0xb8: {  	_ =	sfence  }
0xb9: {  	s30 =	sld [smem:$0x0];
	_ =	sdelay $0x2  }
0xba: {  	s31 =	sshll.u32 s1, $0xD;
	s1 =	sshrl.u32 s1, $0x2  }
0xbb: {  	s3 =	sand.u32 $0x4000, s31;
	s1 =	sadd.s32 s1, s30  }
0xbc: {  	s0 =	sor.u32 s3, s0;
	s1 =	sshll.u32 s1, $0x11  }
0xbd: {  	s0 =	sor.u32 s1, s0  }
0xbe: {  	s0 =	sadd.s32 $0x8F2B, s0  }
0xbf: {  	[sflag:s0] =	ssyncadd.remote.s32 $0x1  }
0xc0: {  	_ =	sfence.sel $0xFFFF  }
0xc1: {  	[dreg:$0x0] =	wrdreg $0xFFFFFFFF;
	(pc) =	sbr.abs _section_cstart, $3  }
0xc2: {  	[dreg:$0x1] =	wrdreg $0xFFFFFFFF  }
0xc3: {  	_ =	task.clear_ibuf [dreg:s7], $0x2FFFF;
	_ =	strace $0x9FFFFFFF  }
0xc4: {  	(tm) =	ssettm $0x7FFFFFFF  }
0xc5: {  	_ =	shalt  }
tec
execute0_lowered:
.L_overlay_start_1:
0x0: {  	(tag) =	ssettag $0x1  }
0x1: {  	s0 =	rddreg [dreg:$0x0]  }
0x2: {  	s4 =	rddreg [dreg:$0x2]  }
0x3: {  	s16 =	rddreg [dreg:$0x3];
	s1 =	simm.s32 $0x0;
	s3 =	stileid.u32  }
0x4: {  	s2 =	srdreg.scid;
	s29 =	simm.s32 $0xF0;
	s30 =	simm.s32 $0x50  }
0x5: {  	s31 =	simm.s32 $0x1E0;
	s28 =	simm.s32 $0x140;
	[smem:$0x7FF] =	sst s1  }
0x6: {  	s25 =	smul.u32 $0x278, s3;
	s6 =	sadd.s32 $0x3E000, s0;
	s7 =	sadd.s32 $0x34200, s0  }
0x7: {  	s8 =	sadd.s32 $0x7E00, s0;
	s2 =	sand.u32 $0x1, s2;
	s17 =	smul.u32 $0x2710, s3  }
0x8: {  	s9 =	sadd.s32 $0x2E00, s0;
	s10 =	sadd.s32 $0xCE00, s0;
	s26 =	smul.u32 $0x27100, s2  }
0x9: {  	_ =	strace $0x8000004A;
	s13 =	smul.u32 $0x9C400, s2;
	s2 =	ssub.s32 $0x2, s2  }
0xa: {  	[dreg:$0x5] =	wrdreg s10;
	s1 =	smin.u32 s25, $0x2498;
	s15 =	sshrl.u32 s2, $0x1  }
0xb: {  	s5 =	sshll.u32 s1, $0x3;
	s11 =	sshll.u32 s1, $0x1;
	s12 =	sshll.u32 s1, $0x4  }
0xc: {  	s1 =	sshll.u32 s1, $0x6;
	s2 =	ssub.s32 s2, s15;
	s10 =	sadd.s32 s17, s26  }
0xd: {  	s5 =	sadd.s32 s5, s0;
	s11 =	sadd.s32 s11, s0;
	s14 =	sadd.s32 s26, s12  }
0xe: {  	s13 =	sadd.s32 s13, s1;
	s1 =	sadd.s32 s1, s4;
	s4 =	sshll.u32 s3, $0x6  }
0xf: {  	s15 =	sshrl.u32 s10, $0x3;
	s17 =	sadd.s32 s12, s16;
	s21 =	sadd.s32 $0x50, s10  }
0x10: {  	s22 =	sadd.s32 $0xA0, s10;
	s23 =	sadd.s32 $0xF0, s10;
	s26 =	smax.u32 s2, $0x1  }
0x11: {  	s2 =	simm.s32 $0x2EE0;
	s10 =	simm.s32 $0x6E0;
	[dreg:$0x6] =	wrdreg s1  }
0x12: {  	s12 =	simm.s32 $0x42E0;
	s16 =	simm.s32 $0xA0;
	[dreg:$0x9] =	wrdreg s17  }
0x13: {  	s14 =	sshrl.u32 s14, $0x3;
	s13 =	sshrl.u32 s13, $0x3;
	[dreg:$0xd] =	wrdreg s21  }
0x14: {  	s3 =	sor.u32 $0x1C07, s4;
	s18 =	sadd.s32 $0x47E00, s11;
	[dreg:$0xe] =	wrdreg s22  }
0x15: {  	s19 =	sadd.s32 s6, s15;
	s20 =	sadd.s32 s7, s15;
	[dreg:$0xf] =	wrdreg s23  }
0x16: {  	s1 =	sadd.s32 $0x4D8, s15;
	[dreg:$0x14] =	wrdreg s26;
	s26 =	simm.s32 $0x7  }
0x17: {  	s11 =	simm.s32 $0x15E0;
	s15 =	simm.s32 $0x1FE0;
	[dreg:$0xa] =	wrdreg s18  }
0x18: {  	s17 =	simm.s32 $0x190;
	s21 =	simm.s32 $0xBE0;
	[dreg:$0xb] =	wrdreg s19  }
0x19: {  	s22 =	simm.s32 $0x1AE0;
	s14 =	sadd.s32 s14, s0;
	[dreg:$0xc] =	wrdreg s20  }
0x1a: {  	s0 =	sadd.s32 s13, s0;
	s13 =	sadd.s32 $0xD000, s5;
	[dreg:$0x8] =	wrdreg s3  }
0x1b: {  	s23 =	simm.s32 $0x56E0;
	s24 =	sadd.s32 s6, s1;
	[dreg:$0x7] =	wrdreg s13  }
0x1c: {  	s4 =	simm.s32 $0x0;
	s1 =	sadd.s32 s7, s1;
	[dreg:$0x10] =	wrdreg s24  }
0x1d: {  	s5 =	simm.s32 $0x4;
	s18 =	simm.s32 $0x29E0;
	[dreg:$0x11] =	wrdreg s1  }
0x1e: {  	s25 =	sadd.s32 $0x20A00, s14;
	s0 =	sadd.s32 $0x4CE00, s0;
	s14 =	simm.s32 $0x1  }
0x1f: {  	v0 =	vlaneseq.u32;
	s24 =	simm.s32 $0x2;
	s13 =	simm.s32 $0x3;
	[dreg:$0x12] =	wrdreg s25  }
0x20: {  	v1 =	vor.u32 $0x10, v0;
	v2 =	vor.u32 $0x20, v0;
	v3 =	vor.u32 $0x30, v0;
	[dreg:$0x13] =	wrdreg s0;
	s0 =	simm.s32 $0x10E0;
	s25 =	simm.s32 $0x24E0  }
.LBB2_1:
0x21: {  	[dreg:$0x15] =	wrdreg s4  }
0x22: {  	s1 =	rddreg [dreg:$0x6]  }
0x23: {  	s20 =	rddreg [dreg:$0x7];
	s19 =	sshrl.u32 s1, $0x3  }
0x24: {  	[dreg:$0x16] =	wrdreg s19  }
0x25: {  	[spmem:s19], [sflag:s3] =	dma.local [hbm:s20], $0x13C0  }
0x26: {  	_ =	swait.ge [sflag:s26], $0x13C0  }
0x27: {  	s4 =	rddreg [dreg:$0x9]  }
0x28: {  	[sflag:s26] =	ssyncset.done $0x0;
	s20 =	rddreg [dreg:$0xa];
	s19 =	sshrl.u32 s4, $0x3  }
0x29: {  	[sflag:s26] =	ssyncadd.s32 $0xFFFFEC40;
	[dreg:$0x17] =	wrdreg s19  }
0x2a: {  	[spmem:s19], [sflag:s3] =	dma.local [hbm:s20], $0x4F0  }
0x2b: {  	_ =	swait.ge [sflag:s26], $0x4F0  }
0x2c: {  	s3 =	simm.s32 $0x0;
	[sflag:s26] =	ssyncset.done $0x0  }
0x2d: {  	s20 =	simm.s32 $0x6AE0;
	s19 =	rddreg [dreg:$0x5];
	[sflag:s26] =	ssyncadd.s32 $0xFFFFFB10  }
0x2e: {  	[tilespmem:s20], [sflag:$0x7] =	stream.linear.gather [hbm4b:s19+s3], $0x10, $0x38;
	[tilespmem:$0x12E40] =	vst v63  }
0x2f: {  	_ =	swait.ge [sflag:s26], $0x10  }
0x30: {  	[sflag:s26] =	ssyncset.done $0x0  }
0x31: {  	[sflag:s26] =	ssyncadd.s32 $0xFFFFFFF0  }
0x32: {  	[bflag:$0x0] =	sbarrier.arrive $0xFFFF  }
0x33: {  	s4 =	rddreg [dreg:$0xb]  }
0x34: {  	v4 =	vld [tilespmem:$0x6AE0];
	[tilespmem:s3], [sflag:$0x7] =	stream.linear.gather [hbm4b:s4+s3], $0x50, $0x38  }
0x35: {  	_ =	swait.ge [sflag:s26], $0x50  }
0x36: {  	[sflag:s26] =	ssyncset.done $0x0  }
0x37: {  	s19 =	rddreg [dreg:$0xc];
	[sflag:s26] =	ssyncadd.s32 $0xFFFFFFB0  }
0x38: {  	[tilespmem:s29], [sflag:$0x7] =	stream.linear.gather [hbm4b:s19+s3], $0x50, $0x38;
	[tilespmem:$0x12E40] =	vst v63  }
0x39: {  	_ =	swait.ge [sflag:s26], $0x50  }
0x3a: {  	[sflag:s26] =	ssyncset.done $0x0  }
0x3b: {  	[sflag:s26] =	ssyncadd.s32 $0xFFFFFFB0  }
0x3c: {  	[tilespmem:s31], [sflag:$0x1] =	stream.indirect.gather [hbm4b:s8+s30], $0x10, s3, s30, $0xb8;
	[tilespmem:$0x12E40] =	vst v63  }
0x3d: {  	_ = 	snop  }
0x3e: {  	[tilespmem:s0], [sflag:$0x1] =	stream.indirect.gather [hbm4b:s9+s30], $0x10, s29, s30, $0xb8;
	[tilespmem:$0x12E40] =	vst v63  }
0x3f: {  	s19 =	simm.s32 $0x0;
	s20 =	rddreg [dreg:$0x1]  }
0x40: {  	[tilespmem:s2], [sflag:$0x1] =	stream.indirect.gather [hbm4b:s20+s30], $0x40, s3, s30, $0xb8;
	[tilespmem:$0x12E40] =	vst v63  }
.LBB2_2:
0x41: {  	p0 =	seq.s32 s19, $0x0  }
0x42: {  	s1 =	simm.s32 @!p0 $0x5  }
0x43: {  	_ =	swait.ge @!p0 [sflag:s1], $0x500  }
0x44: {  	[sflag:s1] =	ssyncset.done @!p0 $0x0  }
0x45: {  	[sflag:s1] =	ssyncadd.s32 @!p0 $0xFFFFFB00  }
0x46: {  	s20 =	smul.u32 $0xF0, s19;
	_ =	swait.ge @!p0 [sflag:s1], $0x1400  }
0x47: {  	s3 =	rddreg [dreg:$0xd]  }
0x48: {  	s3 =	sadd.s32 s20, s3  }
0x49: {  	[sflag:s1] =	ssyncset.done @!p0 $0x0;
	s3 =	sshrl.u32 s3, $0x3  }
0x4a: {  	s4 =	simm.s32 $0x0;
	[sflag:s1] =	ssyncadd.s32 @!p0 $0xFFFFEC00;
	s1 =	sadd.s32 s6, s3  }
0x4b: {  	[tilespmem:s30], [sflag:$0x7] =	stream.linear.gather [hbm4b:s1+s4], $0x50, $0x38;
	[tilespmem:$0x12E40] =	vst v63  }
0x4c: {  	_ =	swait.ge [sflag:s26], $0x50  }
0x4d: {  	[sflag:s26] =	ssyncset.done $0x0  }
0x4e: {  	s3 =	sadd.s32 s7, s3;
	[sflag:s26] =	ssyncadd.s32 $0xFFFFFFB0  }
0x4f: {  	[tilespmem:s28], [sflag:$0x7] =	stream.linear.gather [hbm4b:s3+s4], $0x50, $0x38;
	[tilespmem:$0x12E40] =	vst v63  }
0x50: {  	_ =	swait.ge [sflag:s26], $0x50  }
0x51: {  	[sflag:s26] =	ssyncset.done $0x0  }
0x52: {  	[sflag:s26] =	ssyncadd.s32 $0xFFFFFFB0  }
0x53: {  	[tilespmem:s10], [sflag:$0x2] =	stream.indirect.gather [hbm4b:s8+s30], $0x10, s30, s30, $0xb8;
	[tilespmem:$0x12E40] =	vst v63  }
0x54: {  	_ = 	snop  }
0x55: {  	[tilespmem:s11], [sflag:$0x2] =	stream.indirect.gather [hbm4b:s9+s30], $0x10, s28, s30, $0xb8;
	[tilespmem:$0x12E40] =	vst v63  }
0x56: {  	s4 =	rddreg [dreg:$0x1]  }
0x57: {  	[tilespmem:s12], [sflag:$0x2] =	stream.indirect.gather [hbm4b:s4+s30], $0x40, s30, s30, $0xb8;
	[tilespmem:$0x12E40] =	vst v63  }
0x58: {  	_ =	swait.ge [sflag:s14], $0x500  }
0x59: {  	[sflag:s14] =	ssyncset.done $0x0  }
0x5a: {  	[sflag:s14] =	ssyncadd.s32 $0xFFFFFB00  }
0x5b: {  	s3 =	simm.s32 $0x0;
	_ =	swait.ge [sflag:s14], $0x500  }
0x5c: {  	v5 =	vor.u32 s3, v0;
	[sflag:s14] =	ssyncset.done $0x0  }
0x5d: {  	[sflag:s14] =	ssyncadd.s32 $0xFFFFFB00  }
0x5e: {  	_ =	swait.ge [sflag:s14], $0x1400  }
0x5f: {  	[sflag:s14] =	ssyncset.done $0x0  }
0x60: {  	[sflag:s14] =	ssyncadd.s32 $0xFFFFEC00  }
0x61: {  	v6 =	vld.idx.msk [tilespmem:v5+s0+$0x0], $0xffff  }
0x62: {  	v7 =	vld.idx.msk [tilespmem:v5+s31+$0x0], $0xffff;
	_ =	sdelay $0x4  }
0x63: {  	v6 =	vadd.f32 v6, v7;
	_ =	sdelay $0x1  }
0x64: {  	v7 =	vmul.f32 $2.000000030e-01, v6;
	_ =	sdelay $0x1  }
0x65: {  	v6 =	vmax.f32 v6, v7  }
0x66: {  	v6 =	vsub.f32 v6, v4;
	_ =	sdelay $0x1  }
0x67: {  	v6 =	vmul.f32 $1.442695020e+00, v6;
	_ =	sdelay $0x1  }
0x68: {  	(erf) = vpow2.f32 v6;
	_ =	sdelay $0x4  }
0x69: {  	s4 =	simm.s32 $0x10  }
0x6a: {  	s1 =	simm.s32 $0x2;
	v6 =	vor.u32 s4, v0  }
.LBB2_3:
0x6b: {  	p1 =	sne.s32 s1, $0x4F;
	_ =	sdelay $0x1  }
0x6c: {  	v7 =	vpop (erf)  }
0x6d: {  	[tilespmem:v5+s15+$0x0] =	vst.idx.msk $0xffff, v7;
	v5 =	vmov v6  }
0x6e: {  	v7 =	vld.idx.msk [tilespmem:v6+s0+$0x0], $0xffff  }
0x6f: {  	v6 =	vld.idx.msk [tilespmem:v6+s31+$0x0], $0xffff;
	_ =	sdelay $0x5  }
0x70: {  	v6 =	vadd.f32 v7, v6;
	_ =	sdelay $0x1  }
0x71: {  	v7 =	vmul.f32 $2.000000030e-01, v6;
	_ =	sdelay $0x1  }
0x72: {  	v6 =	vmax.f32 v6, v7  }
0x73: {  	v6 =	vsub.f32 v6, v4;
	_ =	sdelay $0x1  }
0x74: {  	v6 =	vmul.f32 $1.442695020e+00, v6;
	_ =	sdelay $0x1  }
0x75: {  	(erf) = vpow2.f32 v6;
	_ =	sdelay $0x1  }
.Ltmp0:
0x76: {  	(pc) =	sbr.rel @p1 .LBB2_3-.Ltmp0, $3  }
0x77: {  	_ =	sdelay $0x1  }
0x78: {  	s3 =	sshll.u32 s1, $0x4  }
0x79: {  	s1 =	sadd.s32 $0x1, s1;
	v6 =	vor.u32 s3, v0  }
0x7a: {  	_ =	sdelay $0x2  }
0x7b: {  	v7 =	vpop (erf)  }
0x7c: {  	[tilespmem:v5+s15+$0x0] =	vst.idx.msk $0xffff, v7  }
0x7d: {  	v5 =	vld.idx.msk [tilespmem:v6+s0+$0x0], $0xffff  }
0x7e: {  	v7 =	vld.idx.msk [tilespmem:v6+s31+$0x0], $0xffff;
	_ =	sdelay $0x4  }
0x7f: {  	v5 =	vadd.f32 v5, v7;
	_ =	sdelay $0x1  }
0x80: {  	v7 =	vmul.f32 $2.000000030e-01, v5;
	_ =	sdelay $0x1  }
0x81: {  	v5 =	vmax.f32 v5, v7  }
0x82: {  	v5 =	vsub.f32 v5, v4;
	_ =	sdelay $0x1  }
0x83: {  	v5 =	vmul.f32 $1.442695020e+00, v5;
	_ =	sdelay $0x1  }
0x84: {  	(erf) = vpow2.f32 v5;
	_ =	sdelay $0x4  }
0x85: {  	s1 =	simm.s32 $0x0  }
0x86: {  	v5 =	vmov s1  }
0x87: {  	v7 =	vshll.u32 v5, $0x4;
	v5 =	vshll.u32 v5, $0x6  }
0x88: {  	v8 =	vor.u32 v0, v5  }
0x89: {  	v9 =	vpop (erf)  }
0x8a: {  	s3 =	rddreg [dreg:$0x3];
	[tilespmem:v6+s15+$0x0] =	vst.idx.msk $0xffff, v9  }
0x8b: {  	[spmem:s3] =	stream.indirect.scatter.add.f32 [tilespmem:s15], [sflag:$0x4], $0x10, s29, s30, $0xb8;
	[tilespmem:$0x12E40] =	vst v63  }
0x8c: {  	v9 =	vld.idx.msk [tilespmem:v7+s15+$0x0], $0xffff  }
0x8d: {  	v6 =	vld.idx.msk [tilespmem:v8+s2+$0x0], $0xffff;
	_ =	sdelay $0x2  }
0x8e: {  	v7 =	vor.u32 v1, v5;
	_ =	sdelay $0x1  }
0x8f: {  	v6 =	vmul.f32 v6, v9;
	_ =	sdelay $0x1  }
0x90: {  	[tilespmem:v8+s2+$0x0] =	vst.idx.msk $0xffff, v6  }
0x91: {  	v6 =	vld.idx.msk [tilespmem:v7+s2+$0x0], $0xffff;
	_ =	sdelay $0x2  }
0x92: {  	v8 =	vor.u32 v2, v5;
	_ =	sdelay $0x1  }
0x93: {  	v6 =	vmul.f32 v6, v9;
	_ =	sdelay $0x1  }
0x94: {  	[tilespmem:v7+s2+$0x0] =	vst.idx.msk $0xffff, v6  }
0x95: {  	v7 =	vld.idx.msk [tilespmem:v8+s2+$0x0], $0xffff;
	_ =	sdelay $0x2  }
0x96: {  	v6 =	vor.u32 v3, v5;
	_ =	sdelay $0x1  }
0x97: {  	v5 =	vmul.f32 v7, v9;
	_ =	sdelay $0x1  }
0x98: {  	[tilespmem:v8+s2+$0x0] =	vst.idx.msk $0xffff, v5  }
0x99: {  	v10 =	vld.idx.msk [tilespmem:v6+s2+$0x0], $0xffff  }
0x9a: {  	s4 =	simm.s32 $0x1  }
0x9b: {  	v7 =	vmov s4  }
0x9c: {  	v5 =	vshll.u32 v7, $0x6;
	v8 =	vshll.u32 v7, $0x4  }
0x9d: {  	v7 =	vor.u32 v0, v5  }
0x9e: {  	s1 =	simm.s32 $0x2;
	v9 =	vmul.f32 v10, v9  }
.LBB2_5:
0x9f: {  	_ = 	snop  }
0xa0: {  	p1 =	sne.s32 s1, $0x4F;
	s3 =	smov.u32 s1;
	s1 =	sadd.s32 $0x1, s1;
	[tilespmem:v6+s2+$0x0] =	vst.idx.msk $0xffff, v9  }
0xa1: {  	v9 =	vld.idx.msk [tilespmem:v8+s15+$0x0], $0xffff  }
0xa2: {  	v6 =	vld.idx.msk [tilespmem:v7+s2+$0x0], $0xffff;
	_ =	sdelay $0x3  }
0xa3: {  	v8 =	vor.u32 v1, v5;
	_ =	sdelay $0x1  }
0xa4: {  	v6 =	vmul.f32 v6, v9;
	_ =	sdelay $0x1  }
0xa5: {  	[tilespmem:v7+s2+$0x0] =	vst.idx.msk $0xffff, v6  }
0xa6: {  	v6 =	vld.idx.msk [tilespmem:v8+s2+$0x0], $0xffff;
	_ =	sdelay $0x3  }
0xa7: {  	v7 =	vor.u32 v2, v5;
	_ =	sdelay $0x1  }
0xa8: {  	v6 =	vmul.f32 v6, v9;
	_ =	sdelay $0x1  }
0xa9: {  	[tilespmem:v8+s2+$0x0] =	vst.idx.msk $0xffff, v6  }
0xaa: {  	v8 =	vld.idx.msk [tilespmem:v7+s2+$0x0], $0xffff;
	_ =	sdelay $0x3  }
0xab: {  	v6 =	vor.u32 v3, v5;
	_ =	sdelay $0x1  }
0xac: {  	v5 =	vmul.f32 v8, v9;
	_ =	sdelay $0x1  }
0xad: {  	[tilespmem:v7+s2+$0x0] =	vst.idx.msk $0xffff, v5  }
0xae: {  	v10 =	vld.idx.msk [tilespmem:v6+s2+$0x0], $0xffff;
	_ =	sdelay $0x1  }
.Ltmp1:
0xaf: {  	(pc) =	sbr.rel @p1 .LBB2_5-.Ltmp1, $4  }
0xb0: {  	v5 =	vmov s3  }
0xb1: {  	v8 =	vshll.u32 v5, $0x4;
	v5 =	vshll.u32 v5, $0x6  }
0xb2: {  	v7 =	vor.u32 v0, v5  }
0xb3: {  	v9 =	vmul.f32 v10, v9  }
0xb4: {  	_ =	sdelay $0x3  }
0xb5: {  	[tilespmem:v6+s2+$0x0] =	vst.idx.msk $0xffff, v9  }
0xb6: {  	v6 =	vld.idx.msk [tilespmem:v8+s15+$0x0], $0xffff  }
0xb7: {  	v8 =	vld.idx.msk [tilespmem:v7+s2+$0x0], $0xffff;
	_ =	sdelay $0x2  }
0xb8: {  	v63 =	vor.u32 v1, v5;
	_ =	sdelay $0x1  }
0xb9: {  	v8 =	vmul.f32 v8, v6;
	_ =	sdelay $0x1  }
0xba: {  	[tilespmem:v7+s2+$0x0] =	vst.idx.msk $0xffff, v8  }
0xbb: {  	v7 =	vld.idx.msk [tilespmem:v63+s2+$0x0], $0xffff;
	_ =	sdelay $0x2  }
0xbc: {  	v8 =	vor.u32 v2, v5;
	_ =	sdelay $0x1  }
0xbd: {  	v7 =	vmul.f32 v7, v6;
	_ =	sdelay $0x1  }
0xbe: {  	[tilespmem:v63+s2+$0x0] =	vst.idx.msk $0xffff, v7  }
0xbf: {  	v7 =	vld.idx.msk [tilespmem:v8+s2+$0x0], $0xffff;
	_ =	sdelay $0x2  }
0xc0: {  	v5 =	vor.u32 v3, v5;
	_ =	sdelay $0x1  }
0xc1: {  	v7 =	vmul.f32 v7, v6;
	_ =	sdelay $0x1  }
0xc2: {  	[tilespmem:v8+s2+$0x0] =	vst.idx.msk $0xffff, v7  }
0xc3: {  	v7 =	vld.idx.msk [tilespmem:v5+s2+$0x0], $0xffff;
	_ =	sdelay $0x4  }
0xc4: {  	v6 =	vmul.f32 v7, v6;
	_ =	sdelay $0x1  }
0xc5: {  	s1 =	rddreg [dreg:$0x2];
	[tilespmem:v5+s2+$0x0] =	vst.idx.msk $0xffff, v6  }
0xc6: {  	[spmem:s1] =	stream.indirect.scatter.add.f32 [tilespmem:s2], [sflag:$0x4], $0x40, s29, s30, $0xb8;
	[tilespmem:$0x12E40] =	vst v63  }
0xc7: {  	s1 =	simm.s32 @!p0 $0x6  }
0xc8: {  	_ =	swait.ge @!p0 [sflag:s1], $0x500  }
0xc9: {  	[sflag:s1] =	ssyncset.done @!p0 $0x0  }
0xca: {  	[sflag:s1] =	ssyncadd.s32 @!p0 $0xFFFFFB00  }
0xcb: {  	_ =	swait.ge @!p0 [sflag:s1], $0x1400  }
0xcc: {  	s3 =	rddreg [dreg:$0xe]  }
0xcd: {  	s3 =	sadd.s32 s20, s3  }
0xce: {  	[sflag:s1] =	ssyncset.done @!p0 $0x0;
	s3 =	sshrl.u32 s3, $0x3  }
0xcf: {  	s4 =	simm.s32 $0x0;
	[sflag:s1] =	ssyncadd.s32 @!p0 $0xFFFFEC00;
	s1 =	sadd.s32 s6, s3  }
0xd0: {  	[tilespmem:s16], [sflag:$0x7] =	stream.linear.gather [hbm4b:s1+s4], $0x50, $0x38;
	[tilespmem:$0x12E40] =	vst v63  }
0xd1: {  	_ =	swait.ge [sflag:s26], $0x50  }
0xd2: {  	[sflag:s26] =	ssyncset.done $0x0  }
0xd3: {  	s3 =	sadd.s32 s7, s3;
	[sflag:s26] =	ssyncadd.s32 $0xFFFFFFB0  }
0xd4: {  	[tilespmem:s17], [sflag:$0x7] =	stream.linear.gather [hbm4b:s3+s4], $0x50, $0x38;
	[tilespmem:$0x12E40] =	vst v63  }
0xd5: {  	_ =	swait.ge [sflag:s26], $0x50  }
0xd6: {  	[sflag:s26] =	ssyncset.done $0x0  }
0xd7: {  	[sflag:s26] =	ssyncadd.s32 $0xFFFFFFB0  }
0xd8: {  	[tilespmem:s21], [sflag:$0x3] =	stream.indirect.gather [hbm4b:s8+s30], $0x10, s16, s30, $0xb8;
	[tilespmem:$0x12E40] =	vst v63  }
0xd9: {  	_ = 	snop  }
0xda: {  	[tilespmem:s22], [sflag:$0x3] =	stream.indirect.gather [hbm4b:s9+s30], $0x10, s17, s30, $0xb8;
	[tilespmem:$0x12E40] =	vst v63  }
0xdb: {  	s4 =	rddreg [dreg:$0x1]  }
0xdc: {  	[tilespmem:s23], [sflag:$0x3] =	stream.indirect.gather [hbm4b:s4+s30], $0x40, s16, s30, $0xb8;
	[tilespmem:$0x12E40] =	vst v63  }
0xdd: {  	_ =	swait.ge [sflag:s24], $0x500  }
0xde: {  	[sflag:s24] =	ssyncset.done $0x0  }
0xdf: {  	[sflag:s24] =	ssyncadd.s32 $0xFFFFFB00  }
0xe0: {  	s3 =	simm.s32 $0x0;
	_ =	swait.ge [sflag:s24], $0x500  }
0xe1: {  	v5 =	vor.u32 s3, v0;
	[sflag:s24] =	ssyncset.done $0x0  }
0xe2: {  	[sflag:s24] =	ssyncadd.s32 $0xFFFFFB00  }
0xe3: {  	_ =	swait.ge [sflag:s24], $0x1400  }
0xe4: {  	[sflag:s24] =	ssyncset.done $0x0  }
0xe5: {  	[sflag:s24] =	ssyncadd.s32 $0xFFFFEC00  }
0xe6: {  	v6 =	vld.idx.msk [tilespmem:v5+s11+$0x0], $0xffff  }
0xe7: {  	v7 =	vld.idx.msk [tilespmem:v5+s10+$0x0], $0xffff;
	_ =	sdelay $0x4  }
0xe8: {  	v6 =	vadd.f32 v6, v7;
	_ =	sdelay $0x1  }
0xe9: {  	v7 =	vmul.f32 $2.000000030e-01, v6;
	_ =	sdelay $0x1  }
0xea: {  	v6 =	vmax.f32 v6, v7  }
0xeb: {  	v6 =	vsub.f32 v6, v4;
	_ =	sdelay $0x1  }
0xec: {  	v6 =	vmul.f32 $1.442695020e+00, v6;
	_ =	sdelay $0x1  }
0xed: {  	(erf) = vpow2.f32 v6;
	_ =	sdelay $0x4  }
0xee: {  	s4 =	simm.s32 $0x10  }
0xef: {  	s1 =	simm.s32 $0x2;
	v6 =	vor.u32 s4, v0  }
.LBB2_7:
0xf0: {  	p0 =	sne.s32 s1, $0x4F;
	_ =	sdelay $0x1  }
0xf1: {  	v7 =	vpop (erf)  }
0xf2: {  	[tilespmem:v5+s25+$0x0] =	vst.idx.msk $0xffff, v7;
	v5 =	vmov v6  }
0xf3: {  	v7 =	vld.idx.msk [tilespmem:v6+s11+$0x0], $0xffff  }
0xf4: {  	v6 =	vld.idx.msk [tilespmem:v6+s10+$0x0], $0xffff;
	_ =	sdelay $0x5  }
0xf5: {  	v6 =	vadd.f32 v7, v6;
	_ =	sdelay $0x1  }
0xf6: {  	v7 =	vmul.f32 $2.000000030e-01, v6;
	_ =	sdelay $0x1  }
0xf7: {  	v6 =	vmax.f32 v6, v7  }
0xf8: {  	v6 =	vsub.f32 v6, v4;
	_ =	sdelay $0x1  }
0xf9: {  	v6 =	vmul.f32 $1.442695020e+00, v6;
	_ =	sdelay $0x1  }
0xfa: {  	(erf) = vpow2.f32 v6;
	_ =	sdelay $0x1  }
.Ltmp2:
0xfb: {  	(pc) =	sbr.rel @p0 .LBB2_7-.Ltmp2, $3  }
0xfc: {  	_ =	sdelay $0x1  }
0xfd: {  	s3 =	sshll.u32 s1, $0x4  }
0xfe: {  	s1 =	sadd.s32 $0x1, s1;
	v6 =	vor.u32 s3, v0  }
0xff: {  	_ =	sdelay $0x2  }
0x100: {  	v7 =	vpop (erf)  }
0x101: {  	[tilespmem:v5+s25+$0x0] =	vst.idx.msk $0xffff, v7  }
0x102: {  	v5 =	vld.idx.msk [tilespmem:v6+s11+$0x0], $0xffff  }
0x103: {  	v7 =	vld.idx.msk [tilespmem:v6+s10+$0x0], $0xffff;
	_ =	sdelay $0x4  }
0x104: {  	v5 =	vadd.f32 v5, v7;
	_ =	sdelay $0x1  }
0x105: {  	v7 =	vmul.f32 $2.000000030e-01, v5;
	_ =	sdelay $0x1  }
0x106: {  	v5 =	vmax.f32 v5, v7  }
0x107: {  	v5 =	vsub.f32 v5, v4;
	_ =	sdelay $0x1  }
0x108: {  	v5 =	vmul.f32 $1.442695020e+00, v5;
	_ =	sdelay $0x1  }
0x109: {  	(erf) = vpow2.f32 v5;
	_ =	sdelay $0x4  }
0x10a: {  	s1 =	simm.s32 $0x0  }
0x10b: {  	v5 =	vmov s1  }
0x10c: {  	v7 =	vshll.u32 v5, $0x4;
	v5 =	vshll.u32 v5, $0x6  }
0x10d: {  	v8 =	vor.u32 v0, v5  }
0x10e: {  	v9 =	vpop (erf)  }
0x10f: {  	s3 =	rddreg [dreg:$0x3];
	[tilespmem:v6+s25+$0x0] =	vst.idx.msk $0xffff, v9  }
0x110: {  	[spmem:s3] =	stream.indirect.scatter.add.f32 [tilespmem:s25], [sflag:$0x5], $0x10, s28, s30, $0xb8;
	[tilespmem:$0x12E40] =	vst v63  }
0x111: {  	v9 =	vld.idx.msk [tilespmem:v7+s25+$0x0], $0xffff  }
0x112: {  	v6 =	vld.idx.msk [tilespmem:v8+s12+$0x0], $0xffff;
	_ =	sdelay $0x2  }
0x113: {  	v7 =	vor.u32 v1, v5;
	_ =	sdelay $0x1  }
0x114: {  	v6 =	vmul.f32 v6, v9;
	_ =	sdelay $0x1  }
0x115: {  	[tilespmem:v8+s12+$0x0] =	vst.idx.msk $0xffff, v6  }
0x116: {  	v6 =	vld.idx.msk [tilespmem:v7+s12+$0x0], $0xffff;
	_ =	sdelay $0x2  }
0x117: {  	v8 =	vor.u32 v2, v5;
	_ =	sdelay $0x1  }
0x118: {  	v6 =	vmul.f32 v6, v9;
	_ =	sdelay $0x1  }
0x119: {  	[tilespmem:v7+s12+$0x0] =	vst.idx.msk $0xffff, v6  }
0x11a: {  	v7 =	vld.idx.msk [tilespmem:v8+s12+$0x0], $0xffff;
	_ =	sdelay $0x2  }
0x11b: {  	v6 =	vor.u32 v3, v5;
	_ =	sdelay $0x1  }
0x11c: {  	v5 =	vmul.f32 v7, v9;
	_ =	sdelay $0x1  }
0x11d: {  	[tilespmem:v8+s12+$0x0] =	vst.idx.msk $0xffff, v5  }
0x11e: {  	v10 =	vld.idx.msk [tilespmem:v6+s12+$0x0], $0xffff  }
0x11f: {  	s4 =	simm.s32 $0x1  }
0x120: {  	v7 =	vmov s4  }
0x121: {  	v5 =	vshll.u32 v7, $0x6;
	v8 =	vshll.u32 v7, $0x4  }
0x122: {  	v7 =	vor.u32 v0, v5  }
0x123: {  	s1 =	simm.s32 $0x2;
	v9 =	vmul.f32 v10, v9  }
.LBB2_9:
0x124: {  	_ = 	snop  }
0x125: {  	p0 =	sne.s32 s1, $0x4F;
	s3 =	smov.u32 s1;
	s1 =	sadd.s32 $0x1, s1;
	[tilespmem:v6+s12+$0x0] =	vst.idx.msk $0xffff, v9  }
0x126: {  	v9 =	vld.idx.msk [tilespmem:v8+s25+$0x0], $0xffff  }
0x127: {  	v6 =	vld.idx.msk [tilespmem:v7+s12+$0x0], $0xffff;
	_ =	sdelay $0x3  }
0x128: {  	v8 =	vor.u32 v1, v5;
	_ =	sdelay $0x1  }
0x129: {  	v6 =	vmul.f32 v6, v9;
	_ =	sdelay $0x1  }
0x12a: {  	[tilespmem:v7+s12+$0x0] =	vst.idx.msk $0xffff, v6  }
0x12b: {  	v6 =	vld.idx.msk [tilespmem:v8+s12+$0x0], $0xffff;
	_ =	sdelay $0x3  }
0x12c: {  	v7 =	vor.u32 v2, v5;
	_ =	sdelay $0x1  }
0x12d: {  	v6 =	vmul.f32 v6, v9;
	_ =	sdelay $0x1  }
0x12e: {  	[tilespmem:v8+s12+$0x0] =	vst.idx.msk $0xffff, v6  }
0x12f: {  	v8 =	vld.idx.msk [tilespmem:v7+s12+$0x0], $0xffff;
	_ =	sdelay $0x3  }
0x130: {  	v6 =	vor.u32 v3, v5;
	_ =	sdelay $0x1  }
0x131: {  	v5 =	vmul.f32 v8, v9;
	_ =	sdelay $0x1  }
0x132: {  	[tilespmem:v7+s12+$0x0] =	vst.idx.msk $0xffff, v5  }
0x133: {  	v10 =	vld.idx.msk [tilespmem:v6+s12+$0x0], $0xffff;
	_ =	sdelay $0x1  }
.Ltmp3:
0x134: {  	(pc) =	sbr.rel @p0 .LBB2_9-.Ltmp3, $4  }
0x135: {  	v5 =	vmov s3  }
0x136: {  	v8 =	vshll.u32 v5, $0x4;
	v5 =	vshll.u32 v5, $0x6  }
0x137: {  	v7 =	vor.u32 v0, v5  }
0x138: {  	v9 =	vmul.f32 v10, v9  }
0x139: {  	_ =	sdelay $0x3  }
0x13a: {  	[tilespmem:v6+s12+$0x0] =	vst.idx.msk $0xffff, v9  }
0x13b: {  	v6 =	vld.idx.msk [tilespmem:v8+s25+$0x0], $0xffff  }
0x13c: {  	v8 =	vld.idx.msk [tilespmem:v7+s12+$0x0], $0xffff;
	_ =	sdelay $0x2  }
0x13d: {  	v63 =	vor.u32 v1, v5;
	_ =	sdelay $0x1  }
0x13e: {  	v8 =	vmul.f32 v8, v6;
	_ =	sdelay $0x1  }
0x13f: {  	[tilespmem:v7+s12+$0x0] =	vst.idx.msk $0xffff, v8  }
0x140: {  	v7 =	vld.idx.msk [tilespmem:v63+s12+$0x0], $0xffff;
	_ =	sdelay $0x2  }
0x141: {  	v8 =	vor.u32 v2, v5;
	_ =	sdelay $0x1  }
0x142: {  	v7 =	vmul.f32 v7, v6;
	_ =	sdelay $0x1  }
0x143: {  	[tilespmem:v63+s12+$0x0] =	vst.idx.msk $0xffff, v7  }
0x144: {  	v7 =	vld.idx.msk [tilespmem:v8+s12+$0x0], $0xffff;
	_ =	sdelay $0x2  }
0x145: {  	v5 =	vor.u32 v3, v5;
	_ =	sdelay $0x1  }
0x146: {  	v7 =	vmul.f32 v7, v6;
	_ =	sdelay $0x1  }
0x147: {  	[tilespmem:v8+s12+$0x0] =	vst.idx.msk $0xffff, v7  }
0x148: {  	v7 =	vld.idx.msk [tilespmem:v5+s12+$0x0], $0xffff;
	_ =	sdelay $0x4  }
0x149: {  	v6 =	vmul.f32 v7, v6;
	_ =	sdelay $0x1  }
0x14a: {  	s1 =	rddreg [dreg:$0x2];
	[tilespmem:v5+s12+$0x0] =	vst.idx.msk $0xffff, v6  }
0x14b: {  	[spmem:s1] =	stream.indirect.scatter.add.f32 [tilespmem:s12], [sflag:$0x5], $0x40, s28, s30, $0xb8;
	[tilespmem:$0x12E40] =	vst v63  }
0x14c: {  	_ =	swait.ge [sflag:s5], $0x500  }
0x14d: {  	[sflag:s5] =	ssyncset.done $0x0  }
0x14e: {  	[sflag:s5] =	ssyncadd.s32 $0xFFFFFB00  }
0x14f: {  	_ =	swait.ge [sflag:s5], $0x1400  }
0x150: {  	s4 =	rddreg [dreg:$0xf]  }
0x151: {  	s1 =	sadd.s32 s20, s4  }
0x152: {  	[sflag:s5] =	ssyncset.done $0x0;
	s1 =	sshrl.u32 s1, $0x3  }
0x153: {  	[sflag:s5] =	ssyncadd.s32 $0xFFFFEC00;
	s4 =	simm.s32 $0x0;
	s3 =	sadd.s32 s6, s1  }
0x154: {  	[tilespmem:s4], [sflag:$0x7] =	stream.linear.gather [hbm4b:s3+s4], $0x50, $0x38;
	[tilespmem:$0x12E40] =	vst v63  }
0x155: {  	_ =	swait.ge [sflag:s26], $0x50  }
0x156: {  	[sflag:s26] =	ssyncset.done $0x0  }
0x157: {  	s1 =	sadd.s32 s7, s1;
	[sflag:s26] =	ssyncadd.s32 $0xFFFFFFB0  }
0x158: {  	[tilespmem:s29], [sflag:$0x7] =	stream.linear.gather [hbm4b:s1+s4], $0x50, $0x38;
	[tilespmem:$0x12E40] =	vst v63  }
0x159: {  	_ =	swait.ge [sflag:s26], $0x50  }
0x15a: {  	[sflag:s26] =	ssyncset.done $0x0  }
0x15b: {  	[sflag:s26] =	ssyncadd.s32 $0xFFFFFFB0  }
0x15c: {  	[tilespmem:s31], [sflag:$0x1] =	stream.indirect.gather [hbm4b:s8+s30], $0x10, s4, s30, $0xb8;
	[tilespmem:$0x12E40] =	vst v63  }
0x15d: {  	_ = 	snop  }
0x15e: {  	[tilespmem:s0], [sflag:$0x1] =	stream.indirect.gather [hbm4b:s9+s30], $0x10, s29, s30, $0xb8;
	[tilespmem:$0x12E40] =	vst v63  }
0x15f: {  	s3 =	rddreg [dreg:$0x1]  }
0x160: {  	[tilespmem:s2], [sflag:$0x1] =	stream.indirect.gather [hbm4b:s3+s30], $0x40, s4, s30, $0xb8;
	[tilespmem:$0x12E40] =	vst v63  }
0x161: {  	_ =	swait.ge [sflag:s13], $0x500  }
0x162: {  	[sflag:s13] =	ssyncset.done $0x0  }
0x163: {  	[sflag:s13] =	ssyncadd.s32 $0xFFFFFB00  }
0x164: {  	s4 =	simm.s32 $0x0;
	_ =	swait.ge [sflag:s13], $0x500  }
0x165: {  	v5 =	vor.u32 s4, v0;
	[sflag:s13] =	ssyncset.done $0x0  }
0x166: {  	[sflag:s13] =	ssyncadd.s32 $0xFFFFFB00  }
0x167: {  	_ =	swait.ge [sflag:s13], $0x1400  }
0x168: {  	[sflag:s13] =	ssyncset.done $0x0  }
0x169: {  	[sflag:s13] =	ssyncadd.s32 $0xFFFFEC00  }
0x16a: {  	v6 =	vld.idx.msk [tilespmem:v5+s22+$0x0], $0xffff  }
0x16b: {  	v7 =	vld.idx.msk [tilespmem:v5+s21+$0x0], $0xffff;
	_ =	sdelay $0x4  }
0x16c: {  	v6 =	vadd.f32 v6, v7;
	_ =	sdelay $0x1  }
0x16d: {  	v7 =	vmul.f32 $2.000000030e-01, v6;
	_ =	sdelay $0x1  }
0x16e: {  	v6 =	vmax.f32 v6, v7  }
0x16f: {  	v6 =	vsub.f32 v6, v4;
	_ =	sdelay $0x1  }
0x170: {  	v6 =	vmul.f32 $1.442695020e+00, v6;
	_ =	sdelay $0x1  }
0x171: {  	(erf) = vpow2.f32 v6;
	_ =	sdelay $0x4  }
0x172: {  	s20 =	simm.s32 $0x10  }
0x173: {  	s1 =	simm.s32 $0x2;
	v6 =	vor.u32 s20, v0  }
.LBB2_11:
0x174: {  	p0 =	sne.s32 s1, $0x4F;
	_ =	sdelay $0x1  }
0x175: {  	v7 =	vpop (erf)  }
0x176: {  	[tilespmem:v5+s18+$0x0] =	vst.idx.msk $0xffff, v7;
	v5 =	vmov v6  }
0x177: {  	v7 =	vld.idx.msk [tilespmem:v6+s22+$0x0], $0xffff  }
0x178: {  	v6 =	vld.idx.msk [tilespmem:v6+s21+$0x0], $0xffff;
	_ =	sdelay $0x5  }
0x179: {  	v6 =	vadd.f32 v7, v6;
	_ =	sdelay $0x1  }
0x17a: {  	v7 =	vmul.f32 $2.000000030e-01, v6;
	_ =	sdelay $0x1  }
0x17b: {  	v6 =	vmax.f32 v6, v7  }
0x17c: {  	v6 =	vsub.f32 v6, v4;
	_ =	sdelay $0x1  }
0x17d: {  	v6 =	vmul.f32 $1.442695020e+00, v6;
	_ =	sdelay $0x1  }
0x17e: {  	(erf) = vpow2.f32 v6;
	_ =	sdelay $0x1  }
.Ltmp4:
0x17f: {  	(pc) =	sbr.rel @p0 .LBB2_11-.Ltmp4, $3  }
0x180: {  	_ =	sdelay $0x1  }
0x181: {  	s3 =	sshll.u32 s1, $0x4  }
0x182: {  	s1 =	sadd.s32 $0x1, s1;
	v6 =	vor.u32 s3, v0  }
0x183: {  	_ =	sdelay $0x2  }
0x184: {  	v7 =	vpop (erf)  }
0x185: {  	[tilespmem:v5+s18+$0x0] =	vst.idx.msk $0xffff, v7  }
0x186: {  	v5 =	vld.idx.msk [tilespmem:v6+s22+$0x0], $0xffff  }
0x187: {  	v7 =	vld.idx.msk [tilespmem:v6+s21+$0x0], $0xffff;
	_ =	sdelay $0x4  }
0x188: {  	v5 =	vadd.f32 v5, v7;
	_ =	sdelay $0x1  }
0x189: {  	v7 =	vmul.f32 $2.000000030e-01, v5;
	_ =	sdelay $0x1  }
0x18a: {  	v5 =	vmax.f32 v5, v7  }
0x18b: {  	v5 =	vsub.f32 v5, v4;
	_ =	sdelay $0x1  }
0x18c: {  	v5 =	vmul.f32 $1.442695020e+00, v5;
	_ =	sdelay $0x1  }
0x18d: {  	(erf) = vpow2.f32 v5;
	_ =	sdelay $0x4  }
0x18e: {  	s1 =	simm.s32 $0x0  }
0x18f: {  	v5 =	vmov s1  }
0x190: {  	v7 =	vshll.u32 v5, $0x4;
	v5 =	vshll.u32 v5, $0x6  }
0x191: {  	v8 =	vor.u32 v0, v5  }
0x192: {  	v9 =	vpop (erf)  }
0x193: {  	s4 =	rddreg [dreg:$0x3];
	[tilespmem:v6+s18+$0x0] =	vst.idx.msk $0xffff, v9  }
0x194: {  	[spmem:s4] =	stream.indirect.scatter.add.f32 [tilespmem:s18], [sflag:$0x6], $0x10, s17, s30, $0xb8;
	[tilespmem:$0x12E40] =	vst v63  }
0x195: {  	v9 =	vld.idx.msk [tilespmem:v7+s18+$0x0], $0xffff  }
0x196: {  	v6 =	vld.idx.msk [tilespmem:v8+s23+$0x0], $0xffff;
	_ =	sdelay $0x2  }
0x197: {  	v7 =	vor.u32 v1, v5;
	_ =	sdelay $0x1  }
0x198: {  	v6 =	vmul.f32 v6, v9;
	_ =	sdelay $0x1  }
0x199: {  	[tilespmem:v8+s23+$0x0] =	vst.idx.msk $0xffff, v6  }
0x19a: {  	v6 =	vld.idx.msk [tilespmem:v7+s23+$0x0], $0xffff;
	_ =	sdelay $0x2  }
0x19b: {  	v8 =	vor.u32 v2, v5;
	_ =	sdelay $0x1  }
0x19c: {  	v6 =	vmul.f32 v6, v9;
	_ =	sdelay $0x1  }
0x19d: {  	[tilespmem:v7+s23+$0x0] =	vst.idx.msk $0xffff, v6  }
0x19e: {  	v7 =	vld.idx.msk [tilespmem:v8+s23+$0x0], $0xffff;
	_ =	sdelay $0x2  }
0x19f: {  	v6 =	vor.u32 v3, v5;
	_ =	sdelay $0x1  }
0x1a0: {  	v5 =	vmul.f32 v7, v9;
	_ =	sdelay $0x1  }
0x1a1: {  	[tilespmem:v8+s23+$0x0] =	vst.idx.msk $0xffff, v5  }
0x1a2: {  	v10 =	vld.idx.msk [tilespmem:v6+s23+$0x0], $0xffff  }
0x1a3: {  	s20 =	simm.s32 $0x1  }
0x1a4: {  	v7 =	vmov s20  }
0x1a5: {  	v5 =	vshll.u32 v7, $0x6;
	v8 =	vshll.u32 v7, $0x4  }
0x1a6: {  	v7 =	vor.u32 v0, v5  }
0x1a7: {  	s1 =	simm.s32 $0x2;
	v9 =	vmul.f32 v10, v9  }
.LBB2_13:
0x1a8: {  	_ = 	snop  }
0x1a9: {  	p0 =	sne.s32 s1, $0x4F;
	s3 =	smov.u32 s1;
	s1 =	sadd.s32 $0x1, s1;
	[tilespmem:v6+s23+$0x0] =	vst.idx.msk $0xffff, v9  }
0x1aa: {  	v9 =	vld.idx.msk [tilespmem:v8+s18+$0x0], $0xffff  }
0x1ab: {  	v6 =	vld.idx.msk [tilespmem:v7+s23+$0x0], $0xffff;
	_ =	sdelay $0x3  }
0x1ac: {  	v8 =	vor.u32 v1, v5;
	_ =	sdelay $0x1  }
0x1ad: {  	v6 =	vmul.f32 v6, v9;
	_ =	sdelay $0x1  }
0x1ae: {  	[tilespmem:v7+s23+$0x0] =	vst.idx.msk $0xffff, v6  }
0x1af: {  	v6 =	vld.idx.msk [tilespmem:v8+s23+$0x0], $0xffff;
	_ =	sdelay $0x3  }
0x1b0: {  	v7 =	vor.u32 v2, v5;
	_ =	sdelay $0x1  }
0x1b1: {  	v6 =	vmul.f32 v6, v9;
	_ =	sdelay $0x1  }
0x1b2: {  	[tilespmem:v8+s23+$0x0] =	vst.idx.msk $0xffff, v6  }
0x1b3: {  	v8 =	vld.idx.msk [tilespmem:v7+s23+$0x0], $0xffff;
	_ =	sdelay $0x3  }
0x1b4: {  	v6 =	vor.u32 v3, v5;
	_ =	sdelay $0x1  }
0x1b5: {  	v5 =	vmul.f32 v8, v9;
	_ =	sdelay $0x1  }
0x1b6: {  	[tilespmem:v7+s23+$0x0] =	vst.idx.msk $0xffff, v5  }
0x1b7: {  	v10 =	vld.idx.msk [tilespmem:v6+s23+$0x0], $0xffff;
	_ =	sdelay $0x1  }
.Ltmp5:
0x1b8: {  	(pc) =	sbr.rel @p0 .LBB2_13-.Ltmp5, $4  }
0x1b9: {  	v5 =	vmov s3  }
0x1ba: {  	v8 =	vshll.u32 v5, $0x4;
	v5 =	vshll.u32 v5, $0x6  }
0x1bb: {  	v7 =	vor.u32 v0, v5  }
0x1bc: {  	v9 =	vmul.f32 v10, v9  }
0x1bd: {  	_ =	sdelay $0x3  }
0x1be: {  	[tilespmem:v6+s23+$0x0] =	vst.idx.msk $0xffff, v9  }
0x1bf: {  	v6 =	vld.idx.msk [tilespmem:v8+s18+$0x0], $0xffff  }
0x1c0: {  	v61 =	vld.idx.msk [tilespmem:v7+s23+$0x0], $0xffff;
	_ =	sdelay $0x2  }
0x1c1: {  	v62 =	vor.u32 v1, v5;
	_ =	sdelay $0x1  }
0x1c2: {  	v8 =	vmul.f32 v61, v6;
	_ =	sdelay $0x1  }
0x1c3: {  	[tilespmem:v7+s23+$0x0] =	vst.idx.msk $0xffff, v8  }
0x1c4: {  	v7 =	vld.idx.msk [tilespmem:v62+s23+$0x0], $0xffff;
	_ =	sdelay $0x2  }
0x1c5: {  	v63 =	vor.u32 v2, v5;
	_ =	sdelay $0x1  }
0x1c6: {  	v7 =	vmul.f32 v7, v6;
	_ =	sdelay $0x1  }
0x1c7: {  	[tilespmem:v62+s23+$0x0] =	vst.idx.msk $0xffff, v7  }
0x1c8: {  	v7 =	vld.idx.msk [tilespmem:v63+s23+$0x0], $0xffff;
	_ =	sdelay $0x2  }
0x1c9: {  	v5 =	vor.u32 v3, v5;
	_ =	sdelay $0x1  }
0x1ca: {  	v7 =	vmul.f32 v7, v6;
	_ =	sdelay $0x1  }
0x1cb: {  	[tilespmem:v63+s23+$0x0] =	vst.idx.msk $0xffff, v7  }
0x1cc: {  	v7 =	vld.idx.msk [tilespmem:v5+s23+$0x0], $0xffff;
	_ =	sdelay $0x1  }
0x1cd: {  	s19 =	sadd.s32 $0x1, s19  }
0x1ce: {  	p0 =	sne.s32 s19, $0x29  }
.Ltmp6:
0x1cf: {  	_ = 	snop;
	(pc) =	sbr.rel @p0 .LBB2_2-.Ltmp6, $3  }
0x1d0: {  	v6 =	vmul.f32 v7, v6;
	_ =	sdelay $0x1  }
0x1d1: {  	s1 =	rddreg [dreg:$0x2];
	[tilespmem:v5+s23+$0x0] =	vst.idx.msk $0xffff, v6  }
0x1d2: {  	[spmem:s1] =	stream.indirect.scatter.add.f32 [tilespmem:s23], [sflag:$0x6], $0x40, s17, s30, $0xb8;
	[tilespmem:$0x12E40] =	vst v63  }
0x1d3: {  	s4 =	simm.s32 $0x5  }
0x1d4: {  	_ =	swait.ge [sflag:s4], $0x500  }
0x1d5: {  	[sflag:s4] =	ssyncset.done $0x0  }
0x1d6: {  	[sflag:s4] =	ssyncadd.s32 $0xFFFFFB00  }
0x1d7: {  	_ =	swait.ge [sflag:s4], $0x1400  }
0x1d8: {  	[sflag:s4] =	ssyncset.done $0x0  }
0x1d9: {  	s1 =	simm.s32 $0x0;
	s3 =	rddreg [dreg:$0x10];
	[sflag:s4] =	ssyncadd.s32 $0xFFFFEC00  }
0x1da: {  	[tilespmem:s30], [sflag:$0x7] =	stream.linear.gather [hbm4b:s3+s1], $0x50, $0x38;
	[tilespmem:$0x12E40] =	vst v63  }
0x1db: {  	_ =	swait.ge [sflag:s26], $0x50  }
0x1dc: {  	[sflag:s26] =	ssyncset.done $0x0  }
0x1dd: {  	s20 =	rddreg [dreg:$0x11];
	[sflag:s26] =	ssyncadd.s32 $0xFFFFFFB0  }
0x1de: {  	[tilespmem:s28], [sflag:$0x7] =	stream.linear.gather [hbm4b:s20+s1], $0x50, $0x38;
	[tilespmem:$0x12E40] =	vst v63  }
0x1df: {  	_ =	swait.ge [sflag:s26], $0x50  }
0x1e0: {  	[sflag:s26] =	ssyncset.done $0x0  }
0x1e1: {  	[sflag:s26] =	ssyncadd.s32 $0xFFFFFFB0  }
0x1e2: {  	[tilespmem:s10], [sflag:$0x2] =	stream.indirect.gather [hbm4b:s8+s30], $0x10, s30, s30, $0xb8;
	[tilespmem:$0x12E40] =	vst v63  }
0x1e3: {  	_ = 	snop  }
0x1e4: {  	[tilespmem:s11], [sflag:$0x2] =	stream.indirect.gather [hbm4b:s9+s30], $0x10, s28, s30, $0xb8;
	[tilespmem:$0x12E40] =	vst v63  }
0x1e5: {  	s3 =	rddreg [dreg:$0x1]  }
0x1e6: {  	[tilespmem:s12], [sflag:$0x2] =	stream.indirect.gather [hbm4b:s3+s30], $0x40, s30, s30, $0xb8;
	[tilespmem:$0x12E40] =	vst v63  }
0x1e7: {  	_ =	swait.ge [sflag:s14], $0x500  }
0x1e8: {  	[sflag:s14] =	ssyncset.done $0x0  }
0x1e9: {  	[sflag:s14] =	ssyncadd.s32 $0xFFFFFB00  }
0x1ea: {  	s19 =	simm.s32 $0x0;
	_ =	swait.ge [sflag:s14], $0x500  }
0x1eb: {  	v5 =	vor.u32 s19, v0;
	[sflag:s14] =	ssyncset.done $0x0  }
0x1ec: {  	[sflag:s14] =	ssyncadd.s32 $0xFFFFFB00  }
0x1ed: {  	_ =	swait.ge [sflag:s14], $0x1400  }
0x1ee: {  	[sflag:s14] =	ssyncset.done $0x0  }
0x1ef: {  	[sflag:s14] =	ssyncadd.s32 $0xFFFFEC00  }
0x1f0: {  	v6 =	vld.idx.msk [tilespmem:v5+s0+$0x0], $0xffff  }
0x1f1: {  	v7 =	vld.idx.msk [tilespmem:v5+s31+$0x0], $0xffff;
	_ =	sdelay $0x4  }
0x1f2: {  	v6 =	vadd.f32 v6, v7;
	_ =	sdelay $0x1  }
0x1f3: {  	v7 =	vmul.f32 $2.000000030e-01, v6;
	_ =	sdelay $0x1  }
0x1f4: {  	v6 =	vmax.f32 v6, v7  }
0x1f5: {  	v6 =	vsub.f32 v6, v4;
	_ =	sdelay $0x1  }
0x1f6: {  	v6 =	vmul.f32 $1.442695020e+00, v6;
	_ =	sdelay $0x1  }
0x1f7: {  	(erf) = vpow2.f32 v6;
	_ =	sdelay $0x4  }
0x1f8: {  	s20 =	simm.s32 $0x10  }
0x1f9: {  	s1 =	simm.s32 $0x2;
	v6 =	vor.u32 s20, v0  }
.LBB2_16:
0x1fa: {  	p0 =	sne.s32 s1, $0x4F;
	_ =	sdelay $0x1  }
0x1fb: {  	v7 =	vpop (erf)  }
0x1fc: {  	[tilespmem:v5+s15+$0x0] =	vst.idx.msk $0xffff, v7;
	v5 =	vmov v6  }
0x1fd: {  	v7 =	vld.idx.msk [tilespmem:v6+s0+$0x0], $0xffff  }
0x1fe: {  	v6 =	vld.idx.msk [tilespmem:v6+s31+$0x0], $0xffff;
	_ =	sdelay $0x5  }
0x1ff: {  	v6 =	vadd.f32 v7, v6;
	_ =	sdelay $0x1  }
0x200: {  	v7 =	vmul.f32 $2.000000030e-01, v6;
	_ =	sdelay $0x1  }
0x201: {  	v6 =	vmax.f32 v6, v7  }
0x202: {  	v6 =	vsub.f32 v6, v4;
	_ =	sdelay $0x1  }
0x203: {  	v6 =	vmul.f32 $1.442695020e+00, v6;
	_ =	sdelay $0x1  }
0x204: {  	(erf) = vpow2.f32 v6;
	_ =	sdelay $0x1  }
.Ltmp7:
0x205: {  	(pc) =	sbr.rel @p0 .LBB2_16-.Ltmp7, $3  }
0x206: {  	_ =	sdelay $0x1  }
0x207: {  	s3 =	sshll.u32 s1, $0x4  }
0x208: {  	s1 =	sadd.s32 $0x1, s1;
	v6 =	vor.u32 s3, v0  }
0x209: {  	_ =	sdelay $0x2  }
0x20a: {  	v7 =	vpop (erf)  }
0x20b: {  	[tilespmem:v5+s15+$0x0] =	vst.idx.msk $0xffff, v7  }
0x20c: {  	v5 =	vld.idx.msk [tilespmem:v6+s0+$0x0], $0xffff  }
0x20d: {  	v7 =	vld.idx.msk [tilespmem:v6+s31+$0x0], $0xffff;
	_ =	sdelay $0x4  }
0x20e: {  	v5 =	vadd.f32 v5, v7;
	_ =	sdelay $0x1  }
0x20f: {  	v7 =	vmul.f32 $2.000000030e-01, v5;
	_ =	sdelay $0x1  }
0x210: {  	v5 =	vmax.f32 v5, v7  }
0x211: {  	v5 =	vsub.f32 v5, v4;
	_ =	sdelay $0x1  }
0x212: {  	v5 =	vmul.f32 $1.442695020e+00, v5;
	_ =	sdelay $0x1  }
0x213: {  	(erf) = vpow2.f32 v5;
	_ =	sdelay $0x4  }
0x214: {  	s1 =	simm.s32 $0x0  }
0x215: {  	v5 =	vmov s1  }
0x216: {  	v7 =	vshll.u32 v5, $0x4;
	v5 =	vshll.u32 v5, $0x6  }
0x217: {  	v8 =	vor.u32 v0, v5  }
0x218: {  	v9 =	vpop (erf)  }
0x219: {  	s19 =	rddreg [dreg:$0x3];
	[tilespmem:v6+s15+$0x0] =	vst.idx.msk $0xffff, v9  }
0x21a: {  	[spmem:s19] =	stream.indirect.scatter.add.f32 [tilespmem:s15], [sflag:$0x4], $0x10, s29, s30, $0xb8;
	[tilespmem:$0x12E40] =	vst v63  }
0x21b: {  	v9 =	vld.idx.msk [tilespmem:v7+s15+$0x0], $0xffff  }
0x21c: {  	v6 =	vld.idx.msk [tilespmem:v8+s2+$0x0], $0xffff;
	_ =	sdelay $0x2  }
0x21d: {  	v7 =	vor.u32 v1, v5;
	_ =	sdelay $0x1  }
0x21e: {  	v6 =	vmul.f32 v6, v9;
	_ =	sdelay $0x1  }
0x21f: {  	[tilespmem:v8+s2+$0x0] =	vst.idx.msk $0xffff, v6  }
0x220: {  	v6 =	vld.idx.msk [tilespmem:v7+s2+$0x0], $0xffff;
	_ =	sdelay $0x2  }
0x221: {  	v8 =	vor.u32 v2, v5;
	_ =	sdelay $0x1  }
0x222: {  	v6 =	vmul.f32 v6, v9;
	_ =	sdelay $0x1  }
0x223: {  	[tilespmem:v7+s2+$0x0] =	vst.idx.msk $0xffff, v6  }
0x224: {  	v7 =	vld.idx.msk [tilespmem:v8+s2+$0x0], $0xffff;
	_ =	sdelay $0x2  }
0x225: {  	v6 =	vor.u32 v3, v5;
	_ =	sdelay $0x1  }
0x226: {  	v5 =	vmul.f32 v7, v9;
	_ =	sdelay $0x1  }
0x227: {  	[tilespmem:v8+s2+$0x0] =	vst.idx.msk $0xffff, v5  }
0x228: {  	v10 =	vld.idx.msk [tilespmem:v6+s2+$0x0], $0xffff  }
0x229: {  	s20 =	simm.s32 $0x1  }
0x22a: {  	v7 =	vmov s20  }
0x22b: {  	v5 =	vshll.u32 v7, $0x6;
	v8 =	vshll.u32 v7, $0x4  }
0x22c: {  	v7 =	vor.u32 v0, v5  }
0x22d: {  	s1 =	simm.s32 $0x2;
	v9 =	vmul.f32 v10, v9  }
.LBB2_18:
0x22e: {  	_ = 	snop  }
0x22f: {  	p0 =	sne.s32 s1, $0x4F;
	s3 =	smov.u32 s1;
	s1 =	sadd.s32 $0x1, s1;
	[tilespmem:v6+s2+$0x0] =	vst.idx.msk $0xffff, v9  }
0x230: {  	v9 =	vld.idx.msk [tilespmem:v8+s15+$0x0], $0xffff  }
0x231: {  	v6 =	vld.idx.msk [tilespmem:v7+s2+$0x0], $0xffff;
	_ =	sdelay $0x3  }
0x232: {  	v8 =	vor.u32 v1, v5;
	_ =	sdelay $0x1  }
0x233: {  	v6 =	vmul.f32 v6, v9;
	_ =	sdelay $0x1  }
0x234: {  	[tilespmem:v7+s2+$0x0] =	vst.idx.msk $0xffff, v6  }
0x235: {  	v6 =	vld.idx.msk [tilespmem:v8+s2+$0x0], $0xffff;
	_ =	sdelay $0x3  }
0x236: {  	v7 =	vor.u32 v2, v5;
	_ =	sdelay $0x1  }
0x237: {  	v6 =	vmul.f32 v6, v9;
	_ =	sdelay $0x1  }
0x238: {  	[tilespmem:v8+s2+$0x0] =	vst.idx.msk $0xffff, v6  }
0x239: {  	v8 =	vld.idx.msk [tilespmem:v7+s2+$0x0], $0xffff;
	_ =	sdelay $0x3  }
0x23a: {  	v6 =	vor.u32 v3, v5;
	_ =	sdelay $0x1  }
0x23b: {  	v5 =	vmul.f32 v8, v9;
	_ =	sdelay $0x1  }
0x23c: {  	[tilespmem:v7+s2+$0x0] =	vst.idx.msk $0xffff, v5  }
0x23d: {  	v10 =	vld.idx.msk [tilespmem:v6+s2+$0x0], $0xffff;
	_ =	sdelay $0x1  }
.Ltmp8:
0x23e: {  	(pc) =	sbr.rel @p0 .LBB2_18-.Ltmp8, $4  }
0x23f: {  	v5 =	vmov s3  }
0x240: {  	v8 =	vshll.u32 v5, $0x4;
	v5 =	vshll.u32 v5, $0x6  }
0x241: {  	v7 =	vor.u32 v0, v5  }
0x242: {  	v9 =	vmul.f32 v10, v9  }
0x243: {  	_ =	sdelay $0x3  }
0x244: {  	[tilespmem:v6+s2+$0x0] =	vst.idx.msk $0xffff, v9  }
0x245: {  	v6 =	vld.idx.msk [tilespmem:v8+s15+$0x0], $0xffff  }
0x246: {  	v8 =	vld.idx.msk [tilespmem:v7+s2+$0x0], $0xffff;
	_ =	sdelay $0x2  }
0x247: {  	v63 =	vor.u32 v1, v5;
	_ =	sdelay $0x1  }
0x248: {  	v8 =	vmul.f32 v8, v6;
	_ =	sdelay $0x1  }
0x249: {  	[tilespmem:v7+s2+$0x0] =	vst.idx.msk $0xffff, v8  }
0x24a: {  	v7 =	vld.idx.msk [tilespmem:v63+s2+$0x0], $0xffff;
	_ =	sdelay $0x2  }
0x24b: {  	v8 =	vor.u32 v2, v5;
	_ =	sdelay $0x1  }
0x24c: {  	v7 =	vmul.f32 v7, v6;
	_ =	sdelay $0x1  }
0x24d: {  	[tilespmem:v63+s2+$0x0] =	vst.idx.msk $0xffff, v7  }
0x24e: {  	v7 =	vld.idx.msk [tilespmem:v8+s2+$0x0], $0xffff;
	_ =	sdelay $0x2  }
0x24f: {  	v5 =	vor.u32 v3, v5;
	_ =	sdelay $0x1  }
0x250: {  	v7 =	vmul.f32 v7, v6;
	_ =	sdelay $0x1  }
0x251: {  	[tilespmem:v8+s2+$0x0] =	vst.idx.msk $0xffff, v7  }
0x252: {  	v7 =	vld.idx.msk [tilespmem:v5+s2+$0x0], $0xffff;
	_ =	sdelay $0x4  }
0x253: {  	v6 =	vmul.f32 v7, v6;
	_ =	sdelay $0x1  }
0x254: {  	s1 =	rddreg [dreg:$0x2];
	[tilespmem:v5+s2+$0x0] =	vst.idx.msk $0xffff, v6  }
0x255: {  	[spmem:s1] =	stream.indirect.scatter.add.f32 [tilespmem:s2], [sflag:$0x4], $0x40, s29, s30, $0xb8;
	[tilespmem:$0x12E40] =	vst v63  }
0x256: {  	_ =	swait.ge [sflag:s24], $0x500  }
0x257: {  	[sflag:s24] =	ssyncset.done $0x0  }
0x258: {  	[sflag:s24] =	ssyncadd.s32 $0xFFFFFB00  }
0x259: {  	s19 =	simm.s32 $0x0;
	_ =	swait.ge [sflag:s24], $0x500  }
0x25a: {  	v5 =	vor.u32 s19, v0;
	[sflag:s24] =	ssyncset.done $0x0  }
0x25b: {  	[sflag:s24] =	ssyncadd.s32 $0xFFFFFB00  }
0x25c: {  	_ =	swait.ge [sflag:s24], $0x1400  }
0x25d: {  	[sflag:s24] =	ssyncset.done $0x0  }
0x25e: {  	[sflag:s24] =	ssyncadd.s32 $0xFFFFEC00  }
0x25f: {  	v6 =	vld.idx.msk [tilespmem:v5+s11+$0x0], $0xffff  }
0x260: {  	v7 =	vld.idx.msk [tilespmem:v5+s10+$0x0], $0xffff;
	_ =	sdelay $0x4  }
0x261: {  	v6 =	vadd.f32 v6, v7;
	_ =	sdelay $0x1  }
0x262: {  	v7 =	vmul.f32 $2.000000030e-01, v6;
	_ =	sdelay $0x1  }
0x263: {  	v6 =	vmax.f32 v6, v7  }
0x264: {  	v6 =	vsub.f32 v6, v4;
	_ =	sdelay $0x1  }
0x265: {  	v6 =	vmul.f32 $1.442695020e+00, v6;
	_ =	sdelay $0x1  }
0x266: {  	(erf) = vpow2.f32 v6;
	_ =	sdelay $0x4  }
0x267: {  	s20 =	simm.s32 $0x10  }
0x268: {  	s1 =	simm.s32 $0x2;
	v6 =	vor.u32 s20, v0  }
.LBB2_20:
0x269: {  	p0 =	sne.s32 s1, $0x4F;
	_ =	sdelay $0x1  }
0x26a: {  	v7 =	vpop (erf)  }
0x26b: {  	[tilespmem:v5+s25+$0x0] =	vst.idx.msk $0xffff, v7;
	v5 =	vmov v6  }
0x26c: {  	v7 =	vld.idx.msk [tilespmem:v6+s11+$0x0], $0xffff  }
0x26d: {  	v6 =	vld.idx.msk [tilespmem:v6+s10+$0x0], $0xffff;
	_ =	sdelay $0x5  }
0x26e: {  	v6 =	vadd.f32 v7, v6;
	_ =	sdelay $0x1  }
0x26f: {  	v7 =	vmul.f32 $2.000000030e-01, v6;
	_ =	sdelay $0x1  }
0x270: {  	v6 =	vmax.f32 v6, v7  }
0x271: {  	v6 =	vsub.f32 v6, v4;
	_ =	sdelay $0x1  }
0x272: {  	v6 =	vmul.f32 $1.442695020e+00, v6;
	_ =	sdelay $0x1  }
0x273: {  	(erf) = vpow2.f32 v6;
	_ =	sdelay $0x1  }
.Ltmp9:
0x274: {  	(pc) =	sbr.rel @p0 .LBB2_20-.Ltmp9, $3  }
0x275: {  	_ =	sdelay $0x1  }
0x276: {  	s3 =	sshll.u32 s1, $0x4  }
0x277: {  	s1 =	sadd.s32 $0x1, s1;
	v6 =	vor.u32 s3, v0  }
0x278: {  	_ =	sdelay $0x2  }
0x279: {  	v7 =	vpop (erf)  }
0x27a: {  	[tilespmem:v5+s25+$0x0] =	vst.idx.msk $0xffff, v7  }
0x27b: {  	v5 =	vld.idx.msk [tilespmem:v6+s11+$0x0], $0xffff  }
0x27c: {  	v7 =	vld.idx.msk [tilespmem:v6+s10+$0x0], $0xffff;
	_ =	sdelay $0x4  }
0x27d: {  	v5 =	vadd.f32 v5, v7;
	_ =	sdelay $0x1  }
0x27e: {  	v7 =	vmul.f32 $2.000000030e-01, v5;
	_ =	sdelay $0x1  }
0x27f: {  	v5 =	vmax.f32 v5, v7  }
0x280: {  	v4 =	vsub.f32 v5, v4;
	_ =	sdelay $0x1  }
0x281: {  	v4 =	vmul.f32 $1.442695020e+00, v4;
	_ =	sdelay $0x1  }
0x282: {  	(erf) = vpow2.f32 v4;
	_ =	sdelay $0x4  }
0x283: {  	s1 =	simm.s32 $0x0  }
0x284: {  	v4 =	vmov s1  }
0x285: {  	v5 =	vshll.u32 v4, $0x4;
	v4 =	vshll.u32 v4, $0x6  }
0x286: {  	v7 =	vor.u32 v0, v4  }
0x287: {  	v8 =	vpop (erf)  }
0x288: {  	s19 =	rddreg [dreg:$0x3];
	[tilespmem:v6+s25+$0x0] =	vst.idx.msk $0xffff, v8  }
0x289: {  	[spmem:s19] =	stream.indirect.scatter.add.f32 [tilespmem:s25], [sflag:$0x5], $0x10, s28, s30, $0xb8;
	[tilespmem:$0x12E40] =	vst v63  }
0x28a: {  	v8 =	vld.idx.msk [tilespmem:v5+s25+$0x0], $0xffff  }
0x28b: {  	v5 =	vld.idx.msk [tilespmem:v7+s12+$0x0], $0xffff;
	_ =	sdelay $0x2  }
0x28c: {  	v6 =	vor.u32 v1, v4;
	_ =	sdelay $0x1  }
0x28d: {  	v5 =	vmul.f32 v5, v8;
	_ =	sdelay $0x1  }
0x28e: {  	[tilespmem:v7+s12+$0x0] =	vst.idx.msk $0xffff, v5  }
0x28f: {  	v5 =	vld.idx.msk [tilespmem:v6+s12+$0x0], $0xffff;
	_ =	sdelay $0x2  }
0x290: {  	v7 =	vor.u32 v2, v4;
	_ =	sdelay $0x1  }
0x291: {  	v5 =	vmul.f32 v5, v8;
	_ =	sdelay $0x1  }
0x292: {  	[tilespmem:v6+s12+$0x0] =	vst.idx.msk $0xffff, v5  }
0x293: {  	v6 =	vld.idx.msk [tilespmem:v7+s12+$0x0], $0xffff;
	_ =	sdelay $0x2  }
0x294: {  	v5 =	vor.u32 v3, v4;
	_ =	sdelay $0x1  }
0x295: {  	v4 =	vmul.f32 v6, v8;
	_ =	sdelay $0x1  }
0x296: {  	[tilespmem:v7+s12+$0x0] =	vst.idx.msk $0xffff, v4  }
0x297: {  	v9 =	vld.idx.msk [tilespmem:v5+s12+$0x0], $0xffff  }
0x298: {  	s20 =	simm.s32 $0x1  }
0x299: {  	v6 =	vmov s20  }
0x29a: {  	v4 =	vshll.u32 v6, $0x6;
	v7 =	vshll.u32 v6, $0x4  }
0x29b: {  	v6 =	vor.u32 v0, v4  }
0x29c: {  	s1 =	simm.s32 $0x2;
	v8 =	vmul.f32 v9, v8  }
.LBB2_22:
0x29d: {  	_ = 	snop  }
0x29e: {  	p0 =	sne.s32 s1, $0x4F;
	s3 =	smov.u32 s1;
	s1 =	sadd.s32 $0x1, s1;
	[tilespmem:v5+s12+$0x0] =	vst.idx.msk $0xffff, v8  }
0x29f: {  	v8 =	vld.idx.msk [tilespmem:v7+s25+$0x0], $0xffff  }
0x2a0: {  	v5 =	vld.idx.msk [tilespmem:v6+s12+$0x0], $0xffff;
	_ =	sdelay $0x3  }
0x2a1: {  	v7 =	vor.u32 v1, v4;
	_ =	sdelay $0x1  }
0x2a2: {  	v5 =	vmul.f32 v5, v8;
	_ =	sdelay $0x1  }
0x2a3: {  	[tilespmem:v6+s12+$0x0] =	vst.idx.msk $0xffff, v5  }
0x2a4: {  	v5 =	vld.idx.msk [tilespmem:v7+s12+$0x0], $0xffff;
	_ =	sdelay $0x3  }
0x2a5: {  	v6 =	vor.u32 v2, v4;
	_ =	sdelay $0x1  }
0x2a6: {  	v5 =	vmul.f32 v5, v8;
	_ =	sdelay $0x1  }
0x2a7: {  	[tilespmem:v7+s12+$0x0] =	vst.idx.msk $0xffff, v5  }
0x2a8: {  	v7 =	vld.idx.msk [tilespmem:v6+s12+$0x0], $0xffff;
	_ =	sdelay $0x3  }
0x2a9: {  	v5 =	vor.u32 v3, v4;
	_ =	sdelay $0x1  }
0x2aa: {  	v4 =	vmul.f32 v7, v8;
	_ =	sdelay $0x1  }
0x2ab: {  	[tilespmem:v6+s12+$0x0] =	vst.idx.msk $0xffff, v4  }
0x2ac: {  	v9 =	vld.idx.msk [tilespmem:v5+s12+$0x0], $0xffff;
	_ =	sdelay $0x1  }
.Ltmp10:
0x2ad: {  	(pc) =	sbr.rel @p0 .LBB2_22-.Ltmp10, $4  }
0x2ae: {  	v4 =	vmov s3  }
0x2af: {  	v7 =	vshll.u32 v4, $0x4;
	v4 =	vshll.u32 v4, $0x6  }
0x2b0: {  	v6 =	vor.u32 v0, v4  }
0x2b1: {  	v8 =	vmul.f32 v9, v8  }
0x2b2: {  	_ =	sdelay $0x3  }
0x2b3: {  	[tilespmem:v5+s12+$0x0] =	vst.idx.msk $0xffff, v8  }
0x2b4: {  	v5 =	vld.idx.msk [tilespmem:v7+s25+$0x0], $0xffff  }
0x2b5: {  	v61 =	vld.idx.msk [tilespmem:v6+s12+$0x0], $0xffff;
	_ =	sdelay $0x2  }
0x2b6: {  	v62 =	vor.u32 v1, v4;
	_ =	sdelay $0x1  }
0x2b7: {  	v7 =	vmul.f32 v61, v5;
	_ =	sdelay $0x1  }
0x2b8: {  	[tilespmem:v6+s12+$0x0] =	vst.idx.msk $0xffff, v7  }
0x2b9: {  	v6 =	vld.idx.msk [tilespmem:v62+s12+$0x0], $0xffff;
	_ =	sdelay $0x2  }
0x2ba: {  	v63 =	vor.u32 v2, v4;
	_ =	sdelay $0x1  }
0x2bb: {  	v6 =	vmul.f32 v6, v5;
	_ =	sdelay $0x1  }
0x2bc: {  	[tilespmem:v62+s12+$0x0] =	vst.idx.msk $0xffff, v6  }
0x2bd: {  	v6 =	vld.idx.msk [tilespmem:v63+s12+$0x0], $0xffff;
	_ =	sdelay $0x2  }
0x2be: {  	v4 =	vor.u32 v3, v4;
	_ =	sdelay $0x1  }
0x2bf: {  	v6 =	vmul.f32 v6, v5;
	_ =	sdelay $0x1  }
0x2c0: {  	[tilespmem:v63+s12+$0x0] =	vst.idx.msk $0xffff, v6  }
0x2c1: {  	v6 =	vld.idx.msk [tilespmem:v4+s12+$0x0], $0xffff;
	_ =	sdelay $0x4  }
0x2c2: {  	v5 =	vmul.f32 v6, v5;
	_ =	sdelay $0x1  }
0x2c3: {  	s1 =	rddreg [dreg:$0x2];
	[tilespmem:v4+s12+$0x0] =	vst.idx.msk $0xffff, v5  }
0x2c4: {  	[spmem:s1] =	stream.indirect.scatter.add.f32 [tilespmem:s12], [sflag:$0x5], $0x40, s28, s30, $0xb8;
	[tilespmem:$0x12E40] =	vst v63  }
0x2c5: {  	_ =	swait.ge [sflag:s5], $0x500  }
0x2c6: {  	[sflag:s5] =	ssyncset.done $0x0  }
0x2c7: {  	[sflag:s5] =	ssyncadd.s32 $0xFFFFFB00  }
0x2c8: {  	_ =	swait.ge [sflag:s5], $0x1400  }
0x2c9: {  	[sflag:s5] =	ssyncset.done $0x0  }
0x2ca: {  	[sflag:s5] =	ssyncadd.s32 $0xFFFFEC00  }
0x2cb: {  	_ =	swait.ge [sflag:s4], $0x500  }
0x2cc: {  	[sflag:s4] =	ssyncset.done $0x0  }
0x2cd: {  	[sflag:s4] =	ssyncadd.s32 $0xFFFFFB00  }
0x2ce: {  	_ =	swait.ge [sflag:s4], $0x1400  }
0x2cf: {  	[sflag:s4] =	ssyncset.done $0x0  }
0x2d0: {  	[sflag:s4] =	ssyncadd.s32 $0xFFFFEC00;
	s4 =	simm.s32 $0x6  }
0x2d1: {  	_ =	swait.ge [sflag:s4], $0x500  }
0x2d2: {  	[sflag:s4] =	ssyncset.done $0x0  }
0x2d3: {  	[sflag:s4] =	ssyncadd.s32 $0xFFFFFB00  }
0x2d4: {  	_ =	swait.ge [sflag:s4], $0x1400  }
0x2d5: {  	[sflag:s4] =	ssyncset.done $0x0  }
0x2d6: {  	[sflag:s4] =	ssyncadd.s32 $0xFFFFEC00  }
0x2d7: {  	[bflag:$0x0] =	sbarrier.arrive $0xFFFF  }
0x2d8: {  	s3 =	rddreg [dreg:$0x8]  }
0x2d9: {  	s19 =	rddreg [dreg:$0x12]  }
0x2da: {  	s20 =	rddreg [dreg:$0x17]  }
0x2db: {  	[hbm:s19], [sflag:s3] =	dma.local [spmem:s20], $0x4F0  }
0x2dc: {  	_ =	swait.ge [sflag:s26], $0x4F0  }
0x2dd: {  	[sflag:s26] =	ssyncset.done $0x0;
	s19 =	rddreg [dreg:$0x13]  }
0x2de: {  	s20 =	rddreg [dreg:$0x16];
	[sflag:s26] =	ssyncadd.s32 $0xFFFFFB10  }
0x2df: {  	[hbm:s19], [sflag:s3] =	dma.local [spmem:s20], $0x13C0  }
0x2e0: {  	_ =	swait.ge [sflag:s26], $0x13C0  }
0x2e1: {  	s19 =	rddreg [dreg:$0x15]  }
0x2e2: {  	s20 =	rddreg [dreg:$0x14];
	s4 =	sadd.s32 $0x1, s19  }
0x2e3: {  	p0 =	sne.s32 s4, s20  }
.Ltmp11:
0x2e4: {  	_ = 	snop;
	(pc) =	sbr.rel @p0 .LBB2_1-.Ltmp11, $3  }
0x2e5: {  	_ =	sdelay $0x1  }
0x2e6: {  	[sflag:s26] =	ssyncset.done $0x0  }
0x2e7: {  	[sflag:s26] =	ssyncadd.s32 $0xFFFFEC40  }
0x2e8: {  	_ =	sfence.sel $0x180000  }
0x2e9: {  	[bflag:$0x0] =	sbarrier.arrive $0xFFFF  }
0x2ea: {  	_ =	strace $0x9000004A  }
0x2eb: {  	s0 =	stileid.u32;
	[bflag:$0x2] =	sbarrier.arrive $0xFFFF  }
0x2ec: {  	p0 =	sne.s32 s0, $0x0;
	s0 =	rddreg [dreg:$0x4]  }
0x2ed: {  	s0 =	sadd.s32 @!p0 $0x100000, s0  }
0x2ee: {  	[sflag:s0] =	ssyncadd.tile.s32 @!p0 $0x1;
	_ =	shalt  }
.Lfunc_end2:
_tile_overlayer_lowered:
.L_overlay_start_2:
0x2ef: {  	(tag) =	ssettag $0x2  }
0x2f0: {  	s0 =	rddreg [dreg:$0x0];
	s2 =	stileid.u32  }
0x2f1: {  	s1 =	rddreg [dreg:$0x1];
	p0 =	sne.s32 s2, $0x0  }
0x2f2: {  	s3 =	rddreg [dreg:$0x2];
	[bflag:$0x3] =	sbarrier.arrive $0xFFFF;
	s2 =	simm.s32 @!p0 $0x1C07  }
0x2f3: {  	[timem:s3], [sflag:s2] =	dma.local @!p0 [hbm:s0], s1  }
0x2f4: {  	s0 =	simm.s32 @!p0 $0x7  }
0x2f5: {  	_ =	swait.ge @!p0 [sflag:s0], s1  }
0x2f6: {  	s1 =	ssub.s32 @!p0 $0x0, s1;
	[sflag:s0] =	ssyncset.done @!p0 $0x0  }
0x2f7: {  	[sflag:s0] =	ssyncadd.s32 @!p0 s1  }
0x2f8: {  	[bflag:$0x3] =	sbarrier.arrive $0xFFFF  }
0x2f9: {  	_ =	shalt  }

// kernel: kernel.7.cloned.1.call-start
scs
__scs_entry_jumppad:
0x0: {  	(pc) =	sbr.rel $0x88, $3  }
0x1: {  	(tag) =	ssettag $0x0;
	lr =	simm.s32 $0x1  }
0x2: {  	[smem:$0x3F97] =	sst lr;
	_ =	strace $0xD0000000  }
0x3: {  	_ = 	snop  }
0x4: {  	_ = 	snop  }
0x5: {  	_ = 	snop  }
0x6: {  	_ = 	snop  }
0x7: {  	_ = 	snop  }
__scs_overlays_trampoline_lowered:
0x8: {  	[smem:$0x3FA6] =	sst s0  }
0x9: {  	[smem:$0x3FA7] =	sst s1  }
0xa: {  	[smem:$0x3FA8] =	sst s2  }
0xb: {  	[smem:$0x3FA9] =	sst s3  }
0xc: {  	[smem:$0x3FAA] =	sst s4  }
0xd: {  	[smem:$0x3FAB] =	sst s5  }
0xe: {  	[smem:$0x3FAC] =	sst s6  }
0xf: {  	[smem:$0x3FAD] =	sst s7  }
0x10: {  	[smem:$0x3FAE] =	sst s8  }
0x11: {  	[smem:$0x3FAF] =	sst s9;
	s0 =	simm.s32 @!p0 $0x0  }
0x12: {  	s1 =	sld [smem:$0x3F95];
	s0 =	simm.s32 @p0 $0x1  }
0x13: {  	[smem:$0x3FB0] =	sst s0;
	s0 =	simm.s32 @!p1 $0x0  }
0x14: {  	s2 =	sld [smem:$0x3F94];
	s0 =	simm.s32 @p1 $0x1  }
0x15: {  	[smem:$0x3FB1] =	sst s0;
	s0 =	simm.s32 @!p2 $0x0  }
0x16: {  	s3 =	sld [smem:$0x3FDB];
	s0 =	simm.s32 @p2 $0x1  }
0x17: {  	s4 =	simm.s32 $0x1BF5;
	[smem:$0x3FB3] =	sst s0  }
0x18: {  	s0 =	sld [smem:$0x3F96];
	_ =	swait.ge [sflag:s4], $0x0  }
0x19: {  	s7 =	sld [smem:$0x3F97]  }
0x1a: {  	s8 =	sadd.s32 $0xFFFFE003, lr  }
0x1b: {  	s9 =	sadd.s32 $0xFFFFFEF7, lr;
	s5 =	simm.s32 $0xFFFFFFFF;
	p2 =	slt.u32 s8, $0xFFFFF086  }
0x1c: {  	p1 =	slt.u32 s9, $0xF7A;
	s5 =	simm.s32 @!p2 $0x0  }
0x1d: {  	s5 =	simm.s32 @p1 $0x1;
	p0 =	seq.s32 s7, s2  }
0x1e: {  	s7 =	smul.u32 @!p0 $0xF7A, s2;
	p2 =	seq.s32 @!p0 s5, $0x0  }
0x1f: {  	s9 =	smul.u32 $0xF7A, s1;
	s8 =	simm.s32 @!p0 $0x1BF5;
	p2 =	por !p2, p0  }
0x20: {  	[sflag:s8] =	ssyncset.s32 @!p0 $0xFFFFF086;
	s6 =	sadd.s32 @!p0 s3, s7;
	s7 =	simm.s32 @!p0 $0x108  }
0x21: {  	s3 =	sadd.s32 s3, s9;
	s6 =	sadd.s32 @!p0 $0x88, s6;
	s7 =	simm.s32 @p2 $0x1082  }
0x22: {  	[simem:s7], [sflag:s8] =	dma.local @!p0 [hbm:s6], $0xF7A  }
0x23: {  	s9 =	sor.u32 $0xD0000000, s2;
	s6 =	simm.s32 $0x108;
	_ =	swait.ge @!p0 [sflag:s8], $0x0  }
0x24: {  	s3 =	sadd.s32 $0x88, s3;
	s6 =	simm.s32 @!p1 $0x1082;
	[sflag:s4] =	ssyncset.s32 $0xFFFFF086  }
0x25: {  	[simem:s6], [sflag:s4] =	dma.local [hbm:s3], $0xF7A  }
0x26: {  	[smem:$0x3F97] =	sst s1;
	(tag) =	ssettag s2;
	_ =	strace s9  }
0x27: {  	s1 =	sld [smem:$0x3FA7]  }
0x28: {  	s2 =	sld [smem:$0x3FA8]  }
0x29: {  	s4 =	sld [smem:$0x3FAA]  }
0x2a: {  	p0 =	seq.s32 s5, $0x0;
	s5 =	sld [smem:$0x3FAB]  }
0x2b: {  	s6 =	sld [smem:$0x3FAC]  }
0x2c: {  	s7 =	sld [smem:$0x3FAD]  }
0x2d: {  	s3 =	simm.s32 $0x108;
	s8 =	sld [smem:$0x3FAE]  }
0x2e: {  	s3 =	simm.s32 @!p0 $0x1082;
	s9 =	sld [smem:$0x3FAF]  }
0x2f: {  	lr =	sadd.s32 s0, s3;
	s0 =	sld [smem:$0x3FA6]  }
0x30: {  	s3 =	sld [smem:$0x3FA9]  }
0x31: {  	[smem:$0x3FB2] =	sst s10  }
0x32: {  	s10 =	sld [smem:$0x3FB0];
	_ =	sdelay $0x3  }
0x33: {  	p0 =	seq.s32 s10, $0x1;
	s10 =	sld [smem:$0x3FB2];
	_ =	sdelay $0x3  }
0x34: {  	[smem:$0x3FB2] =	sst s10  }
0x35: {  	s10 =	sld [smem:$0x3FB1];
	_ =	sdelay $0x3  }
0x36: {  	p1 =	seq.s32 s10, $0x1;
	s10 =	sld [smem:$0x3FB2];
	_ =	sdelay $0x3  }
0x37: {  	[smem:$0x3FB2] =	sst s10  }
0x38: {  	s10 =	sld [smem:$0x3FB3]  }
0x39: {  	_ = 	snop;
	(pc) =	sbr.ind lr, $3  }
0x3a: {  	_ = 	snop  }
0x3b: {  	_ = 	snop  }
0x3c: {  	p2 =	seq.s32 s10, $0x1;
	s10 =	sld [smem:$0x3FB2]  }
0x3d: {  	_ =	shalt  }
0x3e: {  	_ =	shalt  }
0x3f: {  	_ =	shalt  }
0x40: {  	_ =	shalt  }
0x41: {  	_ =	shalt  }
0x42: {  	_ =	shalt  }
0x43: {  	_ =	shalt  }
0x44: {  	_ =	shalt  }
0x45: {  	_ =	shalt  }
0x46: {  	_ =	shalt  }
0x47: {  	_ =	shalt  }
0x48: {  	_ =	shalt  }
0x49: {  	_ =	shalt  }
0x4a: {  	_ =	shalt  }
0x4b: {  	_ =	shalt  }
0x4c: {  	_ =	shalt  }
0x4d: {  	_ =	shalt  }
0x4e: {  	_ =	shalt  }
0x4f: {  	_ =	shalt  }
0x50: {  	_ =	shalt  }
0x51: {  	_ =	shalt  }
0x52: {  	_ =	shalt  }
0x53: {  	_ =	shalt  }
0x54: {  	_ =	shalt  }
0x55: {  	_ =	shalt  }
0x56: {  	_ =	shalt  }
0x57: {  	_ =	shalt  }
0x58: {  	_ =	shalt  }
0x59: {  	_ =	shalt  }
0x5a: {  	_ =	shalt  }
0x5b: {  	_ =	shalt  }
0x5c: {  	_ =	shalt  }
0x5d: {  	_ =	shalt  }
0x5e: {  	_ =	shalt  }
0x5f: {  	_ =	shalt  }
0x60: {  	_ =	shalt  }
0x61: {  	_ =	shalt  }
0x62: {  	_ =	shalt  }
0x63: {  	_ =	shalt  }
0x64: {  	_ =	shalt  }
0x65: {  	_ =	shalt  }
0x66: {  	_ =	shalt  }
0x67: {  	_ =	shalt  }
0x68: {  	_ =	shalt  }
0x69: {  	_ =	shalt  }
0x6a: {  	_ =	shalt  }
0x6b: {  	_ =	shalt  }
0x6c: {  	_ =	shalt  }
0x6d: {  	_ =	shalt  }
0x6e: {  	_ =	shalt  }
0x6f: {  	_ =	shalt  }
0x70: {  	_ =	shalt  }
0x71: {  	_ =	shalt  }
0x72: {  	_ =	shalt  }
0x73: {  	_ =	shalt  }
0x74: {  	_ =	shalt  }
0x75: {  	_ =	shalt  }
0x76: {  	_ =	shalt  }
0x77: {  	_ =	shalt  }
0x78: {  	_ =	shalt  }
0x79: {  	_ =	shalt  }
0x7a: {  	_ =	shalt  }
0x7b: {  	_ =	shalt  }
0x7c: {  	_ =	shalt  }
0x7d: {  	_ =	shalt  }
0x7e: {  	_ =	shalt  }
0x7f: {  	_ =	shalt  }
0x80: {  	_ =	shalt  }
0x81: {  	_ =	shalt  }
0x82: {  	_ =	shalt  }
0x83: {  	_ =	shalt  }
0x84: {  	_ =	shalt  }
0x85: {  	_ =	shalt  }
0x86: {  	_ =	shalt  }
0x87: {  	_ =	shalt  }
.Lfunc_end0:
.L_simem_size_0:
called_computation_lowered:
.L_overlay_start_0:
0x88: {  	s2 =	sld [smem:$0x3FD9]  }
0x89: {  	s3 =	sld [smem:$0x3FFE];
	_ =	sdelay $0x1  }
0x8a: {  	s1 =	srdreg.scid  }
0x8b: {  	s0 =	sand.u32 $0x1, s1  }
0x8c: {  	s17 =	sshll.u32 s0, $0xA;
	s2 =	sadd.s32 s3, s2  }
0x8d: {  	s2 =	sadd.s32 s2, s17  }
0x8e: {  	[smem:$0x3FBE] =	sst s2  }
0x8f: {  	_ = 	snop  }
0x90: {  	s2 =	sld [smem:$0x3FD0];
	(tm) =	ssettm $0x1  }
0x91: {  	s18 =	sld [smem:$0x3FFB];
	_ =	sdelay $0x3  }
0x92: {  	_ =	strace s18  }
0x93: {  	s3 =	sld [smem:$0x3FFC];
	_ =	sdelay $0x3  }
0x94: {  	_ =	strace s3  }
0x95: {  	s3 =	sld [smem:$0x3FFD];
	_ =	sdelay $0x3  }
0x96: {  	_ =	strace s3  }
0x97: {  	_ =	strace $0x8FFFFFFF  }
0x98: {  	s19 =	sld [smem:$0x3FDB];
	_ =	sdelay $0x1  }
0x99: {  	s4 =	simm.s32 $_scs_section_size  }
0x9a: {  	s5 =	simm.s32 $_size__tile_overlayer_lowered;
	s6 =	simm.s32 $_tile_overlayer_lowered  }
0x9b: {  	s22 =	simm.s32 $0x1BFF;
	s21 =	sshll.u32 s6, $0x1;
	s3 =	sadd.s32 s4, s19  }
0x9c: {  	s7 =	simm.s32 $0x0;
	s20 =	sshll.u32 s5, $0x1;
	s5 =	sadd.s32 s21, s3  }
0x9d: {  	[timem:s7], [sflag:s22] =	dma.local [hbm:s5], s20  }
0x9e: {  	_ =	swait.ge [sflag:s22], s20  }
0x9f: {  	s4 =	ssub.s32 $0x0, s20;
	[sflag:s22] =	ssyncset.done $0x0  }
0xa0: {  	[sflag:s22] =	ssyncadd.s32 s4;
	_ =	sdelay $0x1  }
0xa1: {  	s23 =	simm.s32 $0x1B8B  }
0xa2: {  	_ =	swait.ge [sflag:s23], $0x1  }
0xa3: {  	[sflag:s23] =	ssyncset.done $0x0  }
0xa4: {  	s25 =	simm.s32 $0x1B8E;
	s24 =	sld [smem:$0x3FFE];
	[sflag:s23] =	ssyncadd.s32 $0xFFFFFFFF  }
0xa5: {  	s26 =	simm.s32 $execute0_lowered;
	[smem:$0x3FD2] =	sst s25  }
0xa6: {  	s5 =	sshll.u32 s26, $0x1;
	_ =	strace $0x80000046;
	[dreg:$0x1] =	wrdreg $0xFFFFFFFF  }
0xa7: {  	s28 =	simm.s32 $_size_execute0_lowered;
	s3 =	sadd.s32 s3, s5;
	[dreg:$0x0] =	wrdreg $0x0  }
0xa8: {  	s5 =	sshll.u32 s28, $0x1;
	[dreg:$0x2] =	wrdreg s3  }
0xa9: {  	[dreg:$0x3] =	wrdreg s5  }
0xaa: {  	[dreg:$0x4] =	wrdreg $0xC0  }
0xab: {  	_ =	task [dreg:s7], $0x5FFFF  }
0xac: {  	[dreg:$0x1] =	wrdreg $0xFFFFFFFF  }
0xad: {  	[dreg:$0x0] =	wrdreg $0x60  }
0xae: {  	[dreg:$0x2] =	wrdreg s24  }
0xaf: {  	[dreg:$0x3] =	wrdreg s2  }
0xb0: {  	[dreg:$0x4] =	wrdreg $0x7A900  }
0xb1: {  	[dreg:$0x5] =	wrdreg $0x53800  }
0xb2: {  	[dreg:$0x6] =	wrdreg $0x9  }
0xb3: {  	_ =	task.clear_ibuf [dreg:s7], $0x7FFFF;
	_ =	strace $0x90000046  }
0xb4: {  	s29 =	simm.s32 $0x9;
	_ =	strace $0x80000048  }
0xb5: {  	_ =	swait.ge [sflag:s29], $0x1  }
0xb6: {  	[sflag:s29] =	ssyncadd.s32 $0xFFFFFFFF  }
0xb7: {  	_ =	strace $0x90000048  }
0xb8: {  	_ =	sfence  }
0xb9: {  	s30 =	sld [smem:$0x0];
	_ =	sdelay $0x2  }
0xba: {  	s31 =	sshll.u32 s1, $0xD;
	s1 =	sshrl.u32 s1, $0x2  }
0xbb: {  	s3 =	sand.u32 $0x4000, s31;
	s1 =	sadd.s32 s1, s30  }
0xbc: {  	s0 =	sor.u32 s3, s0;
	s1 =	sshll.u32 s1, $0x11  }
0xbd: {  	s0 =	sor.u32 s1, s0  }
0xbe: {  	s0 =	sadd.s32 $0x8F2B, s0  }
0xbf: {  	[sflag:s0] =	ssyncadd.remote.s32 $0x1  }
0xc0: {  	_ =	sfence.sel $0xFFFF  }
0xc1: {  	[dreg:$0x0] =	wrdreg $0xFFFFFFFF;
	(pc) =	sbr.abs _section_cstart, $3  }
0xc2: {  	[dreg:$0x1] =	wrdreg $0xFFFFFFFF  }
0xc3: {  	_ =	task.clear_ibuf [dreg:s7], $0x2FFFF;
	_ =	strace $0x9FFFFFFF  }
0xc4: {  	(tm) =	ssettm $0x7FFFFFFF  }
0xc5: {  	_ =	shalt  }
tec
execute0_lowered:
.L_overlay_start_1:
0x0: {  	(tag) =	ssettag $0x1  }
0x1: {  	s0 =	rddreg [dreg:$0x0]  }
0x2: {  	s1 =	rddreg [dreg:$0x1]  }
0x3: {  	s15 =	rddreg [dreg:$0x2]  }
0x4: {  	s16 =	rddreg [dreg:$0x3];
	s2 =	simm.s32 $0x0  }
0x5: {  	s17 =	stileid.u32;
	s3 =	srdreg.scid;
	s28 =	simm.s32 $0x28  }
0x6: {  	s29 =	simm.s32 $0xF0;
	s30 =	simm.s32 $0x870;
	s31 =	simm.s32 $0x1770  }
0x7: {  	[smem:$0x7FF] =	sst s2;
	s5 =	sadd.s32 $0x3E000, s0;
	s6 =	sadd.s32 $0x34200, s0  }
0x8: {  	s7 =	sadd.s32 $0x2F000, s0;
	s13 =	smul.u32 $0x278, s17;
	s8 =	sadd.s32 $0x2A000, s0  }
0x9: {  	s9 =	sadd.s32 $0x2E00, s0;
	s3 =	sand.u32 $0x1, s3;
	s4 =	sadd.s32 $0x34000, s0  }
0xa: {  	s19 =	sshll.u32 s17, $0x6;
	_ =	strace $0x80000047;
	[dreg:$0x5] =	wrdreg s4  }
0xb: {  	s14 =	smul.u32 $0x138800, s3;
	s19 =	sor.u32 $0x1C07, s19;
	s2 =	smin.u32 s13, $0x2498  }
0xc: {  	s13 =	ssub.s32 $0x2, s3;
	s3 =	smul.u32 $0x27100, s3;
	[dreg:$0x8] =	wrdreg s19  }
0xd: {  	s10 =	sshll.u32 s2, $0x4;
	s11 =	sshll.u32 s2, $0x1;
	s2 =	sshll.u32 s2, $0x7  }
0xe: {  	s18 =	sshrl.u32 s13, $0x1;
	s12 =	sadd.s32 s10, s0;
	s11 =	sadd.s32 s11, s0  }
0xf: {  	s4 =	sadd.s32 s14, s2;
	s14 =	smul.u32 $0x2710, s17;
	s2 =	sadd.s32 s2, s15  }
0x10: {  	s21 =	sadd.s32 s10, s16;
	s15 =	simm.s32 $0xC8;
	s16 =	simm.s32 $0x5F0  }
0x11: {  	s17 =	simm.s32 $0xD70;
	s4 =	sshrl.u32 s4, $0x3;
	[dreg:$0x6] =	wrdreg s2  }
0x12: {  	s12 =	sadd.s32 $0x4CE00, s12;
	[dreg:$0x9] =	wrdreg s21;
	s11 =	sadd.s32 $0x47E00, s11  }
0x13: {  	s21 =	simm.s32 $0x3F70;
	s0 =	sadd.s32 s4, s0;
	[dreg:$0x7] =	wrdreg s12  }
0x14: {  	s4 =	ssub.s32 s13, s18;
	s20 =	sadd.s32 s14, s3;
	[dreg:$0xa] =	wrdreg s11  }
0x15: {  	s3 =	sadd.s32 s3, s10;
	s10 =	simm.s32 $0x2B70;
	s12 =	simm.s32 $0xFF0  }
0x16: {  	s13 =	simm.s32 $0x3;
	s18 =	simm.s32 $0x14F0;
	s24 =	sadd.s32 $0x28, s20  }
0x17: {  	s22 =	sshrl.u32 s20, $0x3;
	s25 =	sadd.s32 $0x50, s20;
	[dreg:$0xd] =	wrdreg s24  }
0x18: {  	s3 =	sshrl.u32 s3, $0x3;
	s2 =	sadd.s32 $0x78, s20;
	[dreg:$0xe] =	wrdreg s25  }
0x19: {  	s0 =	sadd.s32 $0x74000, s0;
	s26 =	smax.u32 s4, $0x1;
	[dreg:$0xf] =	wrdreg s2  }
0x1a: {  	s4 =	simm.s32 $0x370;
	s23 =	sadd.s32 s5, s22;
	[dreg:$0x11] =	wrdreg s0  }
0x1b: {  	s11 =	sadd.s32 s6, s22;
	s1 =	sadd.s32 s1, s3;
	[dreg:$0x12] =	wrdreg s26  }
0x1c: {  	v0 =	vlaneseq.u32;
	s24 =	simm.s32 $0x7;
	s26 =	simm.s32 $0x78;
	s0 =	simm.s32 $0xA0  }
0x1d: {  	v1 =	vor.u32 $0x10, v0;
	s25 =	simm.s32 $0xAF0;
	s22 =	simm.s32 $0x2;
	[dreg:$0xb] =	wrdreg s23  }
0x1e: {  	v2 =	vor.u32 $0x20, v0;
	v3 =	vor.u32 $0x30, v0;
	v4 =	vor.u32 $0x40, v0;
	s3 =	simm.s32 $0x4;
	s2 =	simm.s32 $0x0;
	[dreg:$0xc] =	wrdreg s11  }
0x1f: {  	v5 =	vor.u32 $0x50, v0;
	v6 =	vor.u32 $0x60, v0;
	v7 =	vor.u32 $0x70, v0;
	[dreg:$0x10] =	wrdreg s1;
	s11 =	simm.s32 $0x1;
	s23 =	simm.s32 $0x1270  }
.LBB2_1:
0x20: {  	[dreg:$0x13] =	wrdreg s2  }
0x21: {  	s1 =	rddreg [dreg:$0x6]  }
0x22: {  	s14 =	rddreg [dreg:$0x7];
	s1 =	sshrl.u32 s1, $0x3  }
0x23: {  	[dreg:$0x14] =	wrdreg s1  }
0x24: {  	[spmem:s1], [sflag:s19] =	dma.local [hbm:s14], $0x2780  }
0x25: {  	_ =	swait.ge [sflag:s24], $0x2780  }
0x26: {  	s20 =	rddreg [dreg:$0x9]  }
0x27: {  	[sflag:s24] =	ssyncset.done $0x0;
	s14 =	rddreg [dreg:$0xa];
	s1 =	sshrl.u32 s20, $0x3  }
0x28: {  	[sflag:s24] =	ssyncadd.s32 $0xFFFFD880;
	[dreg:$0x15] =	wrdreg s1  }
0x29: {  	[spmem:s1], [sflag:s19] =	dma.local [hbm:s14], $0x4F0  }
0x2a: {  	_ =	swait.ge [sflag:s24], $0x4F0  }
0x2b: {  	s1 =	simm.s32 $0x0;
	[sflag:s24] =	ssyncset.done $0x0  }
0x2c: {  	s14 =	simm.s32 $0x5370;
	s20 =	rddreg [dreg:$0x5];
	[sflag:s24] =	ssyncadd.s32 $0xFFFFFB10  }
0x2d: {  	[tilespmem:s14], [sflag:$0x7] =	stream.linear.gather [hbm4b:s20+s1], $0x10, $0x38;
	[tilespmem:$0x1B310] =	vst v63  }
0x2e: {  	_ =	swait.ge [sflag:s24], $0x10  }
0x2f: {  	[sflag:s24] =	ssyncset.done $0x0  }
0x30: {  	[sflag:s24] =	ssyncadd.s32 $0xFFFFFFF0  }
0x31: {  	[bflag:$0x0] =	sbarrier.arrive $0xFFFF  }
0x32: {  	s19 =	rddreg [dreg:$0xb]  }
0x33: {  	v8 =	vld [tilespmem:$0x5370];
	[tilespmem:s1], [sflag:$0x7] =	stream.linear.gather [hbm4b:s19+s1], $0x28, $0x38  }
0x34: {  	_ =	swait.ge [sflag:s24], $0x28  }
0x35: {  	[sflag:s24] =	ssyncset.done $0x0  }
0x36: {  	s20 =	rddreg [dreg:$0xc];
	[sflag:s24] =	ssyncadd.s32 $0xFFFFFFD8  }
0x37: {  	[tilespmem:s26], [sflag:$0x7] =	stream.linear.gather [hbm4b:s20+s1], $0x28, $0x38;
	[tilespmem:$0x1B310] =	vst v63  }
0x38: {  	_ =	swait.ge [sflag:s24], $0x28  }
0x39: {  	[sflag:s24] =	ssyncset.done $0x0  }
0x3a: {  	[sflag:s24] =	ssyncadd.s32 $0xFFFFFFD8  }
0x3b: {  	[tilespmem:s29], [sflag:$0x1] =	stream.indirect.gather [hbm4b:s7+s28], $0x10, s1, s28, $0xb8;
	[tilespmem:$0x1B310] =	vst v63  }
0x3c: {  	_ = 	snop  }
0x3d: {  	[tilespmem:s30], [sflag:$0x1] =	stream.indirect.gather [hbm4b:s8+s28], $0x10, s26, s28, $0xb8;
	[tilespmem:$0x1B310] =	vst v63  }
0x3e: {  	s19 =	simm.s32 $0x0  }
0x3f: {  	[tilespmem:s31], [sflag:$0x1] =	stream.indirect.gather [hbm4b:s9+s28], $0x80, s1, s28, $0xb8;
	[tilespmem:$0x1B310] =	vst v63  }
.LBB2_2:
0x40: {  	p0 =	seq.s32 s19, $0x0  }
0x41: {  	s1 =	simm.s32 @!p0 $0x5  }
0x42: {  	_ =	swait.ge @!p0 [sflag:s1], $0x280  }
0x43: {  	[sflag:s1] =	ssyncset.done @!p0 $0x0  }
0x44: {  	[sflag:s1] =	ssyncadd.s32 @!p0 $0xFFFFFD80  }
0x45: {  	s20 =	smul.u32 $0x78, s19;
	_ =	swait.ge @!p0 [sflag:s1], $0x1400  }
0x46: {  	s2 =	rddreg [dreg:$0xd]  }
0x47: {  	s2 =	sadd.s32 s20, s2  }
0x48: {  	[sflag:s1] =	ssyncset.done @!p0 $0x0;
	s2 =	sshrl.u32 s2, $0x3  }
0x49: {  	s14 =	simm.s32 $0x0;
	[sflag:s1] =	ssyncadd.s32 @!p0 $0xFFFFEC00;
	s1 =	sadd.s32 s5, s2  }
0x4a: {  	[tilespmem:s28], [sflag:$0x7] =	stream.linear.gather [hbm4b:s1+s14], $0x28, $0x38;
	[tilespmem:$0x1B310] =	vst v63  }
0x4b: {  	_ =	swait.ge [sflag:s24], $0x28  }
0x4c: {  	[sflag:s24] =	ssyncset.done $0x0  }
0x4d: {  	s2 =	sadd.s32 s6, s2;
	[sflag:s24] =	ssyncadd.s32 $0xFFFFFFD8  }
0x4e: {  	[tilespmem:s0], [sflag:$0x7] =	stream.linear.gather [hbm4b:s2+s14], $0x28, $0x38;
	[tilespmem:$0x1B310] =	vst v63  }
0x4f: {  	_ =	swait.ge [sflag:s24], $0x28  }
0x50: {  	[sflag:s24] =	ssyncset.done $0x0  }
0x51: {  	[sflag:s24] =	ssyncadd.s32 $0xFFFFFFD8  }
0x52: {  	[tilespmem:s4], [sflag:$0x2] =	stream.indirect.gather [hbm4b:s7+s28], $0x10, s28, s28, $0xb8;
	[tilespmem:$0x1B310] =	vst v63  }
0x53: {  	_ = 	snop  }
0x54: {  	[tilespmem:s25], [sflag:$0x2] =	stream.indirect.gather [hbm4b:s8+s28], $0x10, s0, s28, $0xb8;
	[tilespmem:$0x1B310] =	vst v63  }
0x55: {  	_ = 	snop  }
0x56: {  	[tilespmem:s10], [sflag:$0x2] =	stream.indirect.gather [hbm4b:s9+s28], $0x80, s28, s28, $0xb8;
	[tilespmem:$0x1B310] =	vst v63  }
0x57: {  	_ =	swait.ge [sflag:s11], $0x280  }
0x58: {  	[sflag:s11] =	ssyncset.done $0x0  }
0x59: {  	[sflag:s11] =	ssyncadd.s32 $0xFFFFFD80  }
0x5a: {  	s2 =	simm.s32 $0x0;
	_ =	swait.ge [sflag:s11], $0x280  }
0x5b: {  	v9 =	vor.u32 s2, v0;
	[sflag:s11] =	ssyncset.done $0x0  }
0x5c: {  	[sflag:s11] =	ssyncadd.s32 $0xFFFFFD80  }
0x5d: {  	_ =	swait.ge [sflag:s11], $0x1400  }
0x5e: {  	[sflag:s11] =	ssyncset.done $0x0  }
0x5f: {  	[sflag:s11] =	ssyncadd.s32 $0xFFFFEC00  }
0x60: {  	v10 =	vld.idx.msk [tilespmem:v9+s30+$0x0], $0xffff  }
0x61: {  	v11 =	vld.idx.msk [tilespmem:v9+s29+$0x0], $0xffff;
	_ =	sdelay $0x4  }
0x62: {  	v10 =	vadd.f32 v10, v11;
	_ =	sdelay $0x1  }
0x63: {  	v11 =	vmul.f32 $2.000000030e-01, v10;
	_ =	sdelay $0x1  }
0x64: {  	v10 =	vmax.f32 v10, v11  }
0x65: {  	v10 =	vsub.f32 v10, v8;
	_ =	sdelay $0x1  }
0x66: {  	v10 =	vmul.f32 $1.442695020e+00, v10;
	_ =	sdelay $0x1  }
0x67: {  	(erf) = vpow2.f32 v10;
	_ =	sdelay $0x4  }
0x68: {  	s14 =	simm.s32 $0x10  }
0x69: {  	s1 =	simm.s32 $0x2;
	v10 =	vor.u32 s14, v0  }
.LBB2_3:
0x6a: {  	p1 =	sne.s32 s1, $0x27;
	_ =	sdelay $0x1  }
0x6b: {  	v11 =	vpop (erf)  }
0x6c: {  	[tilespmem:v9+s12+$0x0] =	vst.idx.msk $0xffff, v11;
	v9 =	vmov v10  }
0x6d: {  	v11 =	vld.idx.msk [tilespmem:v10+s30+$0x0], $0xffff  }
0x6e: {  	v10 =	vld.idx.msk [tilespmem:v10+s29+$0x0], $0xffff;
	_ =	sdelay $0x5  }
0x6f: {  	v10 =	vadd.f32 v11, v10;
	_ =	sdelay $0x1  }
0x70: {  	v11 =	vmul.f32 $2.000000030e-01, v10;
	_ =	sdelay $0x1  }
0x71: {  	v10 =	vmax.f32 v10, v11  }
0x72: {  	v10 =	vsub.f32 v10, v8;
	_ =	sdelay $0x1  }
0x73: {  	v10 =	vmul.f32 $1.442695020e+00, v10;
	_ =	sdelay $0x1  }
0x74: {  	(erf) = vpow2.f32 v10;
	_ =	sdelay $0x1  }
.Ltmp0:
0x75: {  	(pc) =	sbr.rel @p1 .LBB2_3-.Ltmp0, $3  }
0x76: {  	_ =	sdelay $0x1  }
0x77: {  	s2 =	sshll.u32 s1, $0x4  }
0x78: {  	s1 =	sadd.s32 $0x1, s1;
	v10 =	vor.u32 s2, v0  }
0x79: {  	_ =	sdelay $0x2  }
0x7a: {  	v11 =	vpop (erf)  }
0x7b: {  	[tilespmem:v9+s12+$0x0] =	vst.idx.msk $0xffff, v11  }
0x7c: {  	v9 =	vld.idx.msk [tilespmem:v10+s30+$0x0], $0xffff  }
0x7d: {  	v11 =	vld.idx.msk [tilespmem:v10+s29+$0x0], $0xffff;
	_ =	sdelay $0x4  }
0x7e: {  	v9 =	vadd.f32 v9, v11;
	_ =	sdelay $0x1  }
0x7f: {  	v11 =	vmul.f32 $2.000000030e-01, v9;
	_ =	sdelay $0x1  }
0x80: {  	v9 =	vmax.f32 v9, v11  }
0x81: {  	v9 =	vsub.f32 v9, v8;
	_ =	sdelay $0x1  }
0x82: {  	v9 =	vmul.f32 $1.442695020e+00, v9;
	_ =	sdelay $0x1  }
0x83: {  	(erf) = vpow2.f32 v9;
	_ =	sdelay $0x4  }
0x84: {  	s1 =	simm.s32 $0x0  }
0x85: {  	v9 =	vmov s1  }
0x86: {  	v11 =	vshll.u32 v9, $0x4;
	v9 =	vshll.u32 v9, $0x7  }
0x87: {  	v12 =	vor.u32 v0, v9  }
0x88: {  	v13 =	vpop (erf)  }
0x89: {  	s2 =	rddreg [dreg:$0x3];
	[tilespmem:v10+s12+$0x0] =	vst.idx.msk $0xffff, v13  }
0x8a: {  	[spmem:s2] =	stream.indirect.scatter.add.f32 [tilespmem:s12], [sflag:$0x4], $0x10, s26, s28, $0xb8;
	[tilespmem:$0x1B310] =	vst v63  }
0x8b: {  	v13 =	vld.idx.msk [tilespmem:v11+s12+$0x0], $0xffff  }
0x8c: {  	v14 =	vor.u32 $0x3, v11;
	v15 =	vld.idx.msk [tilespmem:v12+s31+$0x0], $0xffff  }
0x8d: {  	v10 =	vor.u32 $0x2, v11  }
0x8e: {  	v11 =	vor.u32 $0x1, v11  }
0x8f: {  	v16 =	vor.u32 v1, v9;
	_ =	sdelay $0x1  }
0x90: {  	v17 =	vld.idx.msk [tilespmem:v14+s12+$0x0], $0xffff;
	v14 =	vmul.f32 v15, v13  }
0x91: {  	v10 =	vld.idx.msk [tilespmem:v10+s12+$0x0], $0xffff  }
0x92: {  	v11 =	vld.idx.msk [tilespmem:v11+s12+$0x0], $0xffff;
	[tilespmem:v12+s31+$0x0] =	vst.idx.msk $0xffff, v14  }
0x93: {  	v12 =	vld.idx.msk [tilespmem:v16+s31+$0x0], $0xffff;
	_ =	sdelay $0x2  }
0x94: {  	v14 =	vor.u32 v2, v9;
	_ =	sdelay $0x1  }
0x95: {  	v12 =	vmul.f32 v12, v13;
	_ =	sdelay $0x1  }
0x96: {  	[tilespmem:v16+s31+$0x0] =	vst.idx.msk $0xffff, v12  }
0x97: {  	v12 =	vld.idx.msk [tilespmem:v14+s31+$0x0], $0xffff;
	_ =	sdelay $0x2  }
0x98: {  	v13 =	vor.u32 v3, v9;
	_ =	sdelay $0x1  }
0x99: {  	v12 =	vmul.f32 v12, v11;
	_ =	sdelay $0x1  }
0x9a: {  	[tilespmem:v14+s31+$0x0] =	vst.idx.msk $0xffff, v12  }
0x9b: {  	v12 =	vld.idx.msk [tilespmem:v13+s31+$0x0], $0xffff;
	_ =	sdelay $0x2  }
0x9c: {  	v14 =	vor.u32 v4, v9;
	_ =	sdelay $0x1  }
0x9d: {  	v11 =	vmul.f32 v12, v11;
	_ =	sdelay $0x1  }
0x9e: {  	[tilespmem:v13+s31+$0x0] =	vst.idx.msk $0xffff, v11  }
0x9f: {  	v11 =	vld.idx.msk [tilespmem:v14+s31+$0x0], $0xffff;
	_ =	sdelay $0x2  }
0xa0: {  	v12 =	vor.u32 v5, v9;
	_ =	sdelay $0x1  }
0xa1: {  	v11 =	vmul.f32 v11, v10;
	_ =	sdelay $0x1  }
0xa2: {  	[tilespmem:v14+s31+$0x0] =	vst.idx.msk $0xffff, v11  }
0xa3: {  	v11 =	vld.idx.msk [tilespmem:v12+s31+$0x0], $0xffff;
	_ =	sdelay $0x2  }
0xa4: {  	v13 =	vor.u32 v6, v9;
	_ =	sdelay $0x1  }
0xa5: {  	v10 =	vmul.f32 v11, v10;
	_ =	sdelay $0x1  }
0xa6: {  	[tilespmem:v12+s31+$0x0] =	vst.idx.msk $0xffff, v10  }
0xa7: {  	v11 =	vld.idx.msk [tilespmem:v13+s31+$0x0], $0xffff;
	_ =	sdelay $0x2  }
0xa8: {  	v10 =	vor.u32 v7, v9;
	_ =	sdelay $0x1  }
0xa9: {  	v9 =	vmul.f32 v11, v17;
	_ =	sdelay $0x1  }
0xaa: {  	[tilespmem:v13+s31+$0x0] =	vst.idx.msk $0xffff, v9  }
0xab: {  	v16 =	vld.idx.msk [tilespmem:v10+s31+$0x0], $0xffff  }
0xac: {  	s14 =	simm.s32 $0x1  }
0xad: {  	v9 =	vmov s14  }
0xae: {  	v15 =	vshll.u32 v9, $0x4;
	v9 =	vshll.u32 v9, $0x7  }
0xaf: {  	v11 =	vor.u32 $0x1, v15;
	v12 =	vor.u32 v0, v9  }
0xb0: {  	s1 =	simm.s32 $0x2;
	v13 =	vor.u32 $0x2, v15;
	v14 =	vor.u32 $0x3, v15;
	v16 =	vmul.f32 v16, v17  }
.LBB2_5:
0xb1: {  	_ = 	snop  }
0xb2: {  	p1 =	sne.s32 s1, $0x27;
	s2 =	smov.u32 s1;
	s1 =	sadd.s32 $0x1, s1;
	[tilespmem:v10+s31+$0x0] =	vst.idx.msk $0xffff, v16  }
0xb3: {  	v10 =	vld.idx.msk [tilespmem:v15+s12+$0x0], $0xffff  }
0xb4: {  	v15 =	vld.idx.msk [tilespmem:v12+s31+$0x0], $0xffff;
	_ =	sdelay $0x3  }
0xb5: {  	v16 =	vor.u32 v1, v9  }
0xb6: {  	v13 =	vld.idx.msk [tilespmem:v13+s12+$0x0], $0xffff  }
0xb7: {  	v17 =	vld.idx.msk [tilespmem:v14+s12+$0x0], $0xffff;
	v14 =	vmul.f32 v15, v10  }
0xb8: {  	v11 =	vld.idx.msk [tilespmem:v11+s12+$0x0], $0xffff  }
0xb9: {  	[tilespmem:v12+s31+$0x0] =	vst.idx.msk $0xffff, v14  }
0xba: {  	v12 =	vld.idx.msk [tilespmem:v16+s31+$0x0], $0xffff;
	_ =	sdelay $0x3  }
0xbb: {  	v14 =	vor.u32 v2, v9;
	_ =	sdelay $0x1  }
0xbc: {  	v10 =	vmul.f32 v12, v10;
	_ =	sdelay $0x1  }
0xbd: {  	[tilespmem:v16+s31+$0x0] =	vst.idx.msk $0xffff, v10  }
0xbe: {  	v10 =	vld.idx.msk [tilespmem:v14+s31+$0x0], $0xffff;
	_ =	sdelay $0x3  }
0xbf: {  	v12 =	vor.u32 v3, v9;
	_ =	sdelay $0x1  }
0xc0: {  	v10 =	vmul.f32 v10, v11;
	_ =	sdelay $0x1  }
0xc1: {  	[tilespmem:v14+s31+$0x0] =	vst.idx.msk $0xffff, v10  }
0xc2: {  	v10 =	vld.idx.msk [tilespmem:v12+s31+$0x0], $0xffff;
	_ =	sdelay $0x3  }
0xc3: {  	v14 =	vor.u32 v4, v9;
	_ =	sdelay $0x1  }
0xc4: {  	v10 =	vmul.f32 v10, v11;
	_ =	sdelay $0x1  }
0xc5: {  	[tilespmem:v12+s31+$0x0] =	vst.idx.msk $0xffff, v10  }
0xc6: {  	v10 =	vld.idx.msk [tilespmem:v14+s31+$0x0], $0xffff;
	_ =	sdelay $0x3  }
0xc7: {  	v11 =	vor.u32 v5, v9;
	_ =	sdelay $0x1  }
0xc8: {  	v10 =	vmul.f32 v10, v13;
	_ =	sdelay $0x1  }
0xc9: {  	[tilespmem:v14+s31+$0x0] =	vst.idx.msk $0xffff, v10  }
0xca: {  	v10 =	vld.idx.msk [tilespmem:v11+s31+$0x0], $0xffff;
	_ =	sdelay $0x3  }
0xcb: {  	v12 =	vor.u32 v6, v9;
	_ =	sdelay $0x1  }
0xcc: {  	v10 =	vmul.f32 v10, v13;
	_ =	sdelay $0x1  }
0xcd: {  	[tilespmem:v11+s31+$0x0] =	vst.idx.msk $0xffff, v10  }
0xce: {  	v11 =	vld.idx.msk [tilespmem:v12+s31+$0x0], $0xffff;
	_ =	sdelay $0x3  }
0xcf: {  	v10 =	vor.u32 v7, v9;
	_ =	sdelay $0x1  }
0xd0: {  	v9 =	vmul.f32 v11, v17;
	_ =	sdelay $0x1  }
0xd1: {  	[tilespmem:v12+s31+$0x0] =	vst.idx.msk $0xffff, v9  }
0xd2: {  	v16 =	vld.idx.msk [tilespmem:v10+s31+$0x0], $0xffff;
	_ =	sdelay $0x1  }
.Ltmp1:
0xd3: {  	(pc) =	sbr.rel @p1 .LBB2_5-.Ltmp1, $4  }
0xd4: {  	v9 =	vmov s2  }
0xd5: {  	v15 =	vshll.u32 v9, $0x4;
	v9 =	vshll.u32 v9, $0x7  }
0xd6: {  	v11 =	vor.u32 $0x1, v15;
	v13 =	vor.u32 $0x2, v15;
	v12 =	vor.u32 v0, v9  }
0xd7: {  	v14 =	vor.u32 $0x3, v15;
	v16 =	vmul.f32 v16, v17  }
0xd8: {  	_ =	sdelay $0x3  }
0xd9: {  	[tilespmem:v10+s31+$0x0] =	vst.idx.msk $0xffff, v16  }
0xda: {  	v10 =	vld.idx.msk [tilespmem:v15+s12+$0x0], $0xffff  }
0xdb: {  	v58 =	vld.idx.msk [tilespmem:v12+s31+$0x0], $0xffff;
	_ =	sdelay $0x2  }
0xdc: {  	v59 =	vor.u32 v1, v9;
	_ =	sdelay $0x1  }
0xdd: {  	v13 =	vld.idx.msk [tilespmem:v13+s12+$0x0], $0xffff;
	v15 =	vmul.f32 v58, v10  }
0xde: {  	v14 =	vld.idx.msk [tilespmem:v14+s12+$0x0], $0xffff  }
0xdf: {  	v11 =	vld.idx.msk [tilespmem:v11+s12+$0x0], $0xffff;
	[tilespmem:v12+s31+$0x0] =	vst.idx.msk $0xffff, v15  }
0xe0: {  	v12 =	vld.idx.msk [tilespmem:v59+s31+$0x0], $0xffff;
	_ =	sdelay $0x2  }
0xe1: {  	v60 =	vor.u32 v2, v9;
	_ =	sdelay $0x1  }
0xe2: {  	v10 =	vmul.f32 v12, v10;
	_ =	sdelay $0x1  }
0xe3: {  	[tilespmem:v59+s31+$0x0] =	vst.idx.msk $0xffff, v10  }
0xe4: {  	v10 =	vld.idx.msk [tilespmem:v60+s31+$0x0], $0xffff;
	_ =	sdelay $0x2  }
0xe5: {  	v61 =	vor.u32 v3, v9;
	_ =	sdelay $0x1  }
0xe6: {  	v10 =	vmul.f32 v10, v11;
	_ =	sdelay $0x1  }
0xe7: {  	[tilespmem:v60+s31+$0x0] =	vst.idx.msk $0xffff, v10  }
0xe8: {  	v10 =	vld.idx.msk [tilespmem:v61+s31+$0x0], $0xffff;
	_ =	sdelay $0x2  }
0xe9: {  	v62 =	vor.u32 v4, v9;
	_ =	sdelay $0x1  }
0xea: {  	v10 =	vmul.f32 v10, v11;
	_ =	sdelay $0x1  }
0xeb: {  	[tilespmem:v61+s31+$0x0] =	vst.idx.msk $0xffff, v10  }
0xec: {  	v10 =	vld.idx.msk [tilespmem:v62+s31+$0x0], $0xffff;
	_ =	sdelay $0x2  }
0xed: {  	v11 =	vor.u32 v5, v9;
	_ =	sdelay $0x1  }
0xee: {  	v10 =	vmul.f32 v10, v13;
	_ =	sdelay $0x1  }
0xef: {  	[tilespmem:v62+s31+$0x0] =	vst.idx.msk $0xffff, v10  }
0xf0: {  	v10 =	vld.idx.msk [tilespmem:v11+s31+$0x0], $0xffff;
	_ =	sdelay $0x2  }
0xf1: {  	v63 =	vor.u32 v6, v9;
	_ =	sdelay $0x1  }
0xf2: {  	v10 =	vmul.f32 v10, v13;
	_ =	sdelay $0x1  }
0xf3: {  	[tilespmem:v11+s31+$0x0] =	vst.idx.msk $0xffff, v10  }
0xf4: {  	v10 =	vld.idx.msk [tilespmem:v63+s31+$0x0], $0xffff;
	_ =	sdelay $0x2  }
0xf5: {  	v9 =	vor.u32 v7, v9;
	_ =	sdelay $0x1  }
0xf6: {  	v10 =	vmul.f32 v10, v14;
	_ =	sdelay $0x1  }
0xf7: {  	[tilespmem:v63+s31+$0x0] =	vst.idx.msk $0xffff, v10  }
0xf8: {  	v10 =	vld.idx.msk [tilespmem:v9+s31+$0x0], $0xffff;
	_ =	sdelay $0x4  }
0xf9: {  	v10 =	vmul.f32 v10, v14;
	_ =	sdelay $0x1  }
0xfa: {  	s1 =	rddreg [dreg:$0x2];
	[tilespmem:v9+s31+$0x0] =	vst.idx.msk $0xffff, v10  }
0xfb: {  	[spmem:s1] =	stream.indirect.scatter.add.f32 [tilespmem:s31], [sflag:$0x4], $0x80, s26, s28, $0xb8;
	[tilespmem:$0x1B310] =	vst v63  }
0xfc: {  	s1 =	simm.s32 @!p0 $0x6  }
0xfd: {  	_ =	swait.ge @!p0 [sflag:s1], $0x280  }
0xfe: {  	[sflag:s1] =	ssyncset.done @!p0 $0x0  }
0xff: {  	[sflag:s1] =	ssyncadd.s32 @!p0 $0xFFFFFD80  }
0x100: {  	_ =	swait.ge @!p0 [sflag:s1], $0x1400  }
0x101: {  	s2 =	rddreg [dreg:$0xe]  }
0x102: {  	s2 =	sadd.s32 s20, s2  }
0x103: {  	s14 =	simm.s32 $0x0;
	[sflag:s1] =	ssyncset.done @!p0 $0x0;
	s2 =	sshrl.u32 s2, $0x3  }
0x104: {  	s0 =	simm.s32 $0x50;
	[sflag:s1] =	ssyncadd.s32 @!p0 $0xFFFFEC00;
	s1 =	sadd.s32 s5, s2  }
0x105: {  	[tilespmem:s0], [sflag:$0x7] =	stream.linear.gather [hbm4b:s1+s14], $0x28, $0x38;
	[tilespmem:$0x1B310] =	vst v63  }
0x106: {  	_ =	swait.ge [sflag:s24], $0x28  }
0x107: {  	[sflag:s24] =	ssyncset.done $0x0  }
0x108: {  	s2 =	sadd.s32 s6, s2;
	[sflag:s24] =	ssyncadd.s32 $0xFFFFFFD8  }
0x109: {  	[tilespmem:s15], [sflag:$0x7] =	stream.linear.gather [hbm4b:s2+s14], $0x28, $0x38;
	[tilespmem:$0x1B310] =	vst v63  }
0x10a: {  	_ =	swait.ge [sflag:s24], $0x28  }
0x10b: {  	[sflag:s24] =	ssyncset.done $0x0  }
0x10c: {  	[sflag:s24] =	ssyncadd.s32 $0xFFFFFFD8  }
0x10d: {  	[tilespmem:s16], [sflag:$0x3] =	stream.indirect.gather [hbm4b:s7+s28], $0x10, s0, s28, $0xb8;
	[tilespmem:$0x1B310] =	vst v63  }
0x10e: {  	_ = 	snop  }
0x10f: {  	[tilespmem:s17], [sflag:$0x3] =	stream.indirect.gather [hbm4b:s8+s28], $0x10, s15, s28, $0xb8;
	[tilespmem:$0x1B310] =	vst v63  }
0x110: {  	_ = 	snop  }
0x111: {  	[tilespmem:s21], [sflag:$0x3] =	stream.indirect.gather [hbm4b:s9+s28], $0x80, s0, s28, $0xb8;
	[tilespmem:$0x1B310] =	vst v63  }
0x112: {  	_ =	swait.ge [sflag:s22], $0x280  }
0x113: {  	[sflag:s22] =	ssyncset.done $0x0  }
0x114: {  	[sflag:s22] =	ssyncadd.s32 $0xFFFFFD80  }
0x115: {  	s2 =	simm.s32 $0x0;
	_ =	swait.ge [sflag:s22], $0x280  }
0x116: {  	v9 =	vor.u32 s2, v0;
	[sflag:s22] =	ssyncset.done $0x0  }
0x117: {  	[sflag:s22] =	ssyncadd.s32 $0xFFFFFD80  }
0x118: {  	_ =	swait.ge [sflag:s22], $0x1400  }
0x119: {  	[sflag:s22] =	ssyncset.done $0x0  }
0x11a: {  	[sflag:s22] =	ssyncadd.s32 $0xFFFFEC00  }
0x11b: {  	v10 =	vld.idx.msk [tilespmem:v9+s25+$0x0], $0xffff  }
0x11c: {  	v11 =	vld.idx.msk [tilespmem:v9+s4+$0x0], $0xffff;
	_ =	sdelay $0x4  }
0x11d: {  	v10 =	vadd.f32 v10, v11;
	_ =	sdelay $0x1  }
0x11e: {  	v11 =	vmul.f32 $2.000000030e-01, v10;
	_ =	sdelay $0x1  }
0x11f: {  	v10 =	vmax.f32 v10, v11  }
0x120: {  	v10 =	vsub.f32 v10, v8;
	_ =	sdelay $0x1  }
0x121: {  	v10 =	vmul.f32 $1.442695020e+00, v10;
	_ =	sdelay $0x1  }
0x122: {  	(erf) = vpow2.f32 v10;
	_ =	sdelay $0x4  }
0x123: {  	s14 =	simm.s32 $0x10  }
0x124: {  	s1 =	simm.s32 $0x2;
	v10 =	vor.u32 s14, v0  }
.LBB2_7:
0x125: {  	p0 =	sne.s32 s1, $0x27;
	_ =	sdelay $0x1  }
0x126: {  	v11 =	vpop (erf)  }
0x127: {  	[tilespmem:v9+s23+$0x0] =	vst.idx.msk $0xffff, v11;
	v9 =	vmov v10  }
0x128: {  	v11 =	vld.idx.msk [tilespmem:v10+s25+$0x0], $0xffff  }
0x129: {  	v10 =	vld.idx.msk [tilespmem:v10+s4+$0x0], $0xffff;
	_ =	sdelay $0x5  }
0x12a: {  	v10 =	vadd.f32 v11, v10;
	_ =	sdelay $0x1  }
0x12b: {  	v11 =	vmul.f32 $2.000000030e-01, v10;
	_ =	sdelay $0x1  }
0x12c: {  	v10 =	vmax.f32 v10, v11  }
0x12d: {  	v10 =	vsub.f32 v10, v8;
	_ =	sdelay $0x1  }
0x12e: {  	v10 =	vmul.f32 $1.442695020e+00, v10;
	_ =	sdelay $0x1  }
0x12f: {  	(erf) = vpow2.f32 v10;
	_ =	sdelay $0x1  }
.Ltmp2:
0x130: {  	(pc) =	sbr.rel @p0 .LBB2_7-.Ltmp2, $3  }
0x131: {  	_ =	sdelay $0x1  }
0x132: {  	s2 =	sshll.u32 s1, $0x4  }
0x133: {  	s1 =	sadd.s32 $0x1, s1;
	v10 =	vor.u32 s2, v0  }
0x134: {  	_ =	sdelay $0x2  }
0x135: {  	v11 =	vpop (erf)  }
0x136: {  	[tilespmem:v9+s23+$0x0] =	vst.idx.msk $0xffff, v11  }
0x137: {  	v9 =	vld.idx.msk [tilespmem:v10+s25+$0x0], $0xffff  }
0x138: {  	v11 =	vld.idx.msk [tilespmem:v10+s4+$0x0], $0xffff;
	_ =	sdelay $0x4  }
0x139: {  	v9 =	vadd.f32 v9, v11;
	_ =	sdelay $0x1  }
0x13a: {  	v11 =	vmul.f32 $2.000000030e-01, v9;
	_ =	sdelay $0x1  }
0x13b: {  	v9 =	vmax.f32 v9, v11  }
0x13c: {  	v9 =	vsub.f32 v9, v8;
	_ =	sdelay $0x1  }
0x13d: {  	v9 =	vmul.f32 $1.442695020e+00, v9;
	_ =	sdelay $0x1  }
0x13e: {  	(erf) = vpow2.f32 v9;
	_ =	sdelay $0x4  }
0x13f: {  	s1 =	simm.s32 $0x0  }
0x140: {  	v9 =	vmov s1  }
0x141: {  	v11 =	vshll.u32 v9, $0x4;
	v9 =	vshll.u32 v9, $0x7  }
0x142: {  	v12 =	vor.u32 v0, v9  }
0x143: {  	v13 =	vpop (erf)  }
0x144: {  	s2 =	rddreg [dreg:$0x3];
	s0 =	simm.s32 $0xA0;
	[tilespmem:v10+s23+$0x0] =	vst.idx.msk $0xffff, v13  }
0x145: {  	[spmem:s2] =	stream.indirect.scatter.add.f32 [tilespmem:s23], [sflag:$0x5], $0x10, s0, s28, $0xb8;
	[tilespmem:$0x1B310] =	vst v63  }
0x146: {  	v13 =	vld.idx.msk [tilespmem:v11+s23+$0x0], $0xffff  }
0x147: {  	v14 =	vor.u32 $0x3, v11;
	v15 =	vld.idx.msk [tilespmem:v12+s10+$0x0], $0xffff  }
0x148: {  	v10 =	vor.u32 $0x2, v11  }
0x149: {  	v11 =	vor.u32 $0x1, v11  }
0x14a: {  	v16 =	vor.u32 v1, v9;
	_ =	sdelay $0x1  }
0x14b: {  	v17 =	vld.idx.msk [tilespmem:v14+s23+$0x0], $0xffff;
	v14 =	vmul.f32 v15, v13  }
0x14c: {  	v10 =	vld.idx.msk [tilespmem:v10+s23+$0x0], $0xffff  }
0x14d: {  	v11 =	vld.idx.msk [tilespmem:v11+s23+$0x0], $0xffff;
	[tilespmem:v12+s10+$0x0] =	vst.idx.msk $0xffff, v14  }
0x14e: {  	v12 =	vld.idx.msk [tilespmem:v16+s10+$0x0], $0xffff;
	_ =	sdelay $0x2  }
0x14f: {  	v14 =	vor.u32 v2, v9;
	_ =	sdelay $0x1  }
0x150: {  	v12 =	vmul.f32 v12, v13;
	_ =	sdelay $0x1  }
0x151: {  	[tilespmem:v16+s10+$0x0] =	vst.idx.msk $0xffff, v12  }
0x152: {  	v12 =	vld.idx.msk [tilespmem:v14+s10+$0x0], $0xffff;
	_ =	sdelay $0x2  }
0x153: {  	v13 =	vor.u32 v3, v9;
	_ =	sdelay $0x1  }
0x154: {  	v12 =	vmul.f32 v12, v11;
	_ =	sdelay $0x1  }
0x155: {  	[tilespmem:v14+s10+$0x0] =	vst.idx.msk $0xffff, v12  }
0x156: {  	v12 =	vld.idx.msk [tilespmem:v13+s10+$0x0], $0xffff;
	_ =	sdelay $0x2  }
0x157: {  	v14 =	vor.u32 v4, v9;
	_ =	sdelay $0x1  }
0x158: {  	v11 =	vmul.f32 v12, v11;
	_ =	sdelay $0x1  }
0x159: {  	[tilespmem:v13+s10+$0x0] =	vst.idx.msk $0xffff, v11  }
0x15a: {  	v11 =	vld.idx.msk [tilespmem:v14+s10+$0x0], $0xffff;
	_ =	sdelay $0x2  }
0x15b: {  	v12 =	vor.u32 v5, v9;
	_ =	sdelay $0x1  }
0x15c: {  	v11 =	vmul.f32 v11, v10;
	_ =	sdelay $0x1  }
0x15d: {  	[tilespmem:v14+s10+$0x0] =	vst.idx.msk $0xffff, v11  }
0x15e: {  	v11 =	vld.idx.msk [tilespmem:v12+s10+$0x0], $0xffff;
	_ =	sdelay $0x2  }
0x15f: {  	v13 =	vor.u32 v6, v9;
	_ =	sdelay $0x1  }
0x160: {  	v10 =	vmul.f32 v11, v10;
	_ =	sdelay $0x1  }
0x161: {  	[tilespmem:v12+s10+$0x0] =	vst.idx.msk $0xffff, v10  }
0x162: {  	v11 =	vld.idx.msk [tilespmem:v13+s10+$0x0], $0xffff;
	_ =	sdelay $0x2  }
0x163: {  	v10 =	vor.u32 v7, v9;
	_ =	sdelay $0x1  }
0x164: {  	v9 =	vmul.f32 v11, v17;
	_ =	sdelay $0x1  }
0x165: {  	[tilespmem:v13+s10+$0x0] =	vst.idx.msk $0xffff, v9  }
0x166: {  	v16 =	vld.idx.msk [tilespmem:v10+s10+$0x0], $0xffff  }
0x167: {  	s14 =	simm.s32 $0x1  }
0x168: {  	v9 =	vmov s14  }
0x169: {  	v15 =	vshll.u32 v9, $0x4;
	v9 =	vshll.u32 v9, $0x7  }
0x16a: {  	v11 =	vor.u32 $0x1, v15;
	v12 =	vor.u32 v0, v9  }
0x16b: {  	s1 =	simm.s32 $0x2;
	v13 =	vor.u32 $0x2, v15;
	v14 =	vor.u32 $0x3, v15;
	v16 =	vmul.f32 v16, v17  }
.LBB2_9:
0x16c: {  	_ = 	snop  }
0x16d: {  	p0 =	sne.s32 s1, $0x27;
	s2 =	smov.u32 s1;
	s1 =	sadd.s32 $0x1, s1;
	[tilespmem:v10+s10+$0x0] =	vst.idx.msk $0xffff, v16  }
0x16e: {  	v10 =	vld.idx.msk [tilespmem:v15+s23+$0x0], $0xffff  }
0x16f: {  	v15 =	vld.idx.msk [tilespmem:v12+s10+$0x0], $0xffff;
	_ =	sdelay $0x3  }
0x170: {  	v16 =	vor.u32 v1, v9  }
0x171: {  	v13 =	vld.idx.msk [tilespmem:v13+s23+$0x0], $0xffff  }
0x172: {  	v17 =	vld.idx.msk [tilespmem:v14+s23+$0x0], $0xffff;
	v14 =	vmul.f32 v15, v10  }
0x173: {  	v11 =	vld.idx.msk [tilespmem:v11+s23+$0x0], $0xffff  }
0x174: {  	[tilespmem:v12+s10+$0x0] =	vst.idx.msk $0xffff, v14  }
0x175: {  	v12 =	vld.idx.msk [tilespmem:v16+s10+$0x0], $0xffff;
	_ =	sdelay $0x3  }
0x176: {  	v14 =	vor.u32 v2, v9;
	_ =	sdelay $0x1  }
0x177: {  	v10 =	vmul.f32 v12, v10;
	_ =	sdelay $0x1  }
0x178: {  	[tilespmem:v16+s10+$0x0] =	vst.idx.msk $0xffff, v10  }
0x179: {  	v10 =	vld.idx.msk [tilespmem:v14+s10+$0x0], $0xffff;
	_ =	sdelay $0x3  }
0x17a: {  	v12 =	vor.u32 v3, v9;
	_ =	sdelay $0x1  }
0x17b: {  	v10 =	vmul.f32 v10, v11;
	_ =	sdelay $0x1  }
0x17c: {  	[tilespmem:v14+s10+$0x0] =	vst.idx.msk $0xffff, v10  }
0x17d: {  	v10 =	vld.idx.msk [tilespmem:v12+s10+$0x0], $0xffff;
	_ =	sdelay $0x3  }
0x17e: {  	v14 =	vor.u32 v4, v9;
	_ =	sdelay $0x1  }
0x17f: {  	v10 =	vmul.f32 v10, v11;
	_ =	sdelay $0x1  }
0x180: {  	[tilespmem:v12+s10+$0x0] =	vst.idx.msk $0xffff, v10  }
0x181: {  	v10 =	vld.idx.msk [tilespmem:v14+s10+$0x0], $0xffff;
	_ =	sdelay $0x3  }
0x182: {  	v11 =	vor.u32 v5, v9;
	_ =	sdelay $0x1  }
0x183: {  	v10 =	vmul.f32 v10, v13;
	_ =	sdelay $0x1  }
0x184: {  	[tilespmem:v14+s10+$0x0] =	vst.idx.msk $0xffff, v10  }
0x185: {  	v10 =	vld.idx.msk [tilespmem:v11+s10+$0x0], $0xffff;
	_ =	sdelay $0x3  }
0x186: {  	v12 =	vor.u32 v6, v9;
	_ =	sdelay $0x1  }
0x187: {  	v10 =	vmul.f32 v10, v13;
	_ =	sdelay $0x1  }
0x188: {  	[tilespmem:v11+s10+$0x0] =	vst.idx.msk $0xffff, v10  }
0x189: {  	v11 =	vld.idx.msk [tilespmem:v12+s10+$0x0], $0xffff;
	_ =	sdelay $0x3  }
0x18a: {  	v10 =	vor.u32 v7, v9;
	_ =	sdelay $0x1  }
0x18b: {  	v9 =	vmul.f32 v11, v17;
	_ =	sdelay $0x1  }
0x18c: {  	[tilespmem:v12+s10+$0x0] =	vst.idx.msk $0xffff, v9  }
0x18d: {  	v16 =	vld.idx.msk [tilespmem:v10+s10+$0x0], $0xffff;
	_ =	sdelay $0x1  }
.Ltmp3:
0x18e: {  	(pc) =	sbr.rel @p0 .LBB2_9-.Ltmp3, $4  }
0x18f: {  	v9 =	vmov s2  }
0x190: {  	v15 =	vshll.u32 v9, $0x4;
	v9 =	vshll.u32 v9, $0x7  }
0x191: {  	v11 =	vor.u32 $0x1, v15;
	v13 =	vor.u32 $0x2, v15;
	v12 =	vor.u32 v0, v9  }
0x192: {  	v14 =	vor.u32 $0x3, v15;
	v16 =	vmul.f32 v16, v17  }
0x193: {  	_ =	sdelay $0x3  }
0x194: {  	[tilespmem:v10+s10+$0x0] =	vst.idx.msk $0xffff, v16  }
0x195: {  	v10 =	vld.idx.msk [tilespmem:v15+s23+$0x0], $0xffff  }
0x196: {  	v58 =	vld.idx.msk [tilespmem:v12+s10+$0x0], $0xffff;
	_ =	sdelay $0x2  }
0x197: {  	v59 =	vor.u32 v1, v9;
	_ =	sdelay $0x1  }
0x198: {  	v13 =	vld.idx.msk [tilespmem:v13+s23+$0x0], $0xffff;
	v15 =	vmul.f32 v58, v10  }
0x199: {  	v14 =	vld.idx.msk [tilespmem:v14+s23+$0x0], $0xffff  }
0x19a: {  	v11 =	vld.idx.msk [tilespmem:v11+s23+$0x0], $0xffff;
	[tilespmem:v12+s10+$0x0] =	vst.idx.msk $0xffff, v15  }
0x19b: {  	v12 =	vld.idx.msk [tilespmem:v59+s10+$0x0], $0xffff;
	_ =	sdelay $0x2  }
0x19c: {  	v60 =	vor.u32 v2, v9;
	_ =	sdelay $0x1  }
0x19d: {  	v10 =	vmul.f32 v12, v10;
	_ =	sdelay $0x1  }
0x19e: {  	[tilespmem:v59+s10+$0x0] =	vst.idx.msk $0xffff, v10  }
0x19f: {  	v10 =	vld.idx.msk [tilespmem:v60+s10+$0x0], $0xffff;
	_ =	sdelay $0x2  }
0x1a0: {  	v61 =	vor.u32 v3, v9;
	_ =	sdelay $0x1  }
0x1a1: {  	v10 =	vmul.f32 v10, v11;
	_ =	sdelay $0x1  }
0x1a2: {  	[tilespmem:v60+s10+$0x0] =	vst.idx.msk $0xffff, v10  }
0x1a3: {  	v10 =	vld.idx.msk [tilespmem:v61+s10+$0x0], $0xffff;
	_ =	sdelay $0x2  }
0x1a4: {  	v62 =	vor.u32 v4, v9;
	_ =	sdelay $0x1  }
0x1a5: {  	v10 =	vmul.f32 v10, v11;
	_ =	sdelay $0x1  }
0x1a6: {  	[tilespmem:v61+s10+$0x0] =	vst.idx.msk $0xffff, v10  }
0x1a7: {  	v10 =	vld.idx.msk [tilespmem:v62+s10+$0x0], $0xffff;
	_ =	sdelay $0x2  }
0x1a8: {  	v11 =	vor.u32 v5, v9;
	_ =	sdelay $0x1  }
0x1a9: {  	v10 =	vmul.f32 v10, v13;
	_ =	sdelay $0x1  }
0x1aa: {  	[tilespmem:v62+s10+$0x0] =	vst.idx.msk $0xffff, v10  }
0x1ab: {  	v10 =	vld.idx.msk [tilespmem:v11+s10+$0x0], $0xffff;
	_ =	sdelay $0x2  }
0x1ac: {  	v63 =	vor.u32 v6, v9;
	_ =	sdelay $0x1  }
0x1ad: {  	v10 =	vmul.f32 v10, v13;
	_ =	sdelay $0x1  }
0x1ae: {  	[tilespmem:v11+s10+$0x0] =	vst.idx.msk $0xffff, v10  }
0x1af: {  	v10 =	vld.idx.msk [tilespmem:v63+s10+$0x0], $0xffff;
	_ =	sdelay $0x2  }
0x1b0: {  	v9 =	vor.u32 v7, v9;
	_ =	sdelay $0x1  }
0x1b1: {  	v10 =	vmul.f32 v10, v14;
	_ =	sdelay $0x1  }
0x1b2: {  	[tilespmem:v63+s10+$0x0] =	vst.idx.msk $0xffff, v10  }
0x1b3: {  	v10 =	vld.idx.msk [tilespmem:v9+s10+$0x0], $0xffff;
	_ =	sdelay $0x4  }
0x1b4: {  	v10 =	vmul.f32 v10, v14;
	_ =	sdelay $0x1  }
0x1b5: {  	s1 =	rddreg [dreg:$0x2];
	[tilespmem:v9+s10+$0x0] =	vst.idx.msk $0xffff, v10  }
0x1b6: {  	[spmem:s1] =	stream.indirect.scatter.add.f32 [tilespmem:s10], [sflag:$0x5], $0x80, s0, s28, $0xb8;
	[tilespmem:$0x1B310] =	vst v63  }
0x1b7: {  	_ =	swait.ge [sflag:s3], $0x280  }
0x1b8: {  	[sflag:s3] =	ssyncset.done $0x0  }
0x1b9: {  	[sflag:s3] =	ssyncadd.s32 $0xFFFFFD80  }
0x1ba: {  	_ =	swait.ge [sflag:s3], $0x1400  }
0x1bb: {  	s2 =	rddreg [dreg:$0xf]  }
0x1bc: {  	s1 =	sadd.s32 s20, s2  }
0x1bd: {  	[sflag:s3] =	ssyncset.done $0x0;
	s1 =	sshrl.u32 s1, $0x3  }
0x1be: {  	s14 =	simm.s32 $0x0;
	[sflag:s3] =	ssyncadd.s32 $0xFFFFEC00;
	s2 =	sadd.s32 s5, s1  }
0x1bf: {  	[tilespmem:s14], [sflag:$0x7] =	stream.linear.gather [hbm4b:s2+s14], $0x28, $0x38;
	[tilespmem:$0x1B310] =	vst v63  }
0x1c0: {  	_ =	swait.ge [sflag:s24], $0x28  }
0x1c1: {  	[sflag:s24] =	ssyncset.done $0x0  }
0x1c2: {  	s1 =	sadd.s32 s6, s1;
	[sflag:s24] =	ssyncadd.s32 $0xFFFFFFD8  }
0x1c3: {  	[tilespmem:s26], [sflag:$0x7] =	stream.linear.gather [hbm4b:s1+s14], $0x28, $0x38;
	[tilespmem:$0x1B310] =	vst v63  }
0x1c4: {  	_ =	swait.ge [sflag:s24], $0x28  }
0x1c5: {  	[sflag:s24] =	ssyncset.done $0x0  }
0x1c6: {  	[sflag:s24] =	ssyncadd.s32 $0xFFFFFFD8  }
0x1c7: {  	[tilespmem:s29], [sflag:$0x1] =	stream.indirect.gather [hbm4b:s7+s28], $0x10, s14, s28, $0xb8;
	[tilespmem:$0x1B310] =	vst v63  }
0x1c8: {  	_ = 	snop  }
0x1c9: {  	[tilespmem:s30], [sflag:$0x1] =	stream.indirect.gather [hbm4b:s8+s28], $0x10, s26, s28, $0xb8;
	[tilespmem:$0x1B310] =	vst v63  }
0x1ca: {  	_ = 	snop  }
0x1cb: {  	[tilespmem:s31], [sflag:$0x1] =	stream.indirect.gather [hbm4b:s9+s28], $0x80, s14, s28, $0xb8;
	[tilespmem:$0x1B310] =	vst v63  }
0x1cc: {  	_ =	swait.ge [sflag:s13], $0x280  }
0x1cd: {  	[sflag:s13] =	ssyncset.done $0x0  }
0x1ce: {  	[sflag:s13] =	ssyncadd.s32 $0xFFFFFD80  }
0x1cf: {  	s14 =	simm.s32 $0x0;
	_ =	swait.ge [sflag:s13], $0x280  }
0x1d0: {  	v9 =	vor.u32 s14, v0;
	[sflag:s13] =	ssyncset.done $0x0  }
0x1d1: {  	[sflag:s13] =	ssyncadd.s32 $0xFFFFFD80  }
0x1d2: {  	_ =	swait.ge [sflag:s13], $0x1400  }
0x1d3: {  	[sflag:s13] =	ssyncset.done $0x0  }
0x1d4: {  	[sflag:s13] =	ssyncadd.s32 $0xFFFFEC00  }
0x1d5: {  	v10 =	vld.idx.msk [tilespmem:v9+s17+$0x0], $0xffff  }
0x1d6: {  	v11 =	vld.idx.msk [tilespmem:v9+s16+$0x0], $0xffff;
	_ =	sdelay $0x4  }
0x1d7: {  	v10 =	vadd.f32 v10, v11;
	_ =	sdelay $0x1  }
0x1d8: {  	v11 =	vmul.f32 $2.000000030e-01, v10;
	_ =	sdelay $0x1  }
0x1d9: {  	v10 =	vmax.f32 v10, v11  }
0x1da: {  	v10 =	vsub.f32 v10, v8;
	_ =	sdelay $0x1  }
0x1db: {  	v10 =	vmul.f32 $1.442695020e+00, v10;
	_ =	sdelay $0x1  }
0x1dc: {  	(erf) = vpow2.f32 v10;
	_ =	sdelay $0x4  }
0x1dd: {  	s20 =	simm.s32 $0x10  }
0x1de: {  	s1 =	simm.s32 $0x2;
	v10 =	vor.u32 s20, v0  }
.LBB2_11:
0x1df: {  	p0 =	sne.s32 s1, $0x27;
	_ =	sdelay $0x1  }
0x1e0: {  	v11 =	vpop (erf)  }
0x1e1: {  	[tilespmem:v9+s18+$0x0] =	vst.idx.msk $0xffff, v11;
	v9 =	vmov v10  }
0x1e2: {  	v11 =	vld.idx.msk [tilespmem:v10+s17+$0x0], $0xffff  }
0x1e3: {  	v10 =	vld.idx.msk [tilespmem:v10+s16+$0x0], $0xffff;
	_ =	sdelay $0x5  }
0x1e4: {  	v10 =	vadd.f32 v11, v10;
	_ =	sdelay $0x1  }
0x1e5: {  	v11 =	vmul.f32 $2.000000030e-01, v10;
	_ =	sdelay $0x1  }
0x1e6: {  	v10 =	vmax.f32 v10, v11  }
0x1e7: {  	v10 =	vsub.f32 v10, v8;
	_ =	sdelay $0x1  }
0x1e8: {  	v10 =	vmul.f32 $1.442695020e+00, v10;
	_ =	sdelay $0x1  }
0x1e9: {  	(erf) = vpow2.f32 v10;
	_ =	sdelay $0x1  }
.Ltmp4:
0x1ea: {  	(pc) =	sbr.rel @p0 .LBB2_11-.Ltmp4, $3  }
0x1eb: {  	_ =	sdelay $0x1  }
0x1ec: {  	s2 =	sshll.u32 s1, $0x4  }
0x1ed: {  	s1 =	sadd.s32 $0x1, s1;
	v10 =	vor.u32 s2, v0  }
0x1ee: {  	_ =	sdelay $0x2  }
0x1ef: {  	v11 =	vpop (erf)  }
0x1f0: {  	[tilespmem:v9+s18+$0x0] =	vst.idx.msk $0xffff, v11  }
0x1f1: {  	v9 =	vld.idx.msk [tilespmem:v10+s17+$0x0], $0xffff  }
0x1f2: {  	v11 =	vld.idx.msk [tilespmem:v10+s16+$0x0], $0xffff;
	_ =	sdelay $0x4  }
0x1f3: {  	v9 =	vadd.f32 v9, v11;
	_ =	sdelay $0x1  }
0x1f4: {  	v11 =	vmul.f32 $2.000000030e-01, v9;
	_ =	sdelay $0x1  }
0x1f5: {  	v9 =	vmax.f32 v9, v11  }
0x1f6: {  	v9 =	vsub.f32 v9, v8;
	_ =	sdelay $0x1  }
0x1f7: {  	v9 =	vmul.f32 $1.442695020e+00, v9;
	_ =	sdelay $0x1  }
0x1f8: {  	(erf) = vpow2.f32 v9;
	_ =	sdelay $0x4  }
0x1f9: {  	s1 =	simm.s32 $0x0  }
0x1fa: {  	v9 =	vmov s1  }
0x1fb: {  	v11 =	vshll.u32 v9, $0x4;
	v9 =	vshll.u32 v9, $0x7  }
0x1fc: {  	v12 =	vor.u32 v0, v9  }
0x1fd: {  	v13 =	vpop (erf)  }
0x1fe: {  	s14 =	rddreg [dreg:$0x3];
	[tilespmem:v10+s18+$0x0] =	vst.idx.msk $0xffff, v13  }
0x1ff: {  	[spmem:s14] =	stream.indirect.scatter.add.f32 [tilespmem:s18], [sflag:$0x6], $0x10, s15, s28, $0xb8;
	[tilespmem:$0x1B310] =	vst v63  }
0x200: {  	v13 =	vld.idx.msk [tilespmem:v11+s18+$0x0], $0xffff  }
0x201: {  	v14 =	vor.u32 $0x3, v11;
	v15 =	vld.idx.msk [tilespmem:v12+s21+$0x0], $0xffff  }
0x202: {  	v10 =	vor.u32 $0x2, v11  }
0x203: {  	v11 =	vor.u32 $0x1, v11  }
0x204: {  	v16 =	vor.u32 v1, v9;
	_ =	sdelay $0x1  }
0x205: {  	v17 =	vld.idx.msk [tilespmem:v14+s18+$0x0], $0xffff;
	v14 =	vmul.f32 v15, v13  }
0x206: {  	v10 =	vld.idx.msk [tilespmem:v10+s18+$0x0], $0xffff  }
0x207: {  	v11 =	vld.idx.msk [tilespmem:v11+s18+$0x0], $0xffff;
	[tilespmem:v12+s21+$0x0] =	vst.idx.msk $0xffff, v14  }
0x208: {  	v12 =	vld.idx.msk [tilespmem:v16+s21+$0x0], $0xffff;
	_ =	sdelay $0x2  }
0x209: {  	v14 =	vor.u32 v2, v9;
	_ =	sdelay $0x1  }
0x20a: {  	v12 =	vmul.f32 v12, v13;
	_ =	sdelay $0x1  }
0x20b: {  	[tilespmem:v16+s21+$0x0] =	vst.idx.msk $0xffff, v12  }
0x20c: {  	v12 =	vld.idx.msk [tilespmem:v14+s21+$0x0], $0xffff;
	_ =	sdelay $0x2  }
0x20d: {  	v13 =	vor.u32 v3, v9;
	_ =	sdelay $0x1  }
0x20e: {  	v12 =	vmul.f32 v12, v11;
	_ =	sdelay $0x1  }
0x20f: {  	[tilespmem:v14+s21+$0x0] =	vst.idx.msk $0xffff, v12  }
0x210: {  	v12 =	vld.idx.msk [tilespmem:v13+s21+$0x0], $0xffff;
	_ =	sdelay $0x2  }
0x211: {  	v14 =	vor.u32 v4, v9;
	_ =	sdelay $0x1  }
0x212: {  	v11 =	vmul.f32 v12, v11;
	_ =	sdelay $0x1  }
0x213: {  	[tilespmem:v13+s21+$0x0] =	vst.idx.msk $0xffff, v11  }
0x214: {  	v11 =	vld.idx.msk [tilespmem:v14+s21+$0x0], $0xffff;
	_ =	sdelay $0x2  }
0x215: {  	v12 =	vor.u32 v5, v9;
	_ =	sdelay $0x1  }
0x216: {  	v11 =	vmul.f32 v11, v10;
	_ =	sdelay $0x1  }
0x217: {  	[tilespmem:v14+s21+$0x0] =	vst.idx.msk $0xffff, v11  }
0x218: {  	v11 =	vld.idx.msk [tilespmem:v12+s21+$0x0], $0xffff;
	_ =	sdelay $0x2  }
0x219: {  	v13 =	vor.u32 v6, v9;
	_ =	sdelay $0x1  }
0x21a: {  	v10 =	vmul.f32 v11, v10;
	_ =	sdelay $0x1  }
0x21b: {  	[tilespmem:v12+s21+$0x0] =	vst.idx.msk $0xffff, v10  }
0x21c: {  	v11 =	vld.idx.msk [tilespmem:v13+s21+$0x0], $0xffff;
	_ =	sdelay $0x2  }
0x21d: {  	v10 =	vor.u32 v7, v9;
	_ =	sdelay $0x1  }
0x21e: {  	v9 =	vmul.f32 v11, v17;
	_ =	sdelay $0x1  }
0x21f: {  	[tilespmem:v13+s21+$0x0] =	vst.idx.msk $0xffff, v9  }
0x220: {  	v16 =	vld.idx.msk [tilespmem:v10+s21+$0x0], $0xffff  }
0x221: {  	s20 =	simm.s32 $0x1  }
0x222: {  	v9 =	vmov s20  }
0x223: {  	v15 =	vshll.u32 v9, $0x4;
	v9 =	vshll.u32 v9, $0x7  }
0x224: {  	v11 =	vor.u32 $0x1, v15;
	v12 =	vor.u32 v0, v9  }
0x225: {  	s1 =	simm.s32 $0x2;
	v13 =	vor.u32 $0x2, v15;
	v14 =	vor.u32 $0x3, v15;
	v16 =	vmul.f32 v16, v17  }
.LBB2_13:
0x226: {  	_ = 	snop  }
0x227: {  	p0 =	sne.s32 s1, $0x27;
	s2 =	smov.u32 s1;
	s1 =	sadd.s32 $0x1, s1;
	[tilespmem:v10+s21+$0x0] =	vst.idx.msk $0xffff, v16  }
0x228: {  	v10 =	vld.idx.msk [tilespmem:v15+s18+$0x0], $0xffff  }
0x229: {  	v15 =	vld.idx.msk [tilespmem:v12+s21+$0x0], $0xffff;
	_ =	sdelay $0x3  }
0x22a: {  	v16 =	vor.u32 v1, v9  }
0x22b: {  	v13 =	vld.idx.msk [tilespmem:v13+s18+$0x0], $0xffff  }
0x22c: {  	v17 =	vld.idx.msk [tilespmem:v14+s18+$0x0], $0xffff;
	v14 =	vmul.f32 v15, v10  }
0x22d: {  	v11 =	vld.idx.msk [tilespmem:v11+s18+$0x0], $0xffff  }
0x22e: {  	[tilespmem:v12+s21+$0x0] =	vst.idx.msk $0xffff, v14  }
0x22f: {  	v12 =	vld.idx.msk [tilespmem:v16+s21+$0x0], $0xffff;
	_ =	sdelay $0x3  }
0x230: {  	v14 =	vor.u32 v2, v9;
	_ =	sdelay $0x1  }
0x231: {  	v10 =	vmul.f32 v12, v10;
	_ =	sdelay $0x1  }
0x232: {  	[tilespmem:v16+s21+$0x0] =	vst.idx.msk $0xffff, v10  }
0x233: {  	v10 =	vld.idx.msk [tilespmem:v14+s21+$0x0], $0xffff;
	_ =	sdelay $0x3  }
0x234: {  	v12 =	vor.u32 v3, v9;
	_ =	sdelay $0x1  }
0x235: {  	v10 =	vmul.f32 v10, v11;
	_ =	sdelay $0x1  }
0x236: {  	[tilespmem:v14+s21+$0x0] =	vst.idx.msk $0xffff, v10  }
0x237: {  	v10 =	vld.idx.msk [tilespmem:v12+s21+$0x0], $0xffff;
	_ =	sdelay $0x3  }
0x238: {  	v14 =	vor.u32 v4, v9;
	_ =	sdelay $0x1  }
0x239: {  	v10 =	vmul.f32 v10, v11;
	_ =	sdelay $0x1  }
0x23a: {  	[tilespmem:v12+s21+$0x0] =	vst.idx.msk $0xffff, v10  }
0x23b: {  	v10 =	vld.idx.msk [tilespmem:v14+s21+$0x0], $0xffff;
	_ =	sdelay $0x3  }
0x23c: {  	v11 =	vor.u32 v5, v9;
	_ =	sdelay $0x1  }
0x23d: {  	v10 =	vmul.f32 v10, v13;
	_ =	sdelay $0x1  }
0x23e: {  	[tilespmem:v14+s21+$0x0] =	vst.idx.msk $0xffff, v10  }
0x23f: {  	v10 =	vld.idx.msk [tilespmem:v11+s21+$0x0], $0xffff;
	_ =	sdelay $0x3  }
0x240: {  	v12 =	vor.u32 v6, v9;
	_ =	sdelay $0x1  }
0x241: {  	v10 =	vmul.f32 v10, v13;
	_ =	sdelay $0x1  }
0x242: {  	[tilespmem:v11+s21+$0x0] =	vst.idx.msk $0xffff, v10  }
0x243: {  	v11 =	vld.idx.msk [tilespmem:v12+s21+$0x0], $0xffff;
	_ =	sdelay $0x3  }
0x244: {  	v10 =	vor.u32 v7, v9;
	_ =	sdelay $0x1  }
0x245: {  	v9 =	vmul.f32 v11, v17;
	_ =	sdelay $0x1  }
0x246: {  	[tilespmem:v12+s21+$0x0] =	vst.idx.msk $0xffff, v9  }
0x247: {  	v16 =	vld.idx.msk [tilespmem:v10+s21+$0x0], $0xffff;
	_ =	sdelay $0x1  }
.Ltmp5:
0x248: {  	(pc) =	sbr.rel @p0 .LBB2_13-.Ltmp5, $4  }
0x249: {  	v9 =	vmov s2  }
0x24a: {  	v15 =	vshll.u32 v9, $0x4;
	v9 =	vshll.u32 v9, $0x7  }
0x24b: {  	v11 =	vor.u32 $0x1, v15;
	v13 =	vor.u32 $0x2, v15;
	v12 =	vor.u32 v0, v9  }
0x24c: {  	v14 =	vor.u32 $0x3, v15;
	v16 =	vmul.f32 v16, v17  }
0x24d: {  	_ =	sdelay $0x3  }
0x24e: {  	[tilespmem:v10+s21+$0x0] =	vst.idx.msk $0xffff, v16  }
0x24f: {  	v10 =	vld.idx.msk [tilespmem:v15+s18+$0x0], $0xffff  }
0x250: {  	v58 =	vld.idx.msk [tilespmem:v12+s21+$0x0], $0xffff;
	_ =	sdelay $0x2  }
0x251: {  	v59 =	vor.u32 v1, v9;
	_ =	sdelay $0x1  }
0x252: {  	v13 =	vld.idx.msk [tilespmem:v13+s18+$0x0], $0xffff;
	v15 =	vmul.f32 v58, v10  }
0x253: {  	v14 =	vld.idx.msk [tilespmem:v14+s18+$0x0], $0xffff  }
0x254: {  	v11 =	vld.idx.msk [tilespmem:v11+s18+$0x0], $0xffff;
	[tilespmem:v12+s21+$0x0] =	vst.idx.msk $0xffff, v15  }
0x255: {  	v12 =	vld.idx.msk [tilespmem:v59+s21+$0x0], $0xffff;
	_ =	sdelay $0x2  }
0x256: {  	v60 =	vor.u32 v2, v9;
	_ =	sdelay $0x1  }
0x257: {  	v10 =	vmul.f32 v12, v10;
	_ =	sdelay $0x1  }
0x258: {  	[tilespmem:v59+s21+$0x0] =	vst.idx.msk $0xffff, v10  }
0x259: {  	v10 =	vld.idx.msk [tilespmem:v60+s21+$0x0], $0xffff;
	_ =	sdelay $0x2  }
0x25a: {  	v61 =	vor.u32 v3, v9;
	_ =	sdelay $0x1  }
0x25b: {  	v10 =	vmul.f32 v10, v11;
	_ =	sdelay $0x1  }
0x25c: {  	[tilespmem:v60+s21+$0x0] =	vst.idx.msk $0xffff, v10  }
0x25d: {  	v10 =	vld.idx.msk [tilespmem:v61+s21+$0x0], $0xffff;
	_ =	sdelay $0x2  }
0x25e: {  	v62 =	vor.u32 v4, v9;
	_ =	sdelay $0x1  }
0x25f: {  	v10 =	vmul.f32 v10, v11;
	_ =	sdelay $0x1  }
0x260: {  	[tilespmem:v61+s21+$0x0] =	vst.idx.msk $0xffff, v10  }
0x261: {  	v10 =	vld.idx.msk [tilespmem:v62+s21+$0x0], $0xffff;
	_ =	sdelay $0x2  }
0x262: {  	v11 =	vor.u32 v5, v9;
	_ =	sdelay $0x1  }
0x263: {  	v10 =	vmul.f32 v10, v13;
	_ =	sdelay $0x1  }
0x264: {  	[tilespmem:v62+s21+$0x0] =	vst.idx.msk $0xffff, v10  }
0x265: {  	v10 =	vld.idx.msk [tilespmem:v11+s21+$0x0], $0xffff;
	_ =	sdelay $0x2  }
0x266: {  	v63 =	vor.u32 v6, v9;
	_ =	sdelay $0x1  }
0x267: {  	v10 =	vmul.f32 v10, v13;
	_ =	sdelay $0x1  }
0x268: {  	[tilespmem:v11+s21+$0x0] =	vst.idx.msk $0xffff, v10  }
0x269: {  	v10 =	vld.idx.msk [tilespmem:v63+s21+$0x0], $0xffff;
	_ =	sdelay $0x2  }
0x26a: {  	v9 =	vor.u32 v7, v9;
	_ =	sdelay $0x1  }
0x26b: {  	v10 =	vmul.f32 v10, v14;
	_ =	sdelay $0x1  }
0x26c: {  	[tilespmem:v63+s21+$0x0] =	vst.idx.msk $0xffff, v10  }
0x26d: {  	v10 =	vld.idx.msk [tilespmem:v9+s21+$0x0], $0xffff;
	_ =	sdelay $0x1  }
0x26e: {  	s19 =	sadd.s32 $0x1, s19  }
0x26f: {  	p0 =	sne.s32 s19, $0x53  }
.Ltmp6:
0x270: {  	_ = 	snop;
	(pc) =	sbr.rel @p0 .LBB2_2-.Ltmp6, $3  }
0x271: {  	v10 =	vmul.f32 v10, v14;
	_ =	sdelay $0x1  }
0x272: {  	s1 =	rddreg [dreg:$0x2];
	[tilespmem:v9+s21+$0x0] =	vst.idx.msk $0xffff, v10  }
0x273: {  	[spmem:s1] =	stream.indirect.scatter.add.f32 [tilespmem:s21], [sflag:$0x6], $0x80, s15, s28, $0xb8;
	[tilespmem:$0x1B310] =	vst v63  }
0x274: {  	_ =	swait.ge [sflag:s11], $0x280  }
0x275: {  	[sflag:s11] =	ssyncset.done $0x0  }
0x276: {  	[sflag:s11] =	ssyncadd.s32 $0xFFFFFD80  }
0x277: {  	s1 =	simm.s32 $0x0;
	_ =	swait.ge [sflag:s11], $0x280  }
0x278: {  	v9 =	vor.u32 s1, v0;
	[sflag:s11] =	ssyncset.done $0x0  }
0x279: {  	[sflag:s11] =	ssyncadd.s32 $0xFFFFFD80  }
0x27a: {  	_ =	swait.ge [sflag:s11], $0x1400  }
0x27b: {  	[sflag:s11] =	ssyncset.done $0x0  }
0x27c: {  	[sflag:s11] =	ssyncadd.s32 $0xFFFFEC00  }
0x27d: {  	v10 =	vld.idx.msk [tilespmem:v9+s30+$0x0], $0xffff  }
0x27e: {  	v11 =	vld.idx.msk [tilespmem:v9+s29+$0x0], $0xffff;
	_ =	sdelay $0x4  }
0x27f: {  	v10 =	vadd.f32 v10, v11;
	_ =	sdelay $0x1  }
0x280: {  	v11 =	vmul.f32 $2.000000030e-01, v10;
	_ =	sdelay $0x1  }
0x281: {  	v10 =	vmax.f32 v10, v11  }
0x282: {  	v10 =	vsub.f32 v10, v8;
	_ =	sdelay $0x1  }
0x283: {  	v10 =	vmul.f32 $1.442695020e+00, v10;
	_ =	sdelay $0x1  }
0x284: {  	(erf) = vpow2.f32 v10;
	_ =	sdelay $0x4  }
0x285: {  	s20 =	simm.s32 $0x10  }
0x286: {  	s1 =	simm.s32 $0x2;
	v10 =	vor.u32 s20, v0  }
.LBB2_16:
0x287: {  	p0 =	sne.s32 s1, $0x27;
	_ =	sdelay $0x1  }
0x288: {  	v11 =	vpop (erf)  }
0x289: {  	[tilespmem:v9+s12+$0x0] =	vst.idx.msk $0xffff, v11;
	v9 =	vmov v10  }
0x28a: {  	v11 =	vld.idx.msk [tilespmem:v10+s30+$0x0], $0xffff  }
0x28b: {  	v10 =	vld.idx.msk [tilespmem:v10+s29+$0x0], $0xffff;
	_ =	sdelay $0x5  }
0x28c: {  	v10 =	vadd.f32 v11, v10;
	_ =	sdelay $0x1  }
0x28d: {  	v11 =	vmul.f32 $2.000000030e-01, v10;
	_ =	sdelay $0x1  }
0x28e: {  	v10 =	vmax.f32 v10, v11  }
0x28f: {  	v10 =	vsub.f32 v10, v8;
	_ =	sdelay $0x1  }
0x290: {  	v10 =	vmul.f32 $1.442695020e+00, v10;
	_ =	sdelay $0x1  }
0x291: {  	(erf) = vpow2.f32 v10;
	_ =	sdelay $0x1  }
.Ltmp7:
0x292: {  	(pc) =	sbr.rel @p0 .LBB2_16-.Ltmp7, $3  }
0x293: {  	_ =	sdelay $0x1  }
0x294: {  	s2 =	sshll.u32 s1, $0x4  }
0x295: {  	s1 =	sadd.s32 $0x1, s1;
	v10 =	vor.u32 s2, v0  }
0x296: {  	_ =	sdelay $0x2  }
0x297: {  	v11 =	vpop (erf)  }
0x298: {  	[tilespmem:v9+s12+$0x0] =	vst.idx.msk $0xffff, v11  }
0x299: {  	v9 =	vld.idx.msk [tilespmem:v10+s30+$0x0], $0xffff  }
0x29a: {  	v11 =	vld.idx.msk [tilespmem:v10+s29+$0x0], $0xffff;
	_ =	sdelay $0x4  }
0x29b: {  	v9 =	vadd.f32 v9, v11;
	_ =	sdelay $0x1  }
0x29c: {  	v11 =	vmul.f32 $2.000000030e-01, v9;
	_ =	sdelay $0x1  }
0x29d: {  	v9 =	vmax.f32 v9, v11  }
0x29e: {  	v8 =	vsub.f32 v9, v8;
	_ =	sdelay $0x1  }
0x29f: {  	v8 =	vmul.f32 $1.442695020e+00, v8;
	_ =	sdelay $0x1  }
0x2a0: {  	(erf) = vpow2.f32 v8;
	_ =	sdelay $0x4  }
0x2a1: {  	s1 =	simm.s32 $0x0  }
0x2a2: {  	v8 =	vmov s1  }
0x2a3: {  	v9 =	vshll.u32 v8, $0x4;
	v8 =	vshll.u32 v8, $0x7  }
0x2a4: {  	v11 =	vor.u32 v0, v8  }
0x2a5: {  	v12 =	vpop (erf)  }
0x2a6: {  	s19 =	rddreg [dreg:$0x3];
	[tilespmem:v10+s12+$0x0] =	vst.idx.msk $0xffff, v12  }
0x2a7: {  	[spmem:s19] =	stream.indirect.scatter.add.f32 [tilespmem:s12], [sflag:$0x4], $0x10, s26, s28, $0xb8;
	[tilespmem:$0x1B310] =	vst v63  }
0x2a8: {  	v12 =	vld.idx.msk [tilespmem:v9+s12+$0x0], $0xffff  }
0x2a9: {  	v13 =	vor.u32 $0x3, v9;
	v14 =	vld.idx.msk [tilespmem:v11+s31+$0x0], $0xffff  }
0x2aa: {  	v10 =	vor.u32 $0x2, v9  }
0x2ab: {  	v9 =	vor.u32 $0x1, v9  }
0x2ac: {  	v15 =	vor.u32 v1, v8;
	_ =	sdelay $0x1  }
0x2ad: {  	v16 =	vld.idx.msk [tilespmem:v13+s12+$0x0], $0xffff;
	v13 =	vmul.f32 v14, v12  }
0x2ae: {  	v10 =	vld.idx.msk [tilespmem:v10+s12+$0x0], $0xffff  }
0x2af: {  	v9 =	vld.idx.msk [tilespmem:v9+s12+$0x0], $0xffff;
	[tilespmem:v11+s31+$0x0] =	vst.idx.msk $0xffff, v13  }
0x2b0: {  	v11 =	vld.idx.msk [tilespmem:v15+s31+$0x0], $0xffff;
	_ =	sdelay $0x2  }
0x2b1: {  	v13 =	vor.u32 v2, v8;
	_ =	sdelay $0x1  }
0x2b2: {  	v11 =	vmul.f32 v11, v12;
	_ =	sdelay $0x1  }
0x2b3: {  	[tilespmem:v15+s31+$0x0] =	vst.idx.msk $0xffff, v11  }
0x2b4: {  	v11 =	vld.idx.msk [tilespmem:v13+s31+$0x0], $0xffff;
	_ =	sdelay $0x2  }
0x2b5: {  	v12 =	vor.u32 v3, v8;
	_ =	sdelay $0x1  }
0x2b6: {  	v11 =	vmul.f32 v11, v9;
	_ =	sdelay $0x1  }
0x2b7: {  	[tilespmem:v13+s31+$0x0] =	vst.idx.msk $0xffff, v11  }
0x2b8: {  	v11 =	vld.idx.msk [tilespmem:v12+s31+$0x0], $0xffff;
	_ =	sdelay $0x2  }
0x2b9: {  	v13 =	vor.u32 v4, v8;
	_ =	sdelay $0x1  }
0x2ba: {  	v9 =	vmul.f32 v11, v9;
	_ =	sdelay $0x1  }
0x2bb: {  	[tilespmem:v12+s31+$0x0] =	vst.idx.msk $0xffff, v9  }
0x2bc: {  	v9 =	vld.idx.msk [tilespmem:v13+s31+$0x0], $0xffff;
	_ =	sdelay $0x2  }
0x2bd: {  	v11 =	vor.u32 v5, v8;
	_ =	sdelay $0x1  }
0x2be: {  	v9 =	vmul.f32 v9, v10;
	_ =	sdelay $0x1  }
0x2bf: {  	[tilespmem:v13+s31+$0x0] =	vst.idx.msk $0xffff, v9  }
0x2c0: {  	v9 =	vld.idx.msk [tilespmem:v11+s31+$0x0], $0xffff;
	_ =	sdelay $0x2  }
0x2c1: {  	v12 =	vor.u32 v6, v8;
	_ =	sdelay $0x1  }
0x2c2: {  	v9 =	vmul.f32 v9, v10;
	_ =	sdelay $0x1  }
0x2c3: {  	[tilespmem:v11+s31+$0x0] =	vst.idx.msk $0xffff, v9  }
0x2c4: {  	v10 =	vld.idx.msk [tilespmem:v12+s31+$0x0], $0xffff;
	_ =	sdelay $0x2  }
0x2c5: {  	v9 =	vor.u32 v7, v8;
	_ =	sdelay $0x1  }
0x2c6: {  	v8 =	vmul.f32 v10, v16;
	_ =	sdelay $0x1  }
0x2c7: {  	[tilespmem:v12+s31+$0x0] =	vst.idx.msk $0xffff, v8  }
0x2c8: {  	v15 =	vld.idx.msk [tilespmem:v9+s31+$0x0], $0xffff  }
0x2c9: {  	s20 =	simm.s32 $0x1  }
0x2ca: {  	v8 =	vmov s20  }
0x2cb: {  	v14 =	vshll.u32 v8, $0x4;
	v8 =	vshll.u32 v8, $0x7  }
0x2cc: {  	v10 =	vor.u32 $0x1, v14;
	v11 =	vor.u32 v0, v8  }
0x2cd: {  	s1 =	simm.s32 $0x2;
	s19 =	rddreg [dreg:$0x8];
	v12 =	vor.u32 $0x2, v14;
	v13 =	vor.u32 $0x3, v14;
	v15 =	vmul.f32 v15, v16  }
.LBB2_18:
0x2ce: {  	_ = 	snop  }
0x2cf: {  	p0 =	sne.s32 s1, $0x27;
	s2 =	smov.u32 s1;
	s1 =	sadd.s32 $0x1, s1;
	[tilespmem:v9+s31+$0x0] =	vst.idx.msk $0xffff, v15  }
0x2d0: {  	v9 =	vld.idx.msk [tilespmem:v14+s12+$0x0], $0xffff  }
0x2d1: {  	v14 =	vld.idx.msk [tilespmem:v11+s31+$0x0], $0xffff;
	_ =	sdelay $0x3  }
0x2d2: {  	v15 =	vor.u32 v1, v8  }
0x2d3: {  	v12 =	vld.idx.msk [tilespmem:v12+s12+$0x0], $0xffff  }
0x2d4: {  	v16 =	vld.idx.msk [tilespmem:v13+s12+$0x0], $0xffff;
	v13 =	vmul.f32 v14, v9  }
0x2d5: {  	v10 =	vld.idx.msk [tilespmem:v10+s12+$0x0], $0xffff  }
0x2d6: {  	[tilespmem:v11+s31+$0x0] =	vst.idx.msk $0xffff, v13  }
0x2d7: {  	v11 =	vld.idx.msk [tilespmem:v15+s31+$0x0], $0xffff;
	_ =	sdelay $0x3  }
0x2d8: {  	v13 =	vor.u32 v2, v8;
	_ =	sdelay $0x1  }
0x2d9: {  	v9 =	vmul.f32 v11, v9;
	_ =	sdelay $0x1  }
0x2da: {  	[tilespmem:v15+s31+$0x0] =	vst.idx.msk $0xffff, v9  }
0x2db: {  	v9 =	vld.idx.msk [tilespmem:v13+s31+$0x0], $0xffff;
	_ =	sdelay $0x3  }
0x2dc: {  	v11 =	vor.u32 v3, v8;
	_ =	sdelay $0x1  }
0x2dd: {  	v9 =	vmul.f32 v9, v10;
	_ =	sdelay $0x1  }
0x2de: {  	[tilespmem:v13+s31+$0x0] =	vst.idx.msk $0xffff, v9  }
0x2df: {  	v9 =	vld.idx.msk [tilespmem:v11+s31+$0x0], $0xffff;
	_ =	sdelay $0x3  }
0x2e0: {  	v13 =	vor.u32 v4, v8;
	_ =	sdelay $0x1  }
0x2e1: {  	v9 =	vmul.f32 v9, v10;
	_ =	sdelay $0x1  }
0x2e2: {  	[tilespmem:v11+s31+$0x0] =	vst.idx.msk $0xffff, v9  }
0x2e3: {  	v9 =	vld.idx.msk [tilespmem:v13+s31+$0x0], $0xffff;
	_ =	sdelay $0x3  }
0x2e4: {  	v10 =	vor.u32 v5, v8;
	_ =	sdelay $0x1  }
0x2e5: {  	v9 =	vmul.f32 v9, v12;
	_ =	sdelay $0x1  }
0x2e6: {  	[tilespmem:v13+s31+$0x0] =	vst.idx.msk $0xffff, v9  }
0x2e7: {  	v9 =	vld.idx.msk [tilespmem:v10+s31+$0x0], $0xffff;
	_ =	sdelay $0x3  }
0x2e8: {  	v11 =	vor.u32 v6, v8;
	_ =	sdelay $0x1  }
0x2e9: {  	v9 =	vmul.f32 v9, v12;
	_ =	sdelay $0x1  }
0x2ea: {  	[tilespmem:v10+s31+$0x0] =	vst.idx.msk $0xffff, v9  }
0x2eb: {  	v10 =	vld.idx.msk [tilespmem:v11+s31+$0x0], $0xffff;
	_ =	sdelay $0x3  }
0x2ec: {  	v9 =	vor.u32 v7, v8;
	_ =	sdelay $0x1  }
0x2ed: {  	v8 =	vmul.f32 v10, v16;
	_ =	sdelay $0x1  }
0x2ee: {  	[tilespmem:v11+s31+$0x0] =	vst.idx.msk $0xffff, v8  }
0x2ef: {  	v15 =	vld.idx.msk [tilespmem:v9+s31+$0x0], $0xffff;
	_ =	sdelay $0x1  }
.Ltmp8:
0x2f0: {  	(pc) =	sbr.rel @p0 .LBB2_18-.Ltmp8, $4  }
0x2f1: {  	v8 =	vmov s2  }
0x2f2: {  	v14 =	vshll.u32 v8, $0x4;
	v8 =	vshll.u32 v8, $0x7  }
0x2f3: {  	v10 =	vor.u32 $0x1, v14;
	v12 =	vor.u32 $0x2, v14;
	v11 =	vor.u32 v0, v8  }
0x2f4: {  	v13 =	vor.u32 $0x3, v14;
	v15 =	vmul.f32 v15, v16  }
0x2f5: {  	_ =	sdelay $0x3  }
0x2f6: {  	[tilespmem:v9+s31+$0x0] =	vst.idx.msk $0xffff, v15  }
0x2f7: {  	v9 =	vld.idx.msk [tilespmem:v14+s12+$0x0], $0xffff  }
0x2f8: {  	v57 =	vld.idx.msk [tilespmem:v11+s31+$0x0], $0xffff;
	_ =	sdelay $0x2  }
0x2f9: {  	v58 =	vor.u32 v1, v8;
	_ =	sdelay $0x1  }
0x2fa: {  	v12 =	vld.idx.msk [tilespmem:v12+s12+$0x0], $0xffff;
	v14 =	vmul.f32 v57, v9  }
0x2fb: {  	v13 =	vld.idx.msk [tilespmem:v13+s12+$0x0], $0xffff  }
0x2fc: {  	v10 =	vld.idx.msk [tilespmem:v10+s12+$0x0], $0xffff;
	[tilespmem:v11+s31+$0x0] =	vst.idx.msk $0xffff, v14  }
0x2fd: {  	v11 =	vld.idx.msk [tilespmem:v58+s31+$0x0], $0xffff;
	_ =	sdelay $0x2  }
0x2fe: {  	v59 =	vor.u32 v2, v8;
	_ =	sdelay $0x1  }
0x2ff: {  	v9 =	vmul.f32 v11, v9;
	_ =	sdelay $0x1  }
0x300: {  	[tilespmem:v58+s31+$0x0] =	vst.idx.msk $0xffff, v9  }
0x301: {  	v9 =	vld.idx.msk [tilespmem:v59+s31+$0x0], $0xffff;
	_ =	sdelay $0x2  }
0x302: {  	v60 =	vor.u32 v3, v8;
	_ =	sdelay $0x1  }
0x303: {  	v9 =	vmul.f32 v9, v10;
	_ =	sdelay $0x1  }
0x304: {  	[tilespmem:v59+s31+$0x0] =	vst.idx.msk $0xffff, v9  }
0x305: {  	v9 =	vld.idx.msk [tilespmem:v60+s31+$0x0], $0xffff;
	_ =	sdelay $0x2  }
0x306: {  	v61 =	vor.u32 v4, v8;
	_ =	sdelay $0x1  }
0x307: {  	v9 =	vmul.f32 v9, v10;
	_ =	sdelay $0x1  }
0x308: {  	[tilespmem:v60+s31+$0x0] =	vst.idx.msk $0xffff, v9  }
0x309: {  	v9 =	vld.idx.msk [tilespmem:v61+s31+$0x0], $0xffff;
	_ =	sdelay $0x2  }
0x30a: {  	v62 =	vor.u32 v5, v8;
	_ =	sdelay $0x1  }
0x30b: {  	v9 =	vmul.f32 v9, v12;
	_ =	sdelay $0x1  }
0x30c: {  	[tilespmem:v61+s31+$0x0] =	vst.idx.msk $0xffff, v9  }
0x30d: {  	v9 =	vld.idx.msk [tilespmem:v62+s31+$0x0], $0xffff;
	_ =	sdelay $0x2  }
0x30e: {  	v63 =	vor.u32 v6, v8;
	_ =	sdelay $0x1  }
0x30f: {  	v9 =	vmul.f32 v9, v12;
	_ =	sdelay $0x1  }
0x310: {  	[tilespmem:v62+s31+$0x0] =	vst.idx.msk $0xffff, v9  }
0x311: {  	v9 =	vld.idx.msk [tilespmem:v63+s31+$0x0], $0xffff;
	_ =	sdelay $0x2  }
0x312: {  	v8 =	vor.u32 v7, v8;
	_ =	sdelay $0x1  }
0x313: {  	v9 =	vmul.f32 v9, v13;
	_ =	sdelay $0x1  }
0x314: {  	[tilespmem:v63+s31+$0x0] =	vst.idx.msk $0xffff, v9  }
0x315: {  	v9 =	vld.idx.msk [tilespmem:v8+s31+$0x0], $0xffff;
	_ =	sdelay $0x4  }
0x316: {  	v9 =	vmul.f32 v9, v13;
	_ =	sdelay $0x1  }
0x317: {  	s1 =	rddreg [dreg:$0x2];
	[tilespmem:v8+s31+$0x0] =	vst.idx.msk $0xffff, v9  }
0x318: {  	[spmem:s1] =	stream.indirect.scatter.add.f32 [tilespmem:s31], [sflag:$0x4], $0x80, s26, s28, $0xb8;
	[tilespmem:$0x1B310] =	vst v63  }
0x319: {  	_ =	swait.ge [sflag:s3], $0x280  }
0x31a: {  	[sflag:s3] =	ssyncset.done $0x0  }
0x31b: {  	[sflag:s3] =	ssyncadd.s32 $0xFFFFFD80  }
0x31c: {  	_ =	swait.ge [sflag:s3], $0x1400  }
0x31d: {  	[sflag:s3] =	ssyncset.done $0x0  }
0x31e: {  	s2 =	simm.s32 $0x5;
	[sflag:s3] =	ssyncadd.s32 $0xFFFFEC00  }
0x31f: {  	_ =	swait.ge [sflag:s2], $0x280  }
0x320: {  	[sflag:s2] =	ssyncset.done $0x0  }
0x321: {  	[sflag:s2] =	ssyncadd.s32 $0xFFFFFD80  }
0x322: {  	_ =	swait.ge [sflag:s2], $0x1400  }
0x323: {  	[sflag:s2] =	ssyncset.done $0x0  }
0x324: {  	s14 =	simm.s32 $0x6;
	[sflag:s2] =	ssyncadd.s32 $0xFFFFEC00  }
0x325: {  	_ =	swait.ge [sflag:s14], $0x280  }
0x326: {  	[sflag:s14] =	ssyncset.done $0x0  }
0x327: {  	[sflag:s14] =	ssyncadd.s32 $0xFFFFFD80  }
0x328: {  	_ =	swait.ge [sflag:s14], $0x1400  }
0x329: {  	[sflag:s14] =	ssyncset.done $0x0  }
0x32a: {  	[sflag:s14] =	ssyncadd.s32 $0xFFFFEC00  }
0x32b: {  	[bflag:$0x0] =	sbarrier.arrive $0xFFFF  }
0x32c: {  	s20 =	rddreg [dreg:$0x10]  }
0x32d: {  	s2 =	rddreg [dreg:$0x15]  }
0x32e: {  	[hbm:s20], [sflag:s19] =	dma.local [spmem:s2], $0x4F0  }
0x32f: {  	_ =	swait.ge [sflag:s24], $0x4F0  }
0x330: {  	[sflag:s24] =	ssyncset.done $0x0;
	s14 =	rddreg [dreg:$0x11]  }
0x331: {  	s20 =	rddreg [dreg:$0x14];
	[sflag:s24] =	ssyncadd.s32 $0xFFFFFB10  }
0x332: {  	[hbm:s14], [sflag:s19] =	dma.local [spmem:s20], $0x2780  }
0x333: {  	_ =	swait.ge [sflag:s24], $0x2780  }
0x334: {  	s14 =	rddreg [dreg:$0x13]  }
0x335: {  	s20 =	rddreg [dreg:$0x12];
	s2 =	sadd.s32 $0x1, s14  }
0x336: {  	p0 =	sne.s32 s2, s20  }
.Ltmp9:
0x337: {  	_ = 	snop;
	(pc) =	sbr.rel @p0 .LBB2_1-.Ltmp9, $3  }
0x338: {  	_ =	sdelay $0x1  }
0x339: {  	[sflag:s24] =	ssyncset.done $0x0  }
0x33a: {  	[sflag:s24] =	ssyncadd.s32 $0xFFFFD880  }
0x33b: {  	_ =	sfence.sel $0x180000  }
0x33c: {  	[bflag:$0x0] =	sbarrier.arrive $0xFFFF  }
0x33d: {  	_ =	strace $0x90000047  }
0x33e: {  	s0 =	stileid.u32;
	[bflag:$0x2] =	sbarrier.arrive $0xFFFF  }
0x33f: {  	p0 =	sne.s32 s0, $0x0;
	s0 =	rddreg [dreg:$0x4]  }
0x340: {  	s0 =	sadd.s32 @!p0 $0x100000, s0  }
0x341: {  	[sflag:s0] =	ssyncadd.tile.s32 @!p0 $0x1;
	_ =	shalt  }
.Lfunc_end2:
_tile_overlayer_lowered:
.L_overlay_start_2:
0x342: {  	(tag) =	ssettag $0x2  }
0x343: {  	s0 =	rddreg [dreg:$0x0];
	s2 =	stileid.u32  }
0x344: {  	s1 =	rddreg [dreg:$0x1];
	p0 =	sne.s32 s2, $0x0  }
0x345: {  	s3 =	rddreg [dreg:$0x2];
	[bflag:$0x3] =	sbarrier.arrive $0xFFFF;
	s2 =	simm.s32 @!p0 $0x1C07  }
0x346: {  	[timem:s3], [sflag:s2] =	dma.local @!p0 [hbm:s0], s1  }
0x347: {  	s0 =	simm.s32 @!p0 $0x7  }
0x348: {  	_ =	swait.ge @!p0 [sflag:s0], s1  }
0x349: {  	s1 =	ssub.s32 @!p0 $0x0, s1;
	[sflag:s0] =	ssyncset.done @!p0 $0x0  }
0x34a: {  	[sflag:s0] =	ssyncadd.s32 @!p0 s1  }
0x34b: {  	[bflag:$0x3] =	sbarrier.arrive $0xFFFF  }
0x34c: {  	_ =	shalt  }

</sc_bundles>
